<compile_context>
chip_gen: v7x
topology: tpu7x:2x2x1
jax: 0.10.2.dev20260603
libtpu: 0.0.44.dev20260713+nightly
codegen_flags: <defaults>
</compile_context>

<pallas_src>
import functools

import jax
import jax.numpy as jnp
from jax import lax
from jax.experimental import pallas as pl
from jax.experimental.pallas import tpu as pltpu
from jax.experimental.pallas import tpu_sc as plsc

B = 1024
L = 200
K = 8
D = 32
NCLS = 64
V = 10000
LK = L * K
GK = 13
LKP = GK * 128
XP = 256
NC = 2
NS = 16
NW = NC * NS
BPW = B // NW


def _ln_body(emb_ref, g_ref, b_ref, out_ref):
    e = emb_ref[...]
    m = jnp.mean(e, axis=-1, keepdims=True)
    var = jnp.mean((e - m) * (e - m), axis=-1, keepdims=True)
    out_ref[...] = ((e - m) * lax.rsqrt(var + 1e-5) * g_ref[...]
                    + b_ref[...]).astype(jnp.bfloat16)


def _fc_body(pp_ref, w_ref, b_ref, out_ref):
    pp = pp_ref[...]
    di = lax.broadcasted_iota(jnp.int32, (D * 16, D), 0)
    ei = lax.broadcasted_iota(jnp.int32, (D * 16, D), 1)
    s, l = di // 16, di % 16
    r = jnp.where(ei == 2 * ((s // 2 + l) & (D // 2 - 1)) + s % 2, 1.0, 0.0)
    p = lax.dot_general(pp, r, (((1,), (0,)), ((), ())),
                        preferred_element_type=jnp.float32)
    p = jnp.maximum(p, 1.0)
    out_ref[...] = lax.dot_general(
        p, w_ref[...], (((1,), (1,)), ((), ())),
        preferred_element_type=jnp.float32) + b_ref[...]


NE = (V - 1) * V + 1
NE16 = (NE - 1) // 16


def _sc_body(x_hbm, nb_hbm, wed_hbm, lnemb_hbm, we_hbm, wtail_hbm, eta_hbm,
             out_hbm, x_v, nb_v, wi_v, rid_v, we_v, wtail_v, eta_tbl, rows_v,
             self_v, out_v, sem):
    wid = lax.axis_index("s") * NC + lax.axis_index("c")
    b0 = wid * BPW

    iota = lax.iota(jnp.int32, 16)
    zi16 = jnp.zeros((16,), jnp.int32)
    zf16 = jnp.zeros((16,), jnp.float32)
    dcols = [(iota + dp) & 15 for dp in range(D // 2)]
    am = jnp.full((16,), -65536, jnp.int32)

    for i in range((XP - L) // 16 + 1):
        x_v[pl.ds(192 + 16 * i, 16)] = zi16
    for i in range((LKP - LK) // 16):
        nb_v[pl.ds(LK + 16 * i, 16)] = zi16
        wi_v[pl.ds(LK + 16 * i, 16)] = zi16
    pltpu.sync_copy(wtail_hbm, wtail_v)
    wt15 = plsc.load_gather(wtail_v, [iota * 0 + 15])
    pltpu.sync_copy(eta_hbm, eta_tbl.at[pl.ds(0, V)])

    def g_body(g, carry):
        tok = g * 16 + iota
        x16 = plsc.load_gather(x_v, [tok])
        m16 = jnp.where(x16 != 0, 1.0, 0.0)
        er16 = plsc.load_gather(eta_tbl, [x16])
        eta16 = 1.0 / (1.0 + jnp.exp(-er16))
        base = g * 128 + iota * 8
        cf = []
        cnt = zf16
        for k in range(K):
            idxk = base + k
            nb16 = plsc.load_gather(nb_v, [idxk])
            wi16 = plsc.load_gather(wi_v, [idxk])
            w16 = plsc.load_gather(we_v, [idxk, wi16 & 15])
            w16 = jnp.where(wi16 == NE - 1, wt15, w16)
            mk = jnp.where(nb16 != 0, 1.0, 0.0)
            cnt = cnt + mk
            cf.append(w16 * mk)
        denom = jnp.maximum(cnt, 1.0)
        a16 = m16 * (1.0 - eta16) / denom
        s16 = m16 * eta16
        cks = [cf[k] * a16 for k in range(K)]
        rws = [base + k for k in range(K)]
        for dp in range(D // 2):
            dd = dcols[dp]
            vi = plsc.load_gather(self_v, [tok, dd])
            alo = s16 * plsc.bitcast(vi << 16, jnp.float32)
            ahi = s16 * plsc.bitcast(vi & am, jnp.float32)
            for k in range(K):
                vi = plsc.load_gather(rows_v, [rws[k], dd])
                alo = alo + cks[k] * plsc.bitcast(vi << 16, jnp.float32)
                ahi = ahi + cks[k] * plsc.bitcast(vi & am, jnp.float32)
            plsc.addupdate(out_v.at[pl.ds(2 * dp * 16, 16)], alo)
            plsc.addupdate(out_v.at[pl.ds((2 * dp + 1) * 16, 16)], ahi)
        return carry

    def b_body(bi, carry):
        b = b0 + bi
        h1 = pltpu.async_copy(x_hbm.at[b], x_v.at[pl.ds(0, L)], sem)
        h2 = pltpu.async_copy(nb_hbm.at[b], nb_v.at[pl.ds(0, LK)], sem)
        h3 = pltpu.async_copy(wed_hbm.at[b], wi_v.at[pl.ds(0, LK)], sem)
        h1.wait()
        h2.wait()
        h3.wait()
        for j in range(LKP // 16):
            sl = pl.ds(j * 16, 16)
            rid_v[sl] = jnp.minimum(
                lax.shift_right_logical(wi_v[sl], 4), NE16 - 1)
        hs = [
            pltpu.async_copy(lnemb_hbm.at[nb_v], rows_v, sem),
            pltpu.async_copy(we_hbm.at[rid_v], we_v, sem),
            pltpu.async_copy(lnemb_hbm.at[x_v], self_v, sem),
        ]
        for h in hs:
            h.wait()
        for d in range(D):
            out_v[pl.ds(d * 16, 16)] = zf16
        lax.fori_loop(0, GK, g_body, 0)
        pltpu.sync_copy(out_v, out_hbm.at[b])
        return carry

    lax.fori_loop(0, BPW, b_body, 0)


_sc_main = functools.partial(
    pl.kernel,
    out_type=jax.ShapeDtypeStruct((B, D * 16), jnp.float32),
    mesh=plsc.VectorSubcoreMesh(core_axis_name="c", subcore_axis_name="s"),
    compiler_params=pltpu.CompilerParams(
        needs_layout_passes=False, use_tc_tiling_on_sc=False),
    scratch_types=[
        pltpu.VMEM((XP,), jnp.int32),
        pltpu.VMEM((LKP,), jnp.int32),
        pltpu.VMEM((LKP,), jnp.int32),
        pltpu.VMEM((LKP,), jnp.int32),
        pltpu.VMEM((LKP, 16), jnp.float32),
        pltpu.VMEM((16,), jnp.float32),
        pltpu.VMEM((V,), jnp.float32),
        pltpu.VMEM((LKP, D // 2), jnp.int32),
        pltpu.VMEM((XP, D // 2), jnp.int32),
        pltpu.VMEM((D * 16,), jnp.float32),
        pltpu.SemaphoreType.DMA,
    ],
)(_sc_body)


def kernel(x, nb_x, w_edge, emb, we, eta_t, ln_g, ln_b, fc_w, fc_b):
    ln_bf = pl.pallas_call(
        _ln_body,
        out_shape=jax.ShapeDtypeStruct((V, D), jnp.bfloat16),
    )(emb, ln_g.reshape(1, D), ln_b.reshape(1, D))
    ln_emb = lax.bitcast_convert_type(
        ln_bf.reshape(V, D // 2, 2), jnp.int32)

    pooled_part = _sc_main(
        x.astype(jnp.int32),
        nb_x.reshape(B, LK).astype(jnp.int32),
        w_edge.reshape(B, LK).astype(jnp.int32),
        ln_emb, we[:NE - 1].reshape(NE16, 16), we[NE - 16:].reshape(16),
        eta_t.reshape(-1))

    scores = pl.pallas_call(
        _fc_body,
        out_shape=jax.ShapeDtypeStruct((B, NCLS), jnp.float32),
    )(pooled_part, fc_w, fc_b.reshape(1, NCLS))
    return scores

# --- scband reference (transcript-rebuilt; emitter-appended) ---
"""Pipeline reference for scband-text-level-gnn-44916767981612 (READ-ONLY COPY).

The authoritative reference and input builder live on the scoring server;
editing this copy changes nothing except your own understanding.
"""

import jax, jax.numpy as jnp
import numpy as np

N_WORD = 10000
D = 32
NCLS = 64
B = 1024
L = 200
K = 8
N_EDGE = (N_WORD - 1) * N_WORD + 1


def _ln(v, g, b):
    m = v.mean(-1, keepdims=True)
    var = v.var(-1, keepdims=True)
    return (v - m) / jnp.sqrt(var + 1e-5) * g + b


def setup_inputs(seed: int = 0) -> dict:
    key = jax.random.key(seed)
    ks = jax.random.split(key, 8)
    x = jax.random.randint(ks[0], (B, L), 0, N_WORD)
    nb_x = jax.random.randint(ks[1], (B, L, K), 0, N_WORD)
    w_edge = jax.random.randint(ks[2], (B, L, K), 0, N_EDGE)
    emb = jax.random.normal(ks[3], (N_WORD, D), jnp.float32) * 0.02
    emb = emb.at[0].set(0.0)
    we = jax.random.normal(ks[4], (N_EDGE, 1), jnp.float32) * 0.02
    we = we.at[0].set(0.0)
    eta_t = jax.random.normal(ks[5], (N_WORD, 1), jnp.float32) * 0.02
    eta_t = eta_t.at[0].set(0.0)
    ln_g = jnp.ones((D,), jnp.float32)
    ln_b = jnp.zeros((D,), jnp.float32)
    lim = float(np.sqrt(6.0 / (D + NCLS)))
    fc_w = jax.random.uniform(ks[6], (NCLS, D), jnp.float32, -lim, lim)
    fc_b = jnp.zeros((NCLS,), jnp.float32)
    return {"x": x, "nb_x": nb_x, "w_edge": w_edge, "emb": emb, "we": we,
            "eta_t": eta_t, "ln_g": ln_g, "ln_b": ln_b, "fc_w": fc_w, "fc_b": fc_b}


def reference(x, nb_x, w_edge, emb, we, eta_t, ln_g, ln_b, fc_w, fc_b):
    mask_nodes = (x != 0)[..., None].astype(jnp.float32)   # [B,L,1]
    mask_nb = (nb_x != 0)[..., None]                        # [B,L,K,1] bool
    emb_nb = emb[nb_x]                                      # gather [B,L,K,D]
    emb_self = emb[x]                                       # gather [B,L,D]
    emb_nb = _ln(emb_nb, ln_g, ln_b)
    emb_self = _ln(emb_self, ln_g, ln_b)
    w = we[w_edge]                                          # gather [B,L,K,1]
    msg = w * emb_nb
    msg = jnp.where(mask_nb, msg, 0.0)
    denom = jnp.maximum(mask_nb.sum(axis=2).astype(jnp.float32), 1.0)  # [B,L,1]
    msg_nb = msg.sum(axis=2) / denom                        # [B,L,D]
    eta = jax.nn.sigmoid(eta_t[x])                          # gather [B,L,1]
    h = (1.0 - eta) * msg_nb + eta * emb_self               # [B,L,D]
    pooled = jnp.maximum((h * mask_nodes).sum(axis=1), 1.0) # [B,D] (clamp_min(1))
    scores = pooled @ fc_w.T + fc_b                         # [B,NCLS]
    return scores

if __name__ == "__main__":
    import jax
    _d = setup_inputs()
    print(jax.jit(kernel)(*tuple(_d.values())))

</pallas_src>

<mosaic_0001>
#map = affine_map<(d0, d1) -> (0, 0)>
#map1 = affine_map<(d0, d1) -> (0)>
module attributes {stable_mosaic.version = 14 : i64} {
  func.func @_sc_body(%arg0: i32, %arg1: i32, %arg2: memref<1024x200xi32, #tpu.memory_space<hbm>>, %arg3: memref<1024x1600xi32, #tpu.memory_space<hbm>>, %arg4: memref<1024x1600xi32, #tpu.memory_space<hbm>>, %arg5: memref<10000x16xi32, #tpu.memory_space<hbm>>, %arg6: memref<6249375x16xf32, #tpu.memory_space<hbm>>, %arg7: memref<16xf32, #tpu.memory_space<hbm>>, %arg8: memref<10000xf32, #tpu.memory_space<hbm>>, %arg9: memref<1024x512xf32, #tpu.memory_space<hbm>>, %arg10: memref<256xi32, #tpu.memory_space<vmem>>, %arg11: memref<1664xi32, #tpu.memory_space<vmem>>, %arg12: memref<1664xi32, #tpu.memory_space<vmem>>, %arg13: memref<1664xi32, #tpu.memory_space<vmem>>, %arg14: memref<1664x16xf32, #tpu.memory_space<vmem>>, %arg15: memref<16xf32, #tpu.memory_space<vmem>>, %arg16: memref<10000xf32, #tpu.memory_space<vmem>>, %arg17: memref<1664x16xi32, #tpu.memory_space<vmem>>, %arg18: memref<256x16xi32, #tpu.memory_space<vmem>>, %arg19: memref<512xf32, #tpu.memory_space<vmem>>, %arg20: memref<!tpu.dma_semaphore, #tpu.memory_space<semaphore_mem>>) attributes {dimension_semantics = [#tpu.dimension_semantics<core_parallel>, #tpu.dimension_semantics<subcore_parallel>], iteration_bounds = array<i64: 2, 16>, scalar_prefetch = 0 : i64, scratch_operands = 11 : i64, tpu.core_type = #tpu.core_type<sc_vector_subcore>, window_params = [{transform_indices = #map}, {transform_indices = #map}, {transform_indices = #map}, {transform_indices = #map}, {transform_indices = #map}, {transform_indices = #map1}, {transform_indices = #map1}, {transform_indices = #map}]} {
    %mul3A = arith.constant 2 : i32
    %mul3A_0 = arith.muli %arg1, %mul3A : i32
    %add3A = arith.addi %mul3A_0, %arg0 : i32
    %mul3A_1 = arith.constant 32 : i32
    %mul3A_2 = arith.muli %add3A, %mul3A_1 : i32
    %iota3A = tpu.iota {dimensions = array<i32: 0>} : vector<16xi32>
    %broadcast_in_dim3A = arith.constant 0 : i32
    %broadcast_in_dim3A_3 = vector.broadcast %broadcast_in_dim3A : i32 to vector<16xi32>
    %broadcast_in_dim3A_4 = arith.constant 0.000000e+00 : f32
    %broadcast_in_dim3A_5 = vector.broadcast %broadcast_in_dim3A_4 : f32 to vector<16xf32>
    %add3A_6 = arith.constant 0 : i32
    %add3A_7 = vector.broadcast %add3A_6 : i32 to vector<16xi32>
    %add3A_8 = arith.addi %iota3A, %add3A_7 : vector<16xi32>
    %and3A = arith.constant 15 : i32
    %and3A_9 = vector.broadcast %and3A : i32 to vector<16xi32>
    %and3A_10 = arith.andi %add3A_8, %and3A_9 : vector<16xi32>
    %add3A_11 = arith.constant 1 : i32
    %add3A_12 = vector.broadcast %add3A_11 : i32 to vector<16xi32>
    %add3A_13 = arith.addi %iota3A, %add3A_12 : vector<16xi32>
    %and3A_14 = arith.constant 15 : i32
    %and3A_15 = vector.broadcast %and3A_14 : i32 to vector<16xi32>
    %and3A_16 = arith.andi %add3A_13, %and3A_15 : vector<16xi32>
    %add3A_17 = arith.constant 2 : i32
    %add3A_18 = vector.broadcast %add3A_17 : i32 to vector<16xi32>
    %add3A_19 = arith.addi %iota3A, %add3A_18 : vector<16xi32>
    %and3A_20 = arith.constant 15 : i32
    %and3A_21 = vector.broadcast %and3A_20 : i32 to vector<16xi32>
    %and3A_22 = arith.andi %add3A_19, %and3A_21 : vector<16xi32>
    %add3A_23 = arith.constant 3 : i32
    %add3A_24 = vector.broadcast %add3A_23 : i32 to vector<16xi32>
    %add3A_25 = arith.addi %iota3A, %add3A_24 : vector<16xi32>
    %and3A_26 = arith.constant 15 : i32
    %and3A_27 = vector.broadcast %and3A_26 : i32 to vector<16xi32>
    %and3A_28 = arith.andi %add3A_25, %and3A_27 : vector<16xi32>
    %add3A_29 = arith.constant 4 : i32
    %add3A_30 = vector.broadcast %add3A_29 : i32 to vector<16xi32>
    %add3A_31 = arith.addi %iota3A, %add3A_30 : vector<16xi32>
    %and3A_32 = arith.constant 15 : i32
    %and3A_33 = vector.broadcast %and3A_32 : i32 to vector<16xi32>
    %and3A_34 = arith.andi %add3A_31, %and3A_33 : vector<16xi32>
    %add3A_35 = arith.constant 5 : i32
    %add3A_36 = vector.broadcast %add3A_35 : i32 to vector<16xi32>
    %add3A_37 = arith.addi %iota3A, %add3A_36 : vector<16xi32>
    %and3A_38 = arith.constant 15 : i32
    %and3A_39 = vector.broadcast %and3A_38 : i32 to vector<16xi32>
    %and3A_40 = arith.andi %add3A_37, %and3A_39 : vector<16xi32>
    %add3A_41 = arith.constant 6 : i32
    %add3A_42 = vector.broadcast %add3A_41 : i32 to vector<16xi32>
    %add3A_43 = arith.addi %iota3A, %add3A_42 : vector<16xi32>
    %and3A_44 = arith.constant 15 : i32
    %and3A_45 = vector.broadcast %and3A_44 : i32 to vector<16xi32>
    %and3A_46 = arith.andi %add3A_43, %and3A_45 : vector<16xi32>
    %add3A_47 = arith.constant 7 : i32
    %add3A_48 = vector.broadcast %add3A_47 : i32 to vector<16xi32>
    %add3A_49 = arith.addi %iota3A, %add3A_48 : vector<16xi32>
    %and3A_50 = arith.constant 15 : i32
    %and3A_51 = vector.broadcast %and3A_50 : i32 to vector<16xi32>
    %and3A_52 = arith.andi %add3A_49, %and3A_51 : vector<16xi32>
    %add3A_53 = arith.constant 8 : i32
    %add3A_54 = vector.broadcast %add3A_53 : i32 to vector<16xi32>
    %add3A_55 = arith.addi %iota3A, %add3A_54 : vector<16xi32>
    %and3A_56 = arith.constant 15 : i32
    %and3A_57 = vector.broadcast %and3A_56 : i32 to vector<16xi32>
    %and3A_58 = arith.andi %add3A_55, %and3A_57 : vector<16xi32>
    %add3A_59 = arith.constant 9 : i32
    %add3A_60 = vector.broadcast %add3A_59 : i32 to vector<16xi32>
    %add3A_61 = arith.addi %iota3A, %add3A_60 : vector<16xi32>
    %and3A_62 = arith.constant 15 : i32
    %and3A_63 = vector.broadcast %and3A_62 : i32 to vector<16xi32>
    %and3A_64 = arith.andi %add3A_61, %and3A_63 : vector<16xi32>
    %add3A_65 = arith.constant 10 : i32
    %add3A_66 = vector.broadcast %add3A_65 : i32 to vector<16xi32>
    %add3A_67 = arith.addi %iota3A, %add3A_66 : vector<16xi32>
    %and3A_68 = arith.constant 15 : i32
    %and3A_69 = vector.broadcast %and3A_68 : i32 to vector<16xi32>
    %and3A_70 = arith.andi %add3A_67, %and3A_69 : vector<16xi32>
    %add3A_71 = arith.constant 11 : i32
    %add3A_72 = vector.broadcast %add3A_71 : i32 to vector<16xi32>
    %add3A_73 = arith.addi %iota3A, %add3A_72 : vector<16xi32>
    %and3A_74 = arith.constant 15 : i32
    %and3A_75 = vector.broadcast %and3A_74 : i32 to vector<16xi32>
    %and3A_76 = arith.andi %add3A_73, %and3A_75 : vector<16xi32>
    %add3A_77 = arith.constant 12 : i32
    %add3A_78 = vector.broadcast %add3A_77 : i32 to vector<16xi32>
    %add3A_79 = arith.addi %iota3A, %add3A_78 : vector<16xi32>
    %and3A_80 = arith.constant 15 : i32
    %and3A_81 = vector.broadcast %and3A_80 : i32 to vector<16xi32>
    %and3A_82 = arith.andi %add3A_79, %and3A_81 : vector<16xi32>
    %add3A_83 = arith.constant 13 : i32
    %add3A_84 = vector.broadcast %add3A_83 : i32 to vector<16xi32>
    %add3A_85 = arith.addi %iota3A, %add3A_84 : vector<16xi32>
    %and3A_86 = arith.constant 15 : i32
    %and3A_87 = vector.broadcast %and3A_86 : i32 to vector<16xi32>
    %and3A_88 = arith.andi %add3A_85, %and3A_87 : vector<16xi32>
    %add3A_89 = arith.constant 14 : i32
    %add3A_90 = vector.broadcast %add3A_89 : i32 to vector<16xi32>
    %add3A_91 = arith.addi %iota3A, %add3A_90 : vector<16xi32>
    %and3A_92 = arith.constant 15 : i32
    %and3A_93 = vector.broadcast %and3A_92 : i32 to vector<16xi32>
    %and3A_94 = arith.andi %add3A_91, %and3A_93 : vector<16xi32>
    %add3A_95 = arith.constant 15 : i32
    %add3A_96 = vector.broadcast %add3A_95 : i32 to vector<16xi32>
    %add3A_97 = arith.addi %iota3A, %add3A_96 : vector<16xi32>
    %and3A_98 = arith.constant 15 : i32
    %and3A_99 = vector.broadcast %and3A_98 : i32 to vector<16xi32>
    %and3A_100 = arith.andi %add3A_97, %and3A_99 : vector<16xi32>
    %broadcast_in_dim3A_101 = arith.constant -65536 : i32
    %broadcast_in_dim3A_102 = vector.broadcast %broadcast_in_dim3A_101 : i32 to vector<16xi32>
    %swap3A = arith.constant 192 : index
    %swap3A_103 = tpu.vector_load %arg10[%swap3A] {strides = array<i32>} : memref<256xi32, #tpu.memory_space<vmem>>, vector<16xi32>,
    tpu.vector_store %arg10[%swap3A], %broadcast_in_dim3A_3 {strides = array<i32>} : memref<256xi32, #tpu.memory_space<vmem>>, vector<16xi32>,
    %swap3A_104 = arith.constant 208 : index
    %swap3A_105 = tpu.vector_load %arg10[%swap3A_104] {strides = array<i32>} : memref<256xi32, #tpu.memory_space<vmem>>, vector<16xi32>,
    tpu.vector_store %arg10[%swap3A_104], %broadcast_in_dim3A_3 {strides = array<i32>} : memref<256xi32, #tpu.memory_space<vmem>>, vector<16xi32>,
    %swap3A_106 = arith.constant 224 : index
    %swap3A_107 = tpu.vector_load %arg10[%swap3A_106] {strides = array<i32>} : memref<256xi32, #tpu.memory_space<vmem>>, vector<16xi32>,
    tpu.vector_store %arg10[%swap3A_106], %broadcast_in_dim3A_3 {strides = array<i32>} : memref<256xi32, #tpu.memory_space<vmem>>, vector<16xi32>,
    %swap3A_108 = arith.constant 240 : index
    %swap3A_109 = tpu.vector_load %arg10[%swap3A_108] {strides = array<i32>} : memref<256xi32, #tpu.memory_space<vmem>>, vector<16xi32>,
    tpu.vector_store %arg10[%swap3A_108], %broadcast_in_dim3A_3 {strides = array<i32>} : memref<256xi32, #tpu.memory_space<vmem>>, vector<16xi32>,
    %swap3A_110 = arith.constant 1600 : index
    %swap3A_111 = tpu.vector_load %arg11[%swap3A_110] {strides = array<i32>} : memref<1664xi32, #tpu.memory_space<vmem>>, vector<16xi32>,
    tpu.vector_store %arg11[%swap3A_110], %broadcast_in_dim3A_3 {strides = array<i32>} : memref<1664xi32, #tpu.memory_space<vmem>>, vector<16xi32>,
    %swap3A_112 = arith.constant 1600 : index
    %swap3A_113 = tpu.vector_load %arg12[%swap3A_112] {strides = array<i32>} : memref<1664xi32, #tpu.memory_space<vmem>>, vector<16xi32>,
    tpu.vector_store %arg12[%swap3A_112], %broadcast_in_dim3A_3 {strides = array<i32>} : memref<1664xi32, #tpu.memory_space<vmem>>, vector<16xi32>,
    %swap3A_114 = arith.constant 1616 : index
    %swap3A_115 = tpu.vector_load %arg11[%swap3A_114] {strides = array<i32>} : memref<1664xi32, #tpu.memory_space<vmem>>, vector<16xi32>,
    tpu.vector_store %arg11[%swap3A_114], %broadcast_in_dim3A_3 {strides = array<i32>} : memref<1664xi32, #tpu.memory_space<vmem>>, vector<16xi32>,
    %swap3A_116 = arith.constant 1616 : index
    %swap3A_117 = tpu.vector_load %arg12[%swap3A_116] {strides = array<i32>} : memref<1664xi32, #tpu.memory_space<vmem>>, vector<16xi32>,
    tpu.vector_store %arg12[%swap3A_116], %broadcast_in_dim3A_3 {strides = array<i32>} : memref<1664xi32, #tpu.memory_space<vmem>>, vector<16xi32>,
    %swap3A_118 = arith.constant 1632 : index
    %swap3A_119 = tpu.vector_load %arg11[%swap3A_118] {strides = array<i32>} : memref<1664xi32, #tpu.memory_space<vmem>>, vector<16xi32>,
    tpu.vector_store %arg11[%swap3A_118], %broadcast_in_dim3A_3 {strides = array<i32>} : memref<1664xi32, #tpu.memory_space<vmem>>, vector<16xi32>,
    %swap3A_120 = arith.constant 1632 : index
    %swap3A_121 = tpu.vector_load %arg12[%swap3A_120] {strides = array<i32>} : memref<1664xi32, #tpu.memory_space<vmem>>, vector<16xi32>,
    tpu.vector_store %arg12[%swap3A_120], %broadcast_in_dim3A_3 {strides = array<i32>} : memref<1664xi32, #tpu.memory_space<vmem>>, vector<16xi32>,
    %swap3A_122 = arith.constant 1648 : index
    %swap3A_123 = tpu.vector_load %arg11[%swap3A_122] {strides = array<i32>} : memref<1664xi32, #tpu.memory_space<vmem>>, vector<16xi32>,
    tpu.vector_store %arg11[%swap3A_122], %broadcast_in_dim3A_3 {strides = array<i32>} : memref<1664xi32, #tpu.memory_space<vmem>>, vector<16xi32>,
    %swap3A_124 = arith.constant 1648 : index
    %swap3A_125 = tpu.vector_load %arg12[%swap3A_124] {strides = array<i32>} : memref<1664xi32, #tpu.memory_space<vmem>>, vector<16xi32>,
    tpu.vector_store %arg12[%swap3A_124], %broadcast_in_dim3A_3 {strides = array<i32>} : memref<1664xi32, #tpu.memory_space<vmem>>, vector<16xi32>,
    "tpu.region"() ({
      %run_scoped3A = tpu.sem_alloc : memref<!tpu.dma_semaphore, #tpu.memory_space<semaphore_mem>>
      tpu.enqueue_dma source(%arg7 : memref<16xf32, #tpu.memory_space<hbm>>) target(%arg15 : memref<16xf32, #tpu.memory_space<vmem>>) target_semaphore(%run_scoped3A : memref<!tpu.dma_semaphore, #tpu.memory_space<semaphore_mem>>)
      tpu.wait_dma2 semaphore(%run_scoped3A : memref<!tpu.dma_semaphore, #tpu.memory_space<semaphore_mem>>) src(%arg7 : memref<16xf32, #tpu.memory_space<hbm>>) dst(%arg15 : memref<16xf32, #tpu.memory_space<vmem>>)
      tpu.yield
    }) : () -> ()
    %mul3A_126 = arith.constant 0 : i32
    %mul3A_127 = vector.broadcast %mul3A_126 : i32 to vector<16xi32>
    %mul3A_128 = arith.muli %iota3A, %mul3A_127 : vector<16xi32>
    %add3A_129 = arith.constant 15 : i32
    %add3A_130 = vector.broadcast %add3A_129 : i32 to vector<16xi32>
    %add3A_131 = arith.addi %mul3A_128, %add3A_130 : vector<16xi32>
    %gather3A = tpu.vector_load_idx %arg15[%add3A_131] : memref<16xf32, #tpu.memory_space<vmem>>[vector<16xi32>], vector<16xf32>,
    "tpu.region"() ({
      %run_scoped3A = tpu.sem_alloc : memref<!tpu.dma_semaphore, #tpu.memory_space<semaphore_mem>>
      %dma_start3A = arith.constant 0 : i32
      %dma_start3A_137 = tpu.memref_slice %arg16[%dma_start3A] : memref<10000xf32, #tpu.memory_space<vmem>> -> memref<10000xf32, #tpu.memory_space<vmem>>
      %dma_start3A_138 = arith.constant 0 : i32
      %dma_start3A_139 = tpu.memref_slice %arg16[%dma_start3A_138] : memref<10000xf32, #tpu.memory_space<vmem>> -> memref<10000xf32, #tpu.memory_space<vmem>>
      tpu.enqueue_dma source(%arg8 : memref<10000xf32, #tpu.memory_space<hbm>>) target(%dma_start3A_139 : memref<10000xf32, #tpu.memory_space<vmem>>) target_semaphore(%run_scoped3A : memref<!tpu.dma_semaphore, #tpu.memory_space<semaphore_mem>>)
      %dma_wait3A = arith.constant 0 : i32
      %dma_wait3A_140 = tpu.memref_slice %arg16[%dma_wait3A] : memref<10000xf32, #tpu.memory_space<vmem>> -> memref<10000xf32, #tpu.memory_space<vmem>>
      %dma_wait3A_141 = arith.constant 0 : i32
      %dma_wait3A_142 = tpu.memref_slice %arg16[%dma_wait3A_141] : memref<10000xf32, #tpu.memory_space<vmem>> -> memref<10000xf32, #tpu.memory_space<vmem>>
      tpu.wait_dma2 semaphore(%run_scoped3A : memref<!tpu.dma_semaphore, #tpu.memory_space<semaphore_mem>>) src(%arg8 : memref<10000xf32, #tpu.memory_space<hbm>>) dst(%dma_wait3A_142 : memref<10000xf32, #tpu.memory_space<vmem>>)
      tpu.yield
    }) : () -> ()
    %scan3A = arith.constant 0 : i32
    %scan3A_132 = arith.constant 0 : i32
    %scan3A_133 = arith.constant 32 : i32
    %scan3A_134 = arith.addi %scan3A_132, %scan3A_133 : i32
    %scan3A_135 = arith.constant 1 : i32
    scf.for %scan3A_137 = %scan3A_132 to %scan3A_134 step %scan3A_135  : i32 {
      %add3A_138 = arith.addi %mul3A_2, %scan3A_137 : i32
      %dma_start3A = arith.constant 0 : i32
      %dma_start3A_139 = tpu.memref_slice %arg10[%dma_start3A] : memref<256xi32, #tpu.memory_space<vmem>> -> memref<200xi32, #tpu.memory_space<vmem>>
      %dma_start3A_140 = arith.constant 0 : i32
      %dma_start3A_141 = tpu.memref_slice %arg2[%add3A_138, %dma_start3A_140] : memref<1024x200xi32, #tpu.memory_space<hbm>> -> memref<1x200xi32, #tpu.memory_space<hbm>>
      %dma_start3A_142 = tpu.memref_squeeze %dma_start3A_141 : memref<1x200xi32, #tpu.memory_space<hbm>> -> memref<200xi32, #tpu.memory_space<hbm>>
      %dma_start3A_143 = arith.constant 0 : i32
      %dma_start3A_144 = tpu.memref_slice %arg10[%dma_start3A_143] : memref<256xi32, #tpu.memory_space<vmem>> -> memref<200xi32, #tpu.memory_space<vmem>>
      %dma_start3A_145 = arith.constant 0 : i32
      %dma_start3A_146 = tpu.memref_slice %arg2[%add3A_138, %dma_start3A_145] : memref<1024x200xi32, #tpu.memory_space<hbm>> -> memref<1x200xi32, #tpu.memory_space<hbm>>
      %dma_start3A_147 = tpu.memref_squeeze %dma_start3A_146 : memref<1x200xi32, #tpu.memory_space<hbm>> -> memref<200xi32, #tpu.memory_space<hbm>>
      tpu.enqueue_dma source(%dma_start3A_147 : memref<200xi32, #tpu.memory_space<hbm>>) target(%dma_start3A_144 : memref<200xi32, #tpu.memory_space<vmem>>) target_semaphore(%arg20 : memref<!tpu.dma_semaphore, #tpu.memory_space<semaphore_mem>>)
      %dma_start3A_148 = arith.constant 0 : i32
      %dma_start3A_149 = tpu.memref_slice %arg11[%dma_start3A_148] : memref<1664xi32, #tpu.memory_space<vmem>> -> memref<1600xi32, #tpu.memory_space<vmem>>
      %dma_start3A_150 = arith.constant 0 : i32
      %dma_start3A_151 = tpu.memref_slice %arg3[%add3A_138, %dma_start3A_150] : memref<1024x1600xi32, #tpu.memory_space<hbm>> -> memref<1x1600xi32, #tpu.memory_space<hbm>>
      %dma_start3A_152 = tpu.memref_squeeze %dma_start3A_151 : memref<1x1600xi32, #tpu.memory_space<hbm>> -> memref<1600xi32, #tpu.memory_space<hbm>>
      %dma_start3A_153 = arith.constant 0 : i32
      %dma_start3A_154 = tpu.memref_slice %arg11[%dma_start3A_153] : memref<1664xi32, #tpu.memory_space<vmem>> -> memref<1600xi32, #tpu.memory_space<vmem>>
      %dma_start3A_155 = arith.constant 0 : i32
      %dma_start3A_156 = tpu.memref_slice %arg3[%add3A_138, %dma_start3A_155] : memref<1024x1600xi32, #tpu.memory_space<hbm>> -> memref<1x1600xi32, #tpu.memory_space<hbm>>
      %dma_start3A_157 = tpu.memref_squeeze %dma_start3A_156 : memref<1x1600xi32, #tpu.memory_space<hbm>> -> memref<1600xi32, #tpu.memory_space<hbm>>
      tpu.enqueue_dma source(%dma_start3A_157 : memref<1600xi32, #tpu.memory_space<hbm>>) target(%dma_start3A_154 : memref<1600xi32, #tpu.memory_space<vmem>>) target_semaphore(%arg20 : memref<!tpu.dma_semaphore, #tpu.memory_space<semaphore_mem>>)
      %dma_start3A_158 = arith.constant 0 : i32
      %dma_start3A_159 = tpu.memref_slice %arg12[%dma_start3A_158] : memref<1664xi32, #tpu.memory_space<vmem>> -> memref<1600xi32, #tpu.memory_space<vmem>>
      %dma_start3A_160 = arith.constant 0 : i32
      %dma_start3A_161 = tpu.memref_slice %arg4[%add3A_138, %dma_start3A_160] : memref<1024x1600xi32, #tpu.memory_space<hbm>> -> memref<1x1600xi32, #tpu.memory_space<hbm>>
      %dma_start3A_162 = tpu.memref_squeeze %dma_start3A_161 : memref<1x1600xi32, #tpu.memory_space<hbm>> -> memref<1600xi32, #tpu.memory_space<hbm>>
      %dma_start3A_163 = arith.constant 0 : i32
      %dma_start3A_164 = tpu.memref_slice %arg12[%dma_start3A_163] : memref<1664xi32, #tpu.memory_space<vmem>> -> memref<1600xi32, #tpu.memory_space<vmem>>
      %dma_start3A_165 = arith.constant 0 : i32
      %dma_start3A_166 = tpu.memref_slice %arg4[%add3A_138, %dma_start3A_165] : memref<1024x1600xi32, #tpu.memory_space<hbm>> -> memref<1x1600xi32, #tpu.memory_space<hbm>>
      %dma_start3A_167 = tpu.memref_squeeze %dma_start3A_166 : memref<1x1600xi32, #tpu.memory_space<hbm>> -> memref<1600xi32, #tpu.memory_space<hbm>>
      tpu.enqueue_dma source(%dma_start3A_167 : memref<1600xi32, #tpu.memory_space<hbm>>) target(%dma_start3A_164 : memref<1600xi32, #tpu.memory_space<vmem>>) target_semaphore(%arg20 : memref<!tpu.dma_semaphore, #tpu.memory_space<semaphore_mem>>)
      %dma_wait3A = arith.constant 0 : i32
      %dma_wait3A_168 = tpu.memref_slice %arg10[%dma_wait3A] : memref<256xi32, #tpu.memory_space<vmem>> -> memref<200xi32, #tpu.memory_space<vmem>>
      %dma_wait3A_169 = arith.constant 0 : i32
      %dma_wait3A_170 = tpu.memref_slice %arg2[%add3A_138, %dma_wait3A_169] : memref<1024x200xi32, #tpu.memory_space<hbm>> -> memref<1x200xi32, #tpu.memory_space<hbm>>
      %dma_wait3A_171 = tpu.memref_squeeze %dma_wait3A_170 : memref<1x200xi32, #tpu.memory_space<hbm>> -> memref<200xi32, #tpu.memory_space<hbm>>
      %dma_wait3A_172 = arith.constant 0 : i32
      %dma_wait3A_173 = tpu.memref_slice %arg10[%dma_wait3A_172] : memref<256xi32, #tpu.memory_space<vmem>> -> memref<200xi32, #tpu.memory_space<vmem>>
      %dma_wait3A_174 = arith.constant 0 : i32
      %dma_wait3A_175 = tpu.memref_slice %arg2[%add3A_138, %dma_wait3A_174] : memref<1024x200xi32, #tpu.memory_space<hbm>> -> memref<1x200xi32, #tpu.memory_space<hbm>>
      %dma_wait3A_176 = tpu.memref_squeeze %dma_wait3A_175 : memref<1x200xi32, #tpu.memory_space<hbm>> -> memref<200xi32, #tpu.memory_space<hbm>>
      tpu.wait_dma2 semaphore(%arg20 : memref<!tpu.dma_semaphore, #tpu.memory_space<semaphore_mem>>) src(%dma_wait3A_176 : memref<200xi32, #tpu.memory_space<hbm>>) dst(%dma_wait3A_173 : memref<200xi32, #tpu.memory_space<vmem>>)
      %dma_wait3A_177 = arith.constant 0 : i32
      %dma_wait3A_178 = tpu.memref_slice %arg11[%dma_wait3A_177] : memref<1664xi32, #tpu.memory_space<vmem>> -> memref<1600xi32, #tpu.memory_space<vmem>>
      %dma_wait3A_179 = arith.constant 0 : i32
      %dma_wait3A_180 = tpu.memref_slice %arg3[%add3A_138, %dma_wait3A_179] : memref<1024x1600xi32, #tpu.memory_space<hbm>> -> memref<1x1600xi32, #tpu.memory_space<hbm>>
      %dma_wait3A_181 = tpu.memref_squeeze %dma_wait3A_180 : memref<1x1600xi32, #tpu.memory_space<hbm>> -> memref<1600xi32, #tpu.memory_space<hbm>>
      %dma_wait3A_182 = arith.constant 0 : i32
      %dma_wait3A_183 = tpu.memref_slice %arg11[%dma_wait3A_182] : memref<1664xi32, #tpu.memory_space<vmem>> -> memref<1600xi32, #tpu.memory_space<vmem>>
      %dma_wait3A_184 = arith.constant 0 : i32
      %dma_wait3A_185 = tpu.memref_slice %arg3[%add3A_138, %dma_wait3A_184] : memref<1024x1600xi32, #tpu.memory_space<hbm>> -> memref<1x1600xi32, #tpu.memory_space<hbm>>
      %dma_wait3A_186 = tpu.memref_squeeze %dma_wait3A_185 : memref<1x1600xi32, #tpu.memory_space<hbm>> -> memref<1600xi32, #tpu.memory_space<hbm>>
      tpu.wait_dma2 semaphore(%arg20 : memref<!tpu.dma_semaphore, #tpu.memory_space<semaphore_mem>>) src(%dma_wait3A_186 : memref<1600xi32, #tpu.memory_space<hbm>>) dst(%dma_wait3A_183 : memref<1600xi32, #tpu.memory_space<vmem>>)
      %dma_wait3A_187 = arith.constant 0 : i32
      %dma_wait3A_188 = tpu.memref_slice %arg12[%dma_wait3A_187] : memref<1664xi32, #tpu.memory_space<vmem>> -> memref<1600xi32, #tpu.memory_space<vmem>>
      %dma_wait3A_189 = arith.constant 0 : i32
      %dma_wait3A_190 = tpu.memref_slice %arg4[%add3A_138, %dma_wait3A_189] : memref<1024x1600xi32, #tpu.memory_space<hbm>> -> memref<1x1600xi32, #tpu.memory_space<hbm>>
      %dma_wait3A_191 = tpu.memref_squeeze %dma_wait3A_190 : memref<1x1600xi32, #tpu.memory_space<hbm>> -> memref<1600xi32, #tpu.memory_space<hbm>>
      %dma_wait3A_192 = arith.constant 0 : i32
      %dma_wait3A_193 = tpu.memref_slice %arg12[%dma_wait3A_192] : memref<1664xi32, #tpu.memory_space<vmem>> -> memref<1600xi32, #tpu.memory_space<vmem>>
      %dma_wait3A_194 = arith.constant 0 : i32
      %dma_wait3A_195 = tpu.memref_slice %arg4[%add3A_138, %dma_wait3A_194] : memref<1024x1600xi32, #tpu.memory_space<hbm>> -> memref<1x1600xi32, #tpu.memory_space<hbm>>
      %dma_wait3A_196 = tpu.memref_squeeze %dma_wait3A_195 : memref<1x1600xi32, #tpu.memory_space<hbm>> -> memref<1600xi32, #tpu.memory_space<hbm>>
      tpu.wait_dma2 semaphore(%arg20 : memref<!tpu.dma_semaphore, #tpu.memory_space<semaphore_mem>>) src(%dma_wait3A_196 : memref<1600xi32, #tpu.memory_space<hbm>>) dst(%dma_wait3A_193 : memref<1600xi32, #tpu.memory_space<vmem>>)
      %get3A = arith.constant 0 : index
      %get3A_197 = tpu.vector_load %arg12[%get3A] {strides = array<i32>} : memref<1664xi32, #tpu.memory_space<vmem>>, vector<16xi32>,
      %shift_right_logical3A = arith.constant 4 : i32
      %shift_right_logical3A_198 = vector.broadcast %shift_right_logical3A : i32 to vector<16xi32>
      %shift_right_logical3A_199 = arith.shrui %get3A_197, %shift_right_logical3A_198 : vector<16xi32>
      %min3A = arith.constant 6249374 : i32
      %min3A_200 = vector.broadcast %min3A : i32 to vector<16xi32>
      %min3A_201 = arith.minsi %shift_right_logical3A_199, %min3A_200 : vector<16xi32>
      %swap3A_202 = arith.constant 0 : index
      %swap3A_203 = tpu.vector_load %arg13[%swap3A_202] {strides = array<i32>} : memref<1664xi32, #tpu.memory_space<vmem>>, vector<16xi32>,
      tpu.vector_store %arg13[%swap3A_202], %min3A_201 {strides = array<i32>} : memref<1664xi32, #tpu.memory_space<vmem>>, vector<16xi32>,
      %get3A_204 = arith.constant 16 : index
      %get3A_205 = tpu.vector_load %arg12[%get3A_204] {strides = array<i32>} : memref<1664xi32, #tpu.memory_space<vmem>>, vector<16xi32>,
      %shift_right_logical3A_206 = arith.constant 4 : i32
      %shift_right_logical3A_207 = vector.broadcast %shift_right_logical3A_206 : i32 to vector<16xi32>
      %shift_right_logical3A_208 = arith.shrui %get3A_205, %shift_right_logical3A_207 : vector<16xi32>
      %min3A_209 = arith.constant 6249374 : i32
      %min3A_210 = vector.broadcast %min3A_209 : i32 to vector<16xi32>
      %min3A_211 = arith.minsi %shift_right_logical3A_208, %min3A_210 : vector<16xi32>
      %swap3A_212 = arith.constant 16 : index
      %swap3A_213 = tpu.vector_load %arg13[%swap3A_212] {strides = array<i32>} : memref<1664xi32, #tpu.memory_space<vmem>>, vector<16xi32>,
      tpu.vector_store %arg13[%swap3A_212], %min3A_211 {strides = array<i32>} : memref<1664xi32, #tpu.memory_space<vmem>>, vector<16xi32>,
      %get3A_214 = arith.constant 32 : index
      %get3A_215 = tpu.vector_load %arg12[%get3A_214] {strides = array<i32>} : memref<1664xi32, #tpu.memory_space<vmem>>, vector<16xi32>,
      %shift_right_logical3A_216 = arith.constant 4 : i32
      %shift_right_logical3A_217 = vector.broadcast %shift_right_logical3A_216 : i32 to vector<16xi32>
      %shift_right_logical3A_218 = arith.shrui %get3A_215, %shift_right_logical3A_217 : vector<16xi32>
      %min3A_219 = arith.constant 6249374 : i32
      %min3A_220 = vector.broadcast %min3A_219 : i32 to vector<16xi32>
      %min3A_221 = arith.minsi %shift_right_logical3A_218, %min3A_220 : vector<16xi32>
      %swap3A_222 = arith.constant 32 : index
      %swap3A_223 = tpu.vector_load %arg13[%swap3A_222] {strides = array<i32>} : memref<1664xi32, #tpu.memory_space<vmem>>, vector<16xi32>,
      tpu.vector_store %arg13[%swap3A_222], %min3A_221 {strides = array<i32>} : memref<1664xi32, #tpu.memory_space<vmem>>, vector<16xi32>,
      %get3A_224 = arith.constant 48 : index
      %get3A_225 = tpu.vector_load %arg12[%get3A_224] {strides = array<i32>} : memref<1664xi32, #tpu.memory_space<vmem>>, vector<16xi32>,
      %shift_right_logical3A_226 = arith.constant 4 : i32
      %shift_right_logical3A_227 = vector.broadcast %shift_right_logical3A_226 : i32 to vector<16xi32>
      %shift_right_logical3A_228 = arith.shrui %get3A_225, %shift_right_logical3A_227 : vector<16xi32>
      %min3A_229 = arith.constant 6249374 : i32
      %min3A_230 = vector.broadcast %min3A_229 : i32 to vector<16xi32>
      %min3A_231 = arith.minsi %shift_right_logical3A_228, %min3A_230 : vector<16xi32>
      %swap3A_232 = arith.constant 48 : index
      %swap3A_233 = tpu.vector_load %arg13[%swap3A_232] {strides = array<i32>} : memref<1664xi32, #tpu.memory_space<vmem>>, vector<16xi32>,
      tpu.vector_store %arg13[%swap3A_232], %min3A_231 {strides = array<i32>} : memref<1664xi32, #tpu.memory_space<vmem>>, vector<16xi32>,
      %get3A_234 = arith.constant 64 : index
      %get3A_235 = tpu.vector_load %arg12[%get3A_234] {strides = array<i32>} : memref<1664xi32, #tpu.memory_space<vmem>>, vector<16xi32>,
      %shift_right_logical3A_236 = arith.constant 4 : i32
      %shift_right_logical3A_237 = vector.broadcast %shift_right_logical3A_236 : i32 to vector<16xi32>
      %shift_right_logical3A_238 = arith.shrui %get3A_235, %shift_right_logical3A_237 : vector<16xi32>
      %min3A_239 = arith.constant 6249374 : i32
      %min3A_240 = vector.broadcast %min3A_239 : i32 to vector<16xi32>
      %min3A_241 = arith.minsi %shift_right_logical3A_238, %min3A_240 : vector<16xi32>
      %swap3A_242 = arith.constant 64 : index
      %swap3A_243 = tpu.vector_load %arg13[%swap3A_242] {strides = array<i32>} : memref<1664xi32, #tpu.memory_space<vmem>>, vector<16xi32>,
      tpu.vector_store %arg13[%swap3A_242], %min3A_241 {strides = array<i32>} : memref<1664xi32, #tpu.memory_space<vmem>>, vector<16xi32>,
      %get3A_244 = arith.constant 80 : index
      %get3A_245 = tpu.vector_load %arg12[%get3A_244] {strides = array<i32>} : memref<1664xi32, #tpu.memory_space<vmem>>, vector<16xi32>,
      %shift_right_logical3A_246 = arith.constant 4 : i32
      %shift_right_logical3A_247 = vector.broadcast %shift_right_logical3A_246 : i32 to vector<16xi32>
      %shift_right_logical3A_248 = arith.shrui %get3A_245, %shift_right_logical3A_247 : vector<16xi32>
      %min3A_249 = arith.constant 6249374 : i32
      %min3A_250 = vector.broadcast %min3A_249 : i32 to vector<16xi32>
      %min3A_251 = arith.minsi %shift_right_logical3A_248, %min3A_250 : vector<16xi32>
      %swap3A_252 = arith.constant 80 : index
      %swap3A_253 = tpu.vector_load %arg13[%swap3A_252] {strides = array<i32>} : memref<1664xi32, #tpu.memory_space<vmem>>, vector<16xi32>,
      tpu.vector_store %arg13[%swap3A_252], %min3A_251 {strides = array<i32>} : memref<1664xi32, #tpu.memory_space<vmem>>, vector<16xi32>,
      %get3A_254 = arith.constant 96 : index
      %get3A_255 = tpu.vector_load %arg12[%get3A_254] {strides = array<i32>} : memref<1664xi32, #tpu.memory_space<vmem>>, vector<16xi32>,
      %shift_right_logical3A_256 = arith.constant 4 : i32
      %shift_right_logical3A_257 = vector.broadcast %shift_right_logical3A_256 : i32 to vector<16xi32>
      %shift_right_logical3A_258 = arith.shrui %get3A_255, %shift_right_logical3A_257 : vector<16xi32>
      %min3A_259 = arith.constant 6249374 : i32
      %min3A_260 = vector.broadcast %min3A_259 : i32 to vector<16xi32>
      %min3A_261 = arith.minsi %shift_right_logical3A_258, %min3A_260 : vector<16xi32>
      %swap3A_262 = arith.constant 96 : index
      %swap3A_263 = tpu.vector_load %arg13[%swap3A_262] {strides = array<i32>} : memref<1664xi32, #tpu.memory_space<vmem>>, vector<16xi32>,
      tpu.vector_store %arg13[%swap3A_262], %min3A_261 {strides = array<i32>} : memref<1664xi32, #tpu.memory_space<vmem>>, vector<16xi32>,
      %get3A_264 = arith.constant 112 : index
      %get3A_265 = tpu.vector_load %arg12[%get3A_264] {strides = array<i32>} : memref<1664xi32, #tpu.memory_space<vmem>>, vector<16xi32>,
      %shift_right_logical3A_266 = arith.constant 4 : i32
      %shift_right_logical3A_267 = vector.broadcast %shift_right_logical3A_266 : i32 to vector<16xi32>
      %shift_right_logical3A_268 = arith.shrui %get3A_265, %shift_right_logical3A_267 : vector<16xi32>
      %min3A_269 = arith.constant 6249374 : i32
      %min3A_270 = vector.broadcast %min3A_269 : i32 to vector<16xi32>
      %min3A_271 = arith.minsi %shift_right_logical3A_268, %min3A_270 : vector<16xi32>
      %swap3A_272 = arith.constant 112 : index
      %swap3A_273 = tpu.vector_load %arg13[%swap3A_272] {strides = array<i32>} : memref<1664xi32, #tpu.memory_space<vmem>>, vector<16xi32>,
      tpu.vector_store %arg13[%swap3A_272], %min3A_271 {strides = array<i32>} : memref<1664xi32, #tpu.memory_space<vmem>>, vector<16xi32>,
      %get3A_274 = arith.constant 128 : index
      %get3A_275 = tpu.vector_load %arg12[%get3A_274] {strides = array<i32>} : memref<1664xi32, #tpu.memory_space<vmem>>, vector<16xi32>,
      %shift_right_logical3A_276 = arith.constant 4 : i32
      %shift_right_logical3A_277 = vector.broadcast %shift_right_logical3A_276 : i32 to vector<16xi32>
      %shift_right_logical3A_278 = arith.shrui %get3A_275, %shift_right_logical3A_277 : vector<16xi32>
      %min3A_279 = arith.constant 6249374 : i32
      %min3A_280 = vector.broadcast %min3A_279 : i32 to vector<16xi32>
      %min3A_281 = arith.minsi %shift_right_logical3A_278, %min3A_280 : vector<16xi32>
      %swap3A_282 = arith.constant 128 : index
      %swap3A_283 = tpu.vector_load %arg13[%swap3A_282] {strides = array<i32>} : memref<1664xi32, #tpu.memory_space<vmem>>, vector<16xi32>,
      tpu.vector_store %arg13[%swap3A_282], %min3A_281 {strides = array<i32>} : memref<1664xi32, #tpu.memory_space<vmem>>, vector<16xi32>,
      %get3A_284 = arith.constant 144 : index
      %get3A_285 = tpu.vector_load %arg12[%get3A_284] {strides = array<i32>} : memref<1664xi32, #tpu.memory_space<vmem>>, vector<16xi32>,
      %shift_right_logical3A_286 = arith.constant 4 : i32
      %shift_right_logical3A_287 = vector.broadcast %shift_right_logical3A_286 : i32 to vector<16xi32>
      %shift_right_logical3A_288 = arith.shrui %get3A_285, %shift_right_logical3A_287 : vector<16xi32>
      %min3A_289 = arith.constant 6249374 : i32
      %min3A_290 = vector.broadcast %min3A_289 : i32 to vector<16xi32>
      %min3A_291 = arith.minsi %shift_right_logical3A_288, %min3A_290 : vector<16xi32>
      %swap3A_292 = arith.constant 144 : index
      %swap3A_293 = tpu.vector_load %arg13[%swap3A_292] {strides = array<i32>} : memref<1664xi32, #tpu.memory_space<vmem>>, vector<16xi32>,
      tpu.vector_store %arg13[%swap3A_292], %min3A_291 {strides = array<i32>} : memref<1664xi32, #tpu.memory_space<vmem>>, vector<16xi32>,
      %get3A_294 = arith.constant 160 : index
      %get3A_295 = tpu.vector_load %arg12[%get3A_294] {strides = array<i32>} : memref<1664xi32, #tpu.memory_space<vmem>>, vector<16xi32>,
      %shift_right_logical3A_296 = arith.constant 4 : i32
      %shift_right_logical3A_297 = vector.broadcast %shift_right_logical3A_296 : i32 to vector<16xi32>
      %shift_right_logical3A_298 = arith.shrui %get3A_295, %shift_right_logical3A_297 : vector<16xi32>
      %min3A_299 = arith.constant 6249374 : i32
      %min3A_300 = vector.broadcast %min3A_299 : i32 to vector<16xi32>
      %min3A_301 = arith.minsi %shift_right_logical3A_298, %min3A_300 : vector<16xi32>
      %swap3A_302 = arith.constant 160 : index
      %swap3A_303 = tpu.vector_load %arg13[%swap3A_302] {strides = array<i32>} : memref<1664xi32, #tpu.memory_space<vmem>>, vector<16xi32>,
      tpu.vector_store %arg13[%swap3A_302], %min3A_301 {strides = array<i32>} : memref<1664xi32, #tpu.memory_space<vmem>>, vector<16xi32>,
      %get3A_304 = arith.constant 176 : index
      %get3A_305 = tpu.vector_load %arg12[%get3A_304] {strides = array<i32>} : memref<1664xi32, #tpu.memory_space<vmem>>, vector<16xi32>,
      %shift_right_logical3A_306 = arith.constant 4 : i32
      %shift_right_logical3A_307 = vector.broadcast %shift_right_logical3A_306 : i32 to vector<16xi32>
      %shift_right_logical3A_308 = arith.shrui %get3A_305, %shift_right_logical3A_307 : vector<16xi32>
      %min3A_309 = arith.constant 6249374 : i32
      %min3A_310 = vector.broadcast %min3A_309 : i32 to vector<16xi32>
      %min3A_311 = arith.minsi %shift_right_logical3A_308, %min3A_310 : vector<16xi32>
      %swap3A_312 = arith.constant 176 : index
      %swap3A_313 = tpu.vector_load %arg13[%swap3A_312] {strides = array<i32>} : memref<1664xi32, #tpu.memory_space<vmem>>, vector<16xi32>,
      tpu.vector_store %arg13[%swap3A_312], %min3A_311 {strides = array<i32>} : memref<1664xi32, #tpu.memory_space<vmem>>, vector<16xi32>,
      %get3A_314 = arith.constant 192 : index
      %get3A_315 = tpu.vector_load %arg12[%get3A_314] {strides = array<i32>} : memref<1664xi32, #tpu.memory_space<vmem>>, vector<16xi32>,
      %shift_right_logical3A_316 = arith.constant 4 : i32
      %shift_right_logical3A_317 = vector.broadcast %shift_right_logical3A_316 : i32 to vector<16xi32>
      %shift_right_logical3A_318 = arith.shrui %get3A_315, %shift_right_logical3A_317 : vector<16xi32>
      %min3A_319 = arith.constant 6249374 : i32
      %min3A_320 = vector.broadcast %min3A_319 : i32 to vector<16xi32>
      %min3A_321 = arith.minsi %shift_right_logical3A_318, %min3A_320 : vector<16xi32>
      %swap3A_322 = arith.constant 192 : index
      %swap3A_323 = tpu.vector_load %arg13[%swap3A_322] {strides = array<i32>} : memref<1664xi32, #tpu.memory_space<vmem>>, vector<16xi32>,
      tpu.vector_store %arg13[%swap3A_322], %min3A_321 {strides = array<i32>} : memref<1664xi32, #tpu.memory_space<vmem>>, vector<16xi32>,
      %get3A_324 = arith.constant 208 : index
      %get3A_325 = tpu.vector_load %arg12[%get3A_324] {strides = array<i32>} : memref<1664xi32, #tpu.memory_space<vmem>>, vector<16xi32>,
      %shift_right_logical3A_326 = arith.constant 4 : i32
      %shift_right_logical3A_327 = vector.broadcast %shift_right_logical3A_326 : i32 to vector<16xi32>
      %shift_right_logical3A_328 = arith.shrui %get3A_325, %shift_right_logical3A_327 : vector<16xi32>
      %min3A_329 = arith.constant 6249374 : i32
      %min3A_330 = vector.broadcast %min3A_329 : i32 to vector<16xi32>
      %min3A_331 = arith.minsi %shift_right_logical3A_328, %min3A_330 : vector<16xi32>
      %swap3A_332 = arith.constant 208 : index
      %swap3A_333 = tpu.vector_load %arg13[%swap3A_332] {strides = array<i32>} : memref<1664xi32, #tpu.memory_space<vmem>>, vector<16xi32>,
      tpu.vector_store %arg13[%swap3A_332], %min3A_331 {strides = array<i32>} : memref<1664xi32, #tpu.memory_space<vmem>>, vector<16xi32>,
      %get3A_334 = arith.constant 224 : index
      %get3A_335 = tpu.vector_load %arg12[%get3A_334] {strides = array<i32>} : memref<1664xi32, #tpu.memory_space<vmem>>, vector<16xi32>,
      %shift_right_logical3A_336 = arith.constant 4 : i32
      %shift_right_logical3A_337 = vector.broadcast %shift_right_logical3A_336 : i32 to vector<16xi32>
      %shift_right_logical3A_338 = arith.shrui %get3A_335, %shift_right_logical3A_337 : vector<16xi32>
      %min3A_339 = arith.constant 6249374 : i32
      %min3A_340 = vector.broadcast %min3A_339 : i32 to vector<16xi32>
      %min3A_341 = arith.minsi %shift_right_logical3A_338, %min3A_340 : vector<16xi32>
      %swap3A_342 = arith.constant 224 : index
      %swap3A_343 = tpu.vector_load %arg13[%swap3A_342] {strides = array<i32>} : memref<1664xi32, #tpu.memory_space<vmem>>, vector<16xi32>,
      tpu.vector_store %arg13[%swap3A_342], %min3A_341 {strides = array<i32>} : memref<1664xi32, #tpu.memory_space<vmem>>, vector<16xi32>,
      %get3A_344 = arith.constant 240 : index
      %get3A_345 = tpu.vector_load %arg12[%get3A_344] {strides = array<i32>} : memref<1664xi32, #tpu.memory_space<vmem>>, vector<16xi32>,
      %shift_right_logical3A_346 = arith.constant 4 : i32
      %shift_right_logical3A_347 = vector.broadcast %shift_right_logical3A_346 : i32 to vector<16xi32>
      %shift_right_logical3A_348 = arith.shrui %get3A_345, %shift_right_logical3A_347 : vector<16xi32>
      %min3A_349 = arith.constant 6249374 : i32
      %min3A_350 = vector.broadcast %min3A_349 : i32 to vector<16xi32>
      %min3A_351 = arith.minsi %shift_right_logical3A_348, %min3A_350 : vector<16xi32>
      %swap3A_352 = arith.constant 240 : index
      %swap3A_353 = tpu.vector_load %arg13[%swap3A_352] {strides = array<i32>} : memref<1664xi32, #tpu.memory_space<vmem>>, vector<16xi32>,
      tpu.vector_store %arg13[%swap3A_352], %min3A_351 {strides = array<i32>} : memref<1664xi32, #tpu.memory_space<vmem>>, vector<16xi32>,
      %get3A_354 = arith.constant 256 : index
      %get3A_355 = tpu.vector_load %arg12[%get3A_354] {strides = array<i32>} : memref<1664xi32, #tpu.memory_space<vmem>>, vector<16xi32>,
      %shift_right_logical3A_356 = arith.constant 4 : i32
      %shift_right_logical3A_357 = vector.broadcast %shift_right_logical3A_356 : i32 to vector<16xi32>
      %shift_right_logical3A_358 = arith.shrui %get3A_355, %shift_right_logical3A_357 : vector<16xi32>
      %min3A_359 = arith.constant 6249374 : i32
      %min3A_360 = vector.broadcast %min3A_359 : i32 to vector<16xi32>
      %min3A_361 = arith.minsi %shift_right_logical3A_358, %min3A_360 : vector<16xi32>
      %swap3A_362 = arith.constant 256 : index
      %swap3A_363 = tpu.vector_load %arg13[%swap3A_362] {strides = array<i32>} : memref<1664xi32, #tpu.memory_space<vmem>>, vector<16xi32>,
      tpu.vector_store %arg13[%swap3A_362], %min3A_361 {strides = array<i32>} : memref<1664xi32, #tpu.memory_space<vmem>>, vector<16xi32>,
      %get3A_364 = arith.constant 272 : index
      %get3A_365 = tpu.vector_load %arg12[%get3A_364] {strides = array<i32>} : memref<1664xi32, #tpu.memory_space<vmem>>, vector<16xi32>,
      %shift_right_logical3A_366 = arith.constant 4 : i32
      %shift_right_logical3A_367 = vector.broadcast %shift_right_logical3A_366 : i32 to vector<16xi32>
      %shift_right_logical3A_368 = arith.shrui %get3A_365, %shift_right_logical3A_367 : vector<16xi32>
      %min3A_369 = arith.constant 6249374 : i32
      %min3A_370 = vector.broadcast %min3A_369 : i32 to vector<16xi32>
      %min3A_371 = arith.minsi %shift_right_logical3A_368, %min3A_370 : vector<16xi32>
      %swap3A_372 = arith.constant 272 : index
      %swap3A_373 = tpu.vector_load %arg13[%swap3A_372] {strides = array<i32>} : memref<1664xi32, #tpu.memory_space<vmem>>, vector<16xi32>,
      tpu.vector_store %arg13[%swap3A_372], %min3A_371 {strides = array<i32>} : memref<1664xi32, #tpu.memory_space<vmem>>, vector<16xi32>,
      %get3A_374 = arith.constant 288 : index
      %get3A_375 = tpu.vector_load %arg12[%get3A_374] {strides = array<i32>} : memref<1664xi32, #tpu.memory_space<vmem>>, vector<16xi32>,
      %shift_right_logical3A_376 = arith.constant 4 : i32
      %shift_right_logical3A_377 = vector.broadcast %shift_right_logical3A_376 : i32 to vector<16xi32>
      %shift_right_logical3A_378 = arith.shrui %get3A_375, %shift_right_logical3A_377 : vector<16xi32>
      %min3A_379 = arith.constant 6249374 : i32
      %min3A_380 = vector.broadcast %min3A_379 : i32 to vector<16xi32>
      %min3A_381 = arith.minsi %shift_right_logical3A_378, %min3A_380 : vector<16xi32>
      %swap3A_382 = arith.constant 288 : index
      %swap3A_383 = tpu.vector_load %arg13[%swap3A_382] {strides = array<i32>} : memref<1664xi32, #tpu.memory_space<vmem>>, vector<16xi32>,
      tpu.vector_store %arg13[%swap3A_382], %min3A_381 {strides = array<i32>} : memref<1664xi32, #tpu.memory_space<vmem>>, vector<16xi32>,
      %get3A_384 = arith.constant 304 : index
      %get3A_385 = tpu.vector_load %arg12[%get3A_384] {strides = array<i32>} : memref<1664xi32, #tpu.memory_space<vmem>>, vector<16xi32>,
      %shift_right_logical3A_386 = arith.constant 4 : i32
      %shift_right_logical3A_387 = vector.broadcast %shift_right_logical3A_386 : i32 to vector<16xi32>
      %shift_right_logical3A_388 = arith.shrui %get3A_385, %shift_right_logical3A_387 : vector<16xi32>
      %min3A_389 = arith.constant 6249374 : i32
      %min3A_390 = vector.broadcast %min3A_389 : i32 to vector<16xi32>
      %min3A_391 = arith.minsi %shift_right_logical3A_388, %min3A_390 : vector<16xi32>
      %swap3A_392 = arith.constant 304 : index
      %swap3A_393 = tpu.vector_load %arg13[%swap3A_392] {strides = array<i32>} : memref<1664xi32, #tpu.memory_space<vmem>>, vector<16xi32>,
      tpu.vector_store %arg13[%swap3A_392], %min3A_391 {strides = array<i32>} : memref<1664xi32, #tpu.memory_space<vmem>>, vector<16xi32>,
      %get3A_394 = arith.constant 320 : index
      %get3A_395 = tpu.vector_load %arg12[%get3A_394] {strides = array<i32>} : memref<1664xi32, #tpu.memory_space<vmem>>, vector<16xi32>,
      %shift_right_logical3A_396 = arith.constant 4 : i32
      %shift_right_logical3A_397 = vector.broadcast %shift_right_logical3A_396 : i32 to vector<16xi32>
      %shift_right_logical3A_398 = arith.shrui %get3A_395, %shift_right_logical3A_397 : vector<16xi32>
      %min3A_399 = arith.constant 6249374 : i32
      %min3A_400 = vector.broadcast %min3A_399 : i32 to vector<16xi32>
      %min3A_401 = arith.minsi %shift_right_logical3A_398, %min3A_400 : vector<16xi32>
      %swap3A_402 = arith.constant 320 : index
      %swap3A_403 = tpu.vector_load %arg13[%swap3A_402] {strides = array<i32>} : memref<1664xi32, #tpu.memory_space<vmem>>, vector<16xi32>,
      tpu.vector_store %arg13[%swap3A_402], %min3A_401 {strides = array<i32>} : memref<1664xi32, #tpu.memory_space<vmem>>, vector<16xi32>,
      %get3A_404 = arith.constant 336 : index
      %get3A_405 = tpu.vector_load %arg12[%get3A_404] {strides = array<i32>} : memref<1664xi32, #tpu.memory_space<vmem>>, vector<16xi32>,
      %shift_right_logical3A_406 = arith.constant 4 : i32
      %shift_right_logical3A_407 = vector.broadcast %shift_right_logical3A_406 : i32 to vector<16xi32>
      %shift_right_logical3A_408 = arith.shrui %get3A_405, %shift_right_logical3A_407 : vector<16xi32>
      %min3A_409 = arith.constant 6249374 : i32
      %min3A_410 = vector.broadcast %min3A_409 : i32 to vector<16xi32>
      %min3A_411 = arith.minsi %shift_right_logical3A_408, %min3A_410 : vector<16xi32>
      %swap3A_412 = arith.constant 336 : index
      %swap3A_413 = tpu.vector_load %arg13[%swap3A_412] {strides = array<i32>} : memref<1664xi32, #tpu.memory_space<vmem>>, vector<16xi32>,
      tpu.vector_store %arg13[%swap3A_412], %min3A_411 {strides = array<i32>} : memref<1664xi32, #tpu.memory_space<vmem>>, vector<16xi32>,
      %get3A_414 = arith.constant 352 : index
      %get3A_415 = tpu.vector_load %arg12[%get3A_414] {strides = array<i32>} : memref<1664xi32, #tpu.memory_space<vmem>>, vector<16xi32>,
      %shift_right_logical3A_416 = arith.constant 4 : i32
      %shift_right_logical3A_417 = vector.broadcast %shift_right_logical3A_416 : i32 to vector<16xi32>
      %shift_right_logical3A_418 = arith.shrui %get3A_415, %shift_right_logical3A_417 : vector<16xi32>
      %min3A_419 = arith.constant 6249374 : i32
      %min3A_420 = vector.broadcast %min3A_419 : i32 to vector<16xi32>
      %min3A_421 = arith.minsi %shift_right_logical3A_418, %min3A_420 : vector<16xi32>
      %swap3A_422 = arith.constant 352 : index
      %swap3A_423 = tpu.vector_load %arg13[%swap3A_422] {strides = array<i32>} : memref<1664xi32, #tpu.memory_space<vmem>>, vector<16xi32>,
      tpu.vector_store %arg13[%swap3A_422], %min3A_421 {strides = array<i32>} : memref<1664xi32, #tpu.memory_space<vmem>>, vector<16xi32>,
      %get3A_424 = arith.constant 368 : index
      %get3A_425 = tpu.vector_load %arg12[%get3A_424] {strides = array<i32>} : memref<1664xi32, #tpu.memory_space<vmem>>, vector<16xi32>,
      %shift_right_logical3A_426 = arith.constant 4 : i32
      %shift_right_logical3A_427 = vector.broadcast %shift_right_logical3A_426 : i32 to vector<16xi32>
      %shift_right_logical3A_428 = arith.shrui %get3A_425, %shift_right_logical3A_427 : vector<16xi32>
      %min3A_429 = arith.constant 6249374 : i32
      %min3A_430 = vector.broadcast %min3A_429 : i32 to vector<16xi32>
      %min3A_431 = arith.minsi %shift_right_logical3A_428, %min3A_430 : vector<16xi32>
      %swap3A_432 = arith.constant 368 : index
      %swap3A_433 = tpu.vector_load %arg13[%swap3A_432] {strides = array<i32>} : memref<1664xi32, #tpu.memory_space<vmem>>, vector<16xi32>,
      tpu.vector_store %arg13[%swap3A_432], %min3A_431 {strides = array<i32>} : memref<1664xi32, #tpu.memory_space<vmem>>, vector<16xi32>,
      %get3A_434 = arith.constant 384 : index
      %get3A_435 = tpu.vector_load %arg12[%get3A_434] {strides = array<i32>} : memref<1664xi32, #tpu.memory_space<vmem>>, vector<16xi32>,
      %shift_right_logical3A_436 = arith.constant 4 : i32
      %shift_right_logical3A_437 = vector.broadcast %shift_right_logical3A_436 : i32 to vector<16xi32>
      %shift_right_logical3A_438 = arith.shrui %get3A_435, %shift_right_logical3A_437 : vector<16xi32>
      %min3A_439 = arith.constant 6249374 : i32
      %min3A_440 = vector.broadcast %min3A_439 : i32 to vector<16xi32>
      %min3A_441 = arith.minsi %shift_right_logical3A_438, %min3A_440 : vector<16xi32>
      %swap3A_442 = arith.constant 384 : index
      %swap3A_443 = tpu.vector_load %arg13[%swap3A_442] {strides = array<i32>} : memref<1664xi32, #tpu.memory_space<vmem>>, vector<16xi32>,
      tpu.vector_store %arg13[%swap3A_442], %min3A_441 {strides = array<i32>} : memref<1664xi32, #tpu.memory_space<vmem>>, vector<16xi32>,
      %get3A_444 = arith.constant 400 : index
      %get3A_445 = tpu.vector_load %arg12[%get3A_444] {strides = array<i32>} : memref<1664xi32, #tpu.memory_space<vmem>>, vector<16xi32>,
      %shift_right_logical3A_446 = arith.constant 4 : i32
      %shift_right_logical3A_447 = vector.broadcast %shift_right_logical3A_446 : i32 to vector<16xi32>
      %shift_right_logical3A_448 = arith.shrui %get3A_445, %shift_right_logical3A_447 : vector<16xi32>
      %min3A_449 = arith.constant 6249374 : i32
      %min3A_450 = vector.broadcast %min3A_449 : i32 to vector<16xi32>
      %min3A_451 = arith.minsi %shift_right_logical3A_448, %min3A_450 : vector<16xi32>
      %swap3A_452 = arith.constant 400 : index
      %swap3A_453 = tpu.vector_load %arg13[%swap3A_452] {strides = array<i32>} : memref<1664xi32, #tpu.memory_space<vmem>>, vector<16xi32>,
      tpu.vector_store %arg13[%swap3A_452], %min3A_451 {strides = array<i32>} : memref<1664xi32, #tpu.memory_space<vmem>>, vector<16xi32>,
      %get3A_454 = arith.constant 416 : index
      %get3A_455 = tpu.vector_load %arg12[%get3A_454] {strides = array<i32>} : memref<1664xi32, #tpu.memory_space<vmem>>, vector<16xi32>,
      %shift_right_logical3A_456 = arith.constant 4 : i32
      %shift_right_logical3A_457 = vector.broadcast %shift_right_logical3A_456 : i32 to vector<16xi32>
      %shift_right_logical3A_458 = arith.shrui %get3A_455, %shift_right_logical3A_457 : vector<16xi32>
      %min3A_459 = arith.constant 6249374 : i32
      %min3A_460 = vector.broadcast %min3A_459 : i32 to vector<16xi32>
      %min3A_461 = arith.minsi %shift_right_logical3A_458, %min3A_460 : vector<16xi32>
      %swap3A_462 = arith.constant 416 : index
      %swap3A_463 = tpu.vector_load %arg13[%swap3A_462] {strides = array<i32>} : memref<1664xi32, #tpu.memory_space<vmem>>, vector<16xi32>,
      tpu.vector_store %arg13[%swap3A_462], %min3A_461 {strides = array<i32>} : memref<1664xi32, #tpu.memory_space<vmem>>, vector<16xi32>,
      %get3A_464 = arith.constant 432 : index
      %get3A_465 = tpu.vector_load %arg12[%get3A_464] {strides = array<i32>} : memref<1664xi32, #tpu.memory_space<vmem>>, vector<16xi32>,
      %shift_right_logical3A_466 = arith.constant 4 : i32
      %shift_right_logical3A_467 = vector.broadcast %shift_right_logical3A_466 : i32 to vector<16xi32>
      %shift_right_logical3A_468 = arith.shrui %get3A_465, %shift_right_logical3A_467 : vector<16xi32>
      %min3A_469 = arith.constant 6249374 : i32
      %min3A_470 = vector.broadcast %min3A_469 : i32 to vector<16xi32>
      %min3A_471 = arith.minsi %shift_right_logical3A_468, %min3A_470 : vector<16xi32>
      %swap3A_472 = arith.constant 432 : index
      %swap3A_473 = tpu.vector_load %arg13[%swap3A_472] {strides = array<i32>} : memref<1664xi32, #tpu.memory_space<vmem>>, vector<16xi32>,
      tpu.vector_store %arg13[%swap3A_472], %min3A_471 {strides = array<i32>} : memref<1664xi32, #tpu.memory_space<vmem>>, vector<16xi32>,
      %get3A_474 = arith.constant 448 : index
      %get3A_475 = tpu.vector_load %arg12[%get3A_474] {strides = array<i32>} : memref<1664xi32, #tpu.memory_space<vmem>>, vector<16xi32>,
      %shift_right_logical3A_476 = arith.constant 4 : i32
      %shift_right_logical3A_477 = vector.broadcast %shift_right_logical3A_476 : i32 to vector<16xi32>
      %shift_right_logical3A_478 = arith.shrui %get3A_475, %shift_right_logical3A_477 : vector<16xi32>
      %min3A_479 = arith.constant 6249374 : i32
      %min3A_480 = vector.broadcast %min3A_479 : i32 to vector<16xi32>
      %min3A_481 = arith.minsi %shift_right_logical3A_478, %min3A_480 : vector<16xi32>
      %swap3A_482 = arith.constant 448 : index
      %swap3A_483 = tpu.vector_load %arg13[%swap3A_482] {strides = array<i32>} : memref<1664xi32, #tpu.memory_space<vmem>>, vector<16xi32>,
      tpu.vector_store %arg13[%swap3A_482], %min3A_481 {strides = array<i32>} : memref<1664xi32, #tpu.memory_space<vmem>>, vector<16xi32>,
      %get3A_484 = arith.constant 464 : index
      %get3A_485 = tpu.vector_load %arg12[%get3A_484] {strides = array<i32>} : memref<1664xi32, #tpu.memory_space<vmem>>, vector<16xi32>,
      %shift_right_logical3A_486 = arith.constant 4 : i32
      %shift_right_logical3A_487 = vector.broadcast %shift_right_logical3A_486 : i32 to vector<16xi32>
      %shift_right_logical3A_488 = arith.shrui %get3A_485, %shift_right_logical3A_487 : vector<16xi32>
      %min3A_489 = arith.constant 6249374 : i32
      %min3A_490 = vector.broadcast %min3A_489 : i32 to vector<16xi32>
      %min3A_491 = arith.minsi %shift_right_logical3A_488, %min3A_490 : vector<16xi32>
      %swap3A_492 = arith.constant 464 : index
      %swap3A_493 = tpu.vector_load %arg13[%swap3A_492] {strides = array<i32>} : memref<1664xi32, #tpu.memory_space<vmem>>, vector<16xi32>,
      tpu.vector_store %arg13[%swap3A_492], %min3A_491 {strides = array<i32>} : memref<1664xi32, #tpu.memory_space<vmem>>, vector<16xi32>,
      %get3A_494 = arith.constant 480 : index
      %get3A_495 = tpu.vector_load %arg12[%get3A_494] {strides = array<i32>} : memref<1664xi32, #tpu.memory_space<vmem>>, vector<16xi32>,
      %shift_right_logical3A_496 = arith.constant 4 : i32
      %shift_right_logical3A_497 = vector.broadcast %shift_right_logical3A_496 : i32 to vector<16xi32>
      %shift_right_logical3A_498 = arith.shrui %get3A_495, %shift_right_logical3A_497 : vector<16xi32>
      %min3A_499 = arith.constant 6249374 : i32
      %min3A_500 = vector.broadcast %min3A_499 : i32 to vector<16xi32>
      %min3A_501 = arith.minsi %shift_right_logical3A_498, %min3A_500 : vector<16xi32>
      %swap3A_502 = arith.constant 480 : index
      %swap3A_503 = tpu.vector_load %arg13[%swap3A_502] {strides = array<i32>} : memref<1664xi32, #tpu.memory_space<vmem>>, vector<16xi32>,
      tpu.vector_store %arg13[%swap3A_502], %min3A_501 {strides = array<i32>} : memref<1664xi32, #tpu.memory_space<vmem>>, vector<16xi32>,
      %get3A_504 = arith.constant 496 : index
      %get3A_505 = tpu.vector_load %arg12[%get3A_504] {strides = array<i32>} : memref<1664xi32, #tpu.memory_space<vmem>>, vector<16xi32>,
      %shift_right_logical3A_506 = arith.constant 4 : i32
      %shift_right_logical3A_507 = vector.broadcast %shift_right_logical3A_506 : i32 to vector<16xi32>
      %shift_right_logical3A_508 = arith.shrui %get3A_505, %shift_right_logical3A_507 : vector<16xi32>
      %min3A_509 = arith.constant 6249374 : i32
      %min3A_510 = vector.broadcast %min3A_509 : i32 to vector<16xi32>
      %min3A_511 = arith.minsi %shift_right_logical3A_508, %min3A_510 : vector<16xi32>
      %swap3A_512 = arith.constant 496 : index
      %swap3A_513 = tpu.vector_load %arg13[%swap3A_512] {strides = array<i32>} : memref<1664xi32, #tpu.memory_space<vmem>>, vector<16xi32>,
      tpu.vector_store %arg13[%swap3A_512], %min3A_511 {strides = array<i32>} : memref<1664xi32, #tpu.memory_space<vmem>>, vector<16xi32>,
      %get3A_514 = arith.constant 512 : index
      %get3A_515 = tpu.vector_load %arg12[%get3A_514] {strides = array<i32>} : memref<1664xi32, #tpu.memory_space<vmem>>, vector<16xi32>,
      %shift_right_logical3A_516 = arith.constant 4 : i32
      %shift_right_logical3A_517 = vector.broadcast %shift_right_logical3A_516 : i32 to vector<16xi32>
      %shift_right_logical3A_518 = arith.shrui %get3A_515, %shift_right_logical3A_517 : vector<16xi32>
      %min3A_519 = arith.constant 6249374 : i32
      %min3A_520 = vector.broadcast %min3A_519 : i32 to vector<16xi32>
      %min3A_521 = arith.minsi %shift_right_logical3A_518, %min3A_520 : vector<16xi32>
      %swap3A_522 = arith.constant 512 : index
      %swap3A_523 = tpu.vector_load %arg13[%swap3A_522] {strides = array<i32>} : memref<1664xi32, #tpu.memory_space<vmem>>, vector<16xi32>,
      tpu.vector_store %arg13[%swap3A_522], %min3A_521 {strides = array<i32>} : memref<1664xi32, #tpu.memory_space<vmem>>, vector<16xi32>,
      %get3A_524 = arith.constant 528 : index
      %get3A_525 = tpu.vector_load %arg12[%get3A_524] {strides = array<i32>} : memref<1664xi32, #tpu.memory_space<vmem>>, vector<16xi32>,
      %shift_right_logical3A_526 = arith.constant 4 : i32
      %shift_right_logical3A_527 = vector.broadcast %shift_right_logical3A_526 : i32 to vector<16xi32>
      %shift_right_logical3A_528 = arith.shrui %get3A_525, %shift_right_logical3A_527 : vector<16xi32>
      %min3A_529 = arith.constant 6249374 : i32
      %min3A_530 = vector.broadcast %min3A_529 : i32 to vector<16xi32>
      %min3A_531 = arith.minsi %shift_right_logical3A_528, %min3A_530 : vector<16xi32>
      %swap3A_532 = arith.constant 528 : index
      %swap3A_533 = tpu.vector_load %arg13[%swap3A_532] {strides = array<i32>} : memref<1664xi32, #tpu.memory_space<vmem>>, vector<16xi32>,
      tpu.vector_store %arg13[%swap3A_532], %min3A_531 {strides = array<i32>} : memref<1664xi32, #tpu.memory_space<vmem>>, vector<16xi32>,
      %get3A_534 = arith.constant 544 : index
      %get3A_535 = tpu.vector_load %arg12[%get3A_534] {strides = array<i32>} : memref<1664xi32, #tpu.memory_space<vmem>>, vector<16xi32>,
      %shift_right_logical3A_536 = arith.constant 4 : i32
      %shift_right_logical3A_537 = vector.broadcast %shift_right_logical3A_536 : i32 to vector<16xi32>
      %shift_right_logical3A_538 = arith.shrui %get3A_535, %shift_right_logical3A_537 : vector<16xi32>
      %min3A_539 = arith.constant 6249374 : i32
      %min3A_540 = vector.broadcast %min3A_539 : i32 to vector<16xi32>
      %min3A_541 = arith.minsi %shift_right_logical3A_538, %min3A_540 : vector<16xi32>
      %swap3A_542 = arith.constant 544 : index
      %swap3A_543 = tpu.vector_load %arg13[%swap3A_542] {strides = array<i32>} : memref<1664xi32, #tpu.memory_space<vmem>>, vector<16xi32>,
      tpu.vector_store %arg13[%swap3A_542], %min3A_541 {strides = array<i32>} : memref<1664xi32, #tpu.memory_space<vmem>>, vector<16xi32>,
      %get3A_544 = arith.constant 560 : index
      %get3A_545 = tpu.vector_load %arg12[%get3A_544] {strides = array<i32>} : memref<1664xi32, #tpu.memory_space<vmem>>, vector<16xi32>,
      %shift_right_logical3A_546 = arith.constant 4 : i32
      %shift_right_logical3A_547 = vector.broadcast %shift_right_logical3A_546 : i32 to vector<16xi32>
      %shift_right_logical3A_548 = arith.shrui %get3A_545, %shift_right_logical3A_547 : vector<16xi32>
      %min3A_549 = arith.constant 6249374 : i32
      %min3A_550 = vector.broadcast %min3A_549 : i32 to vector<16xi32>
      %min3A_551 = arith.minsi %shift_right_logical3A_548, %min3A_550 : vector<16xi32>
      %swap3A_552 = arith.constant 560 : index
      %swap3A_553 = tpu.vector_load %arg13[%swap3A_552] {strides = array<i32>} : memref<1664xi32, #tpu.memory_space<vmem>>, vector<16xi32>,
      tpu.vector_store %arg13[%swap3A_552], %min3A_551 {strides = array<i32>} : memref<1664xi32, #tpu.memory_space<vmem>>, vector<16xi32>,
      %get3A_554 = arith.constant 576 : index
      %get3A_555 = tpu.vector_load %arg12[%get3A_554] {strides = array<i32>} : memref<1664xi32, #tpu.memory_space<vmem>>, vector<16xi32>,
      %shift_right_logical3A_556 = arith.constant 4 : i32
      %shift_right_logical3A_557 = vector.broadcast %shift_right_logical3A_556 : i32 to vector<16xi32>
      %shift_right_logical3A_558 = arith.shrui %get3A_555, %shift_right_logical3A_557 : vector<16xi32>
      %min3A_559 = arith.constant 6249374 : i32
      %min3A_560 = vector.broadcast %min3A_559 : i32 to vector<16xi32>
      %min3A_561 = arith.minsi %shift_right_logical3A_558, %min3A_560 : vector<16xi32>
      %swap3A_562 = arith.constant 576 : index
      %swap3A_563 = tpu.vector_load %arg13[%swap3A_562] {strides = array<i32>} : memref<1664xi32, #tpu.memory_space<vmem>>, vector<16xi32>,
      tpu.vector_store %arg13[%swap3A_562], %min3A_561 {strides = array<i32>} : memref<1664xi32, #tpu.memory_space<vmem>>, vector<16xi32>,
      %get3A_564 = arith.constant 592 : index
      %get3A_565 = tpu.vector_load %arg12[%get3A_564] {strides = array<i32>} : memref<1664xi32, #tpu.memory_space<vmem>>, vector<16xi32>,
      %shift_right_logical3A_566 = arith.constant 4 : i32
      %shift_right_logical3A_567 = vector.broadcast %shift_right_logical3A_566 : i32 to vector<16xi32>
      %shift_right_logical3A_568 = arith.shrui %get3A_565, %shift_right_logical3A_567 : vector<16xi32>
      %min3A_569 = arith.constant 6249374 : i32
      %min3A_570 = vector.broadcast %min3A_569 : i32 to vector<16xi32>
      %min3A_571 = arith.minsi %shift_right_logical3A_568, %min3A_570 : vector<16xi32>
      %swap3A_572 = arith.constant 592 : index
      %swap3A_573 = tpu.vector_load %arg13[%swap3A_572] {strides = array<i32>} : memref<1664xi32, #tpu.memory_space<vmem>>, vector<16xi32>,
      tpu.vector_store %arg13[%swap3A_572], %min3A_571 {strides = array<i32>} : memref<1664xi32, #tpu.memory_space<vmem>>, vector<16xi32>,
      %get3A_574 = arith.constant 608 : index
      %get3A_575 = tpu.vector_load %arg12[%get3A_574] {strides = array<i32>} : memref<1664xi32, #tpu.memory_space<vmem>>, vector<16xi32>,
      %shift_right_logical3A_576 = arith.constant 4 : i32
      %shift_right_logical3A_577 = vector.broadcast %shift_right_logical3A_576 : i32 to vector<16xi32>
      %shift_right_logical3A_578 = arith.shrui %get3A_575, %shift_right_logical3A_577 : vector<16xi32>
      %min3A_579 = arith.constant 6249374 : i32
      %min3A_580 = vector.broadcast %min3A_579 : i32 to vector<16xi32>
      %min3A_581 = arith.minsi %shift_right_logical3A_578, %min3A_580 : vector<16xi32>
      %swap3A_582 = arith.constant 608 : index
      %swap3A_583 = tpu.vector_load %arg13[%swap3A_582] {strides = array<i32>} : memref<1664xi32, #tpu.memory_space<vmem>>, vector<16xi32>,
      tpu.vector_store %arg13[%swap3A_582], %min3A_581 {strides = array<i32>} : memref<1664xi32, #tpu.memory_space<vmem>>, vector<16xi32>,
      %get3A_584 = arith.constant 624 : index
      %get3A_585 = tpu.vector_load %arg12[%get3A_584] {strides = array<i32>} : memref<1664xi32, #tpu.memory_space<vmem>>, vector<16xi32>,
      %shift_right_logical3A_586 = arith.constant 4 : i32
      %shift_right_logical3A_587 = vector.broadcast %shift_right_logical3A_586 : i32 to vector<16xi32>
      %shift_right_logical3A_588 = arith.shrui %get3A_585, %shift_right_logical3A_587 : vector<16xi32>
      %min3A_589 = arith.constant 6249374 : i32
      %min3A_590 = vector.broadcast %min3A_589 : i32 to vector<16xi32>
      %min3A_591 = arith.minsi %shift_right_logical3A_588, %min3A_590 : vector<16xi32>
      %swap3A_592 = arith.constant 624 : index
      %swap3A_593 = tpu.vector_load %arg13[%swap3A_592] {strides = array<i32>} : memref<1664xi32, #tpu.memory_space<vmem>>, vector<16xi32>,
      tpu.vector_store %arg13[%swap3A_592], %min3A_591 {strides = array<i32>} : memref<1664xi32, #tpu.memory_space<vmem>>, vector<16xi32>,
      %get3A_594 = arith.constant 640 : index
      %get3A_595 = tpu.vector_load %arg12[%get3A_594] {strides = array<i32>} : memref<1664xi32, #tpu.memory_space<vmem>>, vector<16xi32>,
      %shift_right_logical3A_596 = arith.constant 4 : i32
      %shift_right_logical3A_597 = vector.broadcast %shift_right_logical3A_596 : i32 to vector<16xi32>
      %shift_right_logical3A_598 = arith.shrui %get3A_595, %shift_right_logical3A_597 : vector<16xi32>
      %min3A_599 = arith.constant 6249374 : i32
      %min3A_600 = vector.broadcast %min3A_599 : i32 to vector<16xi32>
      %min3A_601 = arith.minsi %shift_right_logical3A_598, %min3A_600 : vector<16xi32>
      %swap3A_602 = arith.constant 640 : index
      %swap3A_603 = tpu.vector_load %arg13[%swap3A_602] {strides = array<i32>} : memref<1664xi32, #tpu.memory_space<vmem>>, vector<16xi32>,
      tpu.vector_store %arg13[%swap3A_602], %min3A_601 {strides = array<i32>} : memref<1664xi32, #tpu.memory_space<vmem>>, vector<16xi32>,
      %get3A_604 = arith.constant 656 : index
      %get3A_605 = tpu.vector_load %arg12[%get3A_604] {strides = array<i32>} : memref<1664xi32, #tpu.memory_space<vmem>>, vector<16xi32>,
      %shift_right_logical3A_606 = arith.constant 4 : i32
      %shift_right_logical3A_607 = vector.broadcast %shift_right_logical3A_606 : i32 to vector<16xi32>
      %shift_right_logical3A_608 = arith.shrui %get3A_605, %shift_right_logical3A_607 : vector<16xi32>
      %min3A_609 = arith.constant 6249374 : i32
      %min3A_610 = vector.broadcast %min3A_609 : i32 to vector<16xi32>
      %min3A_611 = arith.minsi %shift_right_logical3A_608, %min3A_610 : vector<16xi32>
      %swap3A_612 = arith.constant 656 : index
      %swap3A_613 = tpu.vector_load %arg13[%swap3A_612] {strides = array<i32>} : memref<1664xi32, #tpu.memory_space<vmem>>, vector<16xi32>,
      tpu.vector_store %arg13[%swap3A_612], %min3A_611 {strides = array<i32>} : memref<1664xi32, #tpu.memory_space<vmem>>, vector<16xi32>,
      %get3A_614 = arith.constant 672 : index
      %get3A_615 = tpu.vector_load %arg12[%get3A_614] {strides = array<i32>} : memref<1664xi32, #tpu.memory_space<vmem>>, vector<16xi32>,
      %shift_right_logical3A_616 = arith.constant 4 : i32
      %shift_right_logical3A_617 = vector.broadcast %shift_right_logical3A_616 : i32 to vector<16xi32>
      %shift_right_logical3A_618 = arith.shrui %get3A_615, %shift_right_logical3A_617 : vector<16xi32>
      %min3A_619 = arith.constant 6249374 : i32
      %min3A_620 = vector.broadcast %min3A_619 : i32 to vector<16xi32>
      %min3A_621 = arith.minsi %shift_right_logical3A_618, %min3A_620 : vector<16xi32>
      %swap3A_622 = arith.constant 672 : index
      %swap3A_623 = tpu.vector_load %arg13[%swap3A_622] {strides = array<i32>} : memref<1664xi32, #tpu.memory_space<vmem>>, vector<16xi32>,
      tpu.vector_store %arg13[%swap3A_622], %min3A_621 {strides = array<i32>} : memref<1664xi32, #tpu.memory_space<vmem>>, vector<16xi32>,
      %get3A_624 = arith.constant 688 : index
      %get3A_625 = tpu.vector_load %arg12[%get3A_624] {strides = array<i32>} : memref<1664xi32, #tpu.memory_space<vmem>>, vector<16xi32>,
      %shift_right_logical3A_626 = arith.constant 4 : i32
      %shift_right_logical3A_627 = vector.broadcast %shift_right_logical3A_626 : i32 to vector<16xi32>
      %shift_right_logical3A_628 = arith.shrui %get3A_625, %shift_right_logical3A_627 : vector<16xi32>
      %min3A_629 = arith.constant 6249374 : i32
      %min3A_630 = vector.broadcast %min3A_629 : i32 to vector<16xi32>
      %min3A_631 = arith.minsi %shift_right_logical3A_628, %min3A_630 : vector<16xi32>
      %swap3A_632 = arith.constant 688 : index
      %swap3A_633 = tpu.vector_load %arg13[%swap3A_632] {strides = array<i32>} : memref<1664xi32, #tpu.memory_space<vmem>>, vector<16xi32>,
      tpu.vector_store %arg13[%swap3A_632], %min3A_631 {strides = array<i32>} : memref<1664xi32, #tpu.memory_space<vmem>>, vector<16xi32>,
      %get3A_634 = arith.constant 704 : index
      %get3A_635 = tpu.vector_load %arg12[%get3A_634] {strides = array<i32>} : memref<1664xi32, #tpu.memory_space<vmem>>, vector<16xi32>,
      %shift_right_logical3A_636 = arith.constant 4 : i32
      %shift_right_logical3A_637 = vector.broadcast %shift_right_logical3A_636 : i32 to vector<16xi32>
      %shift_right_logical3A_638 = arith.shrui %get3A_635, %shift_right_logical3A_637 : vector<16xi32>
      %min3A_639 = arith.constant 6249374 : i32
      %min3A_640 = vector.broadcast %min3A_639 : i32 to vector<16xi32>
      %min3A_641 = arith.minsi %shift_right_logical3A_638, %min3A_640 : vector<16xi32>
      %swap3A_642 = arith.constant 704 : index
      %swap3A_643 = tpu.vector_load %arg13[%swap3A_642] {strides = array<i32>} : memref<1664xi32, #tpu.memory_space<vmem>>, vector<16xi32>,
      tpu.vector_store %arg13[%swap3A_642], %min3A_641 {strides = array<i32>} : memref<1664xi32, #tpu.memory_space<vmem>>, vector<16xi32>,
      %get3A_644 = arith.constant 720 : index
      %get3A_645 = tpu.vector_load %arg12[%get3A_644] {strides = array<i32>} : memref<1664xi32, #tpu.memory_space<vmem>>, vector<16xi32>,
      %shift_right_logical3A_646 = arith.constant 4 : i32
      %shift_right_logical3A_647 = vector.broadcast %shift_right_logical3A_646 : i32 to vector<16xi32>
      %shift_right_logical3A_648 = arith.shrui %get3A_645, %shift_right_logical3A_647 : vector<16xi32>
      %min3A_649 = arith.constant 6249374 : i32
      %min3A_650 = vector.broadcast %min3A_649 : i32 to vector<16xi32>
      %min3A_651 = arith.minsi %shift_right_logical3A_648, %min3A_650 : vector<16xi32>
      %swap3A_652 = arith.constant 720 : index
      %swap3A_653 = tpu.vector_load %arg13[%swap3A_652] {strides = array<i32>} : memref<1664xi32, #tpu.memory_space<vmem>>, vector<16xi32>,
      tpu.vector_store %arg13[%swap3A_652], %min3A_651 {strides = array<i32>} : memref<1664xi32, #tpu.memory_space<vmem>>, vector<16xi32>,
      %get3A_654 = arith.constant 736 : index
      %get3A_655 = tpu.vector_load %arg12[%get3A_654] {strides = array<i32>} : memref<1664xi32, #tpu.memory_space<vmem>>, vector<16xi32>,
      %shift_right_logical3A_656 = arith.constant 4 : i32
      %shift_right_logical3A_657 = vector.broadcast %shift_right_logical3A_656 : i32 to vector<16xi32>
      %shift_right_logical3A_658 = arith.shrui %get3A_655, %shift_right_logical3A_657 : vector<16xi32>
      %min3A_659 = arith.constant 6249374 : i32
      %min3A_660 = vector.broadcast %min3A_659 : i32 to vector<16xi32>
      %min3A_661 = arith.minsi %shift_right_logical3A_658, %min3A_660 : vector<16xi32>
      %swap3A_662 = arith.constant 736 : index
      %swap3A_663 = tpu.vector_load %arg13[%swap3A_662] {strides = array<i32>} : memref<1664xi32, #tpu.memory_space<vmem>>, vector<16xi32>,
      tpu.vector_store %arg13[%swap3A_662], %min3A_661 {strides = array<i32>} : memref<1664xi32, #tpu.memory_space<vmem>>, vector<16xi32>,
      %get3A_664 = arith.constant 752 : index
      %get3A_665 = tpu.vector_load %arg12[%get3A_664] {strides = array<i32>} : memref<1664xi32, #tpu.memory_space<vmem>>, vector<16xi32>,
      %shift_right_logical3A_666 = arith.constant 4 : i32
      %shift_right_logical3A_667 = vector.broadcast %shift_right_logical3A_666 : i32 to vector<16xi32>
      %shift_right_logical3A_668 = arith.shrui %get3A_665, %shift_right_logical3A_667 : vector<16xi32>
      %min3A_669 = arith.constant 6249374 : i32
      %min3A_670 = vector.broadcast %min3A_669 : i32 to vector<16xi32>
      %min3A_671 = arith.minsi %shift_right_logical3A_668, %min3A_670 : vector<16xi32>
      %swap3A_672 = arith.constant 752 : index
      %swap3A_673 = tpu.vector_load %arg13[%swap3A_672] {strides = array<i32>} : memref<1664xi32, #tpu.memory_space<vmem>>, vector<16xi32>,
      tpu.vector_store %arg13[%swap3A_672], %min3A_671 {strides = array<i32>} : memref<1664xi32, #tpu.memory_space<vmem>>, vector<16xi32>,
      %get3A_674 = arith.constant 768 : index
      %get3A_675 = tpu.vector_load %arg12[%get3A_674] {strides = array<i32>} : memref<1664xi32, #tpu.memory_space<vmem>>, vector<16xi32>,
      %shift_right_logical3A_676 = arith.constant 4 : i32
      %shift_right_logical3A_677 = vector.broadcast %shift_right_logical3A_676 : i32 to vector<16xi32>
      %shift_right_logical3A_678 = arith.shrui %get3A_675, %shift_right_logical3A_677 : vector<16xi32>
      %min3A_679 = arith.constant 6249374 : i32
      %min3A_680 = vector.broadcast %min3A_679 : i32 to vector<16xi32>
      %min3A_681 = arith.minsi %shift_right_logical3A_678, %min3A_680 : vector<16xi32>
      %swap3A_682 = arith.constant 768 : index
      %swap3A_683 = tpu.vector_load %arg13[%swap3A_682] {strides = array<i32>} : memref<1664xi32, #tpu.memory_space<vmem>>, vector<16xi32>,
      tpu.vector_store %arg13[%swap3A_682], %min3A_681 {strides = array<i32>} : memref<1664xi32, #tpu.memory_space<vmem>>, vector<16xi32>,
      %get3A_684 = arith.constant 784 : index
      %get3A_685 = tpu.vector_load %arg12[%get3A_684] {strides = array<i32>} : memref<1664xi32, #tpu.memory_space<vmem>>, vector<16xi32>,
      %shift_right_logical3A_686 = arith.constant 4 : i32
      %shift_right_logical3A_687 = vector.broadcast %shift_right_logical3A_686 : i32 to vector<16xi32>
      %shift_right_logical3A_688 = arith.shrui %get3A_685, %shift_right_logical3A_687 : vector<16xi32>
      %min3A_689 = arith.constant 6249374 : i32
      %min3A_690 = vector.broadcast %min3A_689 : i32 to vector<16xi32>
      %min3A_691 = arith.minsi %shift_right_logical3A_688, %min3A_690 : vector<16xi32>
      %swap3A_692 = arith.constant 784 : index
      %swap3A_693 = tpu.vector_load %arg13[%swap3A_692] {strides = array<i32>} : memref<1664xi32, #tpu.memory_space<vmem>>, vector<16xi32>,
      tpu.vector_store %arg13[%swap3A_692], %min3A_691 {strides = array<i32>} : memref<1664xi32, #tpu.memory_space<vmem>>, vector<16xi32>,
      %get3A_694 = arith.constant 800 : index
      %get3A_695 = tpu.vector_load %arg12[%get3A_694] {strides = array<i32>} : memref<1664xi32, #tpu.memory_space<vmem>>, vector<16xi32>,
      %shift_right_logical3A_696 = arith.constant 4 : i32
      %shift_right_logical3A_697 = vector.broadcast %shift_right_logical3A_696 : i32 to vector<16xi32>
      %shift_right_logical3A_698 = arith.shrui %get3A_695, %shift_right_logical3A_697 : vector<16xi32>
      %min3A_699 = arith.constant 6249374 : i32
      %min3A_700 = vector.broadcast %min3A_699 : i32 to vector<16xi32>
      %min3A_701 = arith.minsi %shift_right_logical3A_698, %min3A_700 : vector<16xi32>
      %swap3A_702 = arith.constant 800 : index
      %swap3A_703 = tpu.vector_load %arg13[%swap3A_702] {strides = array<i32>} : memref<1664xi32, #tpu.memory_space<vmem>>, vector<16xi32>,
      tpu.vector_store %arg13[%swap3A_702], %min3A_701 {strides = array<i32>} : memref<1664xi32, #tpu.memory_space<vmem>>, vector<16xi32>,
      %get3A_704 = arith.constant 816 : index
      %get3A_705 = tpu.vector_load %arg12[%get3A_704] {strides = array<i32>} : memref<1664xi32, #tpu.memory_space<vmem>>, vector<16xi32>,
      %shift_right_logical3A_706 = arith.constant 4 : i32
      %shift_right_logical3A_707 = vector.broadcast %shift_right_logical3A_706 : i32 to vector<16xi32>
      %shift_right_logical3A_708 = arith.shrui %get3A_705, %shift_right_logical3A_707 : vector<16xi32>
      %min3A_709 = arith.constant 6249374 : i32
      %min3A_710 = vector.broadcast %min3A_709 : i32 to vector<16xi32>
      %min3A_711 = arith.minsi %shift_right_logical3A_708, %min3A_710 : vector<16xi32>
      %swap3A_712 = arith.constant 816 : index
      %swap3A_713 = tpu.vector_load %arg13[%swap3A_712] {strides = array<i32>} : memref<1664xi32, #tpu.memory_space<vmem>>, vector<16xi32>,
      tpu.vector_store %arg13[%swap3A_712], %min3A_711 {strides = array<i32>} : memref<1664xi32, #tpu.memory_space<vmem>>, vector<16xi32>,
      %get3A_714 = arith.constant 832 : index
      %get3A_715 = tpu.vector_load %arg12[%get3A_714] {strides = array<i32>} : memref<1664xi32, #tpu.memory_space<vmem>>, vector<16xi32>,
      %shift_right_logical3A_716 = arith.constant 4 : i32
      %shift_right_logical3A_717 = vector.broadcast %shift_right_logical3A_716 : i32 to vector<16xi32>
      %shift_right_logical3A_718 = arith.shrui %get3A_715, %shift_right_logical3A_717 : vector<16xi32>
      %min3A_719 = arith.constant 6249374 : i32
      %min3A_720 = vector.broadcast %min3A_719 : i32 to vector<16xi32>
      %min3A_721 = arith.minsi %shift_right_logical3A_718, %min3A_720 : vector<16xi32>
      %swap3A_722 = arith.constant 832 : index
      %swap3A_723 = tpu.vector_load %arg13[%swap3A_722] {strides = array<i32>} : memref<1664xi32, #tpu.memory_space<vmem>>, vector<16xi32>,
      tpu.vector_store %arg13[%swap3A_722], %min3A_721 {strides = array<i32>} : memref<1664xi32, #tpu.memory_space<vmem>>, vector<16xi32>,
      %get3A_724 = arith.constant 848 : index
      %get3A_725 = tpu.vector_load %arg12[%get3A_724] {strides = array<i32>} : memref<1664xi32, #tpu.memory_space<vmem>>, vector<16xi32>,
      %shift_right_logical3A_726 = arith.constant 4 : i32
      %shift_right_logical3A_727 = vector.broadcast %shift_right_logical3A_726 : i32 to vector<16xi32>
      %shift_right_logical3A_728 = arith.shrui %get3A_725, %shift_right_logical3A_727 : vector<16xi32>
      %min3A_729 = arith.constant 6249374 : i32
      %min3A_730 = vector.broadcast %min3A_729 : i32 to vector<16xi32>
      %min3A_731 = arith.minsi %shift_right_logical3A_728, %min3A_730 : vector<16xi32>
      %swap3A_732 = arith.constant 848 : index
      %swap3A_733 = tpu.vector_load %arg13[%swap3A_732] {strides = array<i32>} : memref<1664xi32, #tpu.memory_space<vmem>>, vector<16xi32>,
      tpu.vector_store %arg13[%swap3A_732], %min3A_731 {strides = array<i32>} : memref<1664xi32, #tpu.memory_space<vmem>>, vector<16xi32>,
      %get3A_734 = arith.constant 864 : index
      %get3A_735 = tpu.vector_load %arg12[%get3A_734] {strides = array<i32>} : memref<1664xi32, #tpu.memory_space<vmem>>, vector<16xi32>,
      %shift_right_logical3A_736 = arith.constant 4 : i32
      %shift_right_logical3A_737 = vector.broadcast %shift_right_logical3A_736 : i32 to vector<16xi32>
      %shift_right_logical3A_738 = arith.shrui %get3A_735, %shift_right_logical3A_737 : vector<16xi32>
      %min3A_739 = arith.constant 6249374 : i32
      %min3A_740 = vector.broadcast %min3A_739 : i32 to vector<16xi32>
      %min3A_741 = arith.minsi %shift_right_logical3A_738, %min3A_740 : vector<16xi32>
      %swap3A_742 = arith.constant 864 : index
      %swap3A_743 = tpu.vector_load %arg13[%swap3A_742] {strides = array<i32>} : memref<1664xi32, #tpu.memory_space<vmem>>, vector<16xi32>,
      tpu.vector_store %arg13[%swap3A_742], %min3A_741 {strides = array<i32>} : memref<1664xi32, #tpu.memory_space<vmem>>, vector<16xi32>,
      %get3A_744 = arith.constant 880 : index
      %get3A_745 = tpu.vector_load %arg12[%get3A_744] {strides = array<i32>} : memref<1664xi32, #tpu.memory_space<vmem>>, vector<16xi32>,
      %shift_right_logical3A_746 = arith.constant 4 : i32
      %shift_right_logical3A_747 = vector.broadcast %shift_right_logical3A_746 : i32 to vector<16xi32>
      %shift_right_logical3A_748 = arith.shrui %get3A_745, %shift_right_logical3A_747 : vector<16xi32>
      %min3A_749 = arith.constant 6249374 : i32
      %min3A_750 = vector.broadcast %min3A_749 : i32 to vector<16xi32>
      %min3A_751 = arith.minsi %shift_right_logical3A_748, %min3A_750 : vector<16xi32>
      %swap3A_752 = arith.constant 880 : index
      %swap3A_753 = tpu.vector_load %arg13[%swap3A_752] {strides = array<i32>} : memref<1664xi32, #tpu.memory_space<vmem>>, vector<16xi32>,
      tpu.vector_store %arg13[%swap3A_752], %min3A_751 {strides = array<i32>} : memref<1664xi32, #tpu.memory_space<vmem>>, vector<16xi32>,
      %get3A_754 = arith.constant 896 : index
      %get3A_755 = tpu.vector_load %arg12[%get3A_754] {strides = array<i32>} : memref<1664xi32, #tpu.memory_space<vmem>>, vector<16xi32>,
      %shift_right_logical3A_756 = arith.constant 4 : i32
      %shift_right_logical3A_757 = vector.broadcast %shift_right_logical3A_756 : i32 to vector<16xi32>
      %shift_right_logical3A_758 = arith.shrui %get3A_755, %shift_right_logical3A_757 : vector<16xi32>
      %min3A_759 = arith.constant 6249374 : i32
      %min3A_760 = vector.broadcast %min3A_759 : i32 to vector<16xi32>
      %min3A_761 = arith.minsi %shift_right_logical3A_758, %min3A_760 : vector<16xi32>
      %swap3A_762 = arith.constant 896 : index
      %swap3A_763 = tpu.vector_load %arg13[%swap3A_762] {strides = array<i32>} : memref<1664xi32, #tpu.memory_space<vmem>>, vector<16xi32>,
      tpu.vector_store %arg13[%swap3A_762], %min3A_761 {strides = array<i32>} : memref<1664xi32, #tpu.memory_space<vmem>>, vector<16xi32>,
      %get3A_764 = arith.constant 912 : index
      %get3A_765 = tpu.vector_load %arg12[%get3A_764] {strides = array<i32>} : memref<1664xi32, #tpu.memory_space<vmem>>, vector<16xi32>,
      %shift_right_logical3A_766 = arith.constant 4 : i32
      %shift_right_logical3A_767 = vector.broadcast %shift_right_logical3A_766 : i32 to vector<16xi32>
      %shift_right_logical3A_768 = arith.shrui %get3A_765, %shift_right_logical3A_767 : vector<16xi32>
      %min3A_769 = arith.constant 6249374 : i32
      %min3A_770 = vector.broadcast %min3A_769 : i32 to vector<16xi32>
      %min3A_771 = arith.minsi %shift_right_logical3A_768, %min3A_770 : vector<16xi32>
      %swap3A_772 = arith.constant 912 : index
      %swap3A_773 = tpu.vector_load %arg13[%swap3A_772] {strides = array<i32>} : memref<1664xi32, #tpu.memory_space<vmem>>, vector<16xi32>,
      tpu.vector_store %arg13[%swap3A_772], %min3A_771 {strides = array<i32>} : memref<1664xi32, #tpu.memory_space<vmem>>, vector<16xi32>,
      %get3A_774 = arith.constant 928 : index
      %get3A_775 = tpu.vector_load %arg12[%get3A_774] {strides = array<i32>} : memref<1664xi32, #tpu.memory_space<vmem>>, vector<16xi32>,
      %shift_right_logical3A_776 = arith.constant 4 : i32
      %shift_right_logical3A_777 = vector.broadcast %shift_right_logical3A_776 : i32 to vector<16xi32>
      %shift_right_logical3A_778 = arith.shrui %get3A_775, %shift_right_logical3A_777 : vector<16xi32>
      %min3A_779 = arith.constant 6249374 : i32
      %min3A_780 = vector.broadcast %min3A_779 : i32 to vector<16xi32>
      %min3A_781 = arith.minsi %shift_right_logical3A_778, %min3A_780 : vector<16xi32>
      %swap3A_782 = arith.constant 928 : index
      %swap3A_783 = tpu.vector_load %arg13[%swap3A_782] {strides = array<i32>} : memref<1664xi32, #tpu.memory_space<vmem>>, vector<16xi32>,
      tpu.vector_store %arg13[%swap3A_782], %min3A_781 {strides = array<i32>} : memref<1664xi32, #tpu.memory_space<vmem>>, vector<16xi32>,
      %get3A_784 = arith.constant 944 : index
      %get3A_785 = tpu.vector_load %arg12[%get3A_784] {strides = array<i32>} : memref<1664xi32, #tpu.memory_space<vmem>>, vector<16xi32>,
      %shift_right_logical3A_786 = arith.constant 4 : i32
      %shift_right_logical3A_787 = vector.broadcast %shift_right_logical3A_786 : i32 to vector<16xi32>
      %shift_right_logical3A_788 = arith.shrui %get3A_785, %shift_right_logical3A_787 : vector<16xi32>
      %min3A_789 = arith.constant 6249374 : i32
      %min3A_790 = vector.broadcast %min3A_789 : i32 to vector<16xi32>
      %min3A_791 = arith.minsi %shift_right_logical3A_788, %min3A_790 : vector<16xi32>
      %swap3A_792 = arith.constant 944 : index
      %swap3A_793 = tpu.vector_load %arg13[%swap3A_792] {strides = array<i32>} : memref<1664xi32, #tpu.memory_space<vmem>>, vector<16xi32>,
      tpu.vector_store %arg13[%swap3A_792], %min3A_791 {strides = array<i32>} : memref<1664xi32, #tpu.memory_space<vmem>>, vector<16xi32>,
      %get3A_794 = arith.constant 960 : index
      %get3A_795 = tpu.vector_load %arg12[%get3A_794] {strides = array<i32>} : memref<1664xi32, #tpu.memory_space<vmem>>, vector<16xi32>,
      %shift_right_logical3A_796 = arith.constant 4 : i32
      %shift_right_logical3A_797 = vector.broadcast %shift_right_logical3A_796 : i32 to vector<16xi32>
      %shift_right_logical3A_798 = arith.shrui %get3A_795, %shift_right_logical3A_797 : vector<16xi32>
      %min3A_799 = arith.constant 6249374 : i32
      %min3A_800 = vector.broadcast %min3A_799 : i32 to vector<16xi32>
      %min3A_801 = arith.minsi %shift_right_logical3A_798, %min3A_800 : vector<16xi32>
      %swap3A_802 = arith.constant 960 : index
      %swap3A_803 = tpu.vector_load %arg13[%swap3A_802] {strides = array<i32>} : memref<1664xi32, #tpu.memory_space<vmem>>, vector<16xi32>,
      tpu.vector_store %arg13[%swap3A_802], %min3A_801 {strides = array<i32>} : memref<1664xi32, #tpu.memory_space<vmem>>, vector<16xi32>,
      %get3A_804 = arith.constant 976 : index
      %get3A_805 = tpu.vector_load %arg12[%get3A_804] {strides = array<i32>} : memref<1664xi32, #tpu.memory_space<vmem>>, vector<16xi32>,
      %shift_right_logical3A_806 = arith.constant 4 : i32
      %shift_right_logical3A_807 = vector.broadcast %shift_right_logical3A_806 : i32 to vector<16xi32>
      %shift_right_logical3A_808 = arith.shrui %get3A_805, %shift_right_logical3A_807 : vector<16xi32>
      %min3A_809 = arith.constant 6249374 : i32
      %min3A_810 = vector.broadcast %min3A_809 : i32 to vector<16xi32>
      %min3A_811 = arith.minsi %shift_right_logical3A_808, %min3A_810 : vector<16xi32>
      %swap3A_812 = arith.constant 976 : index
      %swap3A_813 = tpu.vector_load %arg13[%swap3A_812] {strides = array<i32>} : memref<1664xi32, #tpu.memory_space<vmem>>, vector<16xi32>,
      tpu.vector_store %arg13[%swap3A_812], %min3A_811 {strides = array<i32>} : memref<1664xi32, #tpu.memory_space<vmem>>, vector<16xi32>,
      %get3A_814 = arith.constant 992 : index
      %get3A_815 = tpu.vector_load %arg12[%get3A_814] {strides = array<i32>} : memref<1664xi32, #tpu.memory_space<vmem>>, vector<16xi32>,
      %shift_right_logical3A_816 = arith.constant 4 : i32
      %shift_right_logical3A_817 = vector.broadcast %shift_right_logical3A_816 : i32 to vector<16xi32>
      %shift_right_logical3A_818 = arith.shrui %get3A_815, %shift_right_logical3A_817 : vector<16xi32>
      %min3A_819 = arith.constant 6249374 : i32
      %min3A_820 = vector.broadcast %min3A_819 : i32 to vector<16xi32>
      %min3A_821 = arith.minsi %shift_right_logical3A_818, %min3A_820 : vector<16xi32>
      %swap3A_822 = arith.constant 992 : index
      %swap3A_823 = tpu.vector_load %arg13[%swap3A_822] {strides = array<i32>} : memref<1664xi32, #tpu.memory_space<vmem>>, vector<16xi32>,
      tpu.vector_store %arg13[%swap3A_822], %min3A_821 {strides = array<i32>} : memref<1664xi32, #tpu.memory_space<vmem>>, vector<16xi32>,
      %get3A_824 = arith.constant 1008 : index
      %get3A_825 = tpu.vector_load %arg12[%get3A_824] {strides = array<i32>} : memref<1664xi32, #tpu.memory_space<vmem>>, vector<16xi32>,
      %shift_right_logical3A_826 = arith.constant 4 : i32
      %shift_right_logical3A_827 = vector.broadcast %shift_right_logical3A_826 : i32 to vector<16xi32>
      %shift_right_logical3A_828 = arith.shrui %get3A_825, %shift_right_logical3A_827 : vector<16xi32>
      %min3A_829 = arith.constant 6249374 : i32
      %min3A_830 = vector.broadcast %min3A_829 : i32 to vector<16xi32>
      %min3A_831 = arith.minsi %shift_right_logical3A_828, %min3A_830 : vector<16xi32>
      %swap3A_832 = arith.constant 1008 : index
      %swap3A_833 = tpu.vector_load %arg13[%swap3A_832] {strides = array<i32>} : memref<1664xi32, #tpu.memory_space<vmem>>, vector<16xi32>,
      tpu.vector_store %arg13[%swap3A_832], %min3A_831 {strides = array<i32>} : memref<1664xi32, #tpu.memory_space<vmem>>, vector<16xi32>,
      %get3A_834 = arith.constant 1024 : index
      %get3A_835 = tpu.vector_load %arg12[%get3A_834] {strides = array<i32>} : memref<1664xi32, #tpu.memory_space<vmem>>, vector<16xi32>,
      %shift_right_logical3A_836 = arith.constant 4 : i32
      %shift_right_logical3A_837 = vector.broadcast %shift_right_logical3A_836 : i32 to vector<16xi32>
      %shift_right_logical3A_838 = arith.shrui %get3A_835, %shift_right_logical3A_837 : vector<16xi32>
      %min3A_839 = arith.constant 6249374 : i32
      %min3A_840 = vector.broadcast %min3A_839 : i32 to vector<16xi32>
      %min3A_841 = arith.minsi %shift_right_logical3A_838, %min3A_840 : vector<16xi32>
      %swap3A_842 = arith.constant 1024 : index
      %swap3A_843 = tpu.vector_load %arg13[%swap3A_842] {strides = array<i32>} : memref<1664xi32, #tpu.memory_space<vmem>>, vector<16xi32>,
      tpu.vector_store %arg13[%swap3A_842], %min3A_841 {strides = array<i32>} : memref<1664xi32, #tpu.memory_space<vmem>>, vector<16xi32>,
      %get3A_844 = arith.constant 1040 : index
      %get3A_845 = tpu.vector_load %arg12[%get3A_844] {strides = array<i32>} : memref<1664xi32, #tpu.memory_space<vmem>>, vector<16xi32>,
      %shift_right_logical3A_846 = arith.constant 4 : i32
      %shift_right_logical3A_847 = vector.broadcast %shift_right_logical3A_846 : i32 to vector<16xi32>
      %shift_right_logical3A_848 = arith.shrui %get3A_845, %shift_right_logical3A_847 : vector<16xi32>
      %min3A_849 = arith.constant 6249374 : i32
      %min3A_850 = vector.broadcast %min3A_849 : i32 to vector<16xi32>
      %min3A_851 = arith.minsi %shift_right_logical3A_848, %min3A_850 : vector<16xi32>
      %swap3A_852 = arith.constant 1040 : index
      %swap3A_853 = tpu.vector_load %arg13[%swap3A_852] {strides = array<i32>} : memref<1664xi32, #tpu.memory_space<vmem>>, vector<16xi32>,
      tpu.vector_store %arg13[%swap3A_852], %min3A_851 {strides = array<i32>} : memref<1664xi32, #tpu.memory_space<vmem>>, vector<16xi32>,
      %get3A_854 = arith.constant 1056 : index
      %get3A_855 = tpu.vector_load %arg12[%get3A_854] {strides = array<i32>} : memref<1664xi32, #tpu.memory_space<vmem>>, vector<16xi32>,
      %shift_right_logical3A_856 = arith.constant 4 : i32
      %shift_right_logical3A_857 = vector.broadcast %shift_right_logical3A_856 : i32 to vector<16xi32>
      %shift_right_logical3A_858 = arith.shrui %get3A_855, %shift_right_logical3A_857 : vector<16xi32>
      %min3A_859 = arith.constant 6249374 : i32
      %min3A_860 = vector.broadcast %min3A_859 : i32 to vector<16xi32>
      %min3A_861 = arith.minsi %shift_right_logical3A_858, %min3A_860 : vector<16xi32>
      %swap3A_862 = arith.constant 1056 : index
      %swap3A_863 = tpu.vector_load %arg13[%swap3A_862] {strides = array<i32>} : memref<1664xi32, #tpu.memory_space<vmem>>, vector<16xi32>,
      tpu.vector_store %arg13[%swap3A_862], %min3A_861 {strides = array<i32>} : memref<1664xi32, #tpu.memory_space<vmem>>, vector<16xi32>,
      %get3A_864 = arith.constant 1072 : index
      %get3A_865 = tpu.vector_load %arg12[%get3A_864] {strides = array<i32>} : memref<1664xi32, #tpu.memory_space<vmem>>, vector<16xi32>,
      %shift_right_logical3A_866 = arith.constant 4 : i32
      %shift_right_logical3A_867 = vector.broadcast %shift_right_logical3A_866 : i32 to vector<16xi32>
      %shift_right_logical3A_868 = arith.shrui %get3A_865, %shift_right_logical3A_867 : vector<16xi32>
      %min3A_869 = arith.constant 6249374 : i32
      %min3A_870 = vector.broadcast %min3A_869 : i32 to vector<16xi32>
      %min3A_871 = arith.minsi %shift_right_logical3A_868, %min3A_870 : vector<16xi32>
      %swap3A_872 = arith.constant 1072 : index
      %swap3A_873 = tpu.vector_load %arg13[%swap3A_872] {strides = array<i32>} : memref<1664xi32, #tpu.memory_space<vmem>>, vector<16xi32>,
      tpu.vector_store %arg13[%swap3A_872], %min3A_871 {strides = array<i32>} : memref<1664xi32, #tpu.memory_space<vmem>>, vector<16xi32>,
      %get3A_874 = arith.constant 1088 : index
      %get3A_875 = tpu.vector_load %arg12[%get3A_874] {strides = array<i32>} : memref<1664xi32, #tpu.memory_space<vmem>>, vector<16xi32>,
      %shift_right_logical3A_876 = arith.constant 4 : i32
      %shift_right_logical3A_877 = vector.broadcast %shift_right_logical3A_876 : i32 to vector<16xi32>
      %shift_right_logical3A_878 = arith.shrui %get3A_875, %shift_right_logical3A_877 : vector<16xi32>
      %min3A_879 = arith.constant 6249374 : i32
      %min3A_880 = vector.broadcast %min3A_879 : i32 to vector<16xi32>
      %min3A_881 = arith.minsi %shift_right_logical3A_878, %min3A_880 : vector<16xi32>
      %swap3A_882 = arith.constant 1088 : index
      %swap3A_883 = tpu.vector_load %arg13[%swap3A_882] {strides = array<i32>} : memref<1664xi32, #tpu.memory_space<vmem>>, vector<16xi32>,
      tpu.vector_store %arg13[%swap3A_882], %min3A_881 {strides = array<i32>} : memref<1664xi32, #tpu.memory_space<vmem>>, vector<16xi32>,
      %get3A_884 = arith.constant 1104 : index
      %get3A_885 = tpu.vector_load %arg12[%get3A_884] {strides = array<i32>} : memref<1664xi32, #tpu.memory_space<vmem>>, vector<16xi32>,
      %shift_right_logical3A_886 = arith.constant 4 : i32
      %shift_right_logical3A_887 = vector.broadcast %shift_right_logical3A_886 : i32 to vector<16xi32>
      %shift_right_logical3A_888 = arith.shrui %get3A_885, %shift_right_logical3A_887 : vector<16xi32>
      %min3A_889 = arith.constant 6249374 : i32
      %min3A_890 = vector.broadcast %min3A_889 : i32 to vector<16xi32>
      %min3A_891 = arith.minsi %shift_right_logical3A_888, %min3A_890 : vector<16xi32>
      %swap3A_892 = arith.constant 1104 : index
      %swap3A_893 = tpu.vector_load %arg13[%swap3A_892] {strides = array<i32>} : memref<1664xi32, #tpu.memory_space<vmem>>, vector<16xi32>,
      tpu.vector_store %arg13[%swap3A_892], %min3A_891 {strides = array<i32>} : memref<1664xi32, #tpu.memory_space<vmem>>, vector<16xi32>,
      %get3A_894 = arith.constant 1120 : index
      %get3A_895 = tpu.vector_load %arg12[%get3A_894] {strides = array<i32>} : memref<1664xi32, #tpu.memory_space<vmem>>, vector<16xi32>,
      %shift_right_logical3A_896 = arith.constant 4 : i32
      %shift_right_logical3A_897 = vector.broadcast %shift_right_logical3A_896 : i32 to vector<16xi32>
      %shift_right_logical3A_898 = arith.shrui %get3A_895, %shift_right_logical3A_897 : vector<16xi32>
      %min3A_899 = arith.constant 6249374 : i32
      %min3A_900 = vector.broadcast %min3A_899 : i32 to vector<16xi32>
      %min3A_901 = arith.minsi %shift_right_logical3A_898, %min3A_900 : vector<16xi32>
      %swap3A_902 = arith.constant 1120 : index
      %swap3A_903 = tpu.vector_load %arg13[%swap3A_902] {strides = array<i32>} : memref<1664xi32, #tpu.memory_space<vmem>>, vector<16xi32>,
      tpu.vector_store %arg13[%swap3A_902], %min3A_901 {strides = array<i32>} : memref<1664xi32, #tpu.memory_space<vmem>>, vector<16xi32>,
      %get3A_904 = arith.constant 1136 : index
      %get3A_905 = tpu.vector_load %arg12[%get3A_904] {strides = array<i32>} : memref<1664xi32, #tpu.memory_space<vmem>>, vector<16xi32>,
      %shift_right_logical3A_906 = arith.constant 4 : i32
      %shift_right_logical3A_907 = vector.broadcast %shift_right_logical3A_906 : i32 to vector<16xi32>
      %shift_right_logical3A_908 = arith.shrui %get3A_905, %shift_right_logical3A_907 : vector<16xi32>
      %min3A_909 = arith.constant 6249374 : i32
      %min3A_910 = vector.broadcast %min3A_909 : i32 to vector<16xi32>
      %min3A_911 = arith.minsi %shift_right_logical3A_908, %min3A_910 : vector<16xi32>
      %swap3A_912 = arith.constant 1136 : index
      %swap3A_913 = tpu.vector_load %arg13[%swap3A_912] {strides = array<i32>} : memref<1664xi32, #tpu.memory_space<vmem>>, vector<16xi32>,
      tpu.vector_store %arg13[%swap3A_912], %min3A_911 {strides = array<i32>} : memref<1664xi32, #tpu.memory_space<vmem>>, vector<16xi32>,
      %get3A_914 = arith.constant 1152 : index
      %get3A_915 = tpu.vector_load %arg12[%get3A_914] {strides = array<i32>} : memref<1664xi32, #tpu.memory_space<vmem>>, vector<16xi32>,
      %shift_right_logical3A_916 = arith.constant 4 : i32
      %shift_right_logical3A_917 = vector.broadcast %shift_right_logical3A_916 : i32 to vector<16xi32>
      %shift_right_logical3A_918 = arith.shrui %get3A_915, %shift_right_logical3A_917 : vector<16xi32>
      %min3A_919 = arith.constant 6249374 : i32
      %min3A_920 = vector.broadcast %min3A_919 : i32 to vector<16xi32>
      %min3A_921 = arith.minsi %shift_right_logical3A_918, %min3A_920 : vector<16xi32>
      %swap3A_922 = arith.constant 1152 : index
      %swap3A_923 = tpu.vector_load %arg13[%swap3A_922] {strides = array<i32>} : memref<1664xi32, #tpu.memory_space<vmem>>, vector<16xi32>,
      tpu.vector_store %arg13[%swap3A_922], %min3A_921 {strides = array<i32>} : memref<1664xi32, #tpu.memory_space<vmem>>, vector<16xi32>,
      %get3A_924 = arith.constant 1168 : index
      %get3A_925 = tpu.vector_load %arg12[%get3A_924] {strides = array<i32>} : memref<1664xi32, #tpu.memory_space<vmem>>, vector<16xi32>,
      %shift_right_logical3A_926 = arith.constant 4 : i32
      %shift_right_logical3A_927 = vector.broadcast %shift_right_logical3A_926 : i32 to vector<16xi32>
      %shift_right_logical3A_928 = arith.shrui %get3A_925, %shift_right_logical3A_927 : vector<16xi32>
      %min3A_929 = arith.constant 6249374 : i32
      %min3A_930 = vector.broadcast %min3A_929 : i32 to vector<16xi32>
      %min3A_931 = arith.minsi %shift_right_logical3A_928, %min3A_930 : vector<16xi32>
      %swap3A_932 = arith.constant 1168 : index
      %swap3A_933 = tpu.vector_load %arg13[%swap3A_932] {strides = array<i32>} : memref<1664xi32, #tpu.memory_space<vmem>>, vector<16xi32>,
      tpu.vector_store %arg13[%swap3A_932], %min3A_931 {strides = array<i32>} : memref<1664xi32, #tpu.memory_space<vmem>>, vector<16xi32>,
      %get3A_934 = arith.constant 1184 : index
      %get3A_935 = tpu.vector_load %arg12[%get3A_934] {strides = array<i32>} : memref<1664xi32, #tpu.memory_space<vmem>>, vector<16xi32>,
      %shift_right_logical3A_936 = arith.constant 4 : i32
      %shift_right_logical3A_937 = vector.broadcast %shift_right_logical3A_936 : i32 to vector<16xi32>
      %shift_right_logical3A_938 = arith.shrui %get3A_935, %shift_right_logical3A_937 : vector<16xi32>
      %min3A_939 = arith.constant 6249374 : i32
      %min3A_940 = vector.broadcast %min3A_939 : i32 to vector<16xi32>
      %min3A_941 = arith.minsi %shift_right_logical3A_938, %min3A_940 : vector<16xi32>
      %swap3A_942 = arith.constant 1184 : index
      %swap3A_943 = tpu.vector_load %arg13[%swap3A_942] {strides = array<i32>} : memref<1664xi32, #tpu.memory_space<vmem>>, vector<16xi32>,
      tpu.vector_store %arg13[%swap3A_942], %min3A_941 {strides = array<i32>} : memref<1664xi32, #tpu.memory_space<vmem>>, vector<16xi32>,
      %get3A_944 = arith.constant 1200 : index
      %get3A_945 = tpu.vector_load %arg12[%get3A_944] {strides = array<i32>} : memref<1664xi32, #tpu.memory_space<vmem>>, vector<16xi32>,
      %shift_right_logical3A_946 = arith.constant 4 : i32
      %shift_right_logical3A_947 = vector.broadcast %shift_right_logical3A_946 : i32 to vector<16xi32>
      %shift_right_logical3A_948 = arith.shrui %get3A_945, %shift_right_logical3A_947 : vector<16xi32>
      %min3A_949 = arith.constant 6249374 : i32
      %min3A_950 = vector.broadcast %min3A_949 : i32 to vector<16xi32>
      %min3A_951 = arith.minsi %shift_right_logical3A_948, %min3A_950 : vector<16xi32>
      %swap3A_952 = arith.constant 1200 : index
      %swap3A_953 = tpu.vector_load %arg13[%swap3A_952] {strides = array<i32>} : memref<1664xi32, #tpu.memory_space<vmem>>, vector<16xi32>,
      tpu.vector_store %arg13[%swap3A_952], %min3A_951 {strides = array<i32>} : memref<1664xi32, #tpu.memory_space<vmem>>, vector<16xi32>,
      %get3A_954 = arith.constant 1216 : index
      %get3A_955 = tpu.vector_load %arg12[%get3A_954] {strides = array<i32>} : memref<1664xi32, #tpu.memory_space<vmem>>, vector<16xi32>,
      %shift_right_logical3A_956 = arith.constant 4 : i32
      %shift_right_logical3A_957 = vector.broadcast %shift_right_logical3A_956 : i32 to vector<16xi32>
      %shift_right_logical3A_958 = arith.shrui %get3A_955, %shift_right_logical3A_957 : vector<16xi32>
      %min3A_959 = arith.constant 6249374 : i32
      %min3A_960 = vector.broadcast %min3A_959 : i32 to vector<16xi32>
      %min3A_961 = arith.minsi %shift_right_logical3A_958, %min3A_960 : vector<16xi32>
      %swap3A_962 = arith.constant 1216 : index
      %swap3A_963 = tpu.vector_load %arg13[%swap3A_962] {strides = array<i32>} : memref<1664xi32, #tpu.memory_space<vmem>>, vector<16xi32>,
      tpu.vector_store %arg13[%swap3A_962], %min3A_961 {strides = array<i32>} : memref<1664xi32, #tpu.memory_space<vmem>>, vector<16xi32>,
      %get3A_964 = arith.constant 1232 : index
      %get3A_965 = tpu.vector_load %arg12[%get3A_964] {strides = array<i32>} : memref<1664xi32, #tpu.memory_space<vmem>>, vector<16xi32>,
      %shift_right_logical3A_966 = arith.constant 4 : i32
      %shift_right_logical3A_967 = vector.broadcast %shift_right_logical3A_966 : i32 to vector<16xi32>
      %shift_right_logical3A_968 = arith.shrui %get3A_965, %shift_right_logical3A_967 : vector<16xi32>
      %min3A_969 = arith.constant 6249374 : i32
      %min3A_970 = vector.broadcast %min3A_969 : i32 to vector<16xi32>
      %min3A_971 = arith.minsi %shift_right_logical3A_968, %min3A_970 : vector<16xi32>
      %swap3A_972 = arith.constant 1232 : index
      %swap3A_973 = tpu.vector_load %arg13[%swap3A_972] {strides = array<i32>} : memref<1664xi32, #tpu.memory_space<vmem>>, vector<16xi32>,
      tpu.vector_store %arg13[%swap3A_972], %min3A_971 {strides = array<i32>} : memref<1664xi32, #tpu.memory_space<vmem>>, vector<16xi32>,
      %get3A_974 = arith.constant 1248 : index
      %get3A_975 = tpu.vector_load %arg12[%get3A_974] {strides = array<i32>} : memref<1664xi32, #tpu.memory_space<vmem>>, vector<16xi32>,
      %shift_right_logical3A_976 = arith.constant 4 : i32
      %shift_right_logical3A_977 = vector.broadcast %shift_right_logical3A_976 : i32 to vector<16xi32>
      %shift_right_logical3A_978 = arith.shrui %get3A_975, %shift_right_logical3A_977 : vector<16xi32>
      %min3A_979 = arith.constant 6249374 : i32
      %min3A_980 = vector.broadcast %min3A_979 : i32 to vector<16xi32>
      %min3A_981 = arith.minsi %shift_right_logical3A_978, %min3A_980 : vector<16xi32>
      %swap3A_982 = arith.constant 1248 : index
      %swap3A_983 = tpu.vector_load %arg13[%swap3A_982] {strides = array<i32>} : memref<1664xi32, #tpu.memory_space<vmem>>, vector<16xi32>,
      tpu.vector_store %arg13[%swap3A_982], %min3A_981 {strides = array<i32>} : memref<1664xi32, #tpu.memory_space<vmem>>, vector<16xi32>,
      %get3A_984 = arith.constant 1264 : index
      %get3A_985 = tpu.vector_load %arg12[%get3A_984] {strides = array<i32>} : memref<1664xi32, #tpu.memory_space<vmem>>, vector<16xi32>,
      %shift_right_logical3A_986 = arith.constant 4 : i32
      %shift_right_logical3A_987 = vector.broadcast %shift_right_logical3A_986 : i32 to vector<16xi32>
      %shift_right_logical3A_988 = arith.shrui %get3A_985, %shift_right_logical3A_987 : vector<16xi32>
      %min3A_989 = arith.constant 6249374 : i32
      %min3A_990 = vector.broadcast %min3A_989 : i32 to vector<16xi32>
      %min3A_991 = arith.minsi %shift_right_logical3A_988, %min3A_990 : vector<16xi32>
      %swap3A_992 = arith.constant 1264 : index
      %swap3A_993 = tpu.vector_load %arg13[%swap3A_992] {strides = array<i32>} : memref<1664xi32, #tpu.memory_space<vmem>>, vector<16xi32>,
      tpu.vector_store %arg13[%swap3A_992], %min3A_991 {strides = array<i32>} : memref<1664xi32, #tpu.memory_space<vmem>>, vector<16xi32>,
      %get3A_994 = arith.constant 1280 : index
      %get3A_995 = tpu.vector_load %arg12[%get3A_994] {strides = array<i32>} : memref<1664xi32, #tpu.memory_space<vmem>>, vector<16xi32>,
      %shift_right_logical3A_996 = arith.constant 4 : i32
      %shift_right_logical3A_997 = vector.broadcast %shift_right_logical3A_996 : i32 to vector<16xi32>
      %shift_right_logical3A_998 = arith.shrui %get3A_995, %shift_right_logical3A_997 : vector<16xi32>
      %min3A_999 = arith.constant 6249374 : i32
      %min3A_1000 = vector.broadcast %min3A_999 : i32 to vector<16xi32>
      %min3A_1001 = arith.minsi %shift_right_logical3A_998, %min3A_1000 : vector<16xi32>
      %swap3A_1002 = arith.constant 1280 : index
      %swap3A_1003 = tpu.vector_load %arg13[%swap3A_1002] {strides = array<i32>} : memref<1664xi32, #tpu.memory_space<vmem>>, vector<16xi32>,
      tpu.vector_store %arg13[%swap3A_1002], %min3A_1001 {strides = array<i32>} : memref<1664xi32, #tpu.memory_space<vmem>>, vector<16xi32>,
      %get3A_1004 = arith.constant 1296 : index
      %get3A_1005 = tpu.vector_load %arg12[%get3A_1004] {strides = array<i32>} : memref<1664xi32, #tpu.memory_space<vmem>>, vector<16xi32>,
      %shift_right_logical3A_1006 = arith.constant 4 : i32
      %shift_right_logical3A_1007 = vector.broadcast %shift_right_logical3A_1006 : i32 to vector<16xi32>
      %shift_right_logical3A_1008 = arith.shrui %get3A_1005, %shift_right_logical3A_1007 : vector<16xi32>
      %min3A_1009 = arith.constant 6249374 : i32
      %min3A_1010 = vector.broadcast %min3A_1009 : i32 to vector<16xi32>
      %min3A_1011 = arith.minsi %shift_right_logical3A_1008, %min3A_1010 : vector<16xi32>
      %swap3A_1012 = arith.constant 1296 : index
      %swap3A_1013 = tpu.vector_load %arg13[%swap3A_1012] {strides = array<i32>} : memref<1664xi32, #tpu.memory_space<vmem>>, vector<16xi32>,
      tpu.vector_store %arg13[%swap3A_1012], %min3A_1011 {strides = array<i32>} : memref<1664xi32, #tpu.memory_space<vmem>>, vector<16xi32>,
      %get3A_1014 = arith.constant 1312 : index
      %get3A_1015 = tpu.vector_load %arg12[%get3A_1014] {strides = array<i32>} : memref<1664xi32, #tpu.memory_space<vmem>>, vector<16xi32>,
      %shift_right_logical3A_1016 = arith.constant 4 : i32
      %shift_right_logical3A_1017 = vector.broadcast %shift_right_logical3A_1016 : i32 to vector<16xi32>
      %shift_right_logical3A_1018 = arith.shrui %get3A_1015, %shift_right_logical3A_1017 : vector<16xi32>
      %min3A_1019 = arith.constant 6249374 : i32
      %min3A_1020 = vector.broadcast %min3A_1019 : i32 to vector<16xi32>
      %min3A_1021 = arith.minsi %shift_right_logical3A_1018, %min3A_1020 : vector<16xi32>
      %swap3A_1022 = arith.constant 1312 : index
      %swap3A_1023 = tpu.vector_load %arg13[%swap3A_1022] {strides = array<i32>} : memref<1664xi32, #tpu.memory_space<vmem>>, vector<16xi32>,
      tpu.vector_store %arg13[%swap3A_1022], %min3A_1021 {strides = array<i32>} : memref<1664xi32, #tpu.memory_space<vmem>>, vector<16xi32>,
      %get3A_1024 = arith.constant 1328 : index
      %get3A_1025 = tpu.vector_load %arg12[%get3A_1024] {strides = array<i32>} : memref<1664xi32, #tpu.memory_space<vmem>>, vector<16xi32>,
      %shift_right_logical3A_1026 = arith.constant 4 : i32
      %shift_right_logical3A_1027 = vector.broadcast %shift_right_logical3A_1026 : i32 to vector<16xi32>
      %shift_right_logical3A_1028 = arith.shrui %get3A_1025, %shift_right_logical3A_1027 : vector<16xi32>
      %min3A_1029 = arith.constant 6249374 : i32
      %min3A_1030 = vector.broadcast %min3A_1029 : i32 to vector<16xi32>
      %min3A_1031 = arith.minsi %shift_right_logical3A_1028, %min3A_1030 : vector<16xi32>
      %swap3A_1032 = arith.constant 1328 : index
      %swap3A_1033 = tpu.vector_load %arg13[%swap3A_1032] {strides = array<i32>} : memref<1664xi32, #tpu.memory_space<vmem>>, vector<16xi32>,
      tpu.vector_store %arg13[%swap3A_1032], %min3A_1031 {strides = array<i32>} : memref<1664xi32, #tpu.memory_space<vmem>>, vector<16xi32>,
      %get3A_1034 = arith.constant 1344 : index
      %get3A_1035 = tpu.vector_load %arg12[%get3A_1034] {strides = array<i32>} : memref<1664xi32, #tpu.memory_space<vmem>>, vector<16xi32>,
      %shift_right_logical3A_1036 = arith.constant 4 : i32
      %shift_right_logical3A_1037 = vector.broadcast %shift_right_logical3A_1036 : i32 to vector<16xi32>
      %shift_right_logical3A_1038 = arith.shrui %get3A_1035, %shift_right_logical3A_1037 : vector<16xi32>
      %min3A_1039 = arith.constant 6249374 : i32
      %min3A_1040 = vector.broadcast %min3A_1039 : i32 to vector<16xi32>
      %min3A_1041 = arith.minsi %shift_right_logical3A_1038, %min3A_1040 : vector<16xi32>
      %swap3A_1042 = arith.constant 1344 : index
      %swap3A_1043 = tpu.vector_load %arg13[%swap3A_1042] {strides = array<i32>} : memref<1664xi32, #tpu.memory_space<vmem>>, vector<16xi32>,
      tpu.vector_store %arg13[%swap3A_1042], %min3A_1041 {strides = array<i32>} : memref<1664xi32, #tpu.memory_space<vmem>>, vector<16xi32>,
      %get3A_1044 = arith.constant 1360 : index
      %get3A_1045 = tpu.vector_load %arg12[%get3A_1044] {strides = array<i32>} : memref<1664xi32, #tpu.memory_space<vmem>>, vector<16xi32>,
      %shift_right_logical3A_1046 = arith.constant 4 : i32
      %shift_right_logical3A_1047 = vector.broadcast %shift_right_logical3A_1046 : i32 to vector<16xi32>
      %shift_right_logical3A_1048 = arith.shrui %get3A_1045, %shift_right_logical3A_1047 : vector<16xi32>
      %min3A_1049 = arith.constant 6249374 : i32
      %min3A_1050 = vector.broadcast %min3A_1049 : i32 to vector<16xi32>
      %min3A_1051 = arith.minsi %shift_right_logical3A_1048, %min3A_1050 : vector<16xi32>
      %swap3A_1052 = arith.constant 1360 : index
      %swap3A_1053 = tpu.vector_load %arg13[%swap3A_1052] {strides = array<i32>} : memref<1664xi32, #tpu.memory_space<vmem>>, vector<16xi32>,
      tpu.vector_store %arg13[%swap3A_1052], %min3A_1051 {strides = array<i32>} : memref<1664xi32, #tpu.memory_space<vmem>>, vector<16xi32>,
      %get3A_1054 = arith.constant 1376 : index
      %get3A_1055 = tpu.vector_load %arg12[%get3A_1054] {strides = array<i32>} : memref<1664xi32, #tpu.memory_space<vmem>>, vector<16xi32>,
      %shift_right_logical3A_1056 = arith.constant 4 : i32
      %shift_right_logical3A_1057 = vector.broadcast %shift_right_logical3A_1056 : i32 to vector<16xi32>
      %shift_right_logical3A_1058 = arith.shrui %get3A_1055, %shift_right_logical3A_1057 : vector<16xi32>
      %min3A_1059 = arith.constant 6249374 : i32
      %min3A_1060 = vector.broadcast %min3A_1059 : i32 to vector<16xi32>
      %min3A_1061 = arith.minsi %shift_right_logical3A_1058, %min3A_1060 : vector<16xi32>
      %swap3A_1062 = arith.constant 1376 : index
      %swap3A_1063 = tpu.vector_load %arg13[%swap3A_1062] {strides = array<i32>} : memref<1664xi32, #tpu.memory_space<vmem>>, vector<16xi32>,
      tpu.vector_store %arg13[%swap3A_1062], %min3A_1061 {strides = array<i32>} : memref<1664xi32, #tpu.memory_space<vmem>>, vector<16xi32>,
      %get3A_1064 = arith.constant 1392 : index
      %get3A_1065 = tpu.vector_load %arg12[%get3A_1064] {strides = array<i32>} : memref<1664xi32, #tpu.memory_space<vmem>>, vector<16xi32>,
      %shift_right_logical3A_1066 = arith.constant 4 : i32
      %shift_right_logical3A_1067 = vector.broadcast %shift_right_logical3A_1066 : i32 to vector<16xi32>
      %shift_right_logical3A_1068 = arith.shrui %get3A_1065, %shift_right_logical3A_1067 : vector<16xi32>
      %min3A_1069 = arith.constant 6249374 : i32
      %min3A_1070 = vector.broadcast %min3A_1069 : i32 to vector<16xi32>
      %min3A_1071 = arith.minsi %shift_right_logical3A_1068, %min3A_1070 : vector<16xi32>
      %swap3A_1072 = arith.constant 1392 : index
      %swap3A_1073 = tpu.vector_load %arg13[%swap3A_1072] {strides = array<i32>} : memref<1664xi32, #tpu.memory_space<vmem>>, vector<16xi32>,
      tpu.vector_store %arg13[%swap3A_1072], %min3A_1071 {strides = array<i32>} : memref<1664xi32, #tpu.memory_space<vmem>>, vector<16xi32>,
      %get3A_1074 = arith.constant 1408 : index
      %get3A_1075 = tpu.vector_load %arg12[%get3A_1074] {strides = array<i32>} : memref<1664xi32, #tpu.memory_space<vmem>>, vector<16xi32>,
      %shift_right_logical3A_1076 = arith.constant 4 : i32
      %shift_right_logical3A_1077 = vector.broadcast %shift_right_logical3A_1076 : i32 to vector<16xi32>
      %shift_right_logical3A_1078 = arith.shrui %get3A_1075, %shift_right_logical3A_1077 : vector<16xi32>
      %min3A_1079 = arith.constant 6249374 : i32
      %min3A_1080 = vector.broadcast %min3A_1079 : i32 to vector<16xi32>
      %min3A_1081 = arith.minsi %shift_right_logical3A_1078, %min3A_1080 : vector<16xi32>
      %swap3A_1082 = arith.constant 1408 : index
      %swap3A_1083 = tpu.vector_load %arg13[%swap3A_1082] {strides = array<i32>} : memref<1664xi32, #tpu.memory_space<vmem>>, vector<16xi32>,
      tpu.vector_store %arg13[%swap3A_1082], %min3A_1081 {strides = array<i32>} : memref<1664xi32, #tpu.memory_space<vmem>>, vector<16xi32>,
      %get3A_1084 = arith.constant 1424 : index
      %get3A_1085 = tpu.vector_load %arg12[%get3A_1084] {strides = array<i32>} : memref<1664xi32, #tpu.memory_space<vmem>>, vector<16xi32>,
      %shift_right_logical3A_1086 = arith.constant 4 : i32
      %shift_right_logical3A_1087 = vector.broadcast %shift_right_logical3A_1086 : i32 to vector<16xi32>
      %shift_right_logical3A_1088 = arith.shrui %get3A_1085, %shift_right_logical3A_1087 : vector<16xi32>
      %min3A_1089 = arith.constant 6249374 : i32
      %min3A_1090 = vector.broadcast %min3A_1089 : i32 to vector<16xi32>
      %min3A_1091 = arith.minsi %shift_right_logical3A_1088, %min3A_1090 : vector<16xi32>
      %swap3A_1092 = arith.constant 1424 : index
      %swap3A_1093 = tpu.vector_load %arg13[%swap3A_1092] {strides = array<i32>} : memref<1664xi32, #tpu.memory_space<vmem>>, vector<16xi32>,
      tpu.vector_store %arg13[%swap3A_1092], %min3A_1091 {strides = array<i32>} : memref<1664xi32, #tpu.memory_space<vmem>>, vector<16xi32>,
      %get3A_1094 = arith.constant 1440 : index
      %get3A_1095 = tpu.vector_load %arg12[%get3A_1094] {strides = array<i32>} : memref<1664xi32, #tpu.memory_space<vmem>>, vector<16xi32>,
      %shift_right_logical3A_1096 = arith.constant 4 : i32
      %shift_right_logical3A_1097 = vector.broadcast %shift_right_logical3A_1096 : i32 to vector<16xi32>
      %shift_right_logical3A_1098 = arith.shrui %get3A_1095, %shift_right_logical3A_1097 : vector<16xi32>
      %min3A_1099 = arith.constant 6249374 : i32
      %min3A_1100 = vector.broadcast %min3A_1099 : i32 to vector<16xi32>
      %min3A_1101 = arith.minsi %shift_right_logical3A_1098, %min3A_1100 : vector<16xi32>
      %swap3A_1102 = arith.constant 1440 : index
      %swap3A_1103 = tpu.vector_load %arg13[%swap3A_1102] {strides = array<i32>} : memref<1664xi32, #tpu.memory_space<vmem>>, vector<16xi32>,
      tpu.vector_store %arg13[%swap3A_1102], %min3A_1101 {strides = array<i32>} : memref<1664xi32, #tpu.memory_space<vmem>>, vector<16xi32>,
      %get3A_1104 = arith.constant 1456 : index
      %get3A_1105 = tpu.vector_load %arg12[%get3A_1104] {strides = array<i32>} : memref<1664xi32, #tpu.memory_space<vmem>>, vector<16xi32>,
      %shift_right_logical3A_1106 = arith.constant 4 : i32
      %shift_right_logical3A_1107 = vector.broadcast %shift_right_logical3A_1106 : i32 to vector<16xi32>
      %shift_right_logical3A_1108 = arith.shrui %get3A_1105, %shift_right_logical3A_1107 : vector<16xi32>
      %min3A_1109 = arith.constant 6249374 : i32
      %min3A_1110 = vector.broadcast %min3A_1109 : i32 to vector<16xi32>
      %min3A_1111 = arith.minsi %shift_right_logical3A_1108, %min3A_1110 : vector<16xi32>
      %swap3A_1112 = arith.constant 1456 : index
      %swap3A_1113 = tpu.vector_load %arg13[%swap3A_1112] {strides = array<i32>} : memref<1664xi32, #tpu.memory_space<vmem>>, vector<16xi32>,
      tpu.vector_store %arg13[%swap3A_1112], %min3A_1111 {strides = array<i32>} : memref<1664xi32, #tpu.memory_space<vmem>>, vector<16xi32>,
      %get3A_1114 = arith.constant 1472 : index
      %get3A_1115 = tpu.vector_load %arg12[%get3A_1114] {strides = array<i32>} : memref<1664xi32, #tpu.memory_space<vmem>>, vector<16xi32>,
      %shift_right_logical3A_1116 = arith.constant 4 : i32
      %shift_right_logical3A_1117 = vector.broadcast %shift_right_logical3A_1116 : i32 to vector<16xi32>
      %shift_right_logical3A_1118 = arith.shrui %get3A_1115, %shift_right_logical3A_1117 : vector<16xi32>
      %min3A_1119 = arith.constant 6249374 : i32
      %min3A_1120 = vector.broadcast %min3A_1119 : i32 to vector<16xi32>
      %min3A_1121 = arith.minsi %shift_right_logical3A_1118, %min3A_1120 : vector<16xi32>
      %swap3A_1122 = arith.constant 1472 : index
      %swap3A_1123 = tpu.vector_load %arg13[%swap3A_1122] {strides = array<i32>} : memref<1664xi32, #tpu.memory_space<vmem>>, vector<16xi32>,
      tpu.vector_store %arg13[%swap3A_1122], %min3A_1121 {strides = array<i32>} : memref<1664xi32, #tpu.memory_space<vmem>>, vector<16xi32>,
      %get3A_1124 = arith.constant 1488 : index
      %get3A_1125 = tpu.vector_load %arg12[%get3A_1124] {strides = array<i32>} : memref<1664xi32, #tpu.memory_space<vmem>>, vector<16xi32>,
      %shift_right_logical3A_1126 = arith.constant 4 : i32
      %shift_right_logical3A_1127 = vector.broadcast %shift_right_logical3A_1126 : i32 to vector<16xi32>
      %shift_right_logical3A_1128 = arith.shrui %get3A_1125, %shift_right_logical3A_1127 : vector<16xi32>
      %min3A_1129 = arith.constant 6249374 : i32
      %min3A_1130 = vector.broadcast %min3A_1129 : i32 to vector<16xi32>
      %min3A_1131 = arith.minsi %shift_right_logical3A_1128, %min3A_1130 : vector<16xi32>
      %swap3A_1132 = arith.constant 1488 : index
      %swap3A_1133 = tpu.vector_load %arg13[%swap3A_1132] {strides = array<i32>} : memref<1664xi32, #tpu.memory_space<vmem>>, vector<16xi32>,
      tpu.vector_store %arg13[%swap3A_1132], %min3A_1131 {strides = array<i32>} : memref<1664xi32, #tpu.memory_space<vmem>>, vector<16xi32>,
      %get3A_1134 = arith.constant 1504 : index
      %get3A_1135 = tpu.vector_load %arg12[%get3A_1134] {strides = array<i32>} : memref<1664xi32, #tpu.memory_space<vmem>>, vector<16xi32>,
      %shift_right_logical3A_1136 = arith.constant 4 : i32
      %shift_right_logical3A_1137 = vector.broadcast %shift_right_logical3A_1136 : i32 to vector<16xi32>
      %shift_right_logical3A_1138 = arith.shrui %get3A_1135, %shift_right_logical3A_1137 : vector<16xi32>
      %min3A_1139 = arith.constant 6249374 : i32
      %min3A_1140 = vector.broadcast %min3A_1139 : i32 to vector<16xi32>
      %min3A_1141 = arith.minsi %shift_right_logical3A_1138, %min3A_1140 : vector<16xi32>
      %swap3A_1142 = arith.constant 1504 : index
      %swap3A_1143 = tpu.vector_load %arg13[%swap3A_1142] {strides = array<i32>} : memref<1664xi32, #tpu.memory_space<vmem>>, vector<16xi32>,
      tpu.vector_store %arg13[%swap3A_1142], %min3A_1141 {strides = array<i32>} : memref<1664xi32, #tpu.memory_space<vmem>>, vector<16xi32>,
      %get3A_1144 = arith.constant 1520 : index
      %get3A_1145 = tpu.vector_load %arg12[%get3A_1144] {strides = array<i32>} : memref<1664xi32, #tpu.memory_space<vmem>>, vector<16xi32>,
      %shift_right_logical3A_1146 = arith.constant 4 : i32
      %shift_right_logical3A_1147 = vector.broadcast %shift_right_logical3A_1146 : i32 to vector<16xi32>
      %shift_right_logical3A_1148 = arith.shrui %get3A_1145, %shift_right_logical3A_1147 : vector<16xi32>
      %min3A_1149 = arith.constant 6249374 : i32
      %min3A_1150 = vector.broadcast %min3A_1149 : i32 to vector<16xi32>
      %min3A_1151 = arith.minsi %shift_right_logical3A_1148, %min3A_1150 : vector<16xi32>
      %swap3A_1152 = arith.constant 1520 : index
      %swap3A_1153 = tpu.vector_load %arg13[%swap3A_1152] {strides = array<i32>} : memref<1664xi32, #tpu.memory_space<vmem>>, vector<16xi32>,
      tpu.vector_store %arg13[%swap3A_1152], %min3A_1151 {strides = array<i32>} : memref<1664xi32, #tpu.memory_space<vmem>>, vector<16xi32>,
      %get3A_1154 = arith.constant 1536 : index
      %get3A_1155 = tpu.vector_load %arg12[%get3A_1154] {strides = array<i32>} : memref<1664xi32, #tpu.memory_space<vmem>>, vector<16xi32>,
      %shift_right_logical3A_1156 = arith.constant 4 : i32
      %shift_right_logical3A_1157 = vector.broadcast %shift_right_logical3A_1156 : i32 to vector<16xi32>
      %shift_right_logical3A_1158 = arith.shrui %get3A_1155, %shift_right_logical3A_1157 : vector<16xi32>
      %min3A_1159 = arith.constant 6249374 : i32
      %min3A_1160 = vector.broadcast %min3A_1159 : i32 to vector<16xi32>
      %min3A_1161 = arith.minsi %shift_right_logical3A_1158, %min3A_1160 : vector<16xi32>
      %swap3A_1162 = arith.constant 1536 : index
      %swap3A_1163 = tpu.vector_load %arg13[%swap3A_1162] {strides = array<i32>} : memref<1664xi32, #tpu.memory_space<vmem>>, vector<16xi32>,
      tpu.vector_store %arg13[%swap3A_1162], %min3A_1161 {strides = array<i32>} : memref<1664xi32, #tpu.memory_space<vmem>>, vector<16xi32>,
      %get3A_1164 = arith.constant 1552 : index
      %get3A_1165 = tpu.vector_load %arg12[%get3A_1164] {strides = array<i32>} : memref<1664xi32, #tpu.memory_space<vmem>>, vector<16xi32>,
      %shift_right_logical3A_1166 = arith.constant 4 : i32
      %shift_right_logical3A_1167 = vector.broadcast %shift_right_logical3A_1166 : i32 to vector<16xi32>
      %shift_right_logical3A_1168 = arith.shrui %get3A_1165, %shift_right_logical3A_1167 : vector<16xi32>
      %min3A_1169 = arith.constant 6249374 : i32
      %min3A_1170 = vector.broadcast %min3A_1169 : i32 to vector<16xi32>
      %min3A_1171 = arith.minsi %shift_right_logical3A_1168, %min3A_1170 : vector<16xi32>
      %swap3A_1172 = arith.constant 1552 : index
      %swap3A_1173 = tpu.vector_load %arg13[%swap3A_1172] {strides = array<i32>} : memref<1664xi32, #tpu.memory_space<vmem>>, vector<16xi32>,
      tpu.vector_store %arg13[%swap3A_1172], %min3A_1171 {strides = array<i32>} : memref<1664xi32, #tpu.memory_space<vmem>>, vector<16xi32>,
      %get3A_1174 = arith.constant 1568 : index
      %get3A_1175 = tpu.vector_load %arg12[%get3A_1174] {strides = array<i32>} : memref<1664xi32, #tpu.memory_space<vmem>>, vector<16xi32>,
      %shift_right_logical3A_1176 = arith.constant 4 : i32
      %shift_right_logical3A_1177 = vector.broadcast %shift_right_logical3A_1176 : i32 to vector<16xi32>
      %shift_right_logical3A_1178 = arith.shrui %get3A_1175, %shift_right_logical3A_1177 : vector<16xi32>
      %min3A_1179 = arith.constant 6249374 : i32
      %min3A_1180 = vector.broadcast %min3A_1179 : i32 to vector<16xi32>
      %min3A_1181 = arith.minsi %shift_right_logical3A_1178, %min3A_1180 : vector<16xi32>
      %swap3A_1182 = arith.constant 1568 : index
      %swap3A_1183 = tpu.vector_load %arg13[%swap3A_1182] {strides = array<i32>} : memref<1664xi32, #tpu.memory_space<vmem>>, vector<16xi32>,
      tpu.vector_store %arg13[%swap3A_1182], %min3A_1181 {strides = array<i32>} : memref<1664xi32, #tpu.memory_space<vmem>>, vector<16xi32>,
      %get3A_1184 = arith.constant 1584 : index
      %get3A_1185 = tpu.vector_load %arg12[%get3A_1184] {strides = array<i32>} : memref<1664xi32, #tpu.memory_space<vmem>>, vector<16xi32>,
      %shift_right_logical3A_1186 = arith.constant 4 : i32
      %shift_right_logical3A_1187 = vector.broadcast %shift_right_logical3A_1186 : i32 to vector<16xi32>
      %shift_right_logical3A_1188 = arith.shrui %get3A_1185, %shift_right_logical3A_1187 : vector<16xi32>
      %min3A_1189 = arith.constant 6249374 : i32
      %min3A_1190 = vector.broadcast %min3A_1189 : i32 to vector<16xi32>
      %min3A_1191 = arith.minsi %shift_right_logical3A_1188, %min3A_1190 : vector<16xi32>
      %swap3A_1192 = arith.constant 1584 : index
      %swap3A_1193 = tpu.vector_load %arg13[%swap3A_1192] {strides = array<i32>} : memref<1664xi32, #tpu.memory_space<vmem>>, vector<16xi32>,
      tpu.vector_store %arg13[%swap3A_1192], %min3A_1191 {strides = array<i32>} : memref<1664xi32, #tpu.memory_space<vmem>>, vector<16xi32>,
      %get3A_1194 = arith.constant 1600 : index
      %get3A_1195 = tpu.vector_load %arg12[%get3A_1194] {strides = array<i32>} : memref<1664xi32, #tpu.memory_space<vmem>>, vector<16xi32>,
      %shift_right_logical3A_1196 = arith.constant 4 : i32
      %shift_right_logical3A_1197 = vector.broadcast %shift_right_logical3A_1196 : i32 to vector<16xi32>
      %shift_right_logical3A_1198 = arith.shrui %get3A_1195, %shift_right_logical3A_1197 : vector<16xi32>
      %min3A_1199 = arith.constant 6249374 : i32
      %min3A_1200 = vector.broadcast %min3A_1199 : i32 to vector<16xi32>
      %min3A_1201 = arith.minsi %shift_right_logical3A_1198, %min3A_1200 : vector<16xi32>
      %swap3A_1202 = arith.constant 1600 : index
      %swap3A_1203 = tpu.vector_load %arg13[%swap3A_1202] {strides = array<i32>} : memref<1664xi32, #tpu.memory_space<vmem>>, vector<16xi32>,
      tpu.vector_store %arg13[%swap3A_1202], %min3A_1201 {strides = array<i32>} : memref<1664xi32, #tpu.memory_space<vmem>>, vector<16xi32>,
      %get3A_1204 = arith.constant 1616 : index
      %get3A_1205 = tpu.vector_load %arg12[%get3A_1204] {strides = array<i32>} : memref<1664xi32, #tpu.memory_space<vmem>>, vector<16xi32>,
      %shift_right_logical3A_1206 = arith.constant 4 : i32
      %shift_right_logical3A_1207 = vector.broadcast %shift_right_logical3A_1206 : i32 to vector<16xi32>
      %shift_right_logical3A_1208 = arith.shrui %get3A_1205, %shift_right_logical3A_1207 : vector<16xi32>
      %min3A_1209 = arith.constant 6249374 : i32
      %min3A_1210 = vector.broadcast %min3A_1209 : i32 to vector<16xi32>
      %min3A_1211 = arith.minsi %shift_right_logical3A_1208, %min3A_1210 : vector<16xi32>
      %swap3A_1212 = arith.constant 1616 : index
      %swap3A_1213 = tpu.vector_load %arg13[%swap3A_1212] {strides = array<i32>} : memref<1664xi32, #tpu.memory_space<vmem>>, vector<16xi32>,
      tpu.vector_store %arg13[%swap3A_1212], %min3A_1211 {strides = array<i32>} : memref<1664xi32, #tpu.memory_space<vmem>>, vector<16xi32>,
      %get3A_1214 = arith.constant 1632 : index
      %get3A_1215 = tpu.vector_load %arg12[%get3A_1214] {strides = array<i32>} : memref<1664xi32, #tpu.memory_space<vmem>>, vector<16xi32>,
      %shift_right_logical3A_1216 = arith.constant 4 : i32
      %shift_right_logical3A_1217 = vector.broadcast %shift_right_logical3A_1216 : i32 to vector<16xi32>
      %shift_right_logical3A_1218 = arith.shrui %get3A_1215, %shift_right_logical3A_1217 : vector<16xi32>
      %min3A_1219 = arith.constant 6249374 : i32
      %min3A_1220 = vector.broadcast %min3A_1219 : i32 to vector<16xi32>
      %min3A_1221 = arith.minsi %shift_right_logical3A_1218, %min3A_1220 : vector<16xi32>
      %swap3A_1222 = arith.constant 1632 : index
      %swap3A_1223 = tpu.vector_load %arg13[%swap3A_1222] {strides = array<i32>} : memref<1664xi32, #tpu.memory_space<vmem>>, vector<16xi32>,
      tpu.vector_store %arg13[%swap3A_1222], %min3A_1221 {strides = array<i32>} : memref<1664xi32, #tpu.memory_space<vmem>>, vector<16xi32>,
      %get3A_1224 = arith.constant 1648 : index
      %get3A_1225 = tpu.vector_load %arg12[%get3A_1224] {strides = array<i32>} : memref<1664xi32, #tpu.memory_space<vmem>>, vector<16xi32>,
      %shift_right_logical3A_1226 = arith.constant 4 : i32
      %shift_right_logical3A_1227 = vector.broadcast %shift_right_logical3A_1226 : i32 to vector<16xi32>
      %shift_right_logical3A_1228 = arith.shrui %get3A_1225, %shift_right_logical3A_1227 : vector<16xi32>
      %min3A_1229 = arith.constant 6249374 : i32
      %min3A_1230 = vector.broadcast %min3A_1229 : i32 to vector<16xi32>
      %min3A_1231 = arith.minsi %shift_right_logical3A_1228, %min3A_1230 : vector<16xi32>
      %swap3A_1232 = arith.constant 1648 : index
      %swap3A_1233 = tpu.vector_load %arg13[%swap3A_1232] {strides = array<i32>} : memref<1664xi32, #tpu.memory_space<vmem>>, vector<16xi32>,
      tpu.vector_store %arg13[%swap3A_1232], %min3A_1231 {strides = array<i32>} : memref<1664xi32, #tpu.memory_space<vmem>>, vector<16xi32>,
      %dma_start3A_1234 = arith.constant 0 : i32
      %dma_start3A_1235 = arith.constant 0 : i32
      %dma_start3A_1236 = tpu.memref_slice %arg5[%dma_start3A_1234, %dma_start3A_1235] : memref<10000x16xi32, #tpu.memory_space<hbm>> -> memref<10000x16xi32, #tpu.memory_space<hbm>>
      tpu.enqueue_indirect_dma source(%dma_start3A_1236 : memref<10000x16xi32, #tpu.memory_space<hbm>>) target(%arg17 : memref<1664x16xi32, #tpu.memory_space<vmem>>) offsets(%arg11 : memref<1664xi32, #tpu.memory_space<vmem>>) semaphore(%arg20 : memref<!tpu.dma_semaphore, #tpu.memory_space<semaphore_mem>>)
      %dma_start3A_1237 = arith.constant 0 : i32
      %dma_start3A_1238 = arith.constant 0 : i32
      %dma_start3A_1239 = tpu.memref_slice %arg6[%dma_start3A_1237, %dma_start3A_1238] : memref<6249375x16xf32, #tpu.memory_space<hbm>> -> memref<6249375x16xf32, #tpu.memory_space<hbm>>
      tpu.enqueue_indirect_dma source(%dma_start3A_1239 : memref<6249375x16xf32, #tpu.memory_space<hbm>>) target(%arg14 : memref<1664x16xf32, #tpu.memory_space<vmem>>) offsets(%arg13 : memref<1664xi32, #tpu.memory_space<vmem>>) semaphore(%arg20 : memref<!tpu.dma_semaphore, #tpu.memory_space<semaphore_mem>>)
      %dma_start3A_1240 = arith.constant 0 : i32
      %dma_start3A_1241 = arith.constant 0 : i32
      %dma_start3A_1242 = tpu.memref_slice %arg5[%dma_start3A_1240, %dma_start3A_1241] : memref<10000x16xi32, #tpu.memory_space<hbm>> -> memref<10000x16xi32, #tpu.memory_space<hbm>>
      tpu.enqueue_indirect_dma source(%dma_start3A_1242 : memref<10000x16xi32, #tpu.memory_space<hbm>>) target(%arg18 : memref<256x16xi32, #tpu.memory_space<vmem>>) offsets(%arg10 : memref<256xi32, #tpu.memory_space<vmem>>) semaphore(%arg20 : memref<!tpu.dma_semaphore, #tpu.memory_space<semaphore_mem>>)
      %dma_wait3A_1243 = arith.constant 0 : i32
      %dma_wait3A_1244 = arith.constant 0 : i32
      %dma_wait3A_1245 = tpu.memref_slice %arg5[%dma_wait3A_1243, %dma_wait3A_1244] : memref<10000x16xi32, #tpu.memory_space<hbm>> -> memref<10000x16xi32, #tpu.memory_space<hbm>>
      tpu.wait_indirect_dma semaphore(%arg20 : memref<!tpu.dma_semaphore, #tpu.memory_space<semaphore_mem>>) src(%dma_wait3A_1245 : memref<10000x16xi32, #tpu.memory_space<hbm>>) dst(%arg17 : memref<1664x16xi32, #tpu.memory_space<vmem>>)
      %dma_wait3A_1246 = arith.constant 0 : i32
      %dma_wait3A_1247 = arith.constant 0 : i32
      %dma_wait3A_1248 = tpu.memref_slice %arg6[%dma_wait3A_1246, %dma_wait3A_1247] : memref<6249375x16xf32, #tpu.memory_space<hbm>> -> memref<6249375x16xf32, #tpu.memory_space<hbm>>
      tpu.wait_indirect_dma semaphore(%arg20 : memref<!tpu.dma_semaphore, #tpu.memory_space<semaphore_mem>>) src(%dma_wait3A_1248 : memref<6249375x16xf32, #tpu.memory_space<hbm>>) dst(%arg14 : memref<1664x16xf32, #tpu.memory_space<vmem>>)
      %dma_wait3A_1249 = arith.constant 0 : i32
      %dma_wait3A_1250 = arith.constant 0 : i32
      %dma_wait3A_1251 = tpu.memref_slice %arg5[%dma_wait3A_1249, %dma_wait3A_1250] : memref<10000x16xi32, #tpu.memory_space<hbm>> -> memref<10000x16xi32, #tpu.memory_space<hbm>>
      tpu.wait_indirect_dma semaphore(%arg20 : memref<!tpu.dma_semaphore, #tpu.memory_space<semaphore_mem>>) src(%dma_wait3A_1251 : memref<10000x16xi32, #tpu.memory_space<hbm>>) dst(%arg18 : memref<256x16xi32, #tpu.memory_space<vmem>>)
      %swap3A_1252 = arith.constant 0 : index
      %swap3A_1253 = tpu.vector_load %arg19[%swap3A_1252] {strides = array<i32>} : memref<512xf32, #tpu.memory_space<vmem>>, vector<16xf32>,
      tpu.vector_store %arg19[%swap3A_1252], %broadcast_in_dim3A_5 {strides = array<i32>} : memref<512xf32, #tpu.memory_space<vmem>>, vector<16xf32>,
      %swap3A_1254 = arith.constant 16 : index
      %swap3A_1255 = tpu.vector_load %arg19[%swap3A_1254] {strides = array<i32>} : memref<512xf32, #tpu.memory_space<vmem>>, vector<16xf32>,
      tpu.vector_store %arg19[%swap3A_1254], %broadcast_in_dim3A_5 {strides = array<i32>} : memref<512xf32, #tpu.memory_space<vmem>>, vector<16xf32>,
      %swap3A_1256 = arith.constant 32 : index
      %swap3A_1257 = tpu.vector_load %arg19[%swap3A_1256] {strides = array<i32>} : memref<512xf32, #tpu.memory_space<vmem>>, vector<16xf32>,
      tpu.vector_store %arg19[%swap3A_1256], %broadcast_in_dim3A_5 {strides = array<i32>} : memref<512xf32, #tpu.memory_space<vmem>>, vector<16xf32>,
      %swap3A_1258 = arith.constant 48 : index
      %swap3A_1259 = tpu.vector_load %arg19[%swap3A_1258] {strides = array<i32>} : memref<512xf32, #tpu.memory_space<vmem>>, vector<16xf32>,
      tpu.vector_store %arg19[%swap3A_1258], %broadcast_in_dim3A_5 {strides = array<i32>} : memref<512xf32, #tpu.memory_space<vmem>>, vector<16xf32>,
      %swap3A_1260 = arith.constant 64 : index
      %swap3A_1261 = tpu.vector_load %arg19[%swap3A_1260] {strides = array<i32>} : memref<512xf32, #tpu.memory_space<vmem>>, vector<16xf32>,
      tpu.vector_store %arg19[%swap3A_1260], %broadcast_in_dim3A_5 {strides = array<i32>} : memref<512xf32, #tpu.memory_space<vmem>>, vector<16xf32>,
      %swap3A_1262 = arith.constant 80 : index
      %swap3A_1263 = tpu.vector_load %arg19[%swap3A_1262] {strides = array<i32>} : memref<512xf32, #tpu.memory_space<vmem>>, vector<16xf32>,
      tpu.vector_store %arg19[%swap3A_1262], %broadcast_in_dim3A_5 {strides = array<i32>} : memref<512xf32, #tpu.memory_space<vmem>>, vector<16xf32>,
      %swap3A_1264 = arith.constant 96 : index
      %swap3A_1265 = tpu.vector_load %arg19[%swap3A_1264] {strides = array<i32>} : memref<512xf32, #tpu.memory_space<vmem>>, vector<16xf32>,
      tpu.vector_store %arg19[%swap3A_1264], %broadcast_in_dim3A_5 {strides = array<i32>} : memref<512xf32, #tpu.memory_space<vmem>>, vector<16xf32>,
      %swap3A_1266 = arith.constant 112 : index
      %swap3A_1267 = tpu.vector_load %arg19[%swap3A_1266] {strides = array<i32>} : memref<512xf32, #tpu.memory_space<vmem>>, vector<16xf32>,
      tpu.vector_store %arg19[%swap3A_1266], %broadcast_in_dim3A_5 {strides = array<i32>} : memref<512xf32, #tpu.memory_space<vmem>>, vector<16xf32>,
      %swap3A_1268 = arith.constant 128 : index
      %swap3A_1269 = tpu.vector_load %arg19[%swap3A_1268] {strides = array<i32>} : memref<512xf32, #tpu.memory_space<vmem>>, vector<16xf32>,
      tpu.vector_store %arg19[%swap3A_1268], %broadcast_in_dim3A_5 {strides = array<i32>} : memref<512xf32, #tpu.memory_space<vmem>>, vector<16xf32>,
      %swap3A_1270 = arith.constant 144 : index
      %swap3A_1271 = tpu.vector_load %arg19[%swap3A_1270] {strides = array<i32>} : memref<512xf32, #tpu.memory_space<vmem>>, vector<16xf32>,
      tpu.vector_store %arg19[%swap3A_1270], %broadcast_in_dim3A_5 {strides = array<i32>} : memref<512xf32, #tpu.memory_space<vmem>>, vector<16xf32>,
      %swap3A_1272 = arith.constant 160 : index
      %swap3A_1273 = tpu.vector_load %arg19[%swap3A_1272] {strides = array<i32>} : memref<512xf32, #tpu.memory_space<vmem>>, vector<16xf32>,
      tpu.vector_store %arg19[%swap3A_1272], %broadcast_in_dim3A_5 {strides = array<i32>} : memref<512xf32, #tpu.memory_space<vmem>>, vector<16xf32>,
      %swap3A_1274 = arith.constant 176 : index
      %swap3A_1275 = tpu.vector_load %arg19[%swap3A_1274] {strides = array<i32>} : memref<512xf32, #tpu.memory_space<vmem>>, vector<16xf32>,
      tpu.vector_store %arg19[%swap3A_1274], %broadcast_in_dim3A_5 {strides = array<i32>} : memref<512xf32, #tpu.memory_space<vmem>>, vector<16xf32>,
      %swap3A_1276 = arith.constant 192 : index
      %swap3A_1277 = tpu.vector_load %arg19[%swap3A_1276] {strides = array<i32>} : memref<512xf32, #tpu.memory_space<vmem>>, vector<16xf32>,
      tpu.vector_store %arg19[%swap3A_1276], %broadcast_in_dim3A_5 {strides = array<i32>} : memref<512xf32, #tpu.memory_space<vmem>>, vector<16xf32>,
      %swap3A_1278 = arith.constant 208 : index
      %swap3A_1279 = tpu.vector_load %arg19[%swap3A_1278] {strides = array<i32>} : memref<512xf32, #tpu.memory_space<vmem>>, vector<16xf32>,
      tpu.vector_store %arg19[%swap3A_1278], %broadcast_in_dim3A_5 {strides = array<i32>} : memref<512xf32, #tpu.memory_space<vmem>>, vector<16xf32>,
      %swap3A_1280 = arith.constant 224 : index
      %swap3A_1281 = tpu.vector_load %arg19[%swap3A_1280] {strides = array<i32>} : memref<512xf32, #tpu.memory_space<vmem>>, vector<16xf32>,
      tpu.vector_store %arg19[%swap3A_1280], %broadcast_in_dim3A_5 {strides = array<i32>} : memref<512xf32, #tpu.memory_space<vmem>>, vector<16xf32>,
      %swap3A_1282 = arith.constant 240 : index
      %swap3A_1283 = tpu.vector_load %arg19[%swap3A_1282] {strides = array<i32>} : memref<512xf32, #tpu.memory_space<vmem>>, vector<16xf32>,
      tpu.vector_store %arg19[%swap3A_1282], %broadcast_in_dim3A_5 {strides = array<i32>} : memref<512xf32, #tpu.memory_space<vmem>>, vector<16xf32>,
      %swap3A_1284 = arith.constant 256 : index
      %swap3A_1285 = tpu.vector_load %arg19[%swap3A_1284] {strides = array<i32>} : memref<512xf32, #tpu.memory_space<vmem>>, vector<16xf32>,
      tpu.vector_store %arg19[%swap3A_1284], %broadcast_in_dim3A_5 {strides = array<i32>} : memref<512xf32, #tpu.memory_space<vmem>>, vector<16xf32>,
      %swap3A_1286 = arith.constant 272 : index
      %swap3A_1287 = tpu.vector_load %arg19[%swap3A_1286] {strides = array<i32>} : memref<512xf32, #tpu.memory_space<vmem>>, vector<16xf32>,
      tpu.vector_store %arg19[%swap3A_1286], %broadcast_in_dim3A_5 {strides = array<i32>} : memref<512xf32, #tpu.memory_space<vmem>>, vector<16xf32>,
      %swap3A_1288 = arith.constant 288 : index
      %swap3A_1289 = tpu.vector_load %arg19[%swap3A_1288] {strides = array<i32>} : memref<512xf32, #tpu.memory_space<vmem>>, vector<16xf32>,
      tpu.vector_store %arg19[%swap3A_1288], %broadcast_in_dim3A_5 {strides = array<i32>} : memref<512xf32, #tpu.memory_space<vmem>>, vector<16xf32>,
      %swap3A_1290 = arith.constant 304 : index
      %swap3A_1291 = tpu.vector_load %arg19[%swap3A_1290] {strides = array<i32>} : memref<512xf32, #tpu.memory_space<vmem>>, vector<16xf32>,
      tpu.vector_store %arg19[%swap3A_1290], %broadcast_in_dim3A_5 {strides = array<i32>} : memref<512xf32, #tpu.memory_space<vmem>>, vector<16xf32>,
      %swap3A_1292 = arith.constant 320 : index
      %swap3A_1293 = tpu.vector_load %arg19[%swap3A_1292] {strides = array<i32>} : memref<512xf32, #tpu.memory_space<vmem>>, vector<16xf32>,
      tpu.vector_store %arg19[%swap3A_1292], %broadcast_in_dim3A_5 {strides = array<i32>} : memref<512xf32, #tpu.memory_space<vmem>>, vector<16xf32>,
      %swap3A_1294 = arith.constant 336 : index
      %swap3A_1295 = tpu.vector_load %arg19[%swap3A_1294] {strides = array<i32>} : memref<512xf32, #tpu.memory_space<vmem>>, vector<16xf32>,
      tpu.vector_store %arg19[%swap3A_1294], %broadcast_in_dim3A_5 {strides = array<i32>} : memref<512xf32, #tpu.memory_space<vmem>>, vector<16xf32>,
      %swap3A_1296 = arith.constant 352 : index
      %swap3A_1297 = tpu.vector_load %arg19[%swap3A_1296] {strides = array<i32>} : memref<512xf32, #tpu.memory_space<vmem>>, vector<16xf32>,
      tpu.vector_store %arg19[%swap3A_1296], %broadcast_in_dim3A_5 {strides = array<i32>} : memref<512xf32, #tpu.memory_space<vmem>>, vector<16xf32>,
      %swap3A_1298 = arith.constant 368 : index
      %swap3A_1299 = tpu.vector_load %arg19[%swap3A_1298] {strides = array<i32>} : memref<512xf32, #tpu.memory_space<vmem>>, vector<16xf32>,
      tpu.vector_store %arg19[%swap3A_1298], %broadcast_in_dim3A_5 {strides = array<i32>} : memref<512xf32, #tpu.memory_space<vmem>>, vector<16xf32>,
      %swap3A_1300 = arith.constant 384 : index
      %swap3A_1301 = tpu.vector_load %arg19[%swap3A_1300] {strides = array<i32>} : memref<512xf32, #tpu.memory_space<vmem>>, vector<16xf32>,
      tpu.vector_store %arg19[%swap3A_1300], %broadcast_in_dim3A_5 {strides = array<i32>} : memref<512xf32, #tpu.memory_space<vmem>>, vector<16xf32>,
      %swap3A_1302 = arith.constant 400 : index
      %swap3A_1303 = tpu.vector_load %arg19[%swap3A_1302] {strides = array<i32>} : memref<512xf32, #tpu.memory_space<vmem>>, vector<16xf32>,
      tpu.vector_store %arg19[%swap3A_1302], %broadcast_in_dim3A_5 {strides = array<i32>} : memref<512xf32, #tpu.memory_space<vmem>>, vector<16xf32>,
      %swap3A_1304 = arith.constant 416 : index
      %swap3A_1305 = tpu.vector_load %arg19[%swap3A_1304] {strides = array<i32>} : memref<512xf32, #tpu.memory_space<vmem>>, vector<16xf32>,
      tpu.vector_store %arg19[%swap3A_1304], %broadcast_in_dim3A_5 {strides = array<i32>} : memref<512xf32, #tpu.memory_space<vmem>>, vector<16xf32>,
      %swap3A_1306 = arith.constant 432 : index
      %swap3A_1307 = tpu.vector_load %arg19[%swap3A_1306] {strides = array<i32>} : memref<512xf32, #tpu.memory_space<vmem>>, vector<16xf32>,
      tpu.vector_store %arg19[%swap3A_1306], %broadcast_in_dim3A_5 {strides = array<i32>} : memref<512xf32, #tpu.memory_space<vmem>>, vector<16xf32>,
      %swap3A_1308 = arith.constant 448 : index
      %swap3A_1309 = tpu.vector_load %arg19[%swap3A_1308] {strides = array<i32>} : memref<512xf32, #tpu.memory_space<vmem>>, vector<16xf32>,
      tpu.vector_store %arg19[%swap3A_1308], %broadcast_in_dim3A_5 {strides = array<i32>} : memref<512xf32, #tpu.memory_space<vmem>>, vector<16xf32>,
      %swap3A_1310 = arith.constant 464 : index
      %swap3A_1311 = tpu.vector_load %arg19[%swap3A_1310] {strides = array<i32>} : memref<512xf32, #tpu.memory_space<vmem>>, vector<16xf32>,
      tpu.vector_store %arg19[%swap3A_1310], %broadcast_in_dim3A_5 {strides = array<i32>} : memref<512xf32, #tpu.memory_space<vmem>>, vector<16xf32>,
      %swap3A_1312 = arith.constant 480 : index
      %swap3A_1313 = tpu.vector_load %arg19[%swap3A_1312] {strides = array<i32>} : memref<512xf32, #tpu.memory_space<vmem>>, vector<16xf32>,
      tpu.vector_store %arg19[%swap3A_1312], %broadcast_in_dim3A_5 {strides = array<i32>} : memref<512xf32, #tpu.memory_space<vmem>>, vector<16xf32>,
      %swap3A_1314 = arith.constant 496 : index
      %swap3A_1315 = tpu.vector_load %arg19[%swap3A_1314] {strides = array<i32>} : memref<512xf32, #tpu.memory_space<vmem>>, vector<16xf32>,
      tpu.vector_store %arg19[%swap3A_1314], %broadcast_in_dim3A_5 {strides = array<i32>} : memref<512xf32, #tpu.memory_space<vmem>>, vector<16xf32>,
      %scan3A_1316 = arith.constant 0 : i32
      %scan3A_1317 = arith.constant 0 : i32
      %scan3A_1318 = arith.constant 13 : i32
      %scan3A_1319 = arith.addi %scan3A_1317, %scan3A_1318 : i32
      %scan3A_1320 = arith.constant 1 : i32
      scf.for %scan3A_1322 = %scan3A_1317 to %scan3A_1319 step %scan3A_1320  : i32 {
        %mul3A_1323 = arith.constant 16 : i32
        %mul3A_1324 = arith.muli %scan3A_1322, %mul3A_1323 : i32
        %add3A_1325 = vector.broadcast %mul3A_1324 : i32 to vector<16xi32>
        %add3A_1326 = arith.addi %add3A_1325, %iota3A : vector<16xi32>
        %gather3A_1327 = tpu.vector_load_idx %arg10[%add3A_1326] : memref<256xi32, #tpu.memory_space<vmem>>[vector<16xi32>], vector<16xi32>,
        %ne3A = arith.constant 0 : i32
        %ne3A_1328 = vector.broadcast %ne3A : i32 to vector<16xi32>
        %ne3A_1329 = arith.cmpi ne, %gather3A_1327, %ne3A_1328 : vector<16xi32>
        %jit3A = arith.constant 1.000000e+00 : f32
        %jit3A_1330 = arith.constant 0.000000e+00 : f32
        %broadcast_in_dim3A_1331 = vector.broadcast %jit3A : f32 to vector<16xf32>
        %broadcast_in_dim3A_1332 = vector.broadcast %jit3A_1330 : f32 to vector<16xf32>
        %select_n3A = arith.select %ne3A_1329, %broadcast_in_dim3A_1331, %broadcast_in_dim3A_1332 : vector<16xi1>, vector<16xf32>
        %gather3A_1333 = tpu.vector_load_idx %arg16[%gather3A_1327] : memref<10000xf32, #tpu.memory_space<vmem>>[vector<16xi32>], vector<16xf32>,
        %neg3A = arith.constant 0.000000e+00 : f32
        %neg3A_1334 = vector.broadcast %neg3A : f32 to vector<16xf32>
        %neg3A_1335 = arith.subf %neg3A_1334, %gather3A_1333 : vector<16xf32>
        %exp3A = math.exp %neg3A_1335 : vector<16xf32>
        %add3A_1336 = arith.constant 1.000000e+00 : f32
        %add3A_1337 = vector.broadcast %add3A_1336 : f32 to vector<16xf32>
        %add3A_1338 = arith.addf %add3A_1337, %exp3A : vector<16xf32>
        %div3A = arith.constant 1.000000e+00 : f32
        %div3A_1339 = vector.broadcast %div3A : f32 to vector<16xf32>
        %div3A_1340 = arith.divf %div3A_1339, %add3A_1338 : vector<16xf32>
        %mul3A_1341 = arith.constant 128 : i32
        %mul3A_1342 = arith.muli %scan3A_1322, %mul3A_1341 : i32
        %mul3A_1343 = arith.constant 8 : i32
        %mul3A_1344 = vector.broadcast %mul3A_1343 : i32 to vector<16xi32>
        %mul3A_1345 = arith.muli %iota3A, %mul3A_1344 : vector<16xi32>
        %add3A_1346 = vector.broadcast %mul3A_1342 : i32 to vector<16xi32>
        %add3A_1347 = arith.addi %add3A_1346, %mul3A_1345 : vector<16xi32>
        %add3A_1348 = arith.constant 0 : i32
        %add3A_1349 = vector.broadcast %add3A_1348 : i32 to vector<16xi32>
        %add3A_1350 = arith.addi %add3A_1347, %add3A_1349 : vector<16xi32>
        %gather3A_1351 = tpu.vector_load_idx %arg11[%add3A_1350] : memref<1664xi32, #tpu.memory_space<vmem>>[vector<16xi32>], vector<16xi32>,
        %gather3A_1352 = tpu.vector_load_idx %arg12[%add3A_1350] : memref<1664xi32, #tpu.memory_space<vmem>>[vector<16xi32>], vector<16xi32>,
        %and3A_1353 = arith.constant 15 : i32
        %and3A_1354 = vector.broadcast %and3A_1353 : i32 to vector<16xi32>
        %and3A_1355 = arith.andi %gather3A_1352, %and3A_1354 : vector<16xi32>
        %gather3A_1356 = tpu.vector_load_idx %arg14[%add3A_1350, %and3A_1355] : memref<1664x16xf32, #tpu.memory_space<vmem>>[vector<16xi32>, vector<16xi32>], vector<16xf32>,
        %eq3A = arith.constant 99990000 : i32
        %eq3A_1357 = vector.broadcast %eq3A : i32 to vector<16xi32>
        %eq3A_1358 = arith.cmpi eq, %gather3A_1352, %eq3A_1357 : vector<16xi32>
        %select_n3A_1359 = arith.select %eq3A_1358, %gather3A, %gather3A_1356 : vector<16xi1>, vector<16xf32>
        %ne3A_1360 = arith.constant 0 : i32
        %ne3A_1361 = vector.broadcast %ne3A_1360 : i32 to vector<16xi32>
        %ne3A_1362 = arith.cmpi ne, %gather3A_1351, %ne3A_1361 : vector<16xi32>
        %jit3A_1363 = arith.constant 1.000000e+00 : f32
        %jit3A_1364 = arith.constant 0.000000e+00 : f32
        %broadcast_in_dim3A_1365 = vector.broadcast %jit3A_1363 : f32 to vector<16xf32>
        %broadcast_in_dim3A_1366 = vector.broadcast %jit3A_1364 : f32 to vector<16xf32>
        %select_n3A_1367 = arith.select %ne3A_1362, %broadcast_in_dim3A_1365, %broadcast_in_dim3A_1366 : vector<16xi1>, vector<16xf32>
        %add3A_1368 = arith.addf %broadcast_in_dim3A_5, %select_n3A_1367 : vector<16xf32>
        %mul3A_1369 = arith.mulf %select_n3A_1359, %select_n3A_1367 : vector<16xf32>
        %add3A_1370 = arith.constant 1 : i32
        %add3A_1371 = vector.broadcast %add3A_1370 : i32 to vector<16xi32>
        %add3A_1372 = arith.addi %add3A_1347, %add3A_1371 : vector<16xi32>
        %gather3A_1373 = tpu.vector_load_idx %arg11[%add3A_1372] : memref<1664xi32, #tpu.memory_space<vmem>>[vector<16xi32>], vector<16xi32>,
        %gather3A_1374 = tpu.vector_load_idx %arg12[%add3A_1372] : memref<1664xi32, #tpu.memory_space<vmem>>[vector<16xi32>], vector<16xi32>,
        %and3A_1375 = arith.constant 15 : i32
        %and3A_1376 = vector.broadcast %and3A_1375 : i32 to vector<16xi32>
        %and3A_1377 = arith.andi %gather3A_1374, %and3A_1376 : vector<16xi32>
        %gather3A_1378 = tpu.vector_load_idx %arg14[%add3A_1372, %and3A_1377] : memref<1664x16xf32, #tpu.memory_space<vmem>>[vector<16xi32>, vector<16xi32>], vector<16xf32>,
        %eq3A_1379 = arith.constant 99990000 : i32
        %eq3A_1380 = vector.broadcast %eq3A_1379 : i32 to vector<16xi32>
        %eq3A_1381 = arith.cmpi eq, %gather3A_1374, %eq3A_1380 : vector<16xi32>
        %select_n3A_1382 = arith.select %eq3A_1381, %gather3A, %gather3A_1378 : vector<16xi1>, vector<16xf32>
        %ne3A_1383 = arith.constant 0 : i32
        %ne3A_1384 = vector.broadcast %ne3A_1383 : i32 to vector<16xi32>
        %ne3A_1385 = arith.cmpi ne, %gather3A_1373, %ne3A_1384 : vector<16xi32>
        %jit3A_1386 = arith.constant 1.000000e+00 : f32
        %jit3A_1387 = arith.constant 0.000000e+00 : f32
        %broadcast_in_dim3A_1388 = vector.broadcast %jit3A_1386 : f32 to vector<16xf32>
        %broadcast_in_dim3A_1389 = vector.broadcast %jit3A_1387 : f32 to vector<16xf32>
        %select_n3A_1390 = arith.select %ne3A_1385, %broadcast_in_dim3A_1388, %broadcast_in_dim3A_1389 : vector<16xi1>, vector<16xf32>
        %add3A_1391 = arith.addf %add3A_1368, %select_n3A_1390 : vector<16xf32>
        %mul3A_1392 = arith.mulf %select_n3A_1382, %select_n3A_1390 : vector<16xf32>
        %add3A_1393 = arith.constant 2 : i32
        %add3A_1394 = vector.broadcast %add3A_1393 : i32 to vector<16xi32>
        %add3A_1395 = arith.addi %add3A_1347, %add3A_1394 : vector<16xi32>
        %gather3A_1396 = tpu.vector_load_idx %arg11[%add3A_1395] : memref<1664xi32, #tpu.memory_space<vmem>>[vector<16xi32>], vector<16xi32>,
        %gather3A_1397 = tpu.vector_load_idx %arg12[%add3A_1395] : memref<1664xi32, #tpu.memory_space<vmem>>[vector<16xi32>], vector<16xi32>,
        %and3A_1398 = arith.constant 15 : i32
        %and3A_1399 = vector.broadcast %and3A_1398 : i32 to vector<16xi32>
        %and3A_1400 = arith.andi %gather3A_1397, %and3A_1399 : vector<16xi32>
        %gather3A_1401 = tpu.vector_load_idx %arg14[%add3A_1395, %and3A_1400] : memref<1664x16xf32, #tpu.memory_space<vmem>>[vector<16xi32>, vector<16xi32>], vector<16xf32>,
        %eq3A_1402 = arith.constant 99990000 : i32
        %eq3A_1403 = vector.broadcast %eq3A_1402 : i32 to vector<16xi32>
        %eq3A_1404 = arith.cmpi eq, %gather3A_1397, %eq3A_1403 : vector<16xi32>
        %select_n3A_1405 = arith.select %eq3A_1404, %gather3A, %gather3A_1401 : vector<16xi1>, vector<16xf32>
        %ne3A_1406 = arith.constant 0 : i32
        %ne3A_1407 = vector.broadcast %ne3A_1406 : i32 to vector<16xi32>
        %ne3A_1408 = arith.cmpi ne, %gather3A_1396, %ne3A_1407 : vector<16xi32>
        %jit3A_1409 = arith.constant 1.000000e+00 : f32
        %jit3A_1410 = arith.constant 0.000000e+00 : f32
        %broadcast_in_dim3A_1411 = vector.broadcast %jit3A_1409 : f32 to vector<16xf32>
        %broadcast_in_dim3A_1412 = vector.broadcast %jit3A_1410 : f32 to vector<16xf32>
        %select_n3A_1413 = arith.select %ne3A_1408, %broadcast_in_dim3A_1411, %broadcast_in_dim3A_1412 : vector<16xi1>, vector<16xf32>
        %add3A_1414 = arith.addf %add3A_1391, %select_n3A_1413 : vector<16xf32>
        %mul3A_1415 = arith.mulf %select_n3A_1405, %select_n3A_1413 : vector<16xf32>
        %add3A_1416 = arith.constant 3 : i32
        %add3A_1417 = vector.broadcast %add3A_1416 : i32 to vector<16xi32>
        %add3A_1418 = arith.addi %add3A_1347, %add3A_1417 : vector<16xi32>
        %gather3A_1419 = tpu.vector_load_idx %arg11[%add3A_1418] : memref<1664xi32, #tpu.memory_space<vmem>>[vector<16xi32>], vector<16xi32>,
        %gather3A_1420 = tpu.vector_load_idx %arg12[%add3A_1418] : memref<1664xi32, #tpu.memory_space<vmem>>[vector<16xi32>], vector<16xi32>,
        %and3A_1421 = arith.constant 15 : i32
        %and3A_1422 = vector.broadcast %and3A_1421 : i32 to vector<16xi32>
        %and3A_1423 = arith.andi %gather3A_1420, %and3A_1422 : vector<16xi32>
        %gather3A_1424 = tpu.vector_load_idx %arg14[%add3A_1418, %and3A_1423] : memref<1664x16xf32, #tpu.memory_space<vmem>>[vector<16xi32>, vector<16xi32>], vector<16xf32>,
        %eq3A_1425 = arith.constant 99990000 : i32
        %eq3A_1426 = vector.broadcast %eq3A_1425 : i32 to vector<16xi32>
        %eq3A_1427 = arith.cmpi eq, %gather3A_1420, %eq3A_1426 : vector<16xi32>
        %select_n3A_1428 = arith.select %eq3A_1427, %gather3A, %gather3A_1424 : vector<16xi1>, vector<16xf32>
        %ne3A_1429 = arith.constant 0 : i32
        %ne3A_1430 = vector.broadcast %ne3A_1429 : i32 to vector<16xi32>
        %ne3A_1431 = arith.cmpi ne, %gather3A_1419, %ne3A_1430 : vector<16xi32>
        %jit3A_1432 = arith.constant 1.000000e+00 : f32
        %jit3A_1433 = arith.constant 0.000000e+00 : f32
        %broadcast_in_dim3A_1434 = vector.broadcast %jit3A_1432 : f32 to vector<16xf32>
        %broadcast_in_dim3A_1435 = vector.broadcast %jit3A_1433 : f32 to vector<16xf32>
        %select_n3A_1436 = arith.select %ne3A_1431, %broadcast_in_dim3A_1434, %broadcast_in_dim3A_1435 : vector<16xi1>, vector<16xf32>
        %add3A_1437 = arith.addf %add3A_1414, %select_n3A_1436 : vector<16xf32>
        %mul3A_1438 = arith.mulf %select_n3A_1428, %select_n3A_1436 : vector<16xf32>
        %add3A_1439 = arith.constant 4 : i32
        %add3A_1440 = vector.broadcast %add3A_1439 : i32 to vector<16xi32>
        %add3A_1441 = arith.addi %add3A_1347, %add3A_1440 : vector<16xi32>
        %gather3A_1442 = tpu.vector_load_idx %arg11[%add3A_1441] : memref<1664xi32, #tpu.memory_space<vmem>>[vector<16xi32>], vector<16xi32>,
        %gather3A_1443 = tpu.vector_load_idx %arg12[%add3A_1441] : memref<1664xi32, #tpu.memory_space<vmem>>[vector<16xi32>], vector<16xi32>,
        %and3A_1444 = arith.constant 15 : i32
        %and3A_1445 = vector.broadcast %and3A_1444 : i32 to vector<16xi32>
        %and3A_1446 = arith.andi %gather3A_1443, %and3A_1445 : vector<16xi32>
        %gather3A_1447 = tpu.vector_load_idx %arg14[%add3A_1441, %and3A_1446] : memref<1664x16xf32, #tpu.memory_space<vmem>>[vector<16xi32>, vector<16xi32>], vector<16xf32>,
        %eq3A_1448 = arith.constant 99990000 : i32
        %eq3A_1449 = vector.broadcast %eq3A_1448 : i32 to vector<16xi32>
        %eq3A_1450 = arith.cmpi eq, %gather3A_1443, %eq3A_1449 : vector<16xi32>
        %select_n3A_1451 = arith.select %eq3A_1450, %gather3A, %gather3A_1447 : vector<16xi1>, vector<16xf32>
        %ne3A_1452 = arith.constant 0 : i32
        %ne3A_1453 = vector.broadcast %ne3A_1452 : i32 to vector<16xi32>
        %ne3A_1454 = arith.cmpi ne, %gather3A_1442, %ne3A_1453 : vector<16xi32>
        %jit3A_1455 = arith.constant 1.000000e+00 : f32
        %jit3A_1456 = arith.constant 0.000000e+00 : f32
        %broadcast_in_dim3A_1457 = vector.broadcast %jit3A_1455 : f32 to vector<16xf32>
        %broadcast_in_dim3A_1458 = vector.broadcast %jit3A_1456 : f32 to vector<16xf32>
        %select_n3A_1459 = arith.select %ne3A_1454, %broadcast_in_dim3A_1457, %broadcast_in_dim3A_1458 : vector<16xi1>, vector<16xf32>
        %add3A_1460 = arith.addf %add3A_1437, %select_n3A_1459 : vector<16xf32>
        %mul3A_1461 = arith.mulf %select_n3A_1451, %select_n3A_1459 : vector<16xf32>
        %add3A_1462 = arith.constant 5 : i32
        %add3A_1463 = vector.broadcast %add3A_1462 : i32 to vector<16xi32>
        %add3A_1464 = arith.addi %add3A_1347, %add3A_1463 : vector<16xi32>
        %gather3A_1465 = tpu.vector_load_idx %arg11[%add3A_1464] : memref<1664xi32, #tpu.memory_space<vmem>>[vector<16xi32>], vector<16xi32>,
        %gather3A_1466 = tpu.vector_load_idx %arg12[%add3A_1464] : memref<1664xi32, #tpu.memory_space<vmem>>[vector<16xi32>], vector<16xi32>,
        %and3A_1467 = arith.constant 15 : i32
        %and3A_1468 = vector.broadcast %and3A_1467 : i32 to vector<16xi32>
        %and3A_1469 = arith.andi %gather3A_1466, %and3A_1468 : vector<16xi32>
        %gather3A_1470 = tpu.vector_load_idx %arg14[%add3A_1464, %and3A_1469] : memref<1664x16xf32, #tpu.memory_space<vmem>>[vector<16xi32>, vector<16xi32>], vector<16xf32>,
        %eq3A_1471 = arith.constant 99990000 : i32
        %eq3A_1472 = vector.broadcast %eq3A_1471 : i32 to vector<16xi32>
        %eq3A_1473 = arith.cmpi eq, %gather3A_1466, %eq3A_1472 : vector<16xi32>
        %select_n3A_1474 = arith.select %eq3A_1473, %gather3A, %gather3A_1470 : vector<16xi1>, vector<16xf32>
        %ne3A_1475 = arith.constant 0 : i32
        %ne3A_1476 = vector.broadcast %ne3A_1475 : i32 to vector<16xi32>
        %ne3A_1477 = arith.cmpi ne, %gather3A_1465, %ne3A_1476 : vector<16xi32>
        %jit3A_1478 = arith.constant 1.000000e+00 : f32
        %jit3A_1479 = arith.constant 0.000000e+00 : f32
        %broadcast_in_dim3A_1480 = vector.broadcast %jit3A_1478 : f32 to vector<16xf32>
        %broadcast_in_dim3A_1481 = vector.broadcast %jit3A_1479 : f32 to vector<16xf32>
        %select_n3A_1482 = arith.select %ne3A_1477, %broadcast_in_dim3A_1480, %broadcast_in_dim3A_1481 : vector<16xi1>, vector<16xf32>
        %add3A_1483 = arith.addf %add3A_1460, %select_n3A_1482 : vector<16xf32>
        %mul3A_1484 = arith.mulf %select_n3A_1474, %select_n3A_1482 : vector<16xf32>
        %add3A_1485 = arith.constant 6 : i32
        %add3A_1486 = vector.broadcast %add3A_1485 : i32 to vector<16xi32>
        %add3A_1487 = arith.addi %add3A_1347, %add3A_1486 : vector<16xi32>
        %gather3A_1488 = tpu.vector_load_idx %arg11[%add3A_1487] : memref<1664xi32, #tpu.memory_space<vmem>>[vector<16xi32>], vector<16xi32>,
        %gather3A_1489 = tpu.vector_load_idx %arg12[%add3A_1487] : memref<1664xi32, #tpu.memory_space<vmem>>[vector<16xi32>], vector<16xi32>,
        %and3A_1490 = arith.constant 15 : i32
        %and3A_1491 = vector.broadcast %and3A_1490 : i32 to vector<16xi32>
        %and3A_1492 = arith.andi %gather3A_1489, %and3A_1491 : vector<16xi32>
        %gather3A_1493 = tpu.vector_load_idx %arg14[%add3A_1487, %and3A_1492] : memref<1664x16xf32, #tpu.memory_space<vmem>>[vector<16xi32>, vector<16xi32>], vector<16xf32>,
        %eq3A_1494 = arith.constant 99990000 : i32
        %eq3A_1495 = vector.broadcast %eq3A_1494 : i32 to vector<16xi32>
        %eq3A_1496 = arith.cmpi eq, %gather3A_1489, %eq3A_1495 : vector<16xi32>
        %select_n3A_1497 = arith.select %eq3A_1496, %gather3A, %gather3A_1493 : vector<16xi1>, vector<16xf32>
        %ne3A_1498 = arith.constant 0 : i32
        %ne3A_1499 = vector.broadcast %ne3A_1498 : i32 to vector<16xi32>
        %ne3A_1500 = arith.cmpi ne, %gather3A_1488, %ne3A_1499 : vector<16xi32>
        %jit3A_1501 = arith.constant 1.000000e+00 : f32
        %jit3A_1502 = arith.constant 0.000000e+00 : f32
        %broadcast_in_dim3A_1503 = vector.broadcast %jit3A_1501 : f32 to vector<16xf32>
        %broadcast_in_dim3A_1504 = vector.broadcast %jit3A_1502 : f32 to vector<16xf32>
        %select_n3A_1505 = arith.select %ne3A_1500, %broadcast_in_dim3A_1503, %broadcast_in_dim3A_1504 : vector<16xi1>, vector<16xf32>
        %add3A_1506 = arith.addf %add3A_1483, %select_n3A_1505 : vector<16xf32>
        %mul3A_1507 = arith.mulf %select_n3A_1497, %select_n3A_1505 : vector<16xf32>
        %add3A_1508 = arith.constant 7 : i32
        %add3A_1509 = vector.broadcast %add3A_1508 : i32 to vector<16xi32>
        %add3A_1510 = arith.addi %add3A_1347, %add3A_1509 : vector<16xi32>
        %gather3A_1511 = tpu.vector_load_idx %arg11[%add3A_1510] : memref<1664xi32, #tpu.memory_space<vmem>>[vector<16xi32>], vector<16xi32>,
        %gather3A_1512 = tpu.vector_load_idx %arg12[%add3A_1510] : memref<1664xi32, #tpu.memory_space<vmem>>[vector<16xi32>], vector<16xi32>,
        %and3A_1513 = arith.constant 15 : i32
        %and3A_1514 = vector.broadcast %and3A_1513 : i32 to vector<16xi32>
        %and3A_1515 = arith.andi %gather3A_1512, %and3A_1514 : vector<16xi32>
        %gather3A_1516 = tpu.vector_load_idx %arg14[%add3A_1510, %and3A_1515] : memref<1664x16xf32, #tpu.memory_space<vmem>>[vector<16xi32>, vector<16xi32>], vector<16xf32>,
        %eq3A_1517 = arith.constant 99990000 : i32
        %eq3A_1518 = vector.broadcast %eq3A_1517 : i32 to vector<16xi32>
        %eq3A_1519 = arith.cmpi eq, %gather3A_1512, %eq3A_1518 : vector<16xi32>
        %select_n3A_1520 = arith.select %eq3A_1519, %gather3A, %gather3A_1516 : vector<16xi1>, vector<16xf32>
        %ne3A_1521 = arith.constant 0 : i32
        %ne3A_1522 = vector.broadcast %ne3A_1521 : i32 to vector<16xi32>
        %ne3A_1523 = arith.cmpi ne, %gather3A_1511, %ne3A_1522 : vector<16xi32>
        %jit3A_1524 = arith.constant 1.000000e+00 : f32
        %jit3A_1525 = arith.constant 0.000000e+00 : f32
        %broadcast_in_dim3A_1526 = vector.broadcast %jit3A_1524 : f32 to vector<16xf32>
        %broadcast_in_dim3A_1527 = vector.broadcast %jit3A_1525 : f32 to vector<16xf32>
        %select_n3A_1528 = arith.select %ne3A_1523, %broadcast_in_dim3A_1526, %broadcast_in_dim3A_1527 : vector<16xi1>, vector<16xf32>
        %add3A_1529 = arith.addf %add3A_1506, %select_n3A_1528 : vector<16xf32>
        %mul3A_1530 = arith.mulf %select_n3A_1520, %select_n3A_1528 : vector<16xf32>
        %max3A = arith.constant 1.000000e+00 : f32
        %max3A_1531 = vector.broadcast %max3A : f32 to vector<16xf32>
        %max3A_1532 = arith.maximumf %add3A_1529, %max3A_1531 : vector<16xf32>
        %sub3A = arith.constant 1.000000e+00 : f32
        %sub3A_1533 = vector.broadcast %sub3A : f32 to vector<16xf32>
        %sub3A_1534 = arith.subf %sub3A_1533, %div3A_1340 : vector<16xf32>
        %mul3A_1535 = arith.mulf %select_n3A, %sub3A_1534 : vector<16xf32>
        %div3A_1536 = arith.divf %mul3A_1535, %max3A_1532 : vector<16xf32>
        %mul3A_1537 = arith.mulf %select_n3A, %div3A_1340 : vector<16xf32>
        %mul3A_1538 = arith.mulf %mul3A_1369, %div3A_1536 : vector<16xf32>
        %mul3A_1539 = arith.mulf %mul3A_1392, %div3A_1536 : vector<16xf32>
        %mul3A_1540 = arith.mulf %mul3A_1415, %div3A_1536 : vector<16xf32>
        %mul3A_1541 = arith.mulf %mul3A_1438, %div3A_1536 : vector<16xf32>
        %mul3A_1542 = arith.mulf %mul3A_1461, %div3A_1536 : vector<16xf32>
        %mul3A_1543 = arith.mulf %mul3A_1484, %div3A_1536 : vector<16xf32>
        %mul3A_1544 = arith.mulf %mul3A_1507, %div3A_1536 : vector<16xf32>
        %mul3A_1545 = arith.mulf %mul3A_1530, %div3A_1536 : vector<16xf32>
        %add3A_1546 = arith.constant 0 : i32
        %add3A_1547 = vector.broadcast %add3A_1546 : i32 to vector<16xi32>
        %add3A_1548 = arith.addi %add3A_1347, %add3A_1547 : vector<16xi32>
        %add3A_1549 = arith.constant 1 : i32
        %add3A_1550 = vector.broadcast %add3A_1549 : i32 to vector<16xi32>
        %add3A_1551 = arith.addi %add3A_1347, %add3A_1550 : vector<16xi32>
        %add3A_1552 = arith.constant 2 : i32
        %add3A_1553 = vector.broadcast %add3A_1552 : i32 to vector<16xi32>
        %add3A_1554 = arith.addi %add3A_1347, %add3A_1553 : vector<16xi32>
        %add3A_1555 = arith.constant 3 : i32
        %add3A_1556 = vector.broadcast %add3A_1555 : i32 to vector<16xi32>
        %add3A_1557 = arith.addi %add3A_1347, %add3A_1556 : vector<16xi32>
        %add3A_1558 = arith.constant 4 : i32
        %add3A_1559 = vector.broadcast %add3A_1558 : i32 to vector<16xi32>
        %add3A_1560 = arith.addi %add3A_1347, %add3A_1559 : vector<16xi32>
        %add3A_1561 = arith.constant 5 : i32
        %add3A_1562 = vector.broadcast %add3A_1561 : i32 to vector<16xi32>
        %add3A_1563 = arith.addi %add3A_1347, %add3A_1562 : vector<16xi32>
        %add3A_1564 = arith.constant 6 : i32
        %add3A_1565 = vector.broadcast %add3A_1564 : i32 to vector<16xi32>
        %add3A_1566 = arith.addi %add3A_1347, %add3A_1565 : vector<16xi32>
        %add3A_1567 = arith.constant 7 : i32
        %add3A_1568 = vector.broadcast %add3A_1567 : i32 to vector<16xi32>
        %add3A_1569 = arith.addi %add3A_1347, %add3A_1568 : vector<16xi32>
        %gather3A_1570 = tpu.vector_load_idx %arg18[%add3A_1326, %and3A_10] : memref<256x16xi32, #tpu.memory_space<vmem>>[vector<16xi32>, vector<16xi32>], vector<16xi32>,
        %shift_left3A = arith.constant 16 : i32
        %shift_left3A_1571 = vector.broadcast %shift_left3A : i32 to vector<16xi32>
        %shift_left3A_1572 = arith.shli %gather3A_1570, %shift_left3A_1571 : vector<16xi32>
        %bitcast3A = vector.bitcast %shift_left3A_1572 : vector<16xi32> to vector<16xf32>
        %mul3A_1573 = arith.mulf %mul3A_1537, %bitcast3A : vector<16xf32>
        %and3A_1574 = arith.andi %gather3A_1570, %broadcast_in_dim3A_102 : vector<16xi32>
        %bitcast3A_1575 = vector.bitcast %and3A_1574 : vector<16xi32> to vector<16xf32>
        %mul3A_1576 = arith.mulf %mul3A_1537, %bitcast3A_1575 : vector<16xf32>
        %gather3A_1577 = tpu.vector_load_idx %arg17[%add3A_1548, %and3A_10] : memref<1664x16xi32, #tpu.memory_space<vmem>>[vector<16xi32>, vector<16xi32>], vector<16xi32>,
        %shift_left3A_1578 = arith.constant 16 : i32
        %shift_left3A_1579 = vector.broadcast %shift_left3A_1578 : i32 to vector<16xi32>
        %shift_left3A_1580 = arith.shli %gather3A_1577, %shift_left3A_1579 : vector<16xi32>
        %bitcast3A_1581 = vector.bitcast %shift_left3A_1580 : vector<16xi32> to vector<16xf32>
        %mul3A_1582 = arith.mulf %mul3A_1538, %bitcast3A_1581 : vector<16xf32>
        %add3A_1583 = arith.addf %mul3A_1573, %mul3A_1582 : vector<16xf32>
        %and3A_1584 = arith.andi %gather3A_1577, %broadcast_in_dim3A_102 : vector<16xi32>
        %bitcast3A_1585 = vector.bitcast %and3A_1584 : vector<16xi32> to vector<16xf32>
        %mul3A_1586 = arith.mulf %mul3A_1538, %bitcast3A_1585 : vector<16xf32>
        %add3A_1587 = arith.addf %mul3A_1576, %mul3A_1586 : vector<16xf32>
        %gather3A_1588 = tpu.vector_load_idx %arg17[%add3A_1551, %and3A_10] : memref<1664x16xi32, #tpu.memory_space<vmem>>[vector<16xi32>, vector<16xi32>], vector<16xi32>,
        %shift_left3A_1589 = arith.constant 16 : i32
        %shift_left3A_1590 = vector.broadcast %shift_left3A_1589 : i32 to vector<16xi32>
        %shift_left3A_1591 = arith.shli %gather3A_1588, %shift_left3A_1590 : vector<16xi32>
        %bitcast3A_1592 = vector.bitcast %shift_left3A_1591 : vector<16xi32> to vector<16xf32>
        %mul3A_1593 = arith.mulf %mul3A_1539, %bitcast3A_1592 : vector<16xf32>
        %add3A_1594 = arith.addf %add3A_1583, %mul3A_1593 : vector<16xf32>
        %and3A_1595 = arith.andi %gather3A_1588, %broadcast_in_dim3A_102 : vector<16xi32>
        %bitcast3A_1596 = vector.bitcast %and3A_1595 : vector<16xi32> to vector<16xf32>
        %mul3A_1597 = arith.mulf %mul3A_1539, %bitcast3A_1596 : vector<16xf32>
        %add3A_1598 = arith.addf %add3A_1587, %mul3A_1597 : vector<16xf32>
        %gather3A_1599 = tpu.vector_load_idx %arg17[%add3A_1554, %and3A_10] : memref<1664x16xi32, #tpu.memory_space<vmem>>[vector<16xi32>, vector<16xi32>], vector<16xi32>,
        %shift_left3A_1600 = arith.constant 16 : i32
        %shift_left3A_1601 = vector.broadcast %shift_left3A_1600 : i32 to vector<16xi32>
        %shift_left3A_1602 = arith.shli %gather3A_1599, %shift_left3A_1601 : vector<16xi32>
        %bitcast3A_1603 = vector.bitcast %shift_left3A_1602 : vector<16xi32> to vector<16xf32>
        %mul3A_1604 = arith.mulf %mul3A_1540, %bitcast3A_1603 : vector<16xf32>
        %add3A_1605 = arith.addf %add3A_1594, %mul3A_1604 : vector<16xf32>
        %and3A_1606 = arith.andi %gather3A_1599, %broadcast_in_dim3A_102 : vector<16xi32>
        %bitcast3A_1607 = vector.bitcast %and3A_1606 : vector<16xi32> to vector<16xf32>
        %mul3A_1608 = arith.mulf %mul3A_1540, %bitcast3A_1607 : vector<16xf32>
        %add3A_1609 = arith.addf %add3A_1598, %mul3A_1608 : vector<16xf32>
        %gather3A_1610 = tpu.vector_load_idx %arg17[%add3A_1557, %and3A_10] : memref<1664x16xi32, #tpu.memory_space<vmem>>[vector<16xi32>, vector<16xi32>], vector<16xi32>,
        %shift_left3A_1611 = arith.constant 16 : i32
        %shift_left3A_1612 = vector.broadcast %shift_left3A_1611 : i32 to vector<16xi32>
        %shift_left3A_1613 = arith.shli %gather3A_1610, %shift_left3A_1612 : vector<16xi32>
        %bitcast3A_1614 = vector.bitcast %shift_left3A_1613 : vector<16xi32> to vector<16xf32>
        %mul3A_1615 = arith.mulf %mul3A_1541, %bitcast3A_1614 : vector<16xf32>
        %add3A_1616 = arith.addf %add3A_1605, %mul3A_1615 : vector<16xf32>
        %and3A_1617 = arith.andi %gather3A_1610, %broadcast_in_dim3A_102 : vector<16xi32>
        %bitcast3A_1618 = vector.bitcast %and3A_1617 : vector<16xi32> to vector<16xf32>
        %mul3A_1619 = arith.mulf %mul3A_1541, %bitcast3A_1618 : vector<16xf32>
        %add3A_1620 = arith.addf %add3A_1609, %mul3A_1619 : vector<16xf32>
        %gather3A_1621 = tpu.vector_load_idx %arg17[%add3A_1560, %and3A_10] : memref<1664x16xi32, #tpu.memory_space<vmem>>[vector<16xi32>, vector<16xi32>], vector<16xi32>,
        %shift_left3A_1622 = arith.constant 16 : i32
        %shift_left3A_1623 = vector.broadcast %shift_left3A_1622 : i32 to vector<16xi32>
        %shift_left3A_1624 = arith.shli %gather3A_1621, %shift_left3A_1623 : vector<16xi32>
        %bitcast3A_1625 = vector.bitcast %shift_left3A_1624 : vector<16xi32> to vector<16xf32>
        %mul3A_1626 = arith.mulf %mul3A_1542, %bitcast3A_1625 : vector<16xf32>
        %add3A_1627 = arith.addf %add3A_1616, %mul3A_1626 : vector<16xf32>
        %and3A_1628 = arith.andi %gather3A_1621, %broadcast_in_dim3A_102 : vector<16xi32>
        %bitcast3A_1629 = vector.bitcast %and3A_1628 : vector<16xi32> to vector<16xf32>
        %mul3A_1630 = arith.mulf %mul3A_1542, %bitcast3A_1629 : vector<16xf32>
        %add3A_1631 = arith.addf %add3A_1620, %mul3A_1630 : vector<16xf32>
        %gather3A_1632 = tpu.vector_load_idx %arg17[%add3A_1563, %and3A_10] : memref<1664x16xi32, #tpu.memory_space<vmem>>[vector<16xi32>, vector<16xi32>], vector<16xi32>,
        %shift_left3A_1633 = arith.constant 16 : i32
        %shift_left3A_1634 = vector.broadcast %shift_left3A_1633 : i32 to vector<16xi32>
        %shift_left3A_1635 = arith.shli %gather3A_1632, %shift_left3A_1634 : vector<16xi32>
        %bitcast3A_1636 = vector.bitcast %shift_left3A_1635 : vector<16xi32> to vector<16xf32>
        %mul3A_1637 = arith.mulf %mul3A_1543, %bitcast3A_1636 : vector<16xf32>
        %add3A_1638 = arith.addf %add3A_1627, %mul3A_1637 : vector<16xf32>
        %and3A_1639 = arith.andi %gather3A_1632, %broadcast_in_dim3A_102 : vector<16xi32>
        %bitcast3A_1640 = vector.bitcast %and3A_1639 : vector<16xi32> to vector<16xf32>
        %mul3A_1641 = arith.mulf %mul3A_1543, %bitcast3A_1640 : vector<16xf32>
        %add3A_1642 = arith.addf %add3A_1631, %mul3A_1641 : vector<16xf32>
        %gather3A_1643 = tpu.vector_load_idx %arg17[%add3A_1566, %and3A_10] : memref<1664x16xi32, #tpu.memory_space<vmem>>[vector<16xi32>, vector<16xi32>], vector<16xi32>,
        %shift_left3A_1644 = arith.constant 16 : i32
        %shift_left3A_1645 = vector.broadcast %shift_left3A_1644 : i32 to vector<16xi32>
        %shift_left3A_1646 = arith.shli %gather3A_1643, %shift_left3A_1645 : vector<16xi32>
        %bitcast3A_1647 = vector.bitcast %shift_left3A_1646 : vector<16xi32> to vector<16xf32>
        %mul3A_1648 = arith.mulf %mul3A_1544, %bitcast3A_1647 : vector<16xf32>
        %add3A_1649 = arith.addf %add3A_1638, %mul3A_1648 : vector<16xf32>
        %and3A_1650 = arith.andi %gather3A_1643, %broadcast_in_dim3A_102 : vector<16xi32>
        %bitcast3A_1651 = vector.bitcast %and3A_1650 : vector<16xi32> to vector<16xf32>
        %mul3A_1652 = arith.mulf %mul3A_1544, %bitcast3A_1651 : vector<16xf32>
        %add3A_1653 = arith.addf %add3A_1642, %mul3A_1652 : vector<16xf32>
        %gather3A_1654 = tpu.vector_load_idx %arg17[%add3A_1569, %and3A_10] : memref<1664x16xi32, #tpu.memory_space<vmem>>[vector<16xi32>, vector<16xi32>], vector<16xi32>,
        %shift_left3A_1655 = arith.constant 16 : i32
        %shift_left3A_1656 = vector.broadcast %shift_left3A_1655 : i32 to vector<16xi32>
        %shift_left3A_1657 = arith.shli %gather3A_1654, %shift_left3A_1656 : vector<16xi32>
        %bitcast3A_1658 = vector.bitcast %shift_left3A_1657 : vector<16xi32> to vector<16xf32>
        %mul3A_1659 = arith.mulf %mul3A_1545, %bitcast3A_1658 : vector<16xf32>
        %add3A_1660 = arith.addf %add3A_1649, %mul3A_1659 : vector<16xf32>
        %and3A_1661 = arith.andi %gather3A_1654, %broadcast_in_dim3A_102 : vector<16xi32>
        %bitcast3A_1662 = vector.bitcast %and3A_1661 : vector<16xi32> to vector<16xf32>
        %mul3A_1663 = arith.mulf %mul3A_1545, %bitcast3A_1662 : vector<16xf32>
        %add3A_1664 = arith.addf %add3A_1653, %mul3A_1663 : vector<16xf32>
        %swap3A_1665 = arith.constant 0 : index
        %swap3A_1666 = tpu.vector_load %arg19[%swap3A_1665] {strides = array<i32>} : memref<512xf32, #tpu.memory_space<vmem>>, vector<16xf32>,
        tpu.vector_store %arg19[%swap3A_1665], %add3A_1660 {add = true, strides = array<i32>} : memref<512xf32, #tpu.memory_space<vmem>>, vector<16xf32>,
        %swap3A_1667 = arith.constant 16 : index
        %swap3A_1668 = tpu.vector_load %arg19[%swap3A_1667] {strides = array<i32>} : memref<512xf32, #tpu.memory_space<vmem>>, vector<16xf32>,
        tpu.vector_store %arg19[%swap3A_1667], %add3A_1664 {add = true, strides = array<i32>} : memref<512xf32, #tpu.memory_space<vmem>>, vector<16xf32>,
        %gather3A_1669 = tpu.vector_load_idx %arg18[%add3A_1326, %and3A_16] : memref<256x16xi32, #tpu.memory_space<vmem>>[vector<16xi32>, vector<16xi32>], vector<16xi32>,
        %shift_left3A_1670 = arith.constant 16 : i32
        %shift_left3A_1671 = vector.broadcast %shift_left3A_1670 : i32 to vector<16xi32>
        %shift_left3A_1672 = arith.shli %gather3A_1669, %shift_left3A_1671 : vector<16xi32>
        %bitcast3A_1673 = vector.bitcast %shift_left3A_1672 : vector<16xi32> to vector<16xf32>
        %mul3A_1674 = arith.mulf %mul3A_1537, %bitcast3A_1673 : vector<16xf32>
        %and3A_1675 = arith.andi %gather3A_1669, %broadcast_in_dim3A_102 : vector<16xi32>
        %bitcast3A_1676 = vector.bitcast %and3A_1675 : vector<16xi32> to vector<16xf32>
        %mul3A_1677 = arith.mulf %mul3A_1537, %bitcast3A_1676 : vector<16xf32>
        %gather3A_1678 = tpu.vector_load_idx %arg17[%add3A_1548, %and3A_16] : memref<1664x16xi32, #tpu.memory_space<vmem>>[vector<16xi32>, vector<16xi32>], vector<16xi32>,
        %shift_left3A_1679 = arith.constant 16 : i32
        %shift_left3A_1680 = vector.broadcast %shift_left3A_1679 : i32 to vector<16xi32>
        %shift_left3A_1681 = arith.shli %gather3A_1678, %shift_left3A_1680 : vector<16xi32>
        %bitcast3A_1682 = vector.bitcast %shift_left3A_1681 : vector<16xi32> to vector<16xf32>
        %mul3A_1683 = arith.mulf %mul3A_1538, %bitcast3A_1682 : vector<16xf32>
        %add3A_1684 = arith.addf %mul3A_1674, %mul3A_1683 : vector<16xf32>
        %and3A_1685 = arith.andi %gather3A_1678, %broadcast_in_dim3A_102 : vector<16xi32>
        %bitcast3A_1686 = vector.bitcast %and3A_1685 : vector<16xi32> to vector<16xf32>
        %mul3A_1687 = arith.mulf %mul3A_1538, %bitcast3A_1686 : vector<16xf32>
        %add3A_1688 = arith.addf %mul3A_1677, %mul3A_1687 : vector<16xf32>
        %gather3A_1689 = tpu.vector_load_idx %arg17[%add3A_1551, %and3A_16] : memref<1664x16xi32, #tpu.memory_space<vmem>>[vector<16xi32>, vector<16xi32>], vector<16xi32>,
        %shift_left3A_1690 = arith.constant 16 : i32
        %shift_left3A_1691 = vector.broadcast %shift_left3A_1690 : i32 to vector<16xi32>
        %shift_left3A_1692 = arith.shli %gather3A_1689, %shift_left3A_1691 : vector<16xi32>
        %bitcast3A_1693 = vector.bitcast %shift_left3A_1692 : vector<16xi32> to vector<16xf32>
        %mul3A_1694 = arith.mulf %mul3A_1539, %bitcast3A_1693 : vector<16xf32>
        %add3A_1695 = arith.addf %add3A_1684, %mul3A_1694 : vector<16xf32>
        %and3A_1696 = arith.andi %gather3A_1689, %broadcast_in_dim3A_102 : vector<16xi32>
        %bitcast3A_1697 = vector.bitcast %and3A_1696 : vector<16xi32> to vector<16xf32>
        %mul3A_1698 = arith.mulf %mul3A_1539, %bitcast3A_1697 : vector<16xf32>
        %add3A_1699 = arith.addf %add3A_1688, %mul3A_1698 : vector<16xf32>
        %gather3A_1700 = tpu.vector_load_idx %arg17[%add3A_1554, %and3A_16] : memref<1664x16xi32, #tpu.memory_space<vmem>>[vector<16xi32>, vector<16xi32>], vector<16xi32>,
        %shift_left3A_1701 = arith.constant 16 : i32
        %shift_left3A_1702 = vector.broadcast %shift_left3A_1701 : i32 to vector<16xi32>
        %shift_left3A_1703 = arith.shli %gather3A_1700, %shift_left3A_1702 : vector<16xi32>
        %bitcast3A_1704 = vector.bitcast %shift_left3A_1703 : vector<16xi32> to vector<16xf32>
        %mul3A_1705 = arith.mulf %mul3A_1540, %bitcast3A_1704 : vector<16xf32>
        %add3A_1706 = arith.addf %add3A_1695, %mul3A_1705 : vector<16xf32>
        %and3A_1707 = arith.andi %gather3A_1700, %broadcast_in_dim3A_102 : vector<16xi32>
        %bitcast3A_1708 = vector.bitcast %and3A_1707 : vector<16xi32> to vector<16xf32>
        %mul3A_1709 = arith.mulf %mul3A_1540, %bitcast3A_1708 : vector<16xf32>
        %add3A_1710 = arith.addf %add3A_1699, %mul3A_1709 : vector<16xf32>
        %gather3A_1711 = tpu.vector_load_idx %arg17[%add3A_1557, %and3A_16] : memref<1664x16xi32, #tpu.memory_space<vmem>>[vector<16xi32>, vector<16xi32>], vector<16xi32>,
        %shift_left3A_1712 = arith.constant 16 : i32
        %shift_left3A_1713 = vector.broadcast %shift_left3A_1712 : i32 to vector<16xi32>
        %shift_left3A_1714 = arith.shli %gather3A_1711, %shift_left3A_1713 : vector<16xi32>
        %bitcast3A_1715 = vector.bitcast %shift_left3A_1714 : vector<16xi32> to vector<16xf32>
        %mul3A_1716 = arith.mulf %mul3A_1541, %bitcast3A_1715 : vector<16xf32>
        %add3A_1717 = arith.addf %add3A_1706, %mul3A_1716 : vector<16xf32>
        %and3A_1718 = arith.andi %gather3A_1711, %broadcast_in_dim3A_102 : vector<16xi32>
        %bitcast3A_1719 = vector.bitcast %and3A_1718 : vector<16xi32> to vector<16xf32>
        %mul3A_1720 = arith.mulf %mul3A_1541, %bitcast3A_1719 : vector<16xf32>
        %add3A_1721 = arith.addf %add3A_1710, %mul3A_1720 : vector<16xf32>
        %gather3A_1722 = tpu.vector_load_idx %arg17[%add3A_1560, %and3A_16] : memref<1664x16xi32, #tpu.memory_space<vmem>>[vector<16xi32>, vector<16xi32>], vector<16xi32>,
        %shift_left3A_1723 = arith.constant 16 : i32
        %shift_left3A_1724 = vector.broadcast %shift_left3A_1723 : i32 to vector<16xi32>
        %shift_left3A_1725 = arith.shli %gather3A_1722, %shift_left3A_1724 : vector<16xi32>
        %bitcast3A_1726 = vector.bitcast %shift_left3A_1725 : vector<16xi32> to vector<16xf32>
        %mul3A_1727 = arith.mulf %mul3A_1542, %bitcast3A_1726 : vector<16xf32>
        %add3A_1728 = arith.addf %add3A_1717, %mul3A_1727 : vector<16xf32>
        %and3A_1729 = arith.andi %gather3A_1722, %broadcast_in_dim3A_102 : vector<16xi32>
        %bitcast3A_1730 = vector.bitcast %and3A_1729 : vector<16xi32> to vector<16xf32>
        %mul3A_1731 = arith.mulf %mul3A_1542, %bitcast3A_1730 : vector<16xf32>
        %add3A_1732 = arith.addf %add3A_1721, %mul3A_1731 : vector<16xf32>
        %gather3A_1733 = tpu.vector_load_idx %arg17[%add3A_1563, %and3A_16] : memref<1664x16xi32, #tpu.memory_space<vmem>>[vector<16xi32>, vector<16xi32>], vector<16xi32>,
        %shift_left3A_1734 = arith.constant 16 : i32
        %shift_left3A_1735 = vector.broadcast %shift_left3A_1734 : i32 to vector<16xi32>
        %shift_left3A_1736 = arith.shli %gather3A_1733, %shift_left3A_1735 : vector<16xi32>
        %bitcast3A_1737 = vector.bitcast %shift_left3A_1736 : vector<16xi32> to vector<16xf32>
        %mul3A_1738 = arith.mulf %mul3A_1543, %bitcast3A_1737 : vector<16xf32>
        %add3A_1739 = arith.addf %add3A_1728, %mul3A_1738 : vector<16xf32>
        %and3A_1740 = arith.andi %gather3A_1733, %broadcast_in_dim3A_102 : vector<16xi32>
        %bitcast3A_1741 = vector.bitcast %and3A_1740 : vector<16xi32> to vector<16xf32>
        %mul3A_1742 = arith.mulf %mul3A_1543, %bitcast3A_1741 : vector<16xf32>
        %add3A_1743 = arith.addf %add3A_1732, %mul3A_1742 : vector<16xf32>
        %gather3A_1744 = tpu.vector_load_idx %arg17[%add3A_1566, %and3A_16] : memref<1664x16xi32, #tpu.memory_space<vmem>>[vector<16xi32>, vector<16xi32>], vector<16xi32>,
        %shift_left3A_1745 = arith.constant 16 : i32
        %shift_left3A_1746 = vector.broadcast %shift_left3A_1745 : i32 to vector<16xi32>
        %shift_left3A_1747 = arith.shli %gather3A_1744, %shift_left3A_1746 : vector<16xi32>
        %bitcast3A_1748 = vector.bitcast %shift_left3A_1747 : vector<16xi32> to vector<16xf32>
        %mul3A_1749 = arith.mulf %mul3A_1544, %bitcast3A_1748 : vector<16xf32>
        %add3A_1750 = arith.addf %add3A_1739, %mul3A_1749 : vector<16xf32>
        %and3A_1751 = arith.andi %gather3A_1744, %broadcast_in_dim3A_102 : vector<16xi32>
        %bitcast3A_1752 = vector.bitcast %and3A_1751 : vector<16xi32> to vector<16xf32>
        %mul3A_1753 = arith.mulf %mul3A_1544, %bitcast3A_1752 : vector<16xf32>
        %add3A_1754 = arith.addf %add3A_1743, %mul3A_1753 : vector<16xf32>
        %gather3A_1755 = tpu.vector_load_idx %arg17[%add3A_1569, %and3A_16] : memref<1664x16xi32, #tpu.memory_space<vmem>>[vector<16xi32>, vector<16xi32>], vector<16xi32>,
        %shift_left3A_1756 = arith.constant 16 : i32
        %shift_left3A_1757 = vector.broadcast %shift_left3A_1756 : i32 to vector<16xi32>
        %shift_left3A_1758 = arith.shli %gather3A_1755, %shift_left3A_1757 : vector<16xi32>
        %bitcast3A_1759 = vector.bitcast %shift_left3A_1758 : vector<16xi32> to vector<16xf32>
        %mul3A_1760 = arith.mulf %mul3A_1545, %bitcast3A_1759 : vector<16xf32>
        %add3A_1761 = arith.addf %add3A_1750, %mul3A_1760 : vector<16xf32>
        %and3A_1762 = arith.andi %gather3A_1755, %broadcast_in_dim3A_102 : vector<16xi32>
        %bitcast3A_1763 = vector.bitcast %and3A_1762 : vector<16xi32> to vector<16xf32>
        %mul3A_1764 = arith.mulf %mul3A_1545, %bitcast3A_1763 : vector<16xf32>
        %add3A_1765 = arith.addf %add3A_1754, %mul3A_1764 : vector<16xf32>
        %swap3A_1766 = arith.constant 32 : index
        %swap3A_1767 = tpu.vector_load %arg19[%swap3A_1766] {strides = array<i32>} : memref<512xf32, #tpu.memory_space<vmem>>, vector<16xf32>,
        tpu.vector_store %arg19[%swap3A_1766], %add3A_1761 {add = true, strides = array<i32>} : memref<512xf32, #tpu.memory_space<vmem>>, vector<16xf32>,
        %swap3A_1768 = arith.constant 48 : index
        %swap3A_1769 = tpu.vector_load %arg19[%swap3A_1768] {strides = array<i32>} : memref<512xf32, #tpu.memory_space<vmem>>, vector<16xf32>,
        tpu.vector_store %arg19[%swap3A_1768], %add3A_1765 {add = true, strides = array<i32>} : memref<512xf32, #tpu.memory_space<vmem>>, vector<16xf32>,
        %gather3A_1770 = tpu.vector_load_idx %arg18[%add3A_1326, %and3A_22] : memref<256x16xi32, #tpu.memory_space<vmem>>[vector<16xi32>, vector<16xi32>], vector<16xi32>,
        %shift_left3A_1771 = arith.constant 16 : i32
        %shift_left3A_1772 = vector.broadcast %shift_left3A_1771 : i32 to vector<16xi32>
        %shift_left3A_1773 = arith.shli %gather3A_1770, %shift_left3A_1772 : vector<16xi32>
        %bitcast3A_1774 = vector.bitcast %shift_left3A_1773 : vector<16xi32> to vector<16xf32>
        %mul3A_1775 = arith.mulf %mul3A_1537, %bitcast3A_1774 : vector<16xf32>
        %and3A_1776 = arith.andi %gather3A_1770, %broadcast_in_dim3A_102 : vector<16xi32>
        %bitcast3A_1777 = vector.bitcast %and3A_1776 : vector<16xi32> to vector<16xf32>
        %mul3A_1778 = arith.mulf %mul3A_1537, %bitcast3A_1777 : vector<16xf32>
        %gather3A_1779 = tpu.vector_load_idx %arg17[%add3A_1548, %and3A_22] : memref<1664x16xi32, #tpu.memory_space<vmem>>[vector<16xi32>, vector<16xi32>], vector<16xi32>,
        %shift_left3A_1780 = arith.constant 16 : i32
        %shift_left3A_1781 = vector.broadcast %shift_left3A_1780 : i32 to vector<16xi32>
        %shift_left3A_1782 = arith.shli %gather3A_1779, %shift_left3A_1781 : vector<16xi32>
        %bitcast3A_1783 = vector.bitcast %shift_left3A_1782 : vector<16xi32> to vector<16xf32>
        %mul3A_1784 = arith.mulf %mul3A_1538, %bitcast3A_1783 : vector<16xf32>
        %add3A_1785 = arith.addf %mul3A_1775, %mul3A_1784 : vector<16xf32>
        %and3A_1786 = arith.andi %gather3A_1779, %broadcast_in_dim3A_102 : vector<16xi32>
        %bitcast3A_1787 = vector.bitcast %and3A_1786 : vector<16xi32> to vector<16xf32>
        %mul3A_1788 = arith.mulf %mul3A_1538, %bitcast3A_1787 : vector<16xf32>
        %add3A_1789 = arith.addf %mul3A_1778, %mul3A_1788 : vector<16xf32>
        %gather3A_1790 = tpu.vector_load_idx %arg17[%add3A_1551, %and3A_22] : memref<1664x16xi32, #tpu.memory_space<vmem>>[vector<16xi32>, vector<16xi32>], vector<16xi32>,
        %shift_left3A_1791 = arith.constant 16 : i32
        %shift_left3A_1792 = vector.broadcast %shift_left3A_1791 : i32 to vector<16xi32>
        %shift_left3A_1793 = arith.shli %gather3A_1790, %shift_left3A_1792 : vector<16xi32>
        %bitcast3A_1794 = vector.bitcast %shift_left3A_1793 : vector<16xi32> to vector<16xf32>
        %mul3A_1795 = arith.mulf %mul3A_1539, %bitcast3A_1794 : vector<16xf32>
        %add3A_1796 = arith.addf %add3A_1785, %mul3A_1795 : vector<16xf32>
        %and3A_1797 = arith.andi %gather3A_1790, %broadcast_in_dim3A_102 : vector<16xi32>
        %bitcast3A_1798 = vector.bitcast %and3A_1797 : vector<16xi32> to vector<16xf32>
        %mul3A_1799 = arith.mulf %mul3A_1539, %bitcast3A_1798 : vector<16xf32>
        %add3A_1800 = arith.addf %add3A_1789, %mul3A_1799 : vector<16xf32>
        %gather3A_1801 = tpu.vector_load_idx %arg17[%add3A_1554, %and3A_22] : memref<1664x16xi32, #tpu.memory_space<vmem>>[vector<16xi32>, vector<16xi32>], vector<16xi32>,
        %shift_left3A_1802 = arith.constant 16 : i32
        %shift_left3A_1803 = vector.broadcast %shift_left3A_1802 : i32 to vector<16xi32>
        %shift_left3A_1804 = arith.shli %gather3A_1801, %shift_left3A_1803 : vector<16xi32>
        %bitcast3A_1805 = vector.bitcast %shift_left3A_1804 : vector<16xi32> to vector<16xf32>
        %mul3A_1806 = arith.mulf %mul3A_1540, %bitcast3A_1805 : vector<16xf32>
        %add3A_1807 = arith.addf %add3A_1796, %mul3A_1806 : vector<16xf32>
        %and3A_1808 = arith.andi %gather3A_1801, %broadcast_in_dim3A_102 : vector<16xi32>
        %bitcast3A_1809 = vector.bitcast %and3A_1808 : vector<16xi32> to vector<16xf32>
        %mul3A_1810 = arith.mulf %mul3A_1540, %bitcast3A_1809 : vector<16xf32>
        %add3A_1811 = arith.addf %add3A_1800, %mul3A_1810 : vector<16xf32>
        %gather3A_1812 = tpu.vector_load_idx %arg17[%add3A_1557, %and3A_22] : memref<1664x16xi32, #tpu.memory_space<vmem>>[vector<16xi32>, vector<16xi32>], vector<16xi32>,
        %shift_left3A_1813 = arith.constant 16 : i32
        %shift_left3A_1814 = vector.broadcast %shift_left3A_1813 : i32 to vector<16xi32>
        %shift_left3A_1815 = arith.shli %gather3A_1812, %shift_left3A_1814 : vector<16xi32>
        %bitcast3A_1816 = vector.bitcast %shift_left3A_1815 : vector<16xi32> to vector<16xf32>
        %mul3A_1817 = arith.mulf %mul3A_1541, %bitcast3A_1816 : vector<16xf32>
        %add3A_1818 = arith.addf %add3A_1807, %mul3A_1817 : vector<16xf32>
        %and3A_1819 = arith.andi %gather3A_1812, %broadcast_in_dim3A_102 : vector<16xi32>
        %bitcast3A_1820 = vector.bitcast %and3A_1819 : vector<16xi32> to vector<16xf32>
        %mul3A_1821 = arith.mulf %mul3A_1541, %bitcast3A_1820 : vector<16xf32>
        %add3A_1822 = arith.addf %add3A_1811, %mul3A_1821 : vector<16xf32>
        %gather3A_1823 = tpu.vector_load_idx %arg17[%add3A_1560, %and3A_22] : memref<1664x16xi32, #tpu.memory_space<vmem>>[vector<16xi32>, vector<16xi32>], vector<16xi32>,
        %shift_left3A_1824 = arith.constant 16 : i32
        %shift_left3A_1825 = vector.broadcast %shift_left3A_1824 : i32 to vector<16xi32>
        %shift_left3A_1826 = arith.shli %gather3A_1823, %shift_left3A_1825 : vector<16xi32>
        %bitcast3A_1827 = vector.bitcast %shift_left3A_1826 : vector<16xi32> to vector<16xf32>
        %mul3A_1828 = arith.mulf %mul3A_1542, %bitcast3A_1827 : vector<16xf32>
        %add3A_1829 = arith.addf %add3A_1818, %mul3A_1828 : vector<16xf32>
        %and3A_1830 = arith.andi %gather3A_1823, %broadcast_in_dim3A_102 : vector<16xi32>
        %bitcast3A_1831 = vector.bitcast %and3A_1830 : vector<16xi32> to vector<16xf32>
        %mul3A_1832 = arith.mulf %mul3A_1542, %bitcast3A_1831 : vector<16xf32>
        %add3A_1833 = arith.addf %add3A_1822, %mul3A_1832 : vector<16xf32>
        %gather3A_1834 = tpu.vector_load_idx %arg17[%add3A_1563, %and3A_22] : memref<1664x16xi32, #tpu.memory_space<vmem>>[vector<16xi32>, vector<16xi32>], vector<16xi32>,
        %shift_left3A_1835 = arith.constant 16 : i32
        %shift_left3A_1836 = vector.broadcast %shift_left3A_1835 : i32 to vector<16xi32>
        %shift_left3A_1837 = arith.shli %gather3A_1834, %shift_left3A_1836 : vector<16xi32>
        %bitcast3A_1838 = vector.bitcast %shift_left3A_1837 : vector<16xi32> to vector<16xf32>
        %mul3A_1839 = arith.mulf %mul3A_1543, %bitcast3A_1838 : vector<16xf32>
        %add3A_1840 = arith.addf %add3A_1829, %mul3A_1839 : vector<16xf32>
        %and3A_1841 = arith.andi %gather3A_1834, %broadcast_in_dim3A_102 : vector<16xi32>
        %bitcast3A_1842 = vector.bitcast %and3A_1841 : vector<16xi32> to vector<16xf32>
        %mul3A_1843 = arith.mulf %mul3A_1543, %bitcast3A_1842 : vector<16xf32>
        %add3A_1844 = arith.addf %add3A_1833, %mul3A_1843 : vector<16xf32>
        %gather3A_1845 = tpu.vector_load_idx %arg17[%add3A_1566, %and3A_22] : memref<1664x16xi32, #tpu.memory_space<vmem>>[vector<16xi32>, vector<16xi32>], vector<16xi32>,
        %shift_left3A_1846 = arith.constant 16 : i32
        %shift_left3A_1847 = vector.broadcast %shift_left3A_1846 : i32 to vector<16xi32>
        %shift_left3A_1848 = arith.shli %gather3A_1845, %shift_left3A_1847 : vector<16xi32>
        %bitcast3A_1849 = vector.bitcast %shift_left3A_1848 : vector<16xi32> to vector<16xf32>
        %mul3A_1850 = arith.mulf %mul3A_1544, %bitcast3A_1849 : vector<16xf32>
        %add3A_1851 = arith.addf %add3A_1840, %mul3A_1850 : vector<16xf32>
        %and3A_1852 = arith.andi %gather3A_1845, %broadcast_in_dim3A_102 : vector<16xi32>
        %bitcast3A_1853 = vector.bitcast %and3A_1852 : vector<16xi32> to vector<16xf32>
        %mul3A_1854 = arith.mulf %mul3A_1544, %bitcast3A_1853 : vector<16xf32>
        %add3A_1855 = arith.addf %add3A_1844, %mul3A_1854 : vector<16xf32>
        %gather3A_1856 = tpu.vector_load_idx %arg17[%add3A_1569, %and3A_22] : memref<1664x16xi32, #tpu.memory_space<vmem>>[vector<16xi32>, vector<16xi32>], vector<16xi32>,
        %shift_left3A_1857 = arith.constant 16 : i32
        %shift_left3A_1858 = vector.broadcast %shift_left3A_1857 : i32 to vector<16xi32>
        %shift_left3A_1859 = arith.shli %gather3A_1856, %shift_left3A_1858 : vector<16xi32>
        %bitcast3A_1860 = vector.bitcast %shift_left3A_1859 : vector<16xi32> to vector<16xf32>
        %mul3A_1861 = arith.mulf %mul3A_1545, %bitcast3A_1860 : vector<16xf32>
        %add3A_1862 = arith.addf %add3A_1851, %mul3A_1861 : vector<16xf32>
        %and3A_1863 = arith.andi %gather3A_1856, %broadcast_in_dim3A_102 : vector<16xi32>
        %bitcast3A_1864 = vector.bitcast %and3A_1863 : vector<16xi32> to vector<16xf32>
        %mul3A_1865 = arith.mulf %mul3A_1545, %bitcast3A_1864 : vector<16xf32>
        %add3A_1866 = arith.addf %add3A_1855, %mul3A_1865 : vector<16xf32>
        %swap3A_1867 = arith.constant 64 : index
        %swap3A_1868 = tpu.vector_load %arg19[%swap3A_1867] {strides = array<i32>} : memref<512xf32, #tpu.memory_space<vmem>>, vector<16xf32>,
        tpu.vector_store %arg19[%swap3A_1867], %add3A_1862 {add = true, strides = array<i32>} : memref<512xf32, #tpu.memory_space<vmem>>, vector<16xf32>,
        %swap3A_1869 = arith.constant 80 : index
        %swap3A_1870 = tpu.vector_load %arg19[%swap3A_1869] {strides = array<i32>} : memref<512xf32, #tpu.memory_space<vmem>>, vector<16xf32>,
        tpu.vector_store %arg19[%swap3A_1869], %add3A_1866 {add = true, strides = array<i32>} : memref<512xf32, #tpu.memory_space<vmem>>, vector<16xf32>,
        %gather3A_1871 = tpu.vector_load_idx %arg18[%add3A_1326, %and3A_28] : memref<256x16xi32, #tpu.memory_space<vmem>>[vector<16xi32>, vector<16xi32>], vector<16xi32>,
        %shift_left3A_1872 = arith.constant 16 : i32
        %shift_left3A_1873 = vector.broadcast %shift_left3A_1872 : i32 to vector<16xi32>
        %shift_left3A_1874 = arith.shli %gather3A_1871, %shift_left3A_1873 : vector<16xi32>
        %bitcast3A_1875 = vector.bitcast %shift_left3A_1874 : vector<16xi32> to vector<16xf32>
        %mul3A_1876 = arith.mulf %mul3A_1537, %bitcast3A_1875 : vector<16xf32>
        %and3A_1877 = arith.andi %gather3A_1871, %broadcast_in_dim3A_102 : vector<16xi32>
        %bitcast3A_1878 = vector.bitcast %and3A_1877 : vector<16xi32> to vector<16xf32>
        %mul3A_1879 = arith.mulf %mul3A_1537, %bitcast3A_1878 : vector<16xf32>
        %gather3A_1880 = tpu.vector_load_idx %arg17[%add3A_1548, %and3A_28] : memref<1664x16xi32, #tpu.memory_space<vmem>>[vector<16xi32>, vector<16xi32>], vector<16xi32>,
        %shift_left3A_1881 = arith.constant 16 : i32
        %shift_left3A_1882 = vector.broadcast %shift_left3A_1881 : i32 to vector<16xi32>
        %shift_left3A_1883 = arith.shli %gather3A_1880, %shift_left3A_1882 : vector<16xi32>
        %bitcast3A_1884 = vector.bitcast %shift_left3A_1883 : vector<16xi32> to vector<16xf32>
        %mul3A_1885 = arith.mulf %mul3A_1538, %bitcast3A_1884 : vector<16xf32>
        %add3A_1886 = arith.addf %mul3A_1876, %mul3A_1885 : vector<16xf32>
        %and3A_1887 = arith.andi %gather3A_1880, %broadcast_in_dim3A_102 : vector<16xi32>
        %bitcast3A_1888 = vector.bitcast %and3A_1887 : vector<16xi32> to vector<16xf32>
        %mul3A_1889 = arith.mulf %mul3A_1538, %bitcast3A_1888 : vector<16xf32>
        %add3A_1890 = arith.addf %mul3A_1879, %mul3A_1889 : vector<16xf32>
        %gather3A_1891 = tpu.vector_load_idx %arg17[%add3A_1551, %and3A_28] : memref<1664x16xi32, #tpu.memory_space<vmem>>[vector<16xi32>, vector<16xi32>], vector<16xi32>,
        %shift_left3A_1892 = arith.constant 16 : i32
        %shift_left3A_1893 = vector.broadcast %shift_left3A_1892 : i32 to vector<16xi32>
        %shift_left3A_1894 = arith.shli %gather3A_1891, %shift_left3A_1893 : vector<16xi32>
        %bitcast3A_1895 = vector.bitcast %shift_left3A_1894 : vector<16xi32> to vector<16xf32>
        %mul3A_1896 = arith.mulf %mul3A_1539, %bitcast3A_1895 : vector<16xf32>
        %add3A_1897 = arith.addf %add3A_1886, %mul3A_1896 : vector<16xf32>
        %and3A_1898 = arith.andi %gather3A_1891, %broadcast_in_dim3A_102 : vector<16xi32>
        %bitcast3A_1899 = vector.bitcast %and3A_1898 : vector<16xi32> to vector<16xf32>
        %mul3A_1900 = arith.mulf %mul3A_1539, %bitcast3A_1899 : vector<16xf32>
        %add3A_1901 = arith.addf %add3A_1890, %mul3A_1900 : vector<16xf32>
        %gather3A_1902 = tpu.vector_load_idx %arg17[%add3A_1554, %and3A_28] : memref<1664x16xi32, #tpu.memory_space<vmem>>[vector<16xi32>, vector<16xi32>], vector<16xi32>,
        %shift_left3A_1903 = arith.constant 16 : i32
        %shift_left3A_1904 = vector.broadcast %shift_left3A_1903 : i32 to vector<16xi32>
        %shift_left3A_1905 = arith.shli %gather3A_1902, %shift_left3A_1904 : vector<16xi32>
        %bitcast3A_1906 = vector.bitcast %shift_left3A_1905 : vector<16xi32> to vector<16xf32>
        %mul3A_1907 = arith.mulf %mul3A_1540, %bitcast3A_1906 : vector<16xf32>
        %add3A_1908 = arith.addf %add3A_1897, %mul3A_1907 : vector<16xf32>
        %and3A_1909 = arith.andi %gather3A_1902, %broadcast_in_dim3A_102 : vector<16xi32>
        %bitcast3A_1910 = vector.bitcast %and3A_1909 : vector<16xi32> to vector<16xf32>
        %mul3A_1911 = arith.mulf %mul3A_1540, %bitcast3A_1910 : vector<16xf32>
        %add3A_1912 = arith.addf %add3A_1901, %mul3A_1911 : vector<16xf32>
        %gather3A_1913 = tpu.vector_load_idx %arg17[%add3A_1557, %and3A_28] : memref<1664x16xi32, #tpu.memory_space<vmem>>[vector<16xi32>, vector<16xi32>], vector<16xi32>,
        %shift_left3A_1914 = arith.constant 16 : i32
        %shift_left3A_1915 = vector.broadcast %shift_left3A_1914 : i32 to vector<16xi32>
        %shift_left3A_1916 = arith.shli %gather3A_1913, %shift_left3A_1915 : vector<16xi32>
        %bitcast3A_1917 = vector.bitcast %shift_left3A_1916 : vector<16xi32> to vector<16xf32>
        %mul3A_1918 = arith.mulf %mul3A_1541, %bitcast3A_1917 : vector<16xf32>
        %add3A_1919 = arith.addf %add3A_1908, %mul3A_1918 : vector<16xf32>
        %and3A_1920 = arith.andi %gather3A_1913, %broadcast_in_dim3A_102 : vector<16xi32>
        %bitcast3A_1921 = vector.bitcast %and3A_1920 : vector<16xi32> to vector<16xf32>
        %mul3A_1922 = arith.mulf %mul3A_1541, %bitcast3A_1921 : vector<16xf32>
        %add3A_1923 = arith.addf %add3A_1912, %mul3A_1922 : vector<16xf32>
        %gather3A_1924 = tpu.vector_load_idx %arg17[%add3A_1560, %and3A_28] : memref<1664x16xi32, #tpu.memory_space<vmem>>[vector<16xi32>, vector<16xi32>], vector<16xi32>,
        %shift_left3A_1925 = arith.constant 16 : i32
        %shift_left3A_1926 = vector.broadcast %shift_left3A_1925 : i32 to vector<16xi32>
        %shift_left3A_1927 = arith.shli %gather3A_1924, %shift_left3A_1926 : vector<16xi32>
        %bitcast3A_1928 = vector.bitcast %shift_left3A_1927 : vector<16xi32> to vector<16xf32>
        %mul3A_1929 = arith.mulf %mul3A_1542, %bitcast3A_1928 : vector<16xf32>
        %add3A_1930 = arith.addf %add3A_1919, %mul3A_1929 : vector<16xf32>
        %and3A_1931 = arith.andi %gather3A_1924, %broadcast_in_dim3A_102 : vector<16xi32>
        %bitcast3A_1932 = vector.bitcast %and3A_1931 : vector<16xi32> to vector<16xf32>
        %mul3A_1933 = arith.mulf %mul3A_1542, %bitcast3A_1932 : vector<16xf32>
        %add3A_1934 = arith.addf %add3A_1923, %mul3A_1933 : vector<16xf32>
        %gather3A_1935 = tpu.vector_load_idx %arg17[%add3A_1563, %and3A_28] : memref<1664x16xi32, #tpu.memory_space<vmem>>[vector<16xi32>, vector<16xi32>], vector<16xi32>,
        %shift_left3A_1936 = arith.constant 16 : i32
        %shift_left3A_1937 = vector.broadcast %shift_left3A_1936 : i32 to vector<16xi32>
        %shift_left3A_1938 = arith.shli %gather3A_1935, %shift_left3A_1937 : vector<16xi32>
        %bitcast3A_1939 = vector.bitcast %shift_left3A_1938 : vector<16xi32> to vector<16xf32>
        %mul3A_1940 = arith.mulf %mul3A_1543, %bitcast3A_1939 : vector<16xf32>
        %add3A_1941 = arith.addf %add3A_1930, %mul3A_1940 : vector<16xf32>
        %and3A_1942 = arith.andi %gather3A_1935, %broadcast_in_dim3A_102 : vector<16xi32>
        %bitcast3A_1943 = vector.bitcast %and3A_1942 : vector<16xi32> to vector<16xf32>
        %mul3A_1944 = arith.mulf %mul3A_1543, %bitcast3A_1943 : vector<16xf32>
        %add3A_1945 = arith.addf %add3A_1934, %mul3A_1944 : vector<16xf32>
        %gather3A_1946 = tpu.vector_load_idx %arg17[%add3A_1566, %and3A_28] : memref<1664x16xi32, #tpu.memory_space<vmem>>[vector<16xi32>, vector<16xi32>], vector<16xi32>,
        %shift_left3A_1947 = arith.constant 16 : i32
        %shift_left3A_1948 = vector.broadcast %shift_left3A_1947 : i32 to vector<16xi32>
        %shift_left3A_1949 = arith.shli %gather3A_1946, %shift_left3A_1948 : vector<16xi32>
        %bitcast3A_1950 = vector.bitcast %shift_left3A_1949 : vector<16xi32> to vector<16xf32>
        %mul3A_1951 = arith.mulf %mul3A_1544, %bitcast3A_1950 : vector<16xf32>
        %add3A_1952 = arith.addf %add3A_1941, %mul3A_1951 : vector<16xf32>
        %and3A_1953 = arith.andi %gather3A_1946, %broadcast_in_dim3A_102 : vector<16xi32>
        %bitcast3A_1954 = vector.bitcast %and3A_1953 : vector<16xi32> to vector<16xf32>
        %mul3A_1955 = arith.mulf %mul3A_1544, %bitcast3A_1954 : vector<16xf32>
        %add3A_1956 = arith.addf %add3A_1945, %mul3A_1955 : vector<16xf32>
        %gather3A_1957 = tpu.vector_load_idx %arg17[%add3A_1569, %and3A_28] : memref<1664x16xi32, #tpu.memory_space<vmem>>[vector<16xi32>, vector<16xi32>], vector<16xi32>,
        %shift_left3A_1958 = arith.constant 16 : i32
        %shift_left3A_1959 = vector.broadcast %shift_left3A_1958 : i32 to vector<16xi32>
        %shift_left3A_1960 = arith.shli %gather3A_1957, %shift_left3A_1959 : vector<16xi32>
        %bitcast3A_1961 = vector.bitcast %shift_left3A_1960 : vector<16xi32> to vector<16xf32>
        %mul3A_1962 = arith.mulf %mul3A_1545, %bitcast3A_1961 : vector<16xf32>
        %add3A_1963 = arith.addf %add3A_1952, %mul3A_1962 : vector<16xf32>
        %and3A_1964 = arith.andi %gather3A_1957, %broadcast_in_dim3A_102 : vector<16xi32>
        %bitcast3A_1965 = vector.bitcast %and3A_1964 : vector<16xi32> to vector<16xf32>
        %mul3A_1966 = arith.mulf %mul3A_1545, %bitcast3A_1965 : vector<16xf32>
        %add3A_1967 = arith.addf %add3A_1956, %mul3A_1966 : vector<16xf32>
        %swap3A_1968 = arith.constant 96 : index
        %swap3A_1969 = tpu.vector_load %arg19[%swap3A_1968] {strides = array<i32>} : memref<512xf32, #tpu.memory_space<vmem>>, vector<16xf32>,
        tpu.vector_store %arg19[%swap3A_1968], %add3A_1963 {add = true, strides = array<i32>} : memref<512xf32, #tpu.memory_space<vmem>>, vector<16xf32>,
        %swap3A_1970 = arith.constant 112 : index
        %swap3A_1971 = tpu.vector_load %arg19[%swap3A_1970] {strides = array<i32>} : memref<512xf32, #tpu.memory_space<vmem>>, vector<16xf32>,
        tpu.vector_store %arg19[%swap3A_1970], %add3A_1967 {add = true, strides = array<i32>} : memref<512xf32, #tpu.memory_space<vmem>>, vector<16xf32>,
        %gather3A_1972 = tpu.vector_load_idx %arg18[%add3A_1326, %and3A_34] : memref<256x16xi32, #tpu.memory_space<vmem>>[vector<16xi32>, vector<16xi32>], vector<16xi32>,
        %shift_left3A_1973 = arith.constant 16 : i32
        %shift_left3A_1974 = vector.broadcast %shift_left3A_1973 : i32 to vector<16xi32>
        %shift_left3A_1975 = arith.shli %gather3A_1972, %shift_left3A_1974 : vector<16xi32>
        %bitcast3A_1976 = vector.bitcast %shift_left3A_1975 : vector<16xi32> to vector<16xf32>
        %mul3A_1977 = arith.mulf %mul3A_1537, %bitcast3A_1976 : vector<16xf32>
        %and3A_1978 = arith.andi %gather3A_1972, %broadcast_in_dim3A_102 : vector<16xi32>
        %bitcast3A_1979 = vector.bitcast %and3A_1978 : vector<16xi32> to vector<16xf32>
        %mul3A_1980 = arith.mulf %mul3A_1537, %bitcast3A_1979 : vector<16xf32>
        %gather3A_1981 = tpu.vector_load_idx %arg17[%add3A_1548, %and3A_34] : memref<1664x16xi32, #tpu.memory_space<vmem>>[vector<16xi32>, vector<16xi32>], vector<16xi32>,
        %shift_left3A_1982 = arith.constant 16 : i32
        %shift_left3A_1983 = vector.broadcast %shift_left3A_1982 : i32 to vector<16xi32>
        %shift_left3A_1984 = arith.shli %gather3A_1981, %shift_left3A_1983 : vector<16xi32>
        %bitcast3A_1985 = vector.bitcast %shift_left3A_1984 : vector<16xi32> to vector<16xf32>
        %mul3A_1986 = arith.mulf %mul3A_1538, %bitcast3A_1985 : vector<16xf32>
        %add3A_1987 = arith.addf %mul3A_1977, %mul3A_1986 : vector<16xf32>
        %and3A_1988 = arith.andi %gather3A_1981, %broadcast_in_dim3A_102 : vector<16xi32>
        %bitcast3A_1989 = vector.bitcast %and3A_1988 : vector<16xi32> to vector<16xf32>
        %mul3A_1990 = arith.mulf %mul3A_1538, %bitcast3A_1989 : vector<16xf32>
        %add3A_1991 = arith.addf %mul3A_1980, %mul3A_1990 : vector<16xf32>
        %gather3A_1992 = tpu.vector_load_idx %arg17[%add3A_1551, %and3A_34] : memref<1664x16xi32, #tpu.memory_space<vmem>>[vector<16xi32>, vector<16xi32>], vector<16xi32>,
        %shift_left3A_1993 = arith.constant 16 : i32
        %shift_left3A_1994 = vector.broadcast %shift_left3A_1993 : i32 to vector<16xi32>
        %shift_left3A_1995 = arith.shli %gather3A_1992, %shift_left3A_1994 : vector<16xi32>
        %bitcast3A_1996 = vector.bitcast %shift_left3A_1995 : vector<16xi32> to vector<16xf32>
        %mul3A_1997 = arith.mulf %mul3A_1539, %bitcast3A_1996 : vector<16xf32>
        %add3A_1998 = arith.addf %add3A_1987, %mul3A_1997 : vector<16xf32>
        %and3A_1999 = arith.andi %gather3A_1992, %broadcast_in_dim3A_102 : vector<16xi32>
        %bitcast3A_2000 = vector.bitcast %and3A_1999 : vector<16xi32> to vector<16xf32>
        %mul3A_2001 = arith.mulf %mul3A_1539, %bitcast3A_2000 : vector<16xf32>
        %add3A_2002 = arith.addf %add3A_1991, %mul3A_2001 : vector<16xf32>
        %gather3A_2003 = tpu.vector_load_idx %arg17[%add3A_1554, %and3A_34] : memref<1664x16xi32, #tpu.memory_space<vmem>>[vector<16xi32>, vector<16xi32>], vector<16xi32>,
        %shift_left3A_2004 = arith.constant 16 : i32
        %shift_left3A_2005 = vector.broadcast %shift_left3A_2004 : i32 to vector<16xi32>
        %shift_left3A_2006 = arith.shli %gather3A_2003, %shift_left3A_2005 : vector<16xi32>
        %bitcast3A_2007 = vector.bitcast %shift_left3A_2006 : vector<16xi32> to vector<16xf32>
        %mul3A_2008 = arith.mulf %mul3A_1540, %bitcast3A_2007 : vector<16xf32>
        %add3A_2009 = arith.addf %add3A_1998, %mul3A_2008 : vector<16xf32>
        %and3A_2010 = arith.andi %gather3A_2003, %broadcast_in_dim3A_102 : vector<16xi32>
        %bitcast3A_2011 = vector.bitcast %and3A_2010 : vector<16xi32> to vector<16xf32>
        %mul3A_2012 = arith.mulf %mul3A_1540, %bitcast3A_2011 : vector<16xf32>
        %add3A_2013 = arith.addf %add3A_2002, %mul3A_2012 : vector<16xf32>
        %gather3A_2014 = tpu.vector_load_idx %arg17[%add3A_1557, %and3A_34] : memref<1664x16xi32, #tpu.memory_space<vmem>>[vector<16xi32>, vector<16xi32>], vector<16xi32>,
        %shift_left3A_2015 = arith.constant 16 : i32
        %shift_left3A_2016 = vector.broadcast %shift_left3A_2015 : i32 to vector<16xi32>
        %shift_left3A_2017 = arith.shli %gather3A_2014, %shift_left3A_2016 : vector<16xi32>
        %bitcast3A_2018 = vector.bitcast %shift_left3A_2017 : vector<16xi32> to vector<16xf32>
        %mul3A_2019 = arith.mulf %mul3A_1541, %bitcast3A_2018 : vector<16xf32>
        %add3A_2020 = arith.addf %add3A_2009, %mul3A_2019 : vector<16xf32>
        %and3A_2021 = arith.andi %gather3A_2014, %broadcast_in_dim3A_102 : vector<16xi32>
        %bitcast3A_2022 = vector.bitcast %and3A_2021 : vector<16xi32> to vector<16xf32>
        %mul3A_2023 = arith.mulf %mul3A_1541, %bitcast3A_2022 : vector<16xf32>
        %add3A_2024 = arith.addf %add3A_2013, %mul3A_2023 : vector<16xf32>
        %gather3A_2025 = tpu.vector_load_idx %arg17[%add3A_1560, %and3A_34] : memref<1664x16xi32, #tpu.memory_space<vmem>>[vector<16xi32>, vector<16xi32>], vector<16xi32>,
        %shift_left3A_2026 = arith.constant 16 : i32
        %shift_left3A_2027 = vector.broadcast %shift_left3A_2026 : i32 to vector<16xi32>
        %shift_left3A_2028 = arith.shli %gather3A_2025, %shift_left3A_2027 : vector<16xi32>
        %bitcast3A_2029 = vector.bitcast %shift_left3A_2028 : vector<16xi32> to vector<16xf32>
        %mul3A_2030 = arith.mulf %mul3A_1542, %bitcast3A_2029 : vector<16xf32>
        %add3A_2031 = arith.addf %add3A_2020, %mul3A_2030 : vector<16xf32>
        %and3A_2032 = arith.andi %gather3A_2025, %broadcast_in_dim3A_102 : vector<16xi32>
        %bitcast3A_2033 = vector.bitcast %and3A_2032 : vector<16xi32> to vector<16xf32>
        %mul3A_2034 = arith.mulf %mul3A_1542, %bitcast3A_2033 : vector<16xf32>
        %add3A_2035 = arith.addf %add3A_2024, %mul3A_2034 : vector<16xf32>
        %gather3A_2036 = tpu.vector_load_idx %arg17[%add3A_1563, %and3A_34] : memref<1664x16xi32, #tpu.memory_space<vmem>>[vector<16xi32>, vector<16xi32>], vector<16xi32>,
        %shift_left3A_2037 = arith.constant 16 : i32
        %shift_left3A_2038 = vector.broadcast %shift_left3A_2037 : i32 to vector<16xi32>
        %shift_left3A_2039 = arith.shli %gather3A_2036, %shift_left3A_2038 : vector<16xi32>
        %bitcast3A_2040 = vector.bitcast %shift_left3A_2039 : vector<16xi32> to vector<16xf32>
        %mul3A_2041 = arith.mulf %mul3A_1543, %bitcast3A_2040 : vector<16xf32>
        %add3A_2042 = arith.addf %add3A_2031, %mul3A_2041 : vector<16xf32>
        %and3A_2043 = arith.andi %gather3A_2036, %broadcast_in_dim3A_102 : vector<16xi32>
        %bitcast3A_2044 = vector.bitcast %and3A_2043 : vector<16xi32> to vector<16xf32>
        %mul3A_2045 = arith.mulf %mul3A_1543, %bitcast3A_2044 : vector<16xf32>
        %add3A_2046 = arith.addf %add3A_2035, %mul3A_2045 : vector<16xf32>
        %gather3A_2047 = tpu.vector_load_idx %arg17[%add3A_1566, %and3A_34] : memref<1664x16xi32, #tpu.memory_space<vmem>>[vector<16xi32>, vector<16xi32>], vector<16xi32>,
        %shift_left3A_2048 = arith.constant 16 : i32
        %shift_left3A_2049 = vector.broadcast %shift_left3A_2048 : i32 to vector<16xi32>
        %shift_left3A_2050 = arith.shli %gather3A_2047, %shift_left3A_2049 : vector<16xi32>
        %bitcast3A_2051 = vector.bitcast %shift_left3A_2050 : vector<16xi32> to vector<16xf32>
        %mul3A_2052 = arith.mulf %mul3A_1544, %bitcast3A_2051 : vector<16xf32>
        %add3A_2053 = arith.addf %add3A_2042, %mul3A_2052 : vector<16xf32>
        %and3A_2054 = arith.andi %gather3A_2047, %broadcast_in_dim3A_102 : vector<16xi32>
        %bitcast3A_2055 = vector.bitcast %and3A_2054 : vector<16xi32> to vector<16xf32>
        %mul3A_2056 = arith.mulf %mul3A_1544, %bitcast3A_2055 : vector<16xf32>
        %add3A_2057 = arith.addf %add3A_2046, %mul3A_2056 : vector<16xf32>
        %gather3A_2058 = tpu.vector_load_idx %arg17[%add3A_1569, %and3A_34] : memref<1664x16xi32, #tpu.memory_space<vmem>>[vector<16xi32>, vector<16xi32>], vector<16xi32>,
        %shift_left3A_2059 = arith.constant 16 : i32
        %shift_left3A_2060 = vector.broadcast %shift_left3A_2059 : i32 to vector<16xi32>
        %shift_left3A_2061 = arith.shli %gather3A_2058, %shift_left3A_2060 : vector<16xi32>
        %bitcast3A_2062 = vector.bitcast %shift_left3A_2061 : vector<16xi32> to vector<16xf32>
        %mul3A_2063 = arith.mulf %mul3A_1545, %bitcast3A_2062 : vector<16xf32>
        %add3A_2064 = arith.addf %add3A_2053, %mul3A_2063 : vector<16xf32>
        %and3A_2065 = arith.andi %gather3A_2058, %broadcast_in_dim3A_102 : vector<16xi32>
        %bitcast3A_2066 = vector.bitcast %and3A_2065 : vector<16xi32> to vector<16xf32>
        %mul3A_2067 = arith.mulf %mul3A_1545, %bitcast3A_2066 : vector<16xf32>
        %add3A_2068 = arith.addf %add3A_2057, %mul3A_2067 : vector<16xf32>
        %swap3A_2069 = arith.constant 128 : index
        %swap3A_2070 = tpu.vector_load %arg19[%swap3A_2069] {strides = array<i32>} : memref<512xf32, #tpu.memory_space<vmem>>, vector<16xf32>,
        tpu.vector_store %arg19[%swap3A_2069], %add3A_2064 {add = true, strides = array<i32>} : memref<512xf32, #tpu.memory_space<vmem>>, vector<16xf32>,
        %swap3A_2071 = arith.constant 144 : index
        %swap3A_2072 = tpu.vector_load %arg19[%swap3A_2071] {strides = array<i32>} : memref<512xf32, #tpu.memory_space<vmem>>, vector<16xf32>,
        tpu.vector_store %arg19[%swap3A_2071], %add3A_2068 {add = true, strides = array<i32>} : memref<512xf32, #tpu.memory_space<vmem>>, vector<16xf32>,
        %gather3A_2073 = tpu.vector_load_idx %arg18[%add3A_1326, %and3A_40] : memref<256x16xi32, #tpu.memory_space<vmem>>[vector<16xi32>, vector<16xi32>], vector<16xi32>,
        %shift_left3A_2074 = arith.constant 16 : i32
        %shift_left3A_2075 = vector.broadcast %shift_left3A_2074 : i32 to vector<16xi32>
        %shift_left3A_2076 = arith.shli %gather3A_2073, %shift_left3A_2075 : vector<16xi32>
        %bitcast3A_2077 = vector.bitcast %shift_left3A_2076 : vector<16xi32> to vector<16xf32>
        %mul3A_2078 = arith.mulf %mul3A_1537, %bitcast3A_2077 : vector<16xf32>
        %and3A_2079 = arith.andi %gather3A_2073, %broadcast_in_dim3A_102 : vector<16xi32>
        %bitcast3A_2080 = vector.bitcast %and3A_2079 : vector<16xi32> to vector<16xf32>
        %mul3A_2081 = arith.mulf %mul3A_1537, %bitcast3A_2080 : vector<16xf32>
        %gather3A_2082 = tpu.vector_load_idx %arg17[%add3A_1548, %and3A_40] : memref<1664x16xi32, #tpu.memory_space<vmem>>[vector<16xi32>, vector<16xi32>], vector<16xi32>,
        %shift_left3A_2083 = arith.constant 16 : i32
        %shift_left3A_2084 = vector.broadcast %shift_left3A_2083 : i32 to vector<16xi32>
        %shift_left3A_2085 = arith.shli %gather3A_2082, %shift_left3A_2084 : vector<16xi32>
        %bitcast3A_2086 = vector.bitcast %shift_left3A_2085 : vector<16xi32> to vector<16xf32>
        %mul3A_2087 = arith.mulf %mul3A_1538, %bitcast3A_2086 : vector<16xf32>
        %add3A_2088 = arith.addf %mul3A_2078, %mul3A_2087 : vector<16xf32>
        %and3A_2089 = arith.andi %gather3A_2082, %broadcast_in_dim3A_102 : vector<16xi32>
        %bitcast3A_2090 = vector.bitcast %and3A_2089 : vector<16xi32> to vector<16xf32>
        %mul3A_2091 = arith.mulf %mul3A_1538, %bitcast3A_2090 : vector<16xf32>
        %add3A_2092 = arith.addf %mul3A_2081, %mul3A_2091 : vector<16xf32>
        %gather3A_2093 = tpu.vector_load_idx %arg17[%add3A_1551, %and3A_40] : memref<1664x16xi32, #tpu.memory_space<vmem>>[vector<16xi32>, vector<16xi32>], vector<16xi32>,
        %shift_left3A_2094 = arith.constant 16 : i32
        %shift_left3A_2095 = vector.broadcast %shift_left3A_2094 : i32 to vector<16xi32>
        %shift_left3A_2096 = arith.shli %gather3A_2093, %shift_left3A_2095 : vector<16xi32>
        %bitcast3A_2097 = vector.bitcast %shift_left3A_2096 : vector<16xi32> to vector<16xf32>
        %mul3A_2098 = arith.mulf %mul3A_1539, %bitcast3A_2097 : vector<16xf32>
        %add3A_2099 = arith.addf %add3A_2088, %mul3A_2098 : vector<16xf32>
        %and3A_2100 = arith.andi %gather3A_2093, %broadcast_in_dim3A_102 : vector<16xi32>
        %bitcast3A_2101 = vector.bitcast %and3A_2100 : vector<16xi32> to vector<16xf32>
        %mul3A_2102 = arith.mulf %mul3A_1539, %bitcast3A_2101 : vector<16xf32>
        %add3A_2103 = arith.addf %add3A_2092, %mul3A_2102 : vector<16xf32>
        %gather3A_2104 = tpu.vector_load_idx %arg17[%add3A_1554, %and3A_40] : memref<1664x16xi32, #tpu.memory_space<vmem>>[vector<16xi32>, vector<16xi32>], vector<16xi32>,
        %shift_left3A_2105 = arith.constant 16 : i32
        %shift_left3A_2106 = vector.broadcast %shift_left3A_2105 : i32 to vector<16xi32>
        %shift_left3A_2107 = arith.shli %gather3A_2104, %shift_left3A_2106 : vector<16xi32>
        %bitcast3A_2108 = vector.bitcast %shift_left3A_2107 : vector<16xi32> to vector<16xf32>
        %mul3A_2109 = arith.mulf %mul3A_1540, %bitcast3A_2108 : vector<16xf32>
        %add3A_2110 = arith.addf %add3A_2099, %mul3A_2109 : vector<16xf32>
        %and3A_2111 = arith.andi %gather3A_2104, %broadcast_in_dim3A_102 : vector<16xi32>
        %bitcast3A_2112 = vector.bitcast %and3A_2111 : vector<16xi32> to vector<16xf32>
        %mul3A_2113 = arith.mulf %mul3A_1540, %bitcast3A_2112 : vector<16xf32>
        %add3A_2114 = arith.addf %add3A_2103, %mul3A_2113 : vector<16xf32>
        %gather3A_2115 = tpu.vector_load_idx %arg17[%add3A_1557, %and3A_40] : memref<1664x16xi32, #tpu.memory_space<vmem>>[vector<16xi32>, vector<16xi32>], vector<16xi32>,
        %shift_left3A_2116 = arith.constant 16 : i32
        %shift_left3A_2117 = vector.broadcast %shift_left3A_2116 : i32 to vector<16xi32>
        %shift_left3A_2118 = arith.shli %gather3A_2115, %shift_left3A_2117 : vector<16xi32>
        %bitcast3A_2119 = vector.bitcast %shift_left3A_2118 : vector<16xi32> to vector<16xf32>
        %mul3A_2120 = arith.mulf %mul3A_1541, %bitcast3A_2119 : vector<16xf32>
        %add3A_2121 = arith.addf %add3A_2110, %mul3A_2120 : vector<16xf32>
        %and3A_2122 = arith.andi %gather3A_2115, %broadcast_in_dim3A_102 : vector<16xi32>
        %bitcast3A_2123 = vector.bitcast %and3A_2122 : vector<16xi32> to vector<16xf32>
        %mul3A_2124 = arith.mulf %mul3A_1541, %bitcast3A_2123 : vector<16xf32>
        %add3A_2125 = arith.addf %add3A_2114, %mul3A_2124 : vector<16xf32>
        %gather3A_2126 = tpu.vector_load_idx %arg17[%add3A_1560, %and3A_40] : memref<1664x16xi32, #tpu.memory_space<vmem>>[vector<16xi32>, vector<16xi32>], vector<16xi32>,
        %shift_left3A_2127 = arith.constant 16 : i32
        %shift_left3A_2128 = vector.broadcast %shift_left3A_2127 : i32 to vector<16xi32>
        %shift_left3A_2129 = arith.shli %gather3A_2126, %shift_left3A_2128 : vector<16xi32>
        %bitcast3A_2130 = vector.bitcast %shift_left3A_2129 : vector<16xi32> to vector<16xf32>
        %mul3A_2131 = arith.mulf %mul3A_1542, %bitcast3A_2130 : vector<16xf32>
        %add3A_2132 = arith.addf %add3A_2121, %mul3A_2131 : vector<16xf32>
        %and3A_2133 = arith.andi %gather3A_2126, %broadcast_in_dim3A_102 : vector<16xi32>
        %bitcast3A_2134 = vector.bitcast %and3A_2133 : vector<16xi32> to vector<16xf32>
        %mul3A_2135 = arith.mulf %mul3A_1542, %bitcast3A_2134 : vector<16xf32>
        %add3A_2136 = arith.addf %add3A_2125, %mul3A_2135 : vector<16xf32>
        %gather3A_2137 = tpu.vector_load_idx %arg17[%add3A_1563, %and3A_40] : memref<1664x16xi32, #tpu.memory_space<vmem>>[vector<16xi32>, vector<16xi32>], vector<16xi32>,
        %shift_left3A_2138 = arith.constant 16 : i32
        %shift_left3A_2139 = vector.broadcast %shift_left3A_2138 : i32 to vector<16xi32>
        %shift_left3A_2140 = arith.shli %gather3A_2137, %shift_left3A_2139 : vector<16xi32>
        %bitcast3A_2141 = vector.bitcast %shift_left3A_2140 : vector<16xi32> to vector<16xf32>
        %mul3A_2142 = arith.mulf %mul3A_1543, %bitcast3A_2141 : vector<16xf32>
        %add3A_2143 = arith.addf %add3A_2132, %mul3A_2142 : vector<16xf32>
        %and3A_2144 = arith.andi %gather3A_2137, %broadcast_in_dim3A_102 : vector<16xi32>
        %bitcast3A_2145 = vector.bitcast %and3A_2144 : vector<16xi32> to vector<16xf32>
        %mul3A_2146 = arith.mulf %mul3A_1543, %bitcast3A_2145 : vector<16xf32>
        %add3A_2147 = arith.addf %add3A_2136, %mul3A_2146 : vector<16xf32>
        %gather3A_2148 = tpu.vector_load_idx %arg17[%add3A_1566, %and3A_40] : memref<1664x16xi32, #tpu.memory_space<vmem>>[vector<16xi32>, vector<16xi32>], vector<16xi32>,
        %shift_left3A_2149 = arith.constant 16 : i32
        %shift_left3A_2150 = vector.broadcast %shift_left3A_2149 : i32 to vector<16xi32>
        %shift_left3A_2151 = arith.shli %gather3A_2148, %shift_left3A_2150 : vector<16xi32>
        %bitcast3A_2152 = vector.bitcast %shift_left3A_2151 : vector<16xi32> to vector<16xf32>
        %mul3A_2153 = arith.mulf %mul3A_1544, %bitcast3A_2152 : vector<16xf32>
        %add3A_2154 = arith.addf %add3A_2143, %mul3A_2153 : vector<16xf32>
        %and3A_2155 = arith.andi %gather3A_2148, %broadcast_in_dim3A_102 : vector<16xi32>
        %bitcast3A_2156 = vector.bitcast %and3A_2155 : vector<16xi32> to vector<16xf32>
        %mul3A_2157 = arith.mulf %mul3A_1544, %bitcast3A_2156 : vector<16xf32>
        %add3A_2158 = arith.addf %add3A_2147, %mul3A_2157 : vector<16xf32>
        %gather3A_2159 = tpu.vector_load_idx %arg17[%add3A_1569, %and3A_40] : memref<1664x16xi32, #tpu.memory_space<vmem>>[vector<16xi32>, vector<16xi32>], vector<16xi32>,
        %shift_left3A_2160 = arith.constant 16 : i32
        %shift_left3A_2161 = vector.broadcast %shift_left3A_2160 : i32 to vector<16xi32>
        %shift_left3A_2162 = arith.shli %gather3A_2159, %shift_left3A_2161 : vector<16xi32>
        %bitcast3A_2163 = vector.bitcast %shift_left3A_2162 : vector<16xi32> to vector<16xf32>
        %mul3A_2164 = arith.mulf %mul3A_1545, %bitcast3A_2163 : vector<16xf32>
        %add3A_2165 = arith.addf %add3A_2154, %mul3A_2164 : vector<16xf32>
        %and3A_2166 = arith.andi %gather3A_2159, %broadcast_in_dim3A_102 : vector<16xi32>
        %bitcast3A_2167 = vector.bitcast %and3A_2166 : vector<16xi32> to vector<16xf32>
        %mul3A_2168 = arith.mulf %mul3A_1545, %bitcast3A_2167 : vector<16xf32>
        %add3A_2169 = arith.addf %add3A_2158, %mul3A_2168 : vector<16xf32>
        %swap3A_2170 = arith.constant 160 : index
        %swap3A_2171 = tpu.vector_load %arg19[%swap3A_2170] {strides = array<i32>} : memref<512xf32, #tpu.memory_space<vmem>>, vector<16xf32>,
        tpu.vector_store %arg19[%swap3A_2170], %add3A_2165 {add = true, strides = array<i32>} : memref<512xf32, #tpu.memory_space<vmem>>, vector<16xf32>,
        %swap3A_2172 = arith.constant 176 : index
        %swap3A_2173 = tpu.vector_load %arg19[%swap3A_2172] {strides = array<i32>} : memref<512xf32, #tpu.memory_space<vmem>>, vector<16xf32>,
        tpu.vector_store %arg19[%swap3A_2172], %add3A_2169 {add = true, strides = array<i32>} : memref<512xf32, #tpu.memory_space<vmem>>, vector<16xf32>,
        %gather3A_2174 = tpu.vector_load_idx %arg18[%add3A_1326, %and3A_46] : memref<256x16xi32, #tpu.memory_space<vmem>>[vector<16xi32>, vector<16xi32>], vector<16xi32>,
        %shift_left3A_2175 = arith.constant 16 : i32
        %shift_left3A_2176 = vector.broadcast %shift_left3A_2175 : i32 to vector<16xi32>
        %shift_left3A_2177 = arith.shli %gather3A_2174, %shift_left3A_2176 : vector<16xi32>
        %bitcast3A_2178 = vector.bitcast %shift_left3A_2177 : vector<16xi32> to vector<16xf32>
        %mul3A_2179 = arith.mulf %mul3A_1537, %bitcast3A_2178 : vector<16xf32>
        %and3A_2180 = arith.andi %gather3A_2174, %broadcast_in_dim3A_102 : vector<16xi32>
        %bitcast3A_2181 = vector.bitcast %and3A_2180 : vector<16xi32> to vector<16xf32>
        %mul3A_2182 = arith.mulf %mul3A_1537, %bitcast3A_2181 : vector<16xf32>
        %gather3A_2183 = tpu.vector_load_idx %arg17[%add3A_1548, %and3A_46] : memref<1664x16xi32, #tpu.memory_space<vmem>>[vector<16xi32>, vector<16xi32>], vector<16xi32>,
        %shift_left3A_2184 = arith.constant 16 : i32
        %shift_left3A_2185 = vector.broadcast %shift_left3A_2184 : i32 to vector<16xi32>
        %shift_left3A_2186 = arith.shli %gather3A_2183, %shift_left3A_2185 : vector<16xi32>
        %bitcast3A_2187 = vector.bitcast %shift_left3A_2186 : vector<16xi32> to vector<16xf32>
        %mul3A_2188 = arith.mulf %mul3A_1538, %bitcast3A_2187 : vector<16xf32>
        %add3A_2189 = arith.addf %mul3A_2179, %mul3A_2188 : vector<16xf32>
        %and3A_2190 = arith.andi %gather3A_2183, %broadcast_in_dim3A_102 : vector<16xi32>
        %bitcast3A_2191 = vector.bitcast %and3A_2190 : vector<16xi32> to vector<16xf32>
        %mul3A_2192 = arith.mulf %mul3A_1538, %bitcast3A_2191 : vector<16xf32>
        %add3A_2193 = arith.addf %mul3A_2182, %mul3A_2192 : vector<16xf32>
        %gather3A_2194 = tpu.vector_load_idx %arg17[%add3A_1551, %and3A_46] : memref<1664x16xi32, #tpu.memory_space<vmem>>[vector<16xi32>, vector<16xi32>], vector<16xi32>,
        %shift_left3A_2195 = arith.constant 16 : i32
        %shift_left3A_2196 = vector.broadcast %shift_left3A_2195 : i32 to vector<16xi32>
        %shift_left3A_2197 = arith.shli %gather3A_2194, %shift_left3A_2196 : vector<16xi32>
        %bitcast3A_2198 = vector.bitcast %shift_left3A_2197 : vector<16xi32> to vector<16xf32>
        %mul3A_2199 = arith.mulf %mul3A_1539, %bitcast3A_2198 : vector<16xf32>
        %add3A_2200 = arith.addf %add3A_2189, %mul3A_2199 : vector<16xf32>
        %and3A_2201 = arith.andi %gather3A_2194, %broadcast_in_dim3A_102 : vector<16xi32>
        %bitcast3A_2202 = vector.bitcast %and3A_2201 : vector<16xi32> to vector<16xf32>
        %mul3A_2203 = arith.mulf %mul3A_1539, %bitcast3A_2202 : vector<16xf32>
        %add3A_2204 = arith.addf %add3A_2193, %mul3A_2203 : vector<16xf32>
        %gather3A_2205 = tpu.vector_load_idx %arg17[%add3A_1554, %and3A_46] : memref<1664x16xi32, #tpu.memory_space<vmem>>[vector<16xi32>, vector<16xi32>], vector<16xi32>,
        %shift_left3A_2206 = arith.constant 16 : i32
        %shift_left3A_2207 = vector.broadcast %shift_left3A_2206 : i32 to vector<16xi32>
        %shift_left3A_2208 = arith.shli %gather3A_2205, %shift_left3A_2207 : vector<16xi32>
        %bitcast3A_2209 = vector.bitcast %shift_left3A_2208 : vector<16xi32> to vector<16xf32>
        %mul3A_2210 = arith.mulf %mul3A_1540, %bitcast3A_2209 : vector<16xf32>
        %add3A_2211 = arith.addf %add3A_2200, %mul3A_2210 : vector<16xf32>
        %and3A_2212 = arith.andi %gather3A_2205, %broadcast_in_dim3A_102 : vector<16xi32>
        %bitcast3A_2213 = vector.bitcast %and3A_2212 : vector<16xi32> to vector<16xf32>
        %mul3A_2214 = arith.mulf %mul3A_1540, %bitcast3A_2213 : vector<16xf32>
        %add3A_2215 = arith.addf %add3A_2204, %mul3A_2214 : vector<16xf32>
        %gather3A_2216 = tpu.vector_load_idx %arg17[%add3A_1557, %and3A_46] : memref<1664x16xi32, #tpu.memory_space<vmem>>[vector<16xi32>, vector<16xi32>], vector<16xi32>,
        %shift_left3A_2217 = arith.constant 16 : i32
        %shift_left3A_2218 = vector.broadcast %shift_left3A_2217 : i32 to vector<16xi32>
        %shift_left3A_2219 = arith.shli %gather3A_2216, %shift_left3A_2218 : vector<16xi32>
        %bitcast3A_2220 = vector.bitcast %shift_left3A_2219 : vector<16xi32> to vector<16xf32>
        %mul3A_2221 = arith.mulf %mul3A_1541, %bitcast3A_2220 : vector<16xf32>
        %add3A_2222 = arith.addf %add3A_2211, %mul3A_2221 : vector<16xf32>
        %and3A_2223 = arith.andi %gather3A_2216, %broadcast_in_dim3A_102 : vector<16xi32>
        %bitcast3A_2224 = vector.bitcast %and3A_2223 : vector<16xi32> to vector<16xf32>
        %mul3A_2225 = arith.mulf %mul3A_1541, %bitcast3A_2224 : vector<16xf32>
        %add3A_2226 = arith.addf %add3A_2215, %mul3A_2225 : vector<16xf32>
        %gather3A_2227 = tpu.vector_load_idx %arg17[%add3A_1560, %and3A_46] : memref<1664x16xi32, #tpu.memory_space<vmem>>[vector<16xi32>, vector<16xi32>], vector<16xi32>,
        %shift_left3A_2228 = arith.constant 16 : i32
        %shift_left3A_2229 = vector.broadcast %shift_left3A_2228 : i32 to vector<16xi32>
        %shift_left3A_2230 = arith.shli %gather3A_2227, %shift_left3A_2229 : vector<16xi32>
        %bitcast3A_2231 = vector.bitcast %shift_left3A_2230 : vector<16xi32> to vector<16xf32>
        %mul3A_2232 = arith.mulf %mul3A_1542, %bitcast3A_2231 : vector<16xf32>
        %add3A_2233 = arith.addf %add3A_2222, %mul3A_2232 : vector<16xf32>
        %and3A_2234 = arith.andi %gather3A_2227, %broadcast_in_dim3A_102 : vector<16xi32>
        %bitcast3A_2235 = vector.bitcast %and3A_2234 : vector<16xi32> to vector<16xf32>
        %mul3A_2236 = arith.mulf %mul3A_1542, %bitcast3A_2235 : vector<16xf32>
        %add3A_2237 = arith.addf %add3A_2226, %mul3A_2236 : vector<16xf32>
        %gather3A_2238 = tpu.vector_load_idx %arg17[%add3A_1563, %and3A_46] : memref<1664x16xi32, #tpu.memory_space<vmem>>[vector<16xi32>, vector<16xi32>], vector<16xi32>,
        %shift_left3A_2239 = arith.constant 16 : i32
        %shift_left3A_2240 = vector.broadcast %shift_left3A_2239 : i32 to vector<16xi32>
        %shift_left3A_2241 = arith.shli %gather3A_2238, %shift_left3A_2240 : vector<16xi32>
        %bitcast3A_2242 = vector.bitcast %shift_left3A_2241 : vector<16xi32> to vector<16xf32>
        %mul3A_2243 = arith.mulf %mul3A_1543, %bitcast3A_2242 : vector<16xf32>
        %add3A_2244 = arith.addf %add3A_2233, %mul3A_2243 : vector<16xf32>
        %and3A_2245 = arith.andi %gather3A_2238, %broadcast_in_dim3A_102 : vector<16xi32>
        %bitcast3A_2246 = vector.bitcast %and3A_2245 : vector<16xi32> to vector<16xf32>
        %mul3A_2247 = arith.mulf %mul3A_1543, %bitcast3A_2246 : vector<16xf32>
        %add3A_2248 = arith.addf %add3A_2237, %mul3A_2247 : vector<16xf32>
        %gather3A_2249 = tpu.vector_load_idx %arg17[%add3A_1566, %and3A_46] : memref<1664x16xi32, #tpu.memory_space<vmem>>[vector<16xi32>, vector<16xi32>], vector<16xi32>,
        %shift_left3A_2250 = arith.constant 16 : i32
        %shift_left3A_2251 = vector.broadcast %shift_left3A_2250 : i32 to vector<16xi32>
        %shift_left3A_2252 = arith.shli %gather3A_2249, %shift_left3A_2251 : vector<16xi32>
        %bitcast3A_2253 = vector.bitcast %shift_left3A_2252 : vector<16xi32> to vector<16xf32>
        %mul3A_2254 = arith.mulf %mul3A_1544, %bitcast3A_2253 : vector<16xf32>
        %add3A_2255 = arith.addf %add3A_2244, %mul3A_2254 : vector<16xf32>
        %and3A_2256 = arith.andi %gather3A_2249, %broadcast_in_dim3A_102 : vector<16xi32>
        %bitcast3A_2257 = vector.bitcast %and3A_2256 : vector<16xi32> to vector<16xf32>
        %mul3A_2258 = arith.mulf %mul3A_1544, %bitcast3A_2257 : vector<16xf32>
        %add3A_2259 = arith.addf %add3A_2248, %mul3A_2258 : vector<16xf32>
        %gather3A_2260 = tpu.vector_load_idx %arg17[%add3A_1569, %and3A_46] : memref<1664x16xi32, #tpu.memory_space<vmem>>[vector<16xi32>, vector<16xi32>], vector<16xi32>,
        %shift_left3A_2261 = arith.constant 16 : i32
        %shift_left3A_2262 = vector.broadcast %shift_left3A_2261 : i32 to vector<16xi32>
        %shift_left3A_2263 = arith.shli %gather3A_2260, %shift_left3A_2262 : vector<16xi32>
        %bitcast3A_2264 = vector.bitcast %shift_left3A_2263 : vector<16xi32> to vector<16xf32>
        %mul3A_2265 = arith.mulf %mul3A_1545, %bitcast3A_2264 : vector<16xf32>
        %add3A_2266 = arith.addf %add3A_2255, %mul3A_2265 : vector<16xf32>
        %and3A_2267 = arith.andi %gather3A_2260, %broadcast_in_dim3A_102 : vector<16xi32>
        %bitcast3A_2268 = vector.bitcast %and3A_2267 : vector<16xi32> to vector<16xf32>
        %mul3A_2269 = arith.mulf %mul3A_1545, %bitcast3A_2268 : vector<16xf32>
        %add3A_2270 = arith.addf %add3A_2259, %mul3A_2269 : vector<16xf32>
        %swap3A_2271 = arith.constant 192 : index
        %swap3A_2272 = tpu.vector_load %arg19[%swap3A_2271] {strides = array<i32>} : memref<512xf32, #tpu.memory_space<vmem>>, vector<16xf32>,
        tpu.vector_store %arg19[%swap3A_2271], %add3A_2266 {add = true, strides = array<i32>} : memref<512xf32, #tpu.memory_space<vmem>>, vector<16xf32>,
        %swap3A_2273 = arith.constant 208 : index
        %swap3A_2274 = tpu.vector_load %arg19[%swap3A_2273] {strides = array<i32>} : memref<512xf32, #tpu.memory_space<vmem>>, vector<16xf32>,
        tpu.vector_store %arg19[%swap3A_2273], %add3A_2270 {add = true, strides = array<i32>} : memref<512xf32, #tpu.memory_space<vmem>>, vector<16xf32>,
        %gather3A_2275 = tpu.vector_load_idx %arg18[%add3A_1326, %and3A_52] : memref<256x16xi32, #tpu.memory_space<vmem>>[vector<16xi32>, vector<16xi32>], vector<16xi32>,
        %shift_left3A_2276 = arith.constant 16 : i32
        %shift_left3A_2277 = vector.broadcast %shift_left3A_2276 : i32 to vector<16xi32>
        %shift_left3A_2278 = arith.shli %gather3A_2275, %shift_left3A_2277 : vector<16xi32>
        %bitcast3A_2279 = vector.bitcast %shift_left3A_2278 : vector<16xi32> to vector<16xf32>
        %mul3A_2280 = arith.mulf %mul3A_1537, %bitcast3A_2279 : vector<16xf32>
        %and3A_2281 = arith.andi %gather3A_2275, %broadcast_in_dim3A_102 : vector<16xi32>
        %bitcast3A_2282 = vector.bitcast %and3A_2281 : vector<16xi32> to vector<16xf32>
        %mul3A_2283 = arith.mulf %mul3A_1537, %bitcast3A_2282 : vector<16xf32>
        %gather3A_2284 = tpu.vector_load_idx %arg17[%add3A_1548, %and3A_52] : memref<1664x16xi32, #tpu.memory_space<vmem>>[vector<16xi32>, vector<16xi32>], vector<16xi32>,
        %shift_left3A_2285 = arith.constant 16 : i32
        %shift_left3A_2286 = vector.broadcast %shift_left3A_2285 : i32 to vector<16xi32>
        %shift_left3A_2287 = arith.shli %gather3A_2284, %shift_left3A_2286 : vector<16xi32>
        %bitcast3A_2288 = vector.bitcast %shift_left3A_2287 : vector<16xi32> to vector<16xf32>
        %mul3A_2289 = arith.mulf %mul3A_1538, %bitcast3A_2288 : vector<16xf32>
        %add3A_2290 = arith.addf %mul3A_2280, %mul3A_2289 : vector<16xf32>
        %and3A_2291 = arith.andi %gather3A_2284, %broadcast_in_dim3A_102 : vector<16xi32>
        %bitcast3A_2292 = vector.bitcast %and3A_2291 : vector<16xi32> to vector<16xf32>
        %mul3A_2293 = arith.mulf %mul3A_1538, %bitcast3A_2292 : vector<16xf32>
        %add3A_2294 = arith.addf %mul3A_2283, %mul3A_2293 : vector<16xf32>
        %gather3A_2295 = tpu.vector_load_idx %arg17[%add3A_1551, %and3A_52] : memref<1664x16xi32, #tpu.memory_space<vmem>>[vector<16xi32>, vector<16xi32>], vector<16xi32>,
        %shift_left3A_2296 = arith.constant 16 : i32
        %shift_left3A_2297 = vector.broadcast %shift_left3A_2296 : i32 to vector<16xi32>
        %shift_left3A_2298 = arith.shli %gather3A_2295, %shift_left3A_2297 : vector<16xi32>
        %bitcast3A_2299 = vector.bitcast %shift_left3A_2298 : vector<16xi32> to vector<16xf32>
        %mul3A_2300 = arith.mulf %mul3A_1539, %bitcast3A_2299 : vector<16xf32>
        %add3A_2301 = arith.addf %add3A_2290, %mul3A_2300 : vector<16xf32>
        %and3A_2302 = arith.andi %gather3A_2295, %broadcast_in_dim3A_102 : vector<16xi32>
        %bitcast3A_2303 = vector.bitcast %and3A_2302 : vector<16xi32> to vector<16xf32>
        %mul3A_2304 = arith.mulf %mul3A_1539, %bitcast3A_2303 : vector<16xf32>
        %add3A_2305 = arith.addf %add3A_2294, %mul3A_2304 : vector<16xf32>
        %gather3A_2306 = tpu.vector_load_idx %arg17[%add3A_1554, %and3A_52] : memref<1664x16xi32, #tpu.memory_space<vmem>>[vector<16xi32>, vector<16xi32>], vector<16xi32>,
        %shift_left3A_2307 = arith.constant 16 : i32
        %shift_left3A_2308 = vector.broadcast %shift_left3A_2307 : i32 to vector<16xi32>
        %shift_left3A_2309 = arith.shli %gather3A_2306, %shift_left3A_2308 : vector<16xi32>
        %bitcast3A_2310 = vector.bitcast %shift_left3A_2309 : vector<16xi32> to vector<16xf32>
        %mul3A_2311 = arith.mulf %mul3A_1540, %bitcast3A_2310 : vector<16xf32>
        %add3A_2312 = arith.addf %add3A_2301, %mul3A_2311 : vector<16xf32>
        %and3A_2313 = arith.andi %gather3A_2306, %broadcast_in_dim3A_102 : vector<16xi32>
        %bitcast3A_2314 = vector.bitcast %and3A_2313 : vector<16xi32> to vector<16xf32>
        %mul3A_2315 = arith.mulf %mul3A_1540, %bitcast3A_2314 : vector<16xf32>
        %add3A_2316 = arith.addf %add3A_2305, %mul3A_2315 : vector<16xf32>
        %gather3A_2317 = tpu.vector_load_idx %arg17[%add3A_1557, %and3A_52] : memref<1664x16xi32, #tpu.memory_space<vmem>>[vector<16xi32>, vector<16xi32>], vector<16xi32>,
        %shift_left3A_2318 = arith.constant 16 : i32
        %shift_left3A_2319 = vector.broadcast %shift_left3A_2318 : i32 to vector<16xi32>
        %shift_left3A_2320 = arith.shli %gather3A_2317, %shift_left3A_2319 : vector<16xi32>
        %bitcast3A_2321 = vector.bitcast %shift_left3A_2320 : vector<16xi32> to vector<16xf32>
        %mul3A_2322 = arith.mulf %mul3A_1541, %bitcast3A_2321 : vector<16xf32>
        %add3A_2323 = arith.addf %add3A_2312, %mul3A_2322 : vector<16xf32>
        %and3A_2324 = arith.andi %gather3A_2317, %broadcast_in_dim3A_102 : vector<16xi32>
        %bitcast3A_2325 = vector.bitcast %and3A_2324 : vector<16xi32> to vector<16xf32>
        %mul3A_2326 = arith.mulf %mul3A_1541, %bitcast3A_2325 : vector<16xf32>
        %add3A_2327 = arith.addf %add3A_2316, %mul3A_2326 : vector<16xf32>
        %gather3A_2328 = tpu.vector_load_idx %arg17[%add3A_1560, %and3A_52] : memref<1664x16xi32, #tpu.memory_space<vmem>>[vector<16xi32>, vector<16xi32>], vector<16xi32>,
        %shift_left3A_2329 = arith.constant 16 : i32
        %shift_left3A_2330 = vector.broadcast %shift_left3A_2329 : i32 to vector<16xi32>
        %shift_left3A_2331 = arith.shli %gather3A_2328, %shift_left3A_2330 : vector<16xi32>
        %bitcast3A_2332 = vector.bitcast %shift_left3A_2331 : vector<16xi32> to vector<16xf32>
        %mul3A_2333 = arith.mulf %mul3A_1542, %bitcast3A_2332 : vector<16xf32>
        %add3A_2334 = arith.addf %add3A_2323, %mul3A_2333 : vector<16xf32>
        %and3A_2335 = arith.andi %gather3A_2328, %broadcast_in_dim3A_102 : vector<16xi32>
        %bitcast3A_2336 = vector.bitcast %and3A_2335 : vector<16xi32> to vector<16xf32>
        %mul3A_2337 = arith.mulf %mul3A_1542, %bitcast3A_2336 : vector<16xf32>
        %add3A_2338 = arith.addf %add3A_2327, %mul3A_2337 : vector<16xf32>
        %gather3A_2339 = tpu.vector_load_idx %arg17[%add3A_1563, %and3A_52] : memref<1664x16xi32, #tpu.memory_space<vmem>>[vector<16xi32>, vector<16xi32>], vector<16xi32>,
        %shift_left3A_2340 = arith.constant 16 : i32
        %shift_left3A_2341 = vector.broadcast %shift_left3A_2340 : i32 to vector<16xi32>
        %shift_left3A_2342 = arith.shli %gather3A_2339, %shift_left3A_2341 : vector<16xi32>
        %bitcast3A_2343 = vector.bitcast %shift_left3A_2342 : vector<16xi32> to vector<16xf32>
        %mul3A_2344 = arith.mulf %mul3A_1543, %bitcast3A_2343 : vector<16xf32>
        %add3A_2345 = arith.addf %add3A_2334, %mul3A_2344 : vector<16xf32>
        %and3A_2346 = arith.andi %gather3A_2339, %broadcast_in_dim3A_102 : vector<16xi32>
        %bitcast3A_2347 = vector.bitcast %and3A_2346 : vector<16xi32> to vector<16xf32>
        %mul3A_2348 = arith.mulf %mul3A_1543, %bitcast3A_2347 : vector<16xf32>
        %add3A_2349 = arith.addf %add3A_2338, %mul3A_2348 : vector<16xf32>
        %gather3A_2350 = tpu.vector_load_idx %arg17[%add3A_1566, %and3A_52] : memref<1664x16xi32, #tpu.memory_space<vmem>>[vector<16xi32>, vector<16xi32>], vector<16xi32>,
        %shift_left3A_2351 = arith.constant 16 : i32
        %shift_left3A_2352 = vector.broadcast %shift_left3A_2351 : i32 to vector<16xi32>
        %shift_left3A_2353 = arith.shli %gather3A_2350, %shift_left3A_2352 : vector<16xi32>
        %bitcast3A_2354 = vector.bitcast %shift_left3A_2353 : vector<16xi32> to vector<16xf32>
        %mul3A_2355 = arith.mulf %mul3A_1544, %bitcast3A_2354 : vector<16xf32>
        %add3A_2356 = arith.addf %add3A_2345, %mul3A_2355 : vector<16xf32>
        %and3A_2357 = arith.andi %gather3A_2350, %broadcast_in_dim3A_102 : vector<16xi32>
        %bitcast3A_2358 = vector.bitcast %and3A_2357 : vector<16xi32> to vector<16xf32>
        %mul3A_2359 = arith.mulf %mul3A_1544, %bitcast3A_2358 : vector<16xf32>
        %add3A_2360 = arith.addf %add3A_2349, %mul3A_2359 : vector<16xf32>
        %gather3A_2361 = tpu.vector_load_idx %arg17[%add3A_1569, %and3A_52] : memref<1664x16xi32, #tpu.memory_space<vmem>>[vector<16xi32>, vector<16xi32>], vector<16xi32>,
        %shift_left3A_2362 = arith.constant 16 : i32
        %shift_left3A_2363 = vector.broadcast %shift_left3A_2362 : i32 to vector<16xi32>
        %shift_left3A_2364 = arith.shli %gather3A_2361, %shift_left3A_2363 : vector<16xi32>
        %bitcast3A_2365 = vector.bitcast %shift_left3A_2364 : vector<16xi32> to vector<16xf32>
        %mul3A_2366 = arith.mulf %mul3A_1545, %bitcast3A_2365 : vector<16xf32>
        %add3A_2367 = arith.addf %add3A_2356, %mul3A_2366 : vector<16xf32>
        %and3A_2368 = arith.andi %gather3A_2361, %broadcast_in_dim3A_102 : vector<16xi32>
        %bitcast3A_2369 = vector.bitcast %and3A_2368 : vector<16xi32> to vector<16xf32>
        %mul3A_2370 = arith.mulf %mul3A_1545, %bitcast3A_2369 : vector<16xf32>
        %add3A_2371 = arith.addf %add3A_2360, %mul3A_2370 : vector<16xf32>
        %swap3A_2372 = arith.constant 224 : index
        %swap3A_2373 = tpu.vector_load %arg19[%swap3A_2372] {strides = array<i32>} : memref<512xf32, #tpu.memory_space<vmem>>, vector<16xf32>,
        tpu.vector_store %arg19[%swap3A_2372], %add3A_2367 {add = true, strides = array<i32>} : memref<512xf32, #tpu.memory_space<vmem>>, vector<16xf32>,
        %swap3A_2374 = arith.constant 240 : index
        %swap3A_2375 = tpu.vector_load %arg19[%swap3A_2374] {strides = array<i32>} : memref<512xf32, #tpu.memory_space<vmem>>, vector<16xf32>,
        tpu.vector_store %arg19[%swap3A_2374], %add3A_2371 {add = true, strides = array<i32>} : memref<512xf32, #tpu.memory_space<vmem>>, vector<16xf32>,
        %gather3A_2376 = tpu.vector_load_idx %arg18[%add3A_1326, %and3A_58] : memref<256x16xi32, #tpu.memory_space<vmem>>[vector<16xi32>, vector<16xi32>], vector<16xi32>,
        %shift_left3A_2377 = arith.constant 16 : i32
        %shift_left3A_2378 = vector.broadcast %shift_left3A_2377 : i32 to vector<16xi32>
        %shift_left3A_2379 = arith.shli %gather3A_2376, %shift_left3A_2378 : vector<16xi32>
        %bitcast3A_2380 = vector.bitcast %shift_left3A_2379 : vector<16xi32> to vector<16xf32>
        %mul3A_2381 = arith.mulf %mul3A_1537, %bitcast3A_2380 : vector<16xf32>
        %and3A_2382 = arith.andi %gather3A_2376, %broadcast_in_dim3A_102 : vector<16xi32>
        %bitcast3A_2383 = vector.bitcast %and3A_2382 : vector<16xi32> to vector<16xf32>
        %mul3A_2384 = arith.mulf %mul3A_1537, %bitcast3A_2383 : vector<16xf32>
        %gather3A_2385 = tpu.vector_load_idx %arg17[%add3A_1548, %and3A_58] : memref<1664x16xi32, #tpu.memory_space<vmem>>[vector<16xi32>, vector<16xi32>], vector<16xi32>,
        %shift_left3A_2386 = arith.constant 16 : i32
        %shift_left3A_2387 = vector.broadcast %shift_left3A_2386 : i32 to vector<16xi32>
        %shift_left3A_2388 = arith.shli %gather3A_2385, %shift_left3A_2387 : vector<16xi32>
        %bitcast3A_2389 = vector.bitcast %shift_left3A_2388 : vector<16xi32> to vector<16xf32>
        %mul3A_2390 = arith.mulf %mul3A_1538, %bitcast3A_2389 : vector<16xf32>
        %add3A_2391 = arith.addf %mul3A_2381, %mul3A_2390 : vector<16xf32>
        %and3A_2392 = arith.andi %gather3A_2385, %broadcast_in_dim3A_102 : vector<16xi32>
        %bitcast3A_2393 = vector.bitcast %and3A_2392 : vector<16xi32> to vector<16xf32>
        %mul3A_2394 = arith.mulf %mul3A_1538, %bitcast3A_2393 : vector<16xf32>
        %add3A_2395 = arith.addf %mul3A_2384, %mul3A_2394 : vector<16xf32>
        %gather3A_2396 = tpu.vector_load_idx %arg17[%add3A_1551, %and3A_58] : memref<1664x16xi32, #tpu.memory_space<vmem>>[vector<16xi32>, vector<16xi32>], vector<16xi32>,
        %shift_left3A_2397 = arith.constant 16 : i32
        %shift_left3A_2398 = vector.broadcast %shift_left3A_2397 : i32 to vector<16xi32>
        %shift_left3A_2399 = arith.shli %gather3A_2396, %shift_left3A_2398 : vector<16xi32>
        %bitcast3A_2400 = vector.bitcast %shift_left3A_2399 : vector<16xi32> to vector<16xf32>
        %mul3A_2401 = arith.mulf %mul3A_1539, %bitcast3A_2400 : vector<16xf32>
        %add3A_2402 = arith.addf %add3A_2391, %mul3A_2401 : vector<16xf32>
        %and3A_2403 = arith.andi %gather3A_2396, %broadcast_in_dim3A_102 : vector<16xi32>
        %bitcast3A_2404 = vector.bitcast %and3A_2403 : vector<16xi32> to vector<16xf32>
        %mul3A_2405 = arith.mulf %mul3A_1539, %bitcast3A_2404 : vector<16xf32>
        %add3A_2406 = arith.addf %add3A_2395, %mul3A_2405 : vector<16xf32>
        %gather3A_2407 = tpu.vector_load_idx %arg17[%add3A_1554, %and3A_58] : memref<1664x16xi32, #tpu.memory_space<vmem>>[vector<16xi32>, vector<16xi32>], vector<16xi32>,
        %shift_left3A_2408 = arith.constant 16 : i32
        %shift_left3A_2409 = vector.broadcast %shift_left3A_2408 : i32 to vector<16xi32>
        %shift_left3A_2410 = arith.shli %gather3A_2407, %shift_left3A_2409 : vector<16xi32>
        %bitcast3A_2411 = vector.bitcast %shift_left3A_2410 : vector<16xi32> to vector<16xf32>
        %mul3A_2412 = arith.mulf %mul3A_1540, %bitcast3A_2411 : vector<16xf32>
        %add3A_2413 = arith.addf %add3A_2402, %mul3A_2412 : vector<16xf32>
        %and3A_2414 = arith.andi %gather3A_2407, %broadcast_in_dim3A_102 : vector<16xi32>
        %bitcast3A_2415 = vector.bitcast %and3A_2414 : vector<16xi32> to vector<16xf32>
        %mul3A_2416 = arith.mulf %mul3A_1540, %bitcast3A_2415 : vector<16xf32>
        %add3A_2417 = arith.addf %add3A_2406, %mul3A_2416 : vector<16xf32>
        %gather3A_2418 = tpu.vector_load_idx %arg17[%add3A_1557, %and3A_58] : memref<1664x16xi32, #tpu.memory_space<vmem>>[vector<16xi32>, vector<16xi32>], vector<16xi32>,
        %shift_left3A_2419 = arith.constant 16 : i32
        %shift_left3A_2420 = vector.broadcast %shift_left3A_2419 : i32 to vector<16xi32>
        %shift_left3A_2421 = arith.shli %gather3A_2418, %shift_left3A_2420 : vector<16xi32>
        %bitcast3A_2422 = vector.bitcast %shift_left3A_2421 : vector<16xi32> to vector<16xf32>
        %mul3A_2423 = arith.mulf %mul3A_1541, %bitcast3A_2422 : vector<16xf32>
        %add3A_2424 = arith.addf %add3A_2413, %mul3A_2423 : vector<16xf32>
        %and3A_2425 = arith.andi %gather3A_2418, %broadcast_in_dim3A_102 : vector<16xi32>
        %bitcast3A_2426 = vector.bitcast %and3A_2425 : vector<16xi32> to vector<16xf32>
        %mul3A_2427 = arith.mulf %mul3A_1541, %bitcast3A_2426 : vector<16xf32>
        %add3A_2428 = arith.addf %add3A_2417, %mul3A_2427 : vector<16xf32>
        %gather3A_2429 = tpu.vector_load_idx %arg17[%add3A_1560, %and3A_58] : memref<1664x16xi32, #tpu.memory_space<vmem>>[vector<16xi32>, vector<16xi32>], vector<16xi32>,
        %shift_left3A_2430 = arith.constant 16 : i32
        %shift_left3A_2431 = vector.broadcast %shift_left3A_2430 : i32 to vector<16xi32>
        %shift_left3A_2432 = arith.shli %gather3A_2429, %shift_left3A_2431 : vector<16xi32>
        %bitcast3A_2433 = vector.bitcast %shift_left3A_2432 : vector<16xi32> to vector<16xf32>
        %mul3A_2434 = arith.mulf %mul3A_1542, %bitcast3A_2433 : vector<16xf32>
        %add3A_2435 = arith.addf %add3A_2424, %mul3A_2434 : vector<16xf32>
        %and3A_2436 = arith.andi %gather3A_2429, %broadcast_in_dim3A_102 : vector<16xi32>
        %bitcast3A_2437 = vector.bitcast %and3A_2436 : vector<16xi32> to vector<16xf32>
        %mul3A_2438 = arith.mulf %mul3A_1542, %bitcast3A_2437 : vector<16xf32>
        %add3A_2439 = arith.addf %add3A_2428, %mul3A_2438 : vector<16xf32>
        %gather3A_2440 = tpu.vector_load_idx %arg17[%add3A_1563, %and3A_58] : memref<1664x16xi32, #tpu.memory_space<vmem>>[vector<16xi32>, vector<16xi32>], vector<16xi32>,
        %shift_left3A_2441 = arith.constant 16 : i32
        %shift_left3A_2442 = vector.broadcast %shift_left3A_2441 : i32 to vector<16xi32>
        %shift_left3A_2443 = arith.shli %gather3A_2440, %shift_left3A_2442 : vector<16xi32>
        %bitcast3A_2444 = vector.bitcast %shift_left3A_2443 : vector<16xi32> to vector<16xf32>
        %mul3A_2445 = arith.mulf %mul3A_1543, %bitcast3A_2444 : vector<16xf32>
        %add3A_2446 = arith.addf %add3A_2435, %mul3A_2445 : vector<16xf32>
        %and3A_2447 = arith.andi %gather3A_2440, %broadcast_in_dim3A_102 : vector<16xi32>
        %bitcast3A_2448 = vector.bitcast %and3A_2447 : vector<16xi32> to vector<16xf32>
        %mul3A_2449 = arith.mulf %mul3A_1543, %bitcast3A_2448 : vector<16xf32>
        %add3A_2450 = arith.addf %add3A_2439, %mul3A_2449 : vector<16xf32>
        %gather3A_2451 = tpu.vector_load_idx %arg17[%add3A_1566, %and3A_58] : memref<1664x16xi32, #tpu.memory_space<vmem>>[vector<16xi32>, vector<16xi32>], vector<16xi32>,
        %shift_left3A_2452 = arith.constant 16 : i32
        %shift_left3A_2453 = vector.broadcast %shift_left3A_2452 : i32 to vector<16xi32>
        %shift_left3A_2454 = arith.shli %gather3A_2451, %shift_left3A_2453 : vector<16xi32>
        %bitcast3A_2455 = vector.bitcast %shift_left3A_2454 : vector<16xi32> to vector<16xf32>
        %mul3A_2456 = arith.mulf %mul3A_1544, %bitcast3A_2455 : vector<16xf32>
        %add3A_2457 = arith.addf %add3A_2446, %mul3A_2456 : vector<16xf32>
        %and3A_2458 = arith.andi %gather3A_2451, %broadcast_in_dim3A_102 : vector<16xi32>
        %bitcast3A_2459 = vector.bitcast %and3A_2458 : vector<16xi32> to vector<16xf32>
        %mul3A_2460 = arith.mulf %mul3A_1544, %bitcast3A_2459 : vector<16xf32>
        %add3A_2461 = arith.addf %add3A_2450, %mul3A_2460 : vector<16xf32>
        %gather3A_2462 = tpu.vector_load_idx %arg17[%add3A_1569, %and3A_58] : memref<1664x16xi32, #tpu.memory_space<vmem>>[vector<16xi32>, vector<16xi32>], vector<16xi32>,
        %shift_left3A_2463 = arith.constant 16 : i32
        %shift_left3A_2464 = vector.broadcast %shift_left3A_2463 : i32 to vector<16xi32>
        %shift_left3A_2465 = arith.shli %gather3A_2462, %shift_left3A_2464 : vector<16xi32>
        %bitcast3A_2466 = vector.bitcast %shift_left3A_2465 : vector<16xi32> to vector<16xf32>
        %mul3A_2467 = arith.mulf %mul3A_1545, %bitcast3A_2466 : vector<16xf32>
        %add3A_2468 = arith.addf %add3A_2457, %mul3A_2467 : vector<16xf32>
        %and3A_2469 = arith.andi %gather3A_2462, %broadcast_in_dim3A_102 : vector<16xi32>
        %bitcast3A_2470 = vector.bitcast %and3A_2469 : vector<16xi32> to vector<16xf32>
        %mul3A_2471 = arith.mulf %mul3A_1545, %bitcast3A_2470 : vector<16xf32>
        %add3A_2472 = arith.addf %add3A_2461, %mul3A_2471 : vector<16xf32>
        %swap3A_2473 = arith.constant 256 : index
        %swap3A_2474 = tpu.vector_load %arg19[%swap3A_2473] {strides = array<i32>} : memref<512xf32, #tpu.memory_space<vmem>>, vector<16xf32>,
        tpu.vector_store %arg19[%swap3A_2473], %add3A_2468 {add = true, strides = array<i32>} : memref<512xf32, #tpu.memory_space<vmem>>, vector<16xf32>,
        %swap3A_2475 = arith.constant 272 : index
        %swap3A_2476 = tpu.vector_load %arg19[%swap3A_2475] {strides = array<i32>} : memref<512xf32, #tpu.memory_space<vmem>>, vector<16xf32>,
        tpu.vector_store %arg19[%swap3A_2475], %add3A_2472 {add = true, strides = array<i32>} : memref<512xf32, #tpu.memory_space<vmem>>, vector<16xf32>,
        %gather3A_2477 = tpu.vector_load_idx %arg18[%add3A_1326, %and3A_64] : memref<256x16xi32, #tpu.memory_space<vmem>>[vector<16xi32>, vector<16xi32>], vector<16xi32>,
        %shift_left3A_2478 = arith.constant 16 : i32
        %shift_left3A_2479 = vector.broadcast %shift_left3A_2478 : i32 to vector<16xi32>
        %shift_left3A_2480 = arith.shli %gather3A_2477, %shift_left3A_2479 : vector<16xi32>
        %bitcast3A_2481 = vector.bitcast %shift_left3A_2480 : vector<16xi32> to vector<16xf32>
        %mul3A_2482 = arith.mulf %mul3A_1537, %bitcast3A_2481 : vector<16xf32>
        %and3A_2483 = arith.andi %gather3A_2477, %broadcast_in_dim3A_102 : vector<16xi32>
        %bitcast3A_2484 = vector.bitcast %and3A_2483 : vector<16xi32> to vector<16xf32>
        %mul3A_2485 = arith.mulf %mul3A_1537, %bitcast3A_2484 : vector<16xf32>
        %gather3A_2486 = tpu.vector_load_idx %arg17[%add3A_1548, %and3A_64] : memref<1664x16xi32, #tpu.memory_space<vmem>>[vector<16xi32>, vector<16xi32>], vector<16xi32>,
        %shift_left3A_2487 = arith.constant 16 : i32
        %shift_left3A_2488 = vector.broadcast %shift_left3A_2487 : i32 to vector<16xi32>
        %shift_left3A_2489 = arith.shli %gather3A_2486, %shift_left3A_2488 : vector<16xi32>
        %bitcast3A_2490 = vector.bitcast %shift_left3A_2489 : vector<16xi32> to vector<16xf32>
        %mul3A_2491 = arith.mulf %mul3A_1538, %bitcast3A_2490 : vector<16xf32>
        %add3A_2492 = arith.addf %mul3A_2482, %mul3A_2491 : vector<16xf32>
        %and3A_2493 = arith.andi %gather3A_2486, %broadcast_in_dim3A_102 : vector<16xi32>
        %bitcast3A_2494 = vector.bitcast %and3A_2493 : vector<16xi32> to vector<16xf32>
        %mul3A_2495 = arith.mulf %mul3A_1538, %bitcast3A_2494 : vector<16xf32>
        %add3A_2496 = arith.addf %mul3A_2485, %mul3A_2495 : vector<16xf32>
        %gather3A_2497 = tpu.vector_load_idx %arg17[%add3A_1551, %and3A_64] : memref<1664x16xi32, #tpu.memory_space<vmem>>[vector<16xi32>, vector<16xi32>], vector<16xi32>,
        %shift_left3A_2498 = arith.constant 16 : i32
        %shift_left3A_2499 = vector.broadcast %shift_left3A_2498 : i32 to vector<16xi32>
        %shift_left3A_2500 = arith.shli %gather3A_2497, %shift_left3A_2499 : vector<16xi32>
        %bitcast3A_2501 = vector.bitcast %shift_left3A_2500 : vector<16xi32> to vector<16xf32>
        %mul3A_2502 = arith.mulf %mul3A_1539, %bitcast3A_2501 : vector<16xf32>
        %add3A_2503 = arith.addf %add3A_2492, %mul3A_2502 : vector<16xf32>
        %and3A_2504 = arith.andi %gather3A_2497, %broadcast_in_dim3A_102 : vector<16xi32>
        %bitcast3A_2505 = vector.bitcast %and3A_2504 : vector<16xi32> to vector<16xf32>
        %mul3A_2506 = arith.mulf %mul3A_1539, %bitcast3A_2505 : vector<16xf32>
        %add3A_2507 = arith.addf %add3A_2496, %mul3A_2506 : vector<16xf32>
        %gather3A_2508 = tpu.vector_load_idx %arg17[%add3A_1554, %and3A_64] : memref<1664x16xi32, #tpu.memory_space<vmem>>[vector<16xi32>, vector<16xi32>], vector<16xi32>,
        %shift_left3A_2509 = arith.constant 16 : i32
        %shift_left3A_2510 = vector.broadcast %shift_left3A_2509 : i32 to vector<16xi32>
        %shift_left3A_2511 = arith.shli %gather3A_2508, %shift_left3A_2510 : vector<16xi32>
        %bitcast3A_2512 = vector.bitcast %shift_left3A_2511 : vector<16xi32> to vector<16xf32>
        %mul3A_2513 = arith.mulf %mul3A_1540, %bitcast3A_2512 : vector<16xf32>
        %add3A_2514 = arith.addf %add3A_2503, %mul3A_2513 : vector<16xf32>
        %and3A_2515 = arith.andi %gather3A_2508, %broadcast_in_dim3A_102 : vector<16xi32>
        %bitcast3A_2516 = vector.bitcast %and3A_2515 : vector<16xi32> to vector<16xf32>
        %mul3A_2517 = arith.mulf %mul3A_1540, %bitcast3A_2516 : vector<16xf32>
        %add3A_2518 = arith.addf %add3A_2507, %mul3A_2517 : vector<16xf32>
        %gather3A_2519 = tpu.vector_load_idx %arg17[%add3A_1557, %and3A_64] : memref<1664x16xi32, #tpu.memory_space<vmem>>[vector<16xi32>, vector<16xi32>], vector<16xi32>,
        %shift_left3A_2520 = arith.constant 16 : i32
        %shift_left3A_2521 = vector.broadcast %shift_left3A_2520 : i32 to vector<16xi32>
        %shift_left3A_2522 = arith.shli %gather3A_2519, %shift_left3A_2521 : vector<16xi32>
        %bitcast3A_2523 = vector.bitcast %shift_left3A_2522 : vector<16xi32> to vector<16xf32>
        %mul3A_2524 = arith.mulf %mul3A_1541, %bitcast3A_2523 : vector<16xf32>
        %add3A_2525 = arith.addf %add3A_2514, %mul3A_2524 : vector<16xf32>
        %and3A_2526 = arith.andi %gather3A_2519, %broadcast_in_dim3A_102 : vector<16xi32>
        %bitcast3A_2527 = vector.bitcast %and3A_2526 : vector<16xi32> to vector<16xf32>
        %mul3A_2528 = arith.mulf %mul3A_1541, %bitcast3A_2527 : vector<16xf32>
        %add3A_2529 = arith.addf %add3A_2518, %mul3A_2528 : vector<16xf32>
        %gather3A_2530 = tpu.vector_load_idx %arg17[%add3A_1560, %and3A_64] : memref<1664x16xi32, #tpu.memory_space<vmem>>[vector<16xi32>, vector<16xi32>], vector<16xi32>,
        %shift_left3A_2531 = arith.constant 16 : i32
        %shift_left3A_2532 = vector.broadcast %shift_left3A_2531 : i32 to vector<16xi32>
        %shift_left3A_2533 = arith.shli %gather3A_2530, %shift_left3A_2532 : vector<16xi32>
        %bitcast3A_2534 = vector.bitcast %shift_left3A_2533 : vector<16xi32> to vector<16xf32>
        %mul3A_2535 = arith.mulf %mul3A_1542, %bitcast3A_2534 : vector<16xf32>
        %add3A_2536 = arith.addf %add3A_2525, %mul3A_2535 : vector<16xf32>
        %and3A_2537 = arith.andi %gather3A_2530, %broadcast_in_dim3A_102 : vector<16xi32>
        %bitcast3A_2538 = vector.bitcast %and3A_2537 : vector<16xi32> to vector<16xf32>
        %mul3A_2539 = arith.mulf %mul3A_1542, %bitcast3A_2538 : vector<16xf32>
        %add3A_2540 = arith.addf %add3A_2529, %mul3A_2539 : vector<16xf32>
        %gather3A_2541 = tpu.vector_load_idx %arg17[%add3A_1563, %and3A_64] : memref<1664x16xi32, #tpu.memory_space<vmem>>[vector<16xi32>, vector<16xi32>], vector<16xi32>,
        %shift_left3A_2542 = arith.constant 16 : i32
        %shift_left3A_2543 = vector.broadcast %shift_left3A_2542 : i32 to vector<16xi32>
        %shift_left3A_2544 = arith.shli %gather3A_2541, %shift_left3A_2543 : vector<16xi32>
        %bitcast3A_2545 = vector.bitcast %shift_left3A_2544 : vector<16xi32> to vector<16xf32>
        %mul3A_2546 = arith.mulf %mul3A_1543, %bitcast3A_2545 : vector<16xf32>
        %add3A_2547 = arith.addf %add3A_2536, %mul3A_2546 : vector<16xf32>
        %and3A_2548 = arith.andi %gather3A_2541, %broadcast_in_dim3A_102 : vector<16xi32>
        %bitcast3A_2549 = vector.bitcast %and3A_2548 : vector<16xi32> to vector<16xf32>
        %mul3A_2550 = arith.mulf %mul3A_1543, %bitcast3A_2549 : vector<16xf32>
        %add3A_2551 = arith.addf %add3A_2540, %mul3A_2550 : vector<16xf32>
        %gather3A_2552 = tpu.vector_load_idx %arg17[%add3A_1566, %and3A_64] : memref<1664x16xi32, #tpu.memory_space<vmem>>[vector<16xi32>, vector<16xi32>], vector<16xi32>,
        %shift_left3A_2553 = arith.constant 16 : i32
        %shift_left3A_2554 = vector.broadcast %shift_left3A_2553 : i32 to vector<16xi32>
        %shift_left3A_2555 = arith.shli %gather3A_2552, %shift_left3A_2554 : vector<16xi32>
        %bitcast3A_2556 = vector.bitcast %shift_left3A_2555 : vector<16xi32> to vector<16xf32>
        %mul3A_2557 = arith.mulf %mul3A_1544, %bitcast3A_2556 : vector<16xf32>
        %add3A_2558 = arith.addf %add3A_2547, %mul3A_2557 : vector<16xf32>
        %and3A_2559 = arith.andi %gather3A_2552, %broadcast_in_dim3A_102 : vector<16xi32>
        %bitcast3A_2560 = vector.bitcast %and3A_2559 : vector<16xi32> to vector<16xf32>
        %mul3A_2561 = arith.mulf %mul3A_1544, %bitcast3A_2560 : vector<16xf32>
        %add3A_2562 = arith.addf %add3A_2551, %mul3A_2561 : vector<16xf32>
        %gather3A_2563 = tpu.vector_load_idx %arg17[%add3A_1569, %and3A_64] : memref<1664x16xi32, #tpu.memory_space<vmem>>[vector<16xi32>, vector<16xi32>], vector<16xi32>,
        %shift_left3A_2564 = arith.constant 16 : i32
        %shift_left3A_2565 = vector.broadcast %shift_left3A_2564 : i32 to vector<16xi32>
        %shift_left3A_2566 = arith.shli %gather3A_2563, %shift_left3A_2565 : vector<16xi32>
        %bitcast3A_2567 = vector.bitcast %shift_left3A_2566 : vector<16xi32> to vector<16xf32>
        %mul3A_2568 = arith.mulf %mul3A_1545, %bitcast3A_2567 : vector<16xf32>
        %add3A_2569 = arith.addf %add3A_2558, %mul3A_2568 : vector<16xf32>
        %and3A_2570 = arith.andi %gather3A_2563, %broadcast_in_dim3A_102 : vector<16xi32>
        %bitcast3A_2571 = vector.bitcast %and3A_2570 : vector<16xi32> to vector<16xf32>
        %mul3A_2572 = arith.mulf %mul3A_1545, %bitcast3A_2571 : vector<16xf32>
        %add3A_2573 = arith.addf %add3A_2562, %mul3A_2572 : vector<16xf32>
        %swap3A_2574 = arith.constant 288 : index
        %swap3A_2575 = tpu.vector_load %arg19[%swap3A_2574] {strides = array<i32>} : memref<512xf32, #tpu.memory_space<vmem>>, vector<16xf32>,
        tpu.vector_store %arg19[%swap3A_2574], %add3A_2569 {add = true, strides = array<i32>} : memref<512xf32, #tpu.memory_space<vmem>>, vector<16xf32>,
        %swap3A_2576 = arith.constant 304 : index
        %swap3A_2577 = tpu.vector_load %arg19[%swap3A_2576] {strides = array<i32>} : memref<512xf32, #tpu.memory_space<vmem>>, vector<16xf32>,
        tpu.vector_store %arg19[%swap3A_2576], %add3A_2573 {add = true, strides = array<i32>} : memref<512xf32, #tpu.memory_space<vmem>>, vector<16xf32>,
        %gather3A_2578 = tpu.vector_load_idx %arg18[%add3A_1326, %and3A_70] : memref<256x16xi32, #tpu.memory_space<vmem>>[vector<16xi32>, vector<16xi32>], vector<16xi32>,
        %shift_left3A_2579 = arith.constant 16 : i32
        %shift_left3A_2580 = vector.broadcast %shift_left3A_2579 : i32 to vector<16xi32>
        %shift_left3A_2581 = arith.shli %gather3A_2578, %shift_left3A_2580 : vector<16xi32>
        %bitcast3A_2582 = vector.bitcast %shift_left3A_2581 : vector<16xi32> to vector<16xf32>
        %mul3A_2583 = arith.mulf %mul3A_1537, %bitcast3A_2582 : vector<16xf32>
        %and3A_2584 = arith.andi %gather3A_2578, %broadcast_in_dim3A_102 : vector<16xi32>
        %bitcast3A_2585 = vector.bitcast %and3A_2584 : vector<16xi32> to vector<16xf32>
        %mul3A_2586 = arith.mulf %mul3A_1537, %bitcast3A_2585 : vector<16xf32>
        %gather3A_2587 = tpu.vector_load_idx %arg17[%add3A_1548, %and3A_70] : memref<1664x16xi32, #tpu.memory_space<vmem>>[vector<16xi32>, vector<16xi32>], vector<16xi32>,
        %shift_left3A_2588 = arith.constant 16 : i32
        %shift_left3A_2589 = vector.broadcast %shift_left3A_2588 : i32 to vector<16xi32>
        %shift_left3A_2590 = arith.shli %gather3A_2587, %shift_left3A_2589 : vector<16xi32>
        %bitcast3A_2591 = vector.bitcast %shift_left3A_2590 : vector<16xi32> to vector<16xf32>
        %mul3A_2592 = arith.mulf %mul3A_1538, %bitcast3A_2591 : vector<16xf32>
        %add3A_2593 = arith.addf %mul3A_2583, %mul3A_2592 : vector<16xf32>
        %and3A_2594 = arith.andi %gather3A_2587, %broadcast_in_dim3A_102 : vector<16xi32>
        %bitcast3A_2595 = vector.bitcast %and3A_2594 : vector<16xi32> to vector<16xf32>
        %mul3A_2596 = arith.mulf %mul3A_1538, %bitcast3A_2595 : vector<16xf32>
        %add3A_2597 = arith.addf %mul3A_2586, %mul3A_2596 : vector<16xf32>
        %gather3A_2598 = tpu.vector_load_idx %arg17[%add3A_1551, %and3A_70] : memref<1664x16xi32, #tpu.memory_space<vmem>>[vector<16xi32>, vector<16xi32>], vector<16xi32>,
        %shift_left3A_2599 = arith.constant 16 : i32
        %shift_left3A_2600 = vector.broadcast %shift_left3A_2599 : i32 to vector<16xi32>
        %shift_left3A_2601 = arith.shli %gather3A_2598, %shift_left3A_2600 : vector<16xi32>
        %bitcast3A_2602 = vector.bitcast %shift_left3A_2601 : vector<16xi32> to vector<16xf32>
        %mul3A_2603 = arith.mulf %mul3A_1539, %bitcast3A_2602 : vector<16xf32>
        %add3A_2604 = arith.addf %add3A_2593, %mul3A_2603 : vector<16xf32>
        %and3A_2605 = arith.andi %gather3A_2598, %broadcast_in_dim3A_102 : vector<16xi32>
        %bitcast3A_2606 = vector.bitcast %and3A_2605 : vector<16xi32> to vector<16xf32>
        %mul3A_2607 = arith.mulf %mul3A_1539, %bitcast3A_2606 : vector<16xf32>
        %add3A_2608 = arith.addf %add3A_2597, %mul3A_2607 : vector<16xf32>
        %gather3A_2609 = tpu.vector_load_idx %arg17[%add3A_1554, %and3A_70] : memref<1664x16xi32, #tpu.memory_space<vmem>>[vector<16xi32>, vector<16xi32>], vector<16xi32>,
        %shift_left3A_2610 = arith.constant 16 : i32
        %shift_left3A_2611 = vector.broadcast %shift_left3A_2610 : i32 to vector<16xi32>
        %shift_left3A_2612 = arith.shli %gather3A_2609, %shift_left3A_2611 : vector<16xi32>
        %bitcast3A_2613 = vector.bitcast %shift_left3A_2612 : vector<16xi32> to vector<16xf32>
        %mul3A_2614 = arith.mulf %mul3A_1540, %bitcast3A_2613 : vector<16xf32>
        %add3A_2615 = arith.addf %add3A_2604, %mul3A_2614 : vector<16xf32>
        %and3A_2616 = arith.andi %gather3A_2609, %broadcast_in_dim3A_102 : vector<16xi32>
        %bitcast3A_2617 = vector.bitcast %and3A_2616 : vector<16xi32> to vector<16xf32>
        %mul3A_2618 = arith.mulf %mul3A_1540, %bitcast3A_2617 : vector<16xf32>
        %add3A_2619 = arith.addf %add3A_2608, %mul3A_2618 : vector<16xf32>
        %gather3A_2620 = tpu.vector_load_idx %arg17[%add3A_1557, %and3A_70] : memref<1664x16xi32, #tpu.memory_space<vmem>>[vector<16xi32>, vector<16xi32>], vector<16xi32>,
        %shift_left3A_2621 = arith.constant 16 : i32
        %shift_left3A_2622 = vector.broadcast %shift_left3A_2621 : i32 to vector<16xi32>
        %shift_left3A_2623 = arith.shli %gather3A_2620, %shift_left3A_2622 : vector<16xi32>
        %bitcast3A_2624 = vector.bitcast %shift_left3A_2623 : vector<16xi32> to vector<16xf32>
        %mul3A_2625 = arith.mulf %mul3A_1541, %bitcast3A_2624 : vector<16xf32>
        %add3A_2626 = arith.addf %add3A_2615, %mul3A_2625 : vector<16xf32>
        %and3A_2627 = arith.andi %gather3A_2620, %broadcast_in_dim3A_102 : vector<16xi32>
        %bitcast3A_2628 = vector.bitcast %and3A_2627 : vector<16xi32> to vector<16xf32>
        %mul3A_2629 = arith.mulf %mul3A_1541, %bitcast3A_2628 : vector<16xf32>
        %add3A_2630 = arith.addf %add3A_2619, %mul3A_2629 : vector<16xf32>
        %gather3A_2631 = tpu.vector_load_idx %arg17[%add3A_1560, %and3A_70] : memref<1664x16xi32, #tpu.memory_space<vmem>>[vector<16xi32>, vector<16xi32>], vector<16xi32>,
        %shift_left3A_2632 = arith.constant 16 : i32
        %shift_left3A_2633 = vector.broadcast %shift_left3A_2632 : i32 to vector<16xi32>
        %shift_left3A_2634 = arith.shli %gather3A_2631, %shift_left3A_2633 : vector<16xi32>
        %bitcast3A_2635 = vector.bitcast %shift_left3A_2634 : vector<16xi32> to vector<16xf32>
        %mul3A_2636 = arith.mulf %mul3A_1542, %bitcast3A_2635 : vector<16xf32>
        %add3A_2637 = arith.addf %add3A_2626, %mul3A_2636 : vector<16xf32>
        %and3A_2638 = arith.andi %gather3A_2631, %broadcast_in_dim3A_102 : vector<16xi32>
        %bitcast3A_2639 = vector.bitcast %and3A_2638 : vector<16xi32> to vector<16xf32>
        %mul3A_2640 = arith.mulf %mul3A_1542, %bitcast3A_2639 : vector<16xf32>
        %add3A_2641 = arith.addf %add3A_2630, %mul3A_2640 : vector<16xf32>
        %gather3A_2642 = tpu.vector_load_idx %arg17[%add3A_1563, %and3A_70] : memref<1664x16xi32, #tpu.memory_space<vmem>>[vector<16xi32>, vector<16xi32>], vector<16xi32>,
        %shift_left3A_2643 = arith.constant 16 : i32
        %shift_left3A_2644 = vector.broadcast %shift_left3A_2643 : i32 to vector<16xi32>
        %shift_left3A_2645 = arith.shli %gather3A_2642, %shift_left3A_2644 : vector<16xi32>
        %bitcast3A_2646 = vector.bitcast %shift_left3A_2645 : vector<16xi32> to vector<16xf32>
        %mul3A_2647 = arith.mulf %mul3A_1543, %bitcast3A_2646 : vector<16xf32>
        %add3A_2648 = arith.addf %add3A_2637, %mul3A_2647 : vector<16xf32>
        %and3A_2649 = arith.andi %gather3A_2642, %broadcast_in_dim3A_102 : vector<16xi32>
        %bitcast3A_2650 = vector.bitcast %and3A_2649 : vector<16xi32> to vector<16xf32>
        %mul3A_2651 = arith.mulf %mul3A_1543, %bitcast3A_2650 : vector<16xf32>
        %add3A_2652 = arith.addf %add3A_2641, %mul3A_2651 : vector<16xf32>
        %gather3A_2653 = tpu.vector_load_idx %arg17[%add3A_1566, %and3A_70] : memref<1664x16xi32, #tpu.memory_space<vmem>>[vector<16xi32>, vector<16xi32>], vector<16xi32>,
        %shift_left3A_2654 = arith.constant 16 : i32
        %shift_left3A_2655 = vector.broadcast %shift_left3A_2654 : i32 to vector<16xi32>
        %shift_left3A_2656 = arith.shli %gather3A_2653, %shift_left3A_2655 : vector<16xi32>
        %bitcast3A_2657 = vector.bitcast %shift_left3A_2656 : vector<16xi32> to vector<16xf32>
        %mul3A_2658 = arith.mulf %mul3A_1544, %bitcast3A_2657 : vector<16xf32>
        %add3A_2659 = arith.addf %add3A_2648, %mul3A_2658 : vector<16xf32>
        %and3A_2660 = arith.andi %gather3A_2653, %broadcast_in_dim3A_102 : vector<16xi32>
        %bitcast3A_2661 = vector.bitcast %and3A_2660 : vector<16xi32> to vector<16xf32>
        %mul3A_2662 = arith.mulf %mul3A_1544, %bitcast3A_2661 : vector<16xf32>
        %add3A_2663 = arith.addf %add3A_2652, %mul3A_2662 : vector<16xf32>
        %gather3A_2664 = tpu.vector_load_idx %arg17[%add3A_1569, %and3A_70] : memref<1664x16xi32, #tpu.memory_space<vmem>>[vector<16xi32>, vector<16xi32>], vector<16xi32>,
        %shift_left3A_2665 = arith.constant 16 : i32
        %shift_left3A_2666 = vector.broadcast %shift_left3A_2665 : i32 to vector<16xi32>
        %shift_left3A_2667 = arith.shli %gather3A_2664, %shift_left3A_2666 : vector<16xi32>
        %bitcast3A_2668 = vector.bitcast %shift_left3A_2667 : vector<16xi32> to vector<16xf32>
        %mul3A_2669 = arith.mulf %mul3A_1545, %bitcast3A_2668 : vector<16xf32>
        %add3A_2670 = arith.addf %add3A_2659, %mul3A_2669 : vector<16xf32>
        %and3A_2671 = arith.andi %gather3A_2664, %broadcast_in_dim3A_102 : vector<16xi32>
        %bitcast3A_2672 = vector.bitcast %and3A_2671 : vector<16xi32> to vector<16xf32>
        %mul3A_2673 = arith.mulf %mul3A_1545, %bitcast3A_2672 : vector<16xf32>
        %add3A_2674 = arith.addf %add3A_2663, %mul3A_2673 : vector<16xf32>
        %swap3A_2675 = arith.constant 320 : index
        %swap3A_2676 = tpu.vector_load %arg19[%swap3A_2675] {strides = array<i32>} : memref<512xf32, #tpu.memory_space<vmem>>, vector<16xf32>,
        tpu.vector_store %arg19[%swap3A_2675], %add3A_2670 {add = true, strides = array<i32>} : memref<512xf32, #tpu.memory_space<vmem>>, vector<16xf32>,
        %swap3A_2677 = arith.constant 336 : index
        %swap3A_2678 = tpu.vector_load %arg19[%swap3A_2677] {strides = array<i32>} : memref<512xf32, #tpu.memory_space<vmem>>, vector<16xf32>,
        tpu.vector_store %arg19[%swap3A_2677], %add3A_2674 {add = true, strides = array<i32>} : memref<512xf32, #tpu.memory_space<vmem>>, vector<16xf32>,
        %gather3A_2679 = tpu.vector_load_idx %arg18[%add3A_1326, %and3A_76] : memref<256x16xi32, #tpu.memory_space<vmem>>[vector<16xi32>, vector<16xi32>], vector<16xi32>,
        %shift_left3A_2680 = arith.constant 16 : i32
        %shift_left3A_2681 = vector.broadcast %shift_left3A_2680 : i32 to vector<16xi32>
        %shift_left3A_2682 = arith.shli %gather3A_2679, %shift_left3A_2681 : vector<16xi32>
        %bitcast3A_2683 = vector.bitcast %shift_left3A_2682 : vector<16xi32> to vector<16xf32>
        %mul3A_2684 = arith.mulf %mul3A_1537, %bitcast3A_2683 : vector<16xf32>
        %and3A_2685 = arith.andi %gather3A_2679, %broadcast_in_dim3A_102 : vector<16xi32>
        %bitcast3A_2686 = vector.bitcast %and3A_2685 : vector<16xi32> to vector<16xf32>
        %mul3A_2687 = arith.mulf %mul3A_1537, %bitcast3A_2686 : vector<16xf32>
        %gather3A_2688 = tpu.vector_load_idx %arg17[%add3A_1548, %and3A_76] : memref<1664x16xi32, #tpu.memory_space<vmem>>[vector<16xi32>, vector<16xi32>], vector<16xi32>,
        %shift_left3A_2689 = arith.constant 16 : i32
        %shift_left3A_2690 = vector.broadcast %shift_left3A_2689 : i32 to vector<16xi32>
        %shift_left3A_2691 = arith.shli %gather3A_2688, %shift_left3A_2690 : vector<16xi32>
        %bitcast3A_2692 = vector.bitcast %shift_left3A_2691 : vector<16xi32> to vector<16xf32>
        %mul3A_2693 = arith.mulf %mul3A_1538, %bitcast3A_2692 : vector<16xf32>
        %add3A_2694 = arith.addf %mul3A_2684, %mul3A_2693 : vector<16xf32>
        %and3A_2695 = arith.andi %gather3A_2688, %broadcast_in_dim3A_102 : vector<16xi32>
        %bitcast3A_2696 = vector.bitcast %and3A_2695 : vector<16xi32> to vector<16xf32>
        %mul3A_2697 = arith.mulf %mul3A_1538, %bitcast3A_2696 : vector<16xf32>
        %add3A_2698 = arith.addf %mul3A_2687, %mul3A_2697 : vector<16xf32>
        %gather3A_2699 = tpu.vector_load_idx %arg17[%add3A_1551, %and3A_76] : memref<1664x16xi32, #tpu.memory_space<vmem>>[vector<16xi32>, vector<16xi32>], vector<16xi32>,
        %shift_left3A_2700 = arith.constant 16 : i32
        %shift_left3A_2701 = vector.broadcast %shift_left3A_2700 : i32 to vector<16xi32>
        %shift_left3A_2702 = arith.shli %gather3A_2699, %shift_left3A_2701 : vector<16xi32>
        %bitcast3A_2703 = vector.bitcast %shift_left3A_2702 : vector<16xi32> to vector<16xf32>
        %mul3A_2704 = arith.mulf %mul3A_1539, %bitcast3A_2703 : vector<16xf32>
        %add3A_2705 = arith.addf %add3A_2694, %mul3A_2704 : vector<16xf32>
        %and3A_2706 = arith.andi %gather3A_2699, %broadcast_in_dim3A_102 : vector<16xi32>
        %bitcast3A_2707 = vector.bitcast %and3A_2706 : vector<16xi32> to vector<16xf32>
        %mul3A_2708 = arith.mulf %mul3A_1539, %bitcast3A_2707 : vector<16xf32>
        %add3A_2709 = arith.addf %add3A_2698, %mul3A_2708 : vector<16xf32>
        %gather3A_2710 = tpu.vector_load_idx %arg17[%add3A_1554, %and3A_76] : memref<1664x16xi32, #tpu.memory_space<vmem>>[vector<16xi32>, vector<16xi32>], vector<16xi32>,
        %shift_left3A_2711 = arith.constant 16 : i32
        %shift_left3A_2712 = vector.broadcast %shift_left3A_2711 : i32 to vector<16xi32>
        %shift_left3A_2713 = arith.shli %gather3A_2710, %shift_left3A_2712 : vector<16xi32>
        %bitcast3A_2714 = vector.bitcast %shift_left3A_2713 : vector<16xi32> to vector<16xf32>
        %mul3A_2715 = arith.mulf %mul3A_1540, %bitcast3A_2714 : vector<16xf32>
        %add3A_2716 = arith.addf %add3A_2705, %mul3A_2715 : vector<16xf32>
        %and3A_2717 = arith.andi %gather3A_2710, %broadcast_in_dim3A_102 : vector<16xi32>
        %bitcast3A_2718 = vector.bitcast %and3A_2717 : vector<16xi32> to vector<16xf32>
        %mul3A_2719 = arith.mulf %mul3A_1540, %bitcast3A_2718 : vector<16xf32>
        %add3A_2720 = arith.addf %add3A_2709, %mul3A_2719 : vector<16xf32>
        %gather3A_2721 = tpu.vector_load_idx %arg17[%add3A_1557, %and3A_76] : memref<1664x16xi32, #tpu.memory_space<vmem>>[vector<16xi32>, vector<16xi32>], vector<16xi32>,
        %shift_left3A_2722 = arith.constant 16 : i32
        %shift_left3A_2723 = vector.broadcast %shift_left3A_2722 : i32 to vector<16xi32>
        %shift_left3A_2724 = arith.shli %gather3A_2721, %shift_left3A_2723 : vector<16xi32>
        %bitcast3A_2725 = vector.bitcast %shift_left3A_2724 : vector<16xi32> to vector<16xf32>
        %mul3A_2726 = arith.mulf %mul3A_1541, %bitcast3A_2725 : vector<16xf32>
        %add3A_2727 = arith.addf %add3A_2716, %mul3A_2726 : vector<16xf32>
        %and3A_2728 = arith.andi %gather3A_2721, %broadcast_in_dim3A_102 : vector<16xi32>
        %bitcast3A_2729 = vector.bitcast %and3A_2728 : vector<16xi32> to vector<16xf32>
        %mul3A_2730 = arith.mulf %mul3A_1541, %bitcast3A_2729 : vector<16xf32>
        %add3A_2731 = arith.addf %add3A_2720, %mul3A_2730 : vector<16xf32>
        %gather3A_2732 = tpu.vector_load_idx %arg17[%add3A_1560, %and3A_76] : memref<1664x16xi32, #tpu.memory_space<vmem>>[vector<16xi32>, vector<16xi32>], vector<16xi32>,
        %shift_left3A_2733 = arith.constant 16 : i32
        %shift_left3A_2734 = vector.broadcast %shift_left3A_2733 : i32 to vector<16xi32>
        %shift_left3A_2735 = arith.shli %gather3A_2732, %shift_left3A_2734 : vector<16xi32>
        %bitcast3A_2736 = vector.bitcast %shift_left3A_2735 : vector<16xi32> to vector<16xf32>
        %mul3A_2737 = arith.mulf %mul3A_1542, %bitcast3A_2736 : vector<16xf32>
        %add3A_2738 = arith.addf %add3A_2727, %mul3A_2737 : vector<16xf32>
        %and3A_2739 = arith.andi %gather3A_2732, %broadcast_in_dim3A_102 : vector<16xi32>
        %bitcast3A_2740 = vector.bitcast %and3A_2739 : vector<16xi32> to vector<16xf32>
        %mul3A_2741 = arith.mulf %mul3A_1542, %bitcast3A_2740 : vector<16xf32>
        %add3A_2742 = arith.addf %add3A_2731, %mul3A_2741 : vector<16xf32>
        %gather3A_2743 = tpu.vector_load_idx %arg17[%add3A_1563, %and3A_76] : memref<1664x16xi32, #tpu.memory_space<vmem>>[vector<16xi32>, vector<16xi32>], vector<16xi32>,
        %shift_left3A_2744 = arith.constant 16 : i32
        %shift_left3A_2745 = vector.broadcast %shift_left3A_2744 : i32 to vector<16xi32>
        %shift_left3A_2746 = arith.shli %gather3A_2743, %shift_left3A_2745 : vector<16xi32>
        %bitcast3A_2747 = vector.bitcast %shift_left3A_2746 : vector<16xi32> to vector<16xf32>
        %mul3A_2748 = arith.mulf %mul3A_1543, %bitcast3A_2747 : vector<16xf32>
        %add3A_2749 = arith.addf %add3A_2738, %mul3A_2748 : vector<16xf32>
        %and3A_2750 = arith.andi %gather3A_2743, %broadcast_in_dim3A_102 : vector<16xi32>
        %bitcast3A_2751 = vector.bitcast %and3A_2750 : vector<16xi32> to vector<16xf32>
        %mul3A_2752 = arith.mulf %mul3A_1543, %bitcast3A_2751 : vector<16xf32>
        %add3A_2753 = arith.addf %add3A_2742, %mul3A_2752 : vector<16xf32>
        %gather3A_2754 = tpu.vector_load_idx %arg17[%add3A_1566, %and3A_76] : memref<1664x16xi32, #tpu.memory_space<vmem>>[vector<16xi32>, vector<16xi32>], vector<16xi32>,
        %shift_left3A_2755 = arith.constant 16 : i32
        %shift_left3A_2756 = vector.broadcast %shift_left3A_2755 : i32 to vector<16xi32>
        %shift_left3A_2757 = arith.shli %gather3A_2754, %shift_left3A_2756 : vector<16xi32>
        %bitcast3A_2758 = vector.bitcast %shift_left3A_2757 : vector<16xi32> to vector<16xf32>
        %mul3A_2759 = arith.mulf %mul3A_1544, %bitcast3A_2758 : vector<16xf32>
        %add3A_2760 = arith.addf %add3A_2749, %mul3A_2759 : vector<16xf32>
        %and3A_2761 = arith.andi %gather3A_2754, %broadcast_in_dim3A_102 : vector<16xi32>
        %bitcast3A_2762 = vector.bitcast %and3A_2761 : vector<16xi32> to vector<16xf32>
        %mul3A_2763 = arith.mulf %mul3A_1544, %bitcast3A_2762 : vector<16xf32>
        %add3A_2764 = arith.addf %add3A_2753, %mul3A_2763 : vector<16xf32>
        %gather3A_2765 = tpu.vector_load_idx %arg17[%add3A_1569, %and3A_76] : memref<1664x16xi32, #tpu.memory_space<vmem>>[vector<16xi32>, vector<16xi32>], vector<16xi32>,
        %shift_left3A_2766 = arith.constant 16 : i32
        %shift_left3A_2767 = vector.broadcast %shift_left3A_2766 : i32 to vector<16xi32>
        %shift_left3A_2768 = arith.shli %gather3A_2765, %shift_left3A_2767 : vector<16xi32>
        %bitcast3A_2769 = vector.bitcast %shift_left3A_2768 : vector<16xi32> to vector<16xf32>
        %mul3A_2770 = arith.mulf %mul3A_1545, %bitcast3A_2769 : vector<16xf32>
        %add3A_2771 = arith.addf %add3A_2760, %mul3A_2770 : vector<16xf32>
        %and3A_2772 = arith.andi %gather3A_2765, %broadcast_in_dim3A_102 : vector<16xi32>
        %bitcast3A_2773 = vector.bitcast %and3A_2772 : vector<16xi32> to vector<16xf32>
        %mul3A_2774 = arith.mulf %mul3A_1545, %bitcast3A_2773 : vector<16xf32>
        %add3A_2775 = arith.addf %add3A_2764, %mul3A_2774 : vector<16xf32>
        %swap3A_2776 = arith.constant 352 : index
        %swap3A_2777 = tpu.vector_load %arg19[%swap3A_2776] {strides = array<i32>} : memref<512xf32, #tpu.memory_space<vmem>>, vector<16xf32>,
        tpu.vector_store %arg19[%swap3A_2776], %add3A_2771 {add = true, strides = array<i32>} : memref<512xf32, #tpu.memory_space<vmem>>, vector<16xf32>,
        %swap3A_2778 = arith.constant 368 : index
        %swap3A_2779 = tpu.vector_load %arg19[%swap3A_2778] {strides = array<i32>} : memref<512xf32, #tpu.memory_space<vmem>>, vector<16xf32>,
        tpu.vector_store %arg19[%swap3A_2778], %add3A_2775 {add = true, strides = array<i32>} : memref<512xf32, #tpu.memory_space<vmem>>, vector<16xf32>,
        %gather3A_2780 = tpu.vector_load_idx %arg18[%add3A_1326, %and3A_82] : memref<256x16xi32, #tpu.memory_space<vmem>>[vector<16xi32>, vector<16xi32>], vector<16xi32>,
        %shift_left3A_2781 = arith.constant 16 : i32
        %shift_left3A_2782 = vector.broadcast %shift_left3A_2781 : i32 to vector<16xi32>
        %shift_left3A_2783 = arith.shli %gather3A_2780, %shift_left3A_2782 : vector<16xi32>
        %bitcast3A_2784 = vector.bitcast %shift_left3A_2783 : vector<16xi32> to vector<16xf32>
        %mul3A_2785 = arith.mulf %mul3A_1537, %bitcast3A_2784 : vector<16xf32>
        %and3A_2786 = arith.andi %gather3A_2780, %broadcast_in_dim3A_102 : vector<16xi32>
        %bitcast3A_2787 = vector.bitcast %and3A_2786 : vector<16xi32> to vector<16xf32>
        %mul3A_2788 = arith.mulf %mul3A_1537, %bitcast3A_2787 : vector<16xf32>
        %gather3A_2789 = tpu.vector_load_idx %arg17[%add3A_1548, %and3A_82] : memref<1664x16xi32, #tpu.memory_space<vmem>>[vector<16xi32>, vector<16xi32>], vector<16xi32>,
        %shift_left3A_2790 = arith.constant 16 : i32
        %shift_left3A_2791 = vector.broadcast %shift_left3A_2790 : i32 to vector<16xi32>
        %shift_left3A_2792 = arith.shli %gather3A_2789, %shift_left3A_2791 : vector<16xi32>
        %bitcast3A_2793 = vector.bitcast %shift_left3A_2792 : vector<16xi32> to vector<16xf32>
        %mul3A_2794 = arith.mulf %mul3A_1538, %bitcast3A_2793 : vector<16xf32>
        %add3A_2795 = arith.addf %mul3A_2785, %mul3A_2794 : vector<16xf32>
        %and3A_2796 = arith.andi %gather3A_2789, %broadcast_in_dim3A_102 : vector<16xi32>
        %bitcast3A_2797 = vector.bitcast %and3A_2796 : vector<16xi32> to vector<16xf32>
        %mul3A_2798 = arith.mulf %mul3A_1538, %bitcast3A_2797 : vector<16xf32>
        %add3A_2799 = arith.addf %mul3A_2788, %mul3A_2798 : vector<16xf32>
        %gather3A_2800 = tpu.vector_load_idx %arg17[%add3A_1551, %and3A_82] : memref<1664x16xi32, #tpu.memory_space<vmem>>[vector<16xi32>, vector<16xi32>], vector<16xi32>,
        %shift_left3A_2801 = arith.constant 16 : i32
        %shift_left3A_2802 = vector.broadcast %shift_left3A_2801 : i32 to vector<16xi32>
        %shift_left3A_2803 = arith.shli %gather3A_2800, %shift_left3A_2802 : vector<16xi32>
        %bitcast3A_2804 = vector.bitcast %shift_left3A_2803 : vector<16xi32> to vector<16xf32>
        %mul3A_2805 = arith.mulf %mul3A_1539, %bitcast3A_2804 : vector<16xf32>
        %add3A_2806 = arith.addf %add3A_2795, %mul3A_2805 : vector<16xf32>
        %and3A_2807 = arith.andi %gather3A_2800, %broadcast_in_dim3A_102 : vector<16xi32>
        %bitcast3A_2808 = vector.bitcast %and3A_2807 : vector<16xi32> to vector<16xf32>
        %mul3A_2809 = arith.mulf %mul3A_1539, %bitcast3A_2808 : vector<16xf32>
        %add3A_2810 = arith.addf %add3A_2799, %mul3A_2809 : vector<16xf32>
        %gather3A_2811 = tpu.vector_load_idx %arg17[%add3A_1554, %and3A_82] : memref<1664x16xi32, #tpu.memory_space<vmem>>[vector<16xi32>, vector<16xi32>], vector<16xi32>,
        %shift_left3A_2812 = arith.constant 16 : i32
        %shift_left3A_2813 = vector.broadcast %shift_left3A_2812 : i32 to vector<16xi32>
        %shift_left3A_2814 = arith.shli %gather3A_2811, %shift_left3A_2813 : vector<16xi32>
        %bitcast3A_2815 = vector.bitcast %shift_left3A_2814 : vector<16xi32> to vector<16xf32>
        %mul3A_2816 = arith.mulf %mul3A_1540, %bitcast3A_2815 : vector<16xf32>
        %add3A_2817 = arith.addf %add3A_2806, %mul3A_2816 : vector<16xf32>
        %and3A_2818 = arith.andi %gather3A_2811, %broadcast_in_dim3A_102 : vector<16xi32>
        %bitcast3A_2819 = vector.bitcast %and3A_2818 : vector<16xi32> to vector<16xf32>
        %mul3A_2820 = arith.mulf %mul3A_1540, %bitcast3A_2819 : vector<16xf32>
        %add3A_2821 = arith.addf %add3A_2810, %mul3A_2820 : vector<16xf32>
        %gather3A_2822 = tpu.vector_load_idx %arg17[%add3A_1557, %and3A_82] : memref<1664x16xi32, #tpu.memory_space<vmem>>[vector<16xi32>, vector<16xi32>], vector<16xi32>,
        %shift_left3A_2823 = arith.constant 16 : i32
        %shift_left3A_2824 = vector.broadcast %shift_left3A_2823 : i32 to vector<16xi32>
        %shift_left3A_2825 = arith.shli %gather3A_2822, %shift_left3A_2824 : vector<16xi32>
        %bitcast3A_2826 = vector.bitcast %shift_left3A_2825 : vector<16xi32> to vector<16xf32>
        %mul3A_2827 = arith.mulf %mul3A_1541, %bitcast3A_2826 : vector<16xf32>
        %add3A_2828 = arith.addf %add3A_2817, %mul3A_2827 : vector<16xf32>
        %and3A_2829 = arith.andi %gather3A_2822, %broadcast_in_dim3A_102 : vector<16xi32>
        %bitcast3A_2830 = vector.bitcast %and3A_2829 : vector<16xi32> to vector<16xf32>
        %mul3A_2831 = arith.mulf %mul3A_1541, %bitcast3A_2830 : vector<16xf32>
        %add3A_2832 = arith.addf %add3A_2821, %mul3A_2831 : vector<16xf32>
        %gather3A_2833 = tpu.vector_load_idx %arg17[%add3A_1560, %and3A_82] : memref<1664x16xi32, #tpu.memory_space<vmem>>[vector<16xi32>, vector<16xi32>], vector<16xi32>,
        %shift_left3A_2834 = arith.constant 16 : i32
        %shift_left3A_2835 = vector.broadcast %shift_left3A_2834 : i32 to vector<16xi32>
        %shift_left3A_2836 = arith.shli %gather3A_2833, %shift_left3A_2835 : vector<16xi32>
        %bitcast3A_2837 = vector.bitcast %shift_left3A_2836 : vector<16xi32> to vector<16xf32>
        %mul3A_2838 = arith.mulf %mul3A_1542, %bitcast3A_2837 : vector<16xf32>
        %add3A_2839 = arith.addf %add3A_2828, %mul3A_2838 : vector<16xf32>
        %and3A_2840 = arith.andi %gather3A_2833, %broadcast_in_dim3A_102 : vector<16xi32>
        %bitcast3A_2841 = vector.bitcast %and3A_2840 : vector<16xi32> to vector<16xf32>
        %mul3A_2842 = arith.mulf %mul3A_1542, %bitcast3A_2841 : vector<16xf32>
        %add3A_2843 = arith.addf %add3A_2832, %mul3A_2842 : vector<16xf32>
        %gather3A_2844 = tpu.vector_load_idx %arg17[%add3A_1563, %and3A_82] : memref<1664x16xi32, #tpu.memory_space<vmem>>[vector<16xi32>, vector<16xi32>], vector<16xi32>,
        %shift_left3A_2845 = arith.constant 16 : i32
        %shift_left3A_2846 = vector.broadcast %shift_left3A_2845 : i32 to vector<16xi32>
        %shift_left3A_2847 = arith.shli %gather3A_2844, %shift_left3A_2846 : vector<16xi32>
        %bitcast3A_2848 = vector.bitcast %shift_left3A_2847 : vector<16xi32> to vector<16xf32>
        %mul3A_2849 = arith.mulf %mul3A_1543, %bitcast3A_2848 : vector<16xf32>
        %add3A_2850 = arith.addf %add3A_2839, %mul3A_2849 : vector<16xf32>
        %and3A_2851 = arith.andi %gather3A_2844, %broadcast_in_dim3A_102 : vector<16xi32>
        %bitcast3A_2852 = vector.bitcast %and3A_2851 : vector<16xi32> to vector<16xf32>
        %mul3A_2853 = arith.mulf %mul3A_1543, %bitcast3A_2852 : vector<16xf32>
        %add3A_2854 = arith.addf %add3A_2843, %mul3A_2853 : vector<16xf32>
        %gather3A_2855 = tpu.vector_load_idx %arg17[%add3A_1566, %and3A_82] : memref<1664x16xi32, #tpu.memory_space<vmem>>[vector<16xi32>, vector<16xi32>], vector<16xi32>,
        %shift_left3A_2856 = arith.constant 16 : i32
        %shift_left3A_2857 = vector.broadcast %shift_left3A_2856 : i32 to vector<16xi32>
        %shift_left3A_2858 = arith.shli %gather3A_2855, %shift_left3A_2857 : vector<16xi32>
        %bitcast3A_2859 = vector.bitcast %shift_left3A_2858 : vector<16xi32> to vector<16xf32>
        %mul3A_2860 = arith.mulf %mul3A_1544, %bitcast3A_2859 : vector<16xf32>
        %add3A_2861 = arith.addf %add3A_2850, %mul3A_2860 : vector<16xf32>
        %and3A_2862 = arith.andi %gather3A_2855, %broadcast_in_dim3A_102 : vector<16xi32>
        %bitcast3A_2863 = vector.bitcast %and3A_2862 : vector<16xi32> to vector<16xf32>
        %mul3A_2864 = arith.mulf %mul3A_1544, %bitcast3A_2863 : vector<16xf32>
        %add3A_2865 = arith.addf %add3A_2854, %mul3A_2864 : vector<16xf32>
        %gather3A_2866 = tpu.vector_load_idx %arg17[%add3A_1569, %and3A_82] : memref<1664x16xi32, #tpu.memory_space<vmem>>[vector<16xi32>, vector<16xi32>], vector<16xi32>,
        %shift_left3A_2867 = arith.constant 16 : i32
        %shift_left3A_2868 = vector.broadcast %shift_left3A_2867 : i32 to vector<16xi32>
        %shift_left3A_2869 = arith.shli %gather3A_2866, %shift_left3A_2868 : vector<16xi32>
        %bitcast3A_2870 = vector.bitcast %shift_left3A_2869 : vector<16xi32> to vector<16xf32>
        %mul3A_2871 = arith.mulf %mul3A_1545, %bitcast3A_2870 : vector<16xf32>
        %add3A_2872 = arith.addf %add3A_2861, %mul3A_2871 : vector<16xf32>
        %and3A_2873 = arith.andi %gather3A_2866, %broadcast_in_dim3A_102 : vector<16xi32>
        %bitcast3A_2874 = vector.bitcast %and3A_2873 : vector<16xi32> to vector<16xf32>
        %mul3A_2875 = arith.mulf %mul3A_1545, %bitcast3A_2874 : vector<16xf32>
        %add3A_2876 = arith.addf %add3A_2865, %mul3A_2875 : vector<16xf32>
        %swap3A_2877 = arith.constant 384 : index
        %swap3A_2878 = tpu.vector_load %arg19[%swap3A_2877] {strides = array<i32>} : memref<512xf32, #tpu.memory_space<vmem>>, vector<16xf32>,
        tpu.vector_store %arg19[%swap3A_2877], %add3A_2872 {add = true, strides = array<i32>} : memref<512xf32, #tpu.memory_space<vmem>>, vector<16xf32>,
        %swap3A_2879 = arith.constant 400 : index
        %swap3A_2880 = tpu.vector_load %arg19[%swap3A_2879] {strides = array<i32>} : memref<512xf32, #tpu.memory_space<vmem>>, vector<16xf32>,
        tpu.vector_store %arg19[%swap3A_2879], %add3A_2876 {add = true, strides = array<i32>} : memref<512xf32, #tpu.memory_space<vmem>>, vector<16xf32>,
        %gather3A_2881 = tpu.vector_load_idx %arg18[%add3A_1326, %and3A_88] : memref<256x16xi32, #tpu.memory_space<vmem>>[vector<16xi32>, vector<16xi32>], vector<16xi32>,
        %shift_left3A_2882 = arith.constant 16 : i32
        %shift_left3A_2883 = vector.broadcast %shift_left3A_2882 : i32 to vector<16xi32>
        %shift_left3A_2884 = arith.shli %gather3A_2881, %shift_left3A_2883 : vector<16xi32>
        %bitcast3A_2885 = vector.bitcast %shift_left3A_2884 : vector<16xi32> to vector<16xf32>
        %mul3A_2886 = arith.mulf %mul3A_1537, %bitcast3A_2885 : vector<16xf32>
        %and3A_2887 = arith.andi %gather3A_2881, %broadcast_in_dim3A_102 : vector<16xi32>
        %bitcast3A_2888 = vector.bitcast %and3A_2887 : vector<16xi32> to vector<16xf32>
        %mul3A_2889 = arith.mulf %mul3A_1537, %bitcast3A_2888 : vector<16xf32>
        %gather3A_2890 = tpu.vector_load_idx %arg17[%add3A_1548, %and3A_88] : memref<1664x16xi32, #tpu.memory_space<vmem>>[vector<16xi32>, vector<16xi32>], vector<16xi32>,
        %shift_left3A_2891 = arith.constant 16 : i32
        %shift_left3A_2892 = vector.broadcast %shift_left3A_2891 : i32 to vector<16xi32>
        %shift_left3A_2893 = arith.shli %gather3A_2890, %shift_left3A_2892 : vector<16xi32>
        %bitcast3A_2894 = vector.bitcast %shift_left3A_2893 : vector<16xi32> to vector<16xf32>
        %mul3A_2895 = arith.mulf %mul3A_1538, %bitcast3A_2894 : vector<16xf32>
        %add3A_2896 = arith.addf %mul3A_2886, %mul3A_2895 : vector<16xf32>
        %and3A_2897 = arith.andi %gather3A_2890, %broadcast_in_dim3A_102 : vector<16xi32>
        %bitcast3A_2898 = vector.bitcast %and3A_2897 : vector<16xi32> to vector<16xf32>
        %mul3A_2899 = arith.mulf %mul3A_1538, %bitcast3A_2898 : vector<16xf32>
        %add3A_2900 = arith.addf %mul3A_2889, %mul3A_2899 : vector<16xf32>
        %gather3A_2901 = tpu.vector_load_idx %arg17[%add3A_1551, %and3A_88] : memref<1664x16xi32, #tpu.memory_space<vmem>>[vector<16xi32>, vector<16xi32>], vector<16xi32>,
        %shift_left3A_2902 = arith.constant 16 : i32
        %shift_left3A_2903 = vector.broadcast %shift_left3A_2902 : i32 to vector<16xi32>
        %shift_left3A_2904 = arith.shli %gather3A_2901, %shift_left3A_2903 : vector<16xi32>
        %bitcast3A_2905 = vector.bitcast %shift_left3A_2904 : vector<16xi32> to vector<16xf32>
        %mul3A_2906 = arith.mulf %mul3A_1539, %bitcast3A_2905 : vector<16xf32>
        %add3A_2907 = arith.addf %add3A_2896, %mul3A_2906 : vector<16xf32>
        %and3A_2908 = arith.andi %gather3A_2901, %broadcast_in_dim3A_102 : vector<16xi32>
        %bitcast3A_2909 = vector.bitcast %and3A_2908 : vector<16xi32> to vector<16xf32>
        %mul3A_2910 = arith.mulf %mul3A_1539, %bitcast3A_2909 : vector<16xf32>
        %add3A_2911 = arith.addf %add3A_2900, %mul3A_2910 : vector<16xf32>
        %gather3A_2912 = tpu.vector_load_idx %arg17[%add3A_1554, %and3A_88] : memref<1664x16xi32, #tpu.memory_space<vmem>>[vector<16xi32>, vector<16xi32>], vector<16xi32>,
        %shift_left3A_2913 = arith.constant 16 : i32
        %shift_left3A_2914 = vector.broadcast %shift_left3A_2913 : i32 to vector<16xi32>
        %shift_left3A_2915 = arith.shli %gather3A_2912, %shift_left3A_2914 : vector<16xi32>
        %bitcast3A_2916 = vector.bitcast %shift_left3A_2915 : vector<16xi32> to vector<16xf32>
        %mul3A_2917 = arith.mulf %mul3A_1540, %bitcast3A_2916 : vector<16xf32>
        %add3A_2918 = arith.addf %add3A_2907, %mul3A_2917 : vector<16xf32>
        %and3A_2919 = arith.andi %gather3A_2912, %broadcast_in_dim3A_102 : vector<16xi32>
        %bitcast3A_2920 = vector.bitcast %and3A_2919 : vector<16xi32> to vector<16xf32>
        %mul3A_2921 = arith.mulf %mul3A_1540, %bitcast3A_2920 : vector<16xf32>
        %add3A_2922 = arith.addf %add3A_2911, %mul3A_2921 : vector<16xf32>
        %gather3A_2923 = tpu.vector_load_idx %arg17[%add3A_1557, %and3A_88] : memref<1664x16xi32, #tpu.memory_space<vmem>>[vector<16xi32>, vector<16xi32>], vector<16xi32>,
        %shift_left3A_2924 = arith.constant 16 : i32
        %shift_left3A_2925 = vector.broadcast %shift_left3A_2924 : i32 to vector<16xi32>
        %shift_left3A_2926 = arith.shli %gather3A_2923, %shift_left3A_2925 : vector<16xi32>
        %bitcast3A_2927 = vector.bitcast %shift_left3A_2926 : vector<16xi32> to vector<16xf32>
        %mul3A_2928 = arith.mulf %mul3A_1541, %bitcast3A_2927 : vector<16xf32>
        %add3A_2929 = arith.addf %add3A_2918, %mul3A_2928 : vector<16xf32>
        %and3A_2930 = arith.andi %gather3A_2923, %broadcast_in_dim3A_102 : vector<16xi32>
        %bitcast3A_2931 = vector.bitcast %and3A_2930 : vector<16xi32> to vector<16xf32>
        %mul3A_2932 = arith.mulf %mul3A_1541, %bitcast3A_2931 : vector<16xf32>
        %add3A_2933 = arith.addf %add3A_2922, %mul3A_2932 : vector<16xf32>
        %gather3A_2934 = tpu.vector_load_idx %arg17[%add3A_1560, %and3A_88] : memref<1664x16xi32, #tpu.memory_space<vmem>>[vector<16xi32>, vector<16xi32>], vector<16xi32>,
        %shift_left3A_2935 = arith.constant 16 : i32
        %shift_left3A_2936 = vector.broadcast %shift_left3A_2935 : i32 to vector<16xi32>
        %shift_left3A_2937 = arith.shli %gather3A_2934, %shift_left3A_2936 : vector<16xi32>
        %bitcast3A_2938 = vector.bitcast %shift_left3A_2937 : vector<16xi32> to vector<16xf32>
        %mul3A_2939 = arith.mulf %mul3A_1542, %bitcast3A_2938 : vector<16xf32>
        %add3A_2940 = arith.addf %add3A_2929, %mul3A_2939 : vector<16xf32>
        %and3A_2941 = arith.andi %gather3A_2934, %broadcast_in_dim3A_102 : vector<16xi32>
        %bitcast3A_2942 = vector.bitcast %and3A_2941 : vector<16xi32> to vector<16xf32>
        %mul3A_2943 = arith.mulf %mul3A_1542, %bitcast3A_2942 : vector<16xf32>
        %add3A_2944 = arith.addf %add3A_2933, %mul3A_2943 : vector<16xf32>
        %gather3A_2945 = tpu.vector_load_idx %arg17[%add3A_1563, %and3A_88] : memref<1664x16xi32, #tpu.memory_space<vmem>>[vector<16xi32>, vector<16xi32>], vector<16xi32>,
        %shift_left3A_2946 = arith.constant 16 : i32
        %shift_left3A_2947 = vector.broadcast %shift_left3A_2946 : i32 to vector<16xi32>
        %shift_left3A_2948 = arith.shli %gather3A_2945, %shift_left3A_2947 : vector<16xi32>
        %bitcast3A_2949 = vector.bitcast %shift_left3A_2948 : vector<16xi32> to vector<16xf32>
        %mul3A_2950 = arith.mulf %mul3A_1543, %bitcast3A_2949 : vector<16xf32>
        %add3A_2951 = arith.addf %add3A_2940, %mul3A_2950 : vector<16xf32>
        %and3A_2952 = arith.andi %gather3A_2945, %broadcast_in_dim3A_102 : vector<16xi32>
        %bitcast3A_2953 = vector.bitcast %and3A_2952 : vector<16xi32> to vector<16xf32>
        %mul3A_2954 = arith.mulf %mul3A_1543, %bitcast3A_2953 : vector<16xf32>
        %add3A_2955 = arith.addf %add3A_2944, %mul3A_2954 : vector<16xf32>
        %gather3A_2956 = tpu.vector_load_idx %arg17[%add3A_1566, %and3A_88] : memref<1664x16xi32, #tpu.memory_space<vmem>>[vector<16xi32>, vector<16xi32>], vector<16xi32>,
        %shift_left3A_2957 = arith.constant 16 : i32
        %shift_left3A_2958 = vector.broadcast %shift_left3A_2957 : i32 to vector<16xi32>
        %shift_left3A_2959 = arith.shli %gather3A_2956, %shift_left3A_2958 : vector<16xi32>
        %bitcast3A_2960 = vector.bitcast %shift_left3A_2959 : vector<16xi32> to vector<16xf32>
        %mul3A_2961 = arith.mulf %mul3A_1544, %bitcast3A_2960 : vector<16xf32>
        %add3A_2962 = arith.addf %add3A_2951, %mul3A_2961 : vector<16xf32>
        %and3A_2963 = arith.andi %gather3A_2956, %broadcast_in_dim3A_102 : vector<16xi32>
        %bitcast3A_2964 = vector.bitcast %and3A_2963 : vector<16xi32> to vector<16xf32>
        %mul3A_2965 = arith.mulf %mul3A_1544, %bitcast3A_2964 : vector<16xf32>
        %add3A_2966 = arith.addf %add3A_2955, %mul3A_2965 : vector<16xf32>
        %gather3A_2967 = tpu.vector_load_idx %arg17[%add3A_1569, %and3A_88] : memref<1664x16xi32, #tpu.memory_space<vmem>>[vector<16xi32>, vector<16xi32>], vector<16xi32>,
        %shift_left3A_2968 = arith.constant 16 : i32
        %shift_left3A_2969 = vector.broadcast %shift_left3A_2968 : i32 to vector<16xi32>
        %shift_left3A_2970 = arith.shli %gather3A_2967, %shift_left3A_2969 : vector<16xi32>
        %bitcast3A_2971 = vector.bitcast %shift_left3A_2970 : vector<16xi32> to vector<16xf32>
        %mul3A_2972 = arith.mulf %mul3A_1545, %bitcast3A_2971 : vector<16xf32>
        %add3A_2973 = arith.addf %add3A_2962, %mul3A_2972 : vector<16xf32>
        %and3A_2974 = arith.andi %gather3A_2967, %broadcast_in_dim3A_102 : vector<16xi32>
        %bitcast3A_2975 = vector.bitcast %and3A_2974 : vector<16xi32> to vector<16xf32>
        %mul3A_2976 = arith.mulf %mul3A_1545, %bitcast3A_2975 : vector<16xf32>
        %add3A_2977 = arith.addf %add3A_2966, %mul3A_2976 : vector<16xf32>
        %swap3A_2978 = arith.constant 416 : index
        %swap3A_2979 = tpu.vector_load %arg19[%swap3A_2978] {strides = array<i32>} : memref<512xf32, #tpu.memory_space<vmem>>, vector<16xf32>,
        tpu.vector_store %arg19[%swap3A_2978], %add3A_2973 {add = true, strides = array<i32>} : memref<512xf32, #tpu.memory_space<vmem>>, vector<16xf32>,
        %swap3A_2980 = arith.constant 432 : index
        %swap3A_2981 = tpu.vector_load %arg19[%swap3A_2980] {strides = array<i32>} : memref<512xf32, #tpu.memory_space<vmem>>, vector<16xf32>,
        tpu.vector_store %arg19[%swap3A_2980], %add3A_2977 {add = true, strides = array<i32>} : memref<512xf32, #tpu.memory_space<vmem>>, vector<16xf32>,
        %gather3A_2982 = tpu.vector_load_idx %arg18[%add3A_1326, %and3A_94] : memref<256x16xi32, #tpu.memory_space<vmem>>[vector<16xi32>, vector<16xi32>], vector<16xi32>,
        %shift_left3A_2983 = arith.constant 16 : i32
        %shift_left3A_2984 = vector.broadcast %shift_left3A_2983 : i32 to vector<16xi32>
        %shift_left3A_2985 = arith.shli %gather3A_2982, %shift_left3A_2984 : vector<16xi32>
        %bitcast3A_2986 = vector.bitcast %shift_left3A_2985 : vector<16xi32> to vector<16xf32>
        %mul3A_2987 = arith.mulf %mul3A_1537, %bitcast3A_2986 : vector<16xf32>
        %and3A_2988 = arith.andi %gather3A_2982, %broadcast_in_dim3A_102 : vector<16xi32>
        %bitcast3A_2989 = vector.bitcast %and3A_2988 : vector<16xi32> to vector<16xf32>
        %mul3A_2990 = arith.mulf %mul3A_1537, %bitcast3A_2989 : vector<16xf32>
        %gather3A_2991 = tpu.vector_load_idx %arg17[%add3A_1548, %and3A_94] : memref<1664x16xi32, #tpu.memory_space<vmem>>[vector<16xi32>, vector<16xi32>], vector<16xi32>,
        %shift_left3A_2992 = arith.constant 16 : i32
        %shift_left3A_2993 = vector.broadcast %shift_left3A_2992 : i32 to vector<16xi32>
        %shift_left3A_2994 = arith.shli %gather3A_2991, %shift_left3A_2993 : vector<16xi32>
        %bitcast3A_2995 = vector.bitcast %shift_left3A_2994 : vector<16xi32> to vector<16xf32>
        %mul3A_2996 = arith.mulf %mul3A_1538, %bitcast3A_2995 : vector<16xf32>
        %add3A_2997 = arith.addf %mul3A_2987, %mul3A_2996 : vector<16xf32>
        %and3A_2998 = arith.andi %gather3A_2991, %broadcast_in_dim3A_102 : vector<16xi32>
        %bitcast3A_2999 = vector.bitcast %and3A_2998 : vector<16xi32> to vector<16xf32>
        %mul3A_3000 = arith.mulf %mul3A_1538, %bitcast3A_2999 : vector<16xf32>
        %add3A_3001 = arith.addf %mul3A_2990, %mul3A_3000 : vector<16xf32>
        %gather3A_3002 = tpu.vector_load_idx %arg17[%add3A_1551, %and3A_94] : memref<1664x16xi32, #tpu.memory_space<vmem>>[vector<16xi32>, vector<16xi32>], vector<16xi32>,
        %shift_left3A_3003 = arith.constant 16 : i32
        %shift_left3A_3004 = vector.broadcast %shift_left3A_3003 : i32 to vector<16xi32>
        %shift_left3A_3005 = arith.shli %gather3A_3002, %shift_left3A_3004 : vector<16xi32>
        %bitcast3A_3006 = vector.bitcast %shift_left3A_3005 : vector<16xi32> to vector<16xf32>
        %mul3A_3007 = arith.mulf %mul3A_1539, %bitcast3A_3006 : vector<16xf32>
        %add3A_3008 = arith.addf %add3A_2997, %mul3A_3007 : vector<16xf32>
        %and3A_3009 = arith.andi %gather3A_3002, %broadcast_in_dim3A_102 : vector<16xi32>
        %bitcast3A_3010 = vector.bitcast %and3A_3009 : vector<16xi32> to vector<16xf32>
        %mul3A_3011 = arith.mulf %mul3A_1539, %bitcast3A_3010 : vector<16xf32>
        %add3A_3012 = arith.addf %add3A_3001, %mul3A_3011 : vector<16xf32>
        %gather3A_3013 = tpu.vector_load_idx %arg17[%add3A_1554, %and3A_94] : memref<1664x16xi32, #tpu.memory_space<vmem>>[vector<16xi32>, vector<16xi32>], vector<16xi32>,
        %shift_left3A_3014 = arith.constant 16 : i32
        %shift_left3A_3015 = vector.broadcast %shift_left3A_3014 : i32 to vector<16xi32>
        %shift_left3A_3016 = arith.shli %gather3A_3013, %shift_left3A_3015 : vector<16xi32>
        %bitcast3A_3017 = vector.bitcast %shift_left3A_3016 : vector<16xi32> to vector<16xf32>
        %mul3A_3018 = arith.mulf %mul3A_1540, %bitcast3A_3017 : vector<16xf32>
        %add3A_3019 = arith.addf %add3A_3008, %mul3A_3018 : vector<16xf32>
        %and3A_3020 = arith.andi %gather3A_3013, %broadcast_in_dim3A_102 : vector<16xi32>
        %bitcast3A_3021 = vector.bitcast %and3A_3020 : vector<16xi32> to vector<16xf32>
        %mul3A_3022 = arith.mulf %mul3A_1540, %bitcast3A_3021 : vector<16xf32>
        %add3A_3023 = arith.addf %add3A_3012, %mul3A_3022 : vector<16xf32>
        %gather3A_3024 = tpu.vector_load_idx %arg17[%add3A_1557, %and3A_94] : memref<1664x16xi32, #tpu.memory_space<vmem>>[vector<16xi32>, vector<16xi32>], vector<16xi32>,
        %shift_left3A_3025 = arith.constant 16 : i32
        %shift_left3A_3026 = vector.broadcast %shift_left3A_3025 : i32 to vector<16xi32>
        %shift_left3A_3027 = arith.shli %gather3A_3024, %shift_left3A_3026 : vector<16xi32>
        %bitcast3A_3028 = vector.bitcast %shift_left3A_3027 : vector<16xi32> to vector<16xf32>
        %mul3A_3029 = arith.mulf %mul3A_1541, %bitcast3A_3028 : vector<16xf32>
        %add3A_3030 = arith.addf %add3A_3019, %mul3A_3029 : vector<16xf32>
        %and3A_3031 = arith.andi %gather3A_3024, %broadcast_in_dim3A_102 : vector<16xi32>
        %bitcast3A_3032 = vector.bitcast %and3A_3031 : vector<16xi32> to vector<16xf32>
        %mul3A_3033 = arith.mulf %mul3A_1541, %bitcast3A_3032 : vector<16xf32>
        %add3A_3034 = arith.addf %add3A_3023, %mul3A_3033 : vector<16xf32>
        %gather3A_3035 = tpu.vector_load_idx %arg17[%add3A_1560, %and3A_94] : memref<1664x16xi32, #tpu.memory_space<vmem>>[vector<16xi32>, vector<16xi32>], vector<16xi32>,
        %shift_left3A_3036 = arith.constant 16 : i32
        %shift_left3A_3037 = vector.broadcast %shift_left3A_3036 : i32 to vector<16xi32>
        %shift_left3A_3038 = arith.shli %gather3A_3035, %shift_left3A_3037 : vector<16xi32>
        %bitcast3A_3039 = vector.bitcast %shift_left3A_3038 : vector<16xi32> to vector<16xf32>
        %mul3A_3040 = arith.mulf %mul3A_1542, %bitcast3A_3039 : vector<16xf32>
        %add3A_3041 = arith.addf %add3A_3030, %mul3A_3040 : vector<16xf32>
        %and3A_3042 = arith.andi %gather3A_3035, %broadcast_in_dim3A_102 : vector<16xi32>
        %bitcast3A_3043 = vector.bitcast %and3A_3042 : vector<16xi32> to vector<16xf32>
        %mul3A_3044 = arith.mulf %mul3A_1542, %bitcast3A_3043 : vector<16xf32>
        %add3A_3045 = arith.addf %add3A_3034, %mul3A_3044 : vector<16xf32>
        %gather3A_3046 = tpu.vector_load_idx %arg17[%add3A_1563, %and3A_94] : memref<1664x16xi32, #tpu.memory_space<vmem>>[vector<16xi32>, vector<16xi32>], vector<16xi32>,
        %shift_left3A_3047 = arith.constant 16 : i32
        %shift_left3A_3048 = vector.broadcast %shift_left3A_3047 : i32 to vector<16xi32>
        %shift_left3A_3049 = arith.shli %gather3A_3046, %shift_left3A_3048 : vector<16xi32>
        %bitcast3A_3050 = vector.bitcast %shift_left3A_3049 : vector<16xi32> to vector<16xf32>
        %mul3A_3051 = arith.mulf %mul3A_1543, %bitcast3A_3050 : vector<16xf32>
        %add3A_3052 = arith.addf %add3A_3041, %mul3A_3051 : vector<16xf32>
        %and3A_3053 = arith.andi %gather3A_3046, %broadcast_in_dim3A_102 : vector<16xi32>
        %bitcast3A_3054 = vector.bitcast %and3A_3053 : vector<16xi32> to vector<16xf32>
        %mul3A_3055 = arith.mulf %mul3A_1543, %bitcast3A_3054 : vector<16xf32>
        %add3A_3056 = arith.addf %add3A_3045, %mul3A_3055 : vector<16xf32>
        %gather3A_3057 = tpu.vector_load_idx %arg17[%add3A_1566, %and3A_94] : memref<1664x16xi32, #tpu.memory_space<vmem>>[vector<16xi32>, vector<16xi32>], vector<16xi32>,
        %shift_left3A_3058 = arith.constant 16 : i32
        %shift_left3A_3059 = vector.broadcast %shift_left3A_3058 : i32 to vector<16xi32>
        %shift_left3A_3060 = arith.shli %gather3A_3057, %shift_left3A_3059 : vector<16xi32>
        %bitcast3A_3061 = vector.bitcast %shift_left3A_3060 : vector<16xi32> to vector<16xf32>
        %mul3A_3062 = arith.mulf %mul3A_1544, %bitcast3A_3061 : vector<16xf32>
        %add3A_3063 = arith.addf %add3A_3052, %mul3A_3062 : vector<16xf32>
        %and3A_3064 = arith.andi %gather3A_3057, %broadcast_in_dim3A_102 : vector<16xi32>
        %bitcast3A_3065 = vector.bitcast %and3A_3064 : vector<16xi32> to vector<16xf32>
        %mul3A_3066 = arith.mulf %mul3A_1544, %bitcast3A_3065 : vector<16xf32>
        %add3A_3067 = arith.addf %add3A_3056, %mul3A_3066 : vector<16xf32>
        %gather3A_3068 = tpu.vector_load_idx %arg17[%add3A_1569, %and3A_94] : memref<1664x16xi32, #tpu.memory_space<vmem>>[vector<16xi32>, vector<16xi32>], vector<16xi32>,
        %shift_left3A_3069 = arith.constant 16 : i32
        %shift_left3A_3070 = vector.broadcast %shift_left3A_3069 : i32 to vector<16xi32>
        %shift_left3A_3071 = arith.shli %gather3A_3068, %shift_left3A_3070 : vector<16xi32>
        %bitcast3A_3072 = vector.bitcast %shift_left3A_3071 : vector<16xi32> to vector<16xf32>
        %mul3A_3073 = arith.mulf %mul3A_1545, %bitcast3A_3072 : vector<16xf32>
        %add3A_3074 = arith.addf %add3A_3063, %mul3A_3073 : vector<16xf32>
        %and3A_3075 = arith.andi %gather3A_3068, %broadcast_in_dim3A_102 : vector<16xi32>
        %bitcast3A_3076 = vector.bitcast %and3A_3075 : vector<16xi32> to vector<16xf32>
        %mul3A_3077 = arith.mulf %mul3A_1545, %bitcast3A_3076 : vector<16xf32>
        %add3A_3078 = arith.addf %add3A_3067, %mul3A_3077 : vector<16xf32>
        %swap3A_3079 = arith.constant 448 : index
        %swap3A_3080 = tpu.vector_load %arg19[%swap3A_3079] {strides = array<i32>} : memref<512xf32, #tpu.memory_space<vmem>>, vector<16xf32>,
        tpu.vector_store %arg19[%swap3A_3079], %add3A_3074 {add = true, strides = array<i32>} : memref<512xf32, #tpu.memory_space<vmem>>, vector<16xf32>,
        %swap3A_3081 = arith.constant 464 : index
        %swap3A_3082 = tpu.vector_load %arg19[%swap3A_3081] {strides = array<i32>} : memref<512xf32, #tpu.memory_space<vmem>>, vector<16xf32>,
        tpu.vector_store %arg19[%swap3A_3081], %add3A_3078 {add = true, strides = array<i32>} : memref<512xf32, #tpu.memory_space<vmem>>, vector<16xf32>,
        %gather3A_3083 = tpu.vector_load_idx %arg18[%add3A_1326, %and3A_100] : memref<256x16xi32, #tpu.memory_space<vmem>>[vector<16xi32>, vector<16xi32>], vector<16xi32>,
        %shift_left3A_3084 = arith.constant 16 : i32
        %shift_left3A_3085 = vector.broadcast %shift_left3A_3084 : i32 to vector<16xi32>
        %shift_left3A_3086 = arith.shli %gather3A_3083, %shift_left3A_3085 : vector<16xi32>
        %bitcast3A_3087 = vector.bitcast %shift_left3A_3086 : vector<16xi32> to vector<16xf32>
        %mul3A_3088 = arith.mulf %mul3A_1537, %bitcast3A_3087 : vector<16xf32>
        %and3A_3089 = arith.andi %gather3A_3083, %broadcast_in_dim3A_102 : vector<16xi32>
        %bitcast3A_3090 = vector.bitcast %and3A_3089 : vector<16xi32> to vector<16xf32>
        %mul3A_3091 = arith.mulf %mul3A_1537, %bitcast3A_3090 : vector<16xf32>
        %gather3A_3092 = tpu.vector_load_idx %arg17[%add3A_1548, %and3A_100] : memref<1664x16xi32, #tpu.memory_space<vmem>>[vector<16xi32>, vector<16xi32>], vector<16xi32>,
        %shift_left3A_3093 = arith.constant 16 : i32
        %shift_left3A_3094 = vector.broadcast %shift_left3A_3093 : i32 to vector<16xi32>
        %shift_left3A_3095 = arith.shli %gather3A_3092, %shift_left3A_3094 : vector<16xi32>
        %bitcast3A_3096 = vector.bitcast %shift_left3A_3095 : vector<16xi32> to vector<16xf32>
        %mul3A_3097 = arith.mulf %mul3A_1538, %bitcast3A_3096 : vector<16xf32>
        %add3A_3098 = arith.addf %mul3A_3088, %mul3A_3097 : vector<16xf32>
        %and3A_3099 = arith.andi %gather3A_3092, %broadcast_in_dim3A_102 : vector<16xi32>
        %bitcast3A_3100 = vector.bitcast %and3A_3099 : vector<16xi32> to vector<16xf32>
        %mul3A_3101 = arith.mulf %mul3A_1538, %bitcast3A_3100 : vector<16xf32>
        %add3A_3102 = arith.addf %mul3A_3091, %mul3A_3101 : vector<16xf32>
        %gather3A_3103 = tpu.vector_load_idx %arg17[%add3A_1551, %and3A_100] : memref<1664x16xi32, #tpu.memory_space<vmem>>[vector<16xi32>, vector<16xi32>], vector<16xi32>,
        %shift_left3A_3104 = arith.constant 16 : i32
        %shift_left3A_3105 = vector.broadcast %shift_left3A_3104 : i32 to vector<16xi32>
        %shift_left3A_3106 = arith.shli %gather3A_3103, %shift_left3A_3105 : vector<16xi32>
        %bitcast3A_3107 = vector.bitcast %shift_left3A_3106 : vector<16xi32> to vector<16xf32>
        %mul3A_3108 = arith.mulf %mul3A_1539, %bitcast3A_3107 : vector<16xf32>
        %add3A_3109 = arith.addf %add3A_3098, %mul3A_3108 : vector<16xf32>
        %and3A_3110 = arith.andi %gather3A_3103, %broadcast_in_dim3A_102 : vector<16xi32>
        %bitcast3A_3111 = vector.bitcast %and3A_3110 : vector<16xi32> to vector<16xf32>
        %mul3A_3112 = arith.mulf %mul3A_1539, %bitcast3A_3111 : vector<16xf32>
        %add3A_3113 = arith.addf %add3A_3102, %mul3A_3112 : vector<16xf32>
        %gather3A_3114 = tpu.vector_load_idx %arg17[%add3A_1554, %and3A_100] : memref<1664x16xi32, #tpu.memory_space<vmem>>[vector<16xi32>, vector<16xi32>], vector<16xi32>,
        %shift_left3A_3115 = arith.constant 16 : i32
        %shift_left3A_3116 = vector.broadcast %shift_left3A_3115 : i32 to vector<16xi32>
        %shift_left3A_3117 = arith.shli %gather3A_3114, %shift_left3A_3116 : vector<16xi32>
        %bitcast3A_3118 = vector.bitcast %shift_left3A_3117 : vector<16xi32> to vector<16xf32>
        %mul3A_3119 = arith.mulf %mul3A_1540, %bitcast3A_3118 : vector<16xf32>
        %add3A_3120 = arith.addf %add3A_3109, %mul3A_3119 : vector<16xf32>
        %and3A_3121 = arith.andi %gather3A_3114, %broadcast_in_dim3A_102 : vector<16xi32>
        %bitcast3A_3122 = vector.bitcast %and3A_3121 : vector<16xi32> to vector<16xf32>
        %mul3A_3123 = arith.mulf %mul3A_1540, %bitcast3A_3122 : vector<16xf32>
        %add3A_3124 = arith.addf %add3A_3113, %mul3A_3123 : vector<16xf32>
        %gather3A_3125 = tpu.vector_load_idx %arg17[%add3A_1557, %and3A_100] : memref<1664x16xi32, #tpu.memory_space<vmem>>[vector<16xi32>, vector<16xi32>], vector<16xi32>,
        %shift_left3A_3126 = arith.constant 16 : i32
        %shift_left3A_3127 = vector.broadcast %shift_left3A_3126 : i32 to vector<16xi32>
        %shift_left3A_3128 = arith.shli %gather3A_3125, %shift_left3A_3127 : vector<16xi32>
        %bitcast3A_3129 = vector.bitcast %shift_left3A_3128 : vector<16xi32> to vector<16xf32>
        %mul3A_3130 = arith.mulf %mul3A_1541, %bitcast3A_3129 : vector<16xf32>
        %add3A_3131 = arith.addf %add3A_3120, %mul3A_3130 : vector<16xf32>
        %and3A_3132 = arith.andi %gather3A_3125, %broadcast_in_dim3A_102 : vector<16xi32>
        %bitcast3A_3133 = vector.bitcast %and3A_3132 : vector<16xi32> to vector<16xf32>
        %mul3A_3134 = arith.mulf %mul3A_1541, %bitcast3A_3133 : vector<16xf32>
        %add3A_3135 = arith.addf %add3A_3124, %mul3A_3134 : vector<16xf32>
        %gather3A_3136 = tpu.vector_load_idx %arg17[%add3A_1560, %and3A_100] : memref<1664x16xi32, #tpu.memory_space<vmem>>[vector<16xi32>, vector<16xi32>], vector<16xi32>,
        %shift_left3A_3137 = arith.constant 16 : i32
        %shift_left3A_3138 = vector.broadcast %shift_left3A_3137 : i32 to vector<16xi32>
        %shift_left3A_3139 = arith.shli %gather3A_3136, %shift_left3A_3138 : vector<16xi32>
        %bitcast3A_3140 = vector.bitcast %shift_left3A_3139 : vector<16xi32> to vector<16xf32>
        %mul3A_3141 = arith.mulf %mul3A_1542, %bitcast3A_3140 : vector<16xf32>
        %add3A_3142 = arith.addf %add3A_3131, %mul3A_3141 : vector<16xf32>
        %and3A_3143 = arith.andi %gather3A_3136, %broadcast_in_dim3A_102 : vector<16xi32>
        %bitcast3A_3144 = vector.bitcast %and3A_3143 : vector<16xi32> to vector<16xf32>
        %mul3A_3145 = arith.mulf %mul3A_1542, %bitcast3A_3144 : vector<16xf32>
        %add3A_3146 = arith.addf %add3A_3135, %mul3A_3145 : vector<16xf32>
        %gather3A_3147 = tpu.vector_load_idx %arg17[%add3A_1563, %and3A_100] : memref<1664x16xi32, #tpu.memory_space<vmem>>[vector<16xi32>, vector<16xi32>], vector<16xi32>,
        %shift_left3A_3148 = arith.constant 16 : i32
        %shift_left3A_3149 = vector.broadcast %shift_left3A_3148 : i32 to vector<16xi32>
        %shift_left3A_3150 = arith.shli %gather3A_3147, %shift_left3A_3149 : vector<16xi32>
        %bitcast3A_3151 = vector.bitcast %shift_left3A_3150 : vector<16xi32> to vector<16xf32>
        %mul3A_3152 = arith.mulf %mul3A_1543, %bitcast3A_3151 : vector<16xf32>
        %add3A_3153 = arith.addf %add3A_3142, %mul3A_3152 : vector<16xf32>
        %and3A_3154 = arith.andi %gather3A_3147, %broadcast_in_dim3A_102 : vector<16xi32>
        %bitcast3A_3155 = vector.bitcast %and3A_3154 : vector<16xi32> to vector<16xf32>
        %mul3A_3156 = arith.mulf %mul3A_1543, %bitcast3A_3155 : vector<16xf32>
        %add3A_3157 = arith.addf %add3A_3146, %mul3A_3156 : vector<16xf32>
        %gather3A_3158 = tpu.vector_load_idx %arg17[%add3A_1566, %and3A_100] : memref<1664x16xi32, #tpu.memory_space<vmem>>[vector<16xi32>, vector<16xi32>], vector<16xi32>,
        %shift_left3A_3159 = arith.constant 16 : i32
        %shift_left3A_3160 = vector.broadcast %shift_left3A_3159 : i32 to vector<16xi32>
        %shift_left3A_3161 = arith.shli %gather3A_3158, %shift_left3A_3160 : vector<16xi32>
        %bitcast3A_3162 = vector.bitcast %shift_left3A_3161 : vector<16xi32> to vector<16xf32>
        %mul3A_3163 = arith.mulf %mul3A_1544, %bitcast3A_3162 : vector<16xf32>
        %add3A_3164 = arith.addf %add3A_3153, %mul3A_3163 : vector<16xf32>
        %and3A_3165 = arith.andi %gather3A_3158, %broadcast_in_dim3A_102 : vector<16xi32>
        %bitcast3A_3166 = vector.bitcast %and3A_3165 : vector<16xi32> to vector<16xf32>
        %mul3A_3167 = arith.mulf %mul3A_1544, %bitcast3A_3166 : vector<16xf32>
        %add3A_3168 = arith.addf %add3A_3157, %mul3A_3167 : vector<16xf32>
        %gather3A_3169 = tpu.vector_load_idx %arg17[%add3A_1569, %and3A_100] : memref<1664x16xi32, #tpu.memory_space<vmem>>[vector<16xi32>, vector<16xi32>], vector<16xi32>,
        %shift_left3A_3170 = arith.constant 16 : i32
        %shift_left3A_3171 = vector.broadcast %shift_left3A_3170 : i32 to vector<16xi32>
        %shift_left3A_3172 = arith.shli %gather3A_3169, %shift_left3A_3171 : vector<16xi32>
        %bitcast3A_3173 = vector.bitcast %shift_left3A_3172 : vector<16xi32> to vector<16xf32>
        %mul3A_3174 = arith.mulf %mul3A_1545, %bitcast3A_3173 : vector<16xf32>
        %add3A_3175 = arith.addf %add3A_3164, %mul3A_3174 : vector<16xf32>
        %and3A_3176 = arith.andi %gather3A_3169, %broadcast_in_dim3A_102 : vector<16xi32>
        %bitcast3A_3177 = vector.bitcast %and3A_3176 : vector<16xi32> to vector<16xf32>
        %mul3A_3178 = arith.mulf %mul3A_1545, %bitcast3A_3177 : vector<16xf32>
        %add3A_3179 = arith.addf %add3A_3168, %mul3A_3178 : vector<16xf32>
        %swap3A_3180 = arith.constant 480 : index
        %swap3A_3181 = tpu.vector_load %arg19[%swap3A_3180] {strides = array<i32>} : memref<512xf32, #tpu.memory_space<vmem>>, vector<16xf32>,
        tpu.vector_store %arg19[%swap3A_3180], %add3A_3175 {add = true, strides = array<i32>} : memref<512xf32, #tpu.memory_space<vmem>>, vector<16xf32>,
        %swap3A_3182 = arith.constant 496 : index
        %swap3A_3183 = tpu.vector_load %arg19[%swap3A_3182] {strides = array<i32>} : memref<512xf32, #tpu.memory_space<vmem>>, vector<16xf32>,
        tpu.vector_store %arg19[%swap3A_3182], %add3A_3179 {add = true, strides = array<i32>} : memref<512xf32, #tpu.memory_space<vmem>>, vector<16xf32>,
      }
      %scan3A_1321 = arith.constant 13 : i32
      "tpu.region"() ({
        %run_scoped3A = tpu.sem_alloc : memref<!tpu.dma_semaphore, #tpu.memory_space<semaphore_mem>>
        %dma_start3A_1322 = arith.constant 0 : i32
        %dma_start3A_1323 = tpu.memref_slice %arg9[%add3A_138, %dma_start3A_1322] : memref<1024x512xf32, #tpu.memory_space<hbm>> -> memref<1x512xf32, #tpu.memory_space<hbm>>
        %dma_start3A_1324 = tpu.memref_squeeze %dma_start3A_1323 : memref<1x512xf32, #tpu.memory_space<hbm>> -> memref<512xf32, #tpu.memory_space<hbm>>
        %dma_start3A_1325 = arith.constant 0 : i32
        %dma_start3A_1326 = tpu.memref_slice %arg9[%add3A_138, %dma_start3A_1325] : memref<1024x512xf32, #tpu.memory_space<hbm>> -> memref<1x512xf32, #tpu.memory_space<hbm>>
        %dma_start3A_1327 = tpu.memref_squeeze %dma_start3A_1326 : memref<1x512xf32, #tpu.memory_space<hbm>> -> memref<512xf32, #tpu.memory_space<hbm>>
        tpu.enqueue_dma source(%arg19 : memref<512xf32, #tpu.memory_space<vmem>>) target(%dma_start3A_1327 : memref<512xf32, #tpu.memory_space<hbm>>) target_semaphore(%run_scoped3A : memref<!tpu.dma_semaphore, #tpu.memory_space<semaphore_mem>>)
        %dma_wait3A_1328 = arith.constant 0 : i32
        %dma_wait3A_1329 = tpu.memref_slice %arg9[%add3A_138, %dma_wait3A_1328] : memref<1024x512xf32, #tpu.memory_space<hbm>> -> memref<1x512xf32, #tpu.memory_space<hbm>>
        %dma_wait3A_1330 = tpu.memref_squeeze %dma_wait3A_1329 : memref<1x512xf32, #tpu.memory_space<hbm>> -> memref<512xf32, #tpu.memory_space<hbm>>
        %dma_wait3A_1331 = arith.constant 0 : i32
        %dma_wait3A_1332 = tpu.memref_slice %arg9[%add3A_138, %dma_wait3A_1331] : memref<1024x512xf32, #tpu.memory_space<hbm>> -> memref<1x512xf32, #tpu.memory_space<hbm>>
        %dma_wait3A_1333 = tpu.memref_squeeze %dma_wait3A_1332 : memref<1x512xf32, #tpu.memory_space<hbm>> -> memref<512xf32, #tpu.memory_space<hbm>>
        tpu.wait_dma2 semaphore(%run_scoped3A : memref<!tpu.dma_semaphore, #tpu.memory_space<semaphore_mem>>) src(%arg19 : memref<512xf32, #tpu.memory_space<vmem>>) dst(%dma_wait3A_1333 : memref<512xf32, #tpu.memory_space<hbm>>)
        tpu.yield
      }) : () -> ()
    }
    %scan3A_136 = arith.constant 32 : i32
    return
  }
}

module attributes {stable_mosaic.version = 14 : i64} {
  func.func @_ln_body(%arg0: memref<10000x32xf32, #tpu.memory_space<vmem>>, %arg1: memref<1x32xf32, #tpu.memory_space<vmem>>, %arg2: memref<1x32xf32, #tpu.memory_space<vmem>>, %arg3: memref<10000x32xbf16, #tpu.memory_space<vmem>>) attributes {dimension_semantics = [], scalar_prefetch = 0 : i64, scratch_operands = 0 : i64, tpu.core_type = #tpu.core_type<tc>} {
    %get3A = arith.constant 0 : index
    %get3A_0 = arith.constant 0 : index
    %get3A_1 = vector.load %arg0[%get3A, %get3A_0] : memref<10000x32xf32, #tpu.memory_space<vmem>>, vector<10000x32xf32>
    %reduce_sum3A = arith.constant dense<0.000000e+00> : vector<10000xf32>
    %reduce_sum3A_2 = vector.multi_reduction <add>, %get3A_1, %reduce_sum3A [1] : vector<10000x32xf32> to vector<10000xf32>
    %broadcast_in_dim3A = vector.shape_cast %reduce_sum3A_2 : vector<10000xf32> to vector<10000x1xf32>
    %div3A = arith.constant 3.200000e+01 : f32
    %div3A_3 = vector.broadcast %div3A : f32 to vector<10000x1xf32>
    %div3A_4 = arith.divf %broadcast_in_dim3A, %div3A_3 : vector<10000x1xf32>
    %sub3A = vector.broadcast %div3A_4 : vector<10000x1xf32> to vector<10000x32xf32>
    %sub3A_5 = arith.subf %get3A_1, %sub3A : vector<10000x32xf32>
    %sub3A_6 = vector.broadcast %div3A_4 : vector<10000x1xf32> to vector<10000x32xf32>
    %sub3A_7 = arith.subf %get3A_1, %sub3A_6 : vector<10000x32xf32>
    %mul3A = arith.mulf %sub3A_5, %sub3A_7 : vector<10000x32xf32>
    %reduce_sum3A_8 = arith.constant dense<0.000000e+00> : vector<10000xf32>
    %reduce_sum3A_9 = vector.multi_reduction <add>, %mul3A, %reduce_sum3A_8 [1] : vector<10000x32xf32> to vector<10000xf32>
    %broadcast_in_dim3A_10 = vector.shape_cast %reduce_sum3A_9 : vector<10000xf32> to vector<10000x1xf32>
    %div3A_11 = arith.constant 3.200000e+01 : f32
    %div3A_12 = vector.broadcast %div3A_11 : f32 to vector<10000x1xf32>
    %div3A_13 = arith.divf %broadcast_in_dim3A_10, %div3A_12 : vector<10000x1xf32>
    %sub3A_14 = vector.broadcast %div3A_4 : vector<10000x1xf32> to vector<10000x32xf32>
    %sub3A_15 = arith.subf %get3A_1, %sub3A_14 : vector<10000x32xf32>
    %add3A = arith.constant 9.99999974E-6 : f32
    %add3A_16 = vector.broadcast %add3A : f32 to vector<10000x1xf32>
    %add3A_17 = arith.addf %div3A_13, %add3A_16 : vector<10000x1xf32>
    %rsqrt3A = math.rsqrt %add3A_17 : vector<10000x1xf32>
    %mul3A_18 = vector.broadcast %rsqrt3A : vector<10000x1xf32> to vector<10000x32xf32>
    %mul3A_19 = arith.mulf %sub3A_15, %mul3A_18 : vector<10000x32xf32>
    %get3A_20 = arith.constant 0 : index
    %get3A_21 = arith.constant 0 : index
    %get3A_22 = vector.load %arg1[%get3A_20, %get3A_21] : memref<1x32xf32, #tpu.memory_space<vmem>>, vector<1x32xf32>
    %mul3A_23 = vector.broadcast %get3A_22 : vector<1x32xf32> to vector<10000x32xf32>
    %mul3A_24 = arith.mulf %mul3A_19, %mul3A_23 : vector<10000x32xf32>
    %get3A_25 = arith.constant 0 : index
    %get3A_26 = arith.constant 0 : index
    %get3A_27 = vector.load %arg2[%get3A_25, %get3A_26] : memref<1x32xf32, #tpu.memory_space<vmem>>, vector<1x32xf32>
    %add3A_28 = vector.broadcast %get3A_27 : vector<1x32xf32> to vector<10000x32xf32>
    %add3A_29 = arith.addf %mul3A_24, %add3A_28 : vector<10000x32xf32>
    %convert_element_type3A = arith.truncf %add3A_29 : vector<10000x32xf32> to vector<10000x32xbf16>
    %swap3A = arith.constant 0 : index
    %swap3A_30 = arith.constant 0 : index
    %swap3A_31 = vector.load %arg3[%swap3A, %swap3A_30] : memref<10000x32xbf16, #tpu.memory_space<vmem>>, vector<10000x32xbf16>
    tpu.vector_store %arg3[%swap3A, %swap3A_30], %convert_element_type3A {strides = array<i32>} : memref<10000x32xbf16, #tpu.memory_space<vmem>>, vector<10000x32xbf16>,
    return
  }
}

module attributes {stable_mosaic.version = 14 : i64} {
  func.func @_fc_body(%arg0: memref<1024x512xf32, #tpu.memory_space<vmem>>, %arg1: memref<64x32xf32, #tpu.memory_space<vmem>>, %arg2: memref<1x64xf32, #tpu.memory_space<vmem>>, %arg3: memref<1024x64xf32, #tpu.memory_space<vmem>>) attributes {dimension_semantics = [], scalar_prefetch = 0 : i64, scratch_operands = 0 : i64, tpu.core_type = #tpu.core_type<tc>} {
    %get3A = arith.constant 0 : index
    %get3A_0 = arith.constant 0 : index
    %get3A_1 = vector.load %arg0[%get3A, %get3A_0] : memref<1024x512xf32, #tpu.memory_space<vmem>>, vector<1024x512xf32>
    %iota3A = tpu.iota {dimensions = array<i32: 0>} : vector<512x32xi32>
    %iota3A_2 = tpu.iota {dimensions = array<i32: 1>} : vector<512x32xi32>
    %jit3A = arith.constant 16 : i32
    %div3A = vector.broadcast %jit3A : i32 to vector<512x32xi32>
    %div3A_3 = arith.divsi %iota3A, %div3A : vector<512x32xi32>
    %sign3A = arith.constant 0 : i32
    %sign3A_4 = vector.broadcast %sign3A : i32 to vector<512x32xi32>
    %sign3A_5 = arith.cmpi sgt, %iota3A, %sign3A_4 : vector<512x32xi32>
    %sign3A_6 = arith.extui %sign3A_5 : vector<512x32xi1> to vector<512x32xi32>
    %sign3A_7 = arith.constant 0 : i32
    %sign3A_8 = vector.broadcast %sign3A_7 : i32 to vector<512x32xi32>
    %sign3A_9 = arith.cmpi slt, %iota3A, %sign3A_8 : vector<512x32xi32>
    %sign3A_10 = arith.extui %sign3A_9 : vector<512x32xi1> to vector<512x32xi32>
    %sign3A_11 = arith.subi %sign3A_6, %sign3A_10 : vector<512x32xi32>
    %sign3A_12 = arith.constant 0 : i32
    %sign3A_13 = arith.cmpi sgt, %jit3A, %sign3A_12 : i32
    %sign3A_14 = arith.extui %sign3A_13 : i1 to i32
    %sign3A_15 = arith.constant 0 : i32
    %sign3A_16 = arith.cmpi slt, %jit3A, %sign3A_15 : i32
    %sign3A_17 = arith.extui %sign3A_16 : i1 to i32
    %sign3A_18 = arith.subi %sign3A_14, %sign3A_17 : i32
    %ne3A = vector.broadcast %sign3A_18 : i32 to vector<512x32xi32>
    %ne3A_19 = arith.cmpi ne, %sign3A_11, %ne3A : vector<512x32xi32>
    %rem3A = vector.broadcast %jit3A : i32 to vector<512x32xi32>
    %rem3A_20 = arith.remsi %iota3A, %rem3A : vector<512x32xi32>
    %ne3A_21 = arith.constant 0 : i32
    %ne3A_22 = vector.broadcast %ne3A_21 : i32 to vector<512x32xi32>
    %ne3A_23 = arith.cmpi ne, %rem3A_20, %ne3A_22 : vector<512x32xi32>
    %and3A = arith.andi %ne3A_19, %ne3A_23 : vector<512x32xi1>
    %sub3A = arith.constant 1 : i32
    %sub3A_24 = vector.broadcast %sub3A : i32 to vector<512x32xi32>
    %sub3A_25 = arith.subi %div3A_3, %sub3A_24 : vector<512x32xi32>
    %select_n3A = arith.select %and3A, %sub3A_25, %div3A_3 : vector<512x32xi1>, vector<512x32xi32>
    %jit3A_26 = arith.constant 16 : i32
    %eq3A = arith.constant 0 : i32
    %eq3A_27 = arith.cmpi eq, %jit3A_26, %eq3A : i32
    %jit3A_28 = arith.constant 1 : i32
    %select_n3A_29 = arith.select %eq3A_27, %jit3A_28, %jit3A_26 : i32
    %rem3A_30 = vector.broadcast %select_n3A_29 : i32 to vector<512x32xi32>
    %rem3A_31 = arith.remsi %iota3A, %rem3A_30 : vector<512x32xi32>
    %ne3A_32 = arith.constant 0 : i32
    %ne3A_33 = vector.broadcast %ne3A_32 : i32 to vector<512x32xi32>
    %ne3A_34 = arith.cmpi ne, %rem3A_31, %ne3A_33 : vector<512x32xi32>
    %lt3A = arith.constant 0 : i32
    %lt3A_35 = vector.broadcast %lt3A : i32 to vector<512x32xi32>
    %lt3A_36 = arith.cmpi slt, %rem3A_31, %lt3A_35 : vector<512x32xi32>
    %lt3A_37 = arith.constant 0 : i32
    %lt3A_38 = arith.cmpi slt, %select_n3A_29, %lt3A_37 : i32
    %ne3A_39 = vector.broadcast %lt3A_38 : i1 to vector<512x32xi1>
    %ne3A_40 = vector.broadcast %ne3A_39 : vector<512x32xi1> to vector<512x32xi1>
    %ne3A_41 = arith.xori %lt3A_36, %ne3A_40 : vector<512x32xi1>
    %and3A_42 = arith.andi %ne3A_41, %ne3A_34 : vector<512x32xi1>
    %add3A = vector.broadcast %select_n3A_29 : i32 to vector<512x32xi32>
    %add3A_43 = arith.addi %rem3A_31, %add3A : vector<512x32xi32>
    %select_n3A_44 = arith.select %and3A_42, %add3A_43, %rem3A_31 : vector<512x32xi1>, vector<512x32xi32>
    %jit3A_45 = arith.constant 2 : i32
    %div3A_46 = vector.broadcast %jit3A_45 : i32 to vector<512x32xi32>
    %div3A_47 = arith.divsi %select_n3A, %div3A_46 : vector<512x32xi32>
    %sign3A_48 = arith.constant 0 : i32
    %sign3A_49 = vector.broadcast %sign3A_48 : i32 to vector<512x32xi32>
    %sign3A_50 = arith.cmpi sgt, %select_n3A, %sign3A_49 : vector<512x32xi32>
    %sign3A_51 = arith.extui %sign3A_50 : vector<512x32xi1> to vector<512x32xi32>
    %sign3A_52 = arith.constant 0 : i32
    %sign3A_53 = vector.broadcast %sign3A_52 : i32 to vector<512x32xi32>
    %sign3A_54 = arith.cmpi slt, %select_n3A, %sign3A_53 : vector<512x32xi32>
    %sign3A_55 = arith.extui %sign3A_54 : vector<512x32xi1> to vector<512x32xi32>
    %sign3A_56 = arith.subi %sign3A_51, %sign3A_55 : vector<512x32xi32>
    %sign3A_57 = arith.constant 0 : i32
    %sign3A_58 = arith.cmpi sgt, %jit3A_45, %sign3A_57 : i32
    %sign3A_59 = arith.extui %sign3A_58 : i1 to i32
    %sign3A_60 = arith.constant 0 : i32
    %sign3A_61 = arith.cmpi slt, %jit3A_45, %sign3A_60 : i32
    %sign3A_62 = arith.extui %sign3A_61 : i1 to i32
    %sign3A_63 = arith.subi %sign3A_59, %sign3A_62 : i32
    %ne3A_64 = vector.broadcast %sign3A_63 : i32 to vector<512x32xi32>
    %ne3A_65 = arith.cmpi ne, %sign3A_56, %ne3A_64 : vector<512x32xi32>
    %rem3A_66 = vector.broadcast %jit3A_45 : i32 to vector<512x32xi32>
    %rem3A_67 = arith.remsi %select_n3A, %rem3A_66 : vector<512x32xi32>
    %ne3A_68 = arith.constant 0 : i32
    %ne3A_69 = vector.broadcast %ne3A_68 : i32 to vector<512x32xi32>
    %ne3A_70 = arith.cmpi ne, %rem3A_67, %ne3A_69 : vector<512x32xi32>
    %and3A_71 = arith.andi %ne3A_65, %ne3A_70 : vector<512x32xi1>
    %sub3A_72 = arith.constant 1 : i32
    %sub3A_73 = vector.broadcast %sub3A_72 : i32 to vector<512x32xi32>
    %sub3A_74 = arith.subi %div3A_47, %sub3A_73 : vector<512x32xi32>
    %select_n3A_75 = arith.select %and3A_71, %sub3A_74, %div3A_47 : vector<512x32xi1>, vector<512x32xi32>
    %add3A_76 = arith.addi %select_n3A_75, %select_n3A_44 : vector<512x32xi32>
    %and3A_77 = arith.constant 15 : i32
    %and3A_78 = vector.broadcast %and3A_77 : i32 to vector<512x32xi32>
    %and3A_79 = arith.andi %add3A_76, %and3A_78 : vector<512x32xi32>
    %mul3A = arith.constant 2 : i32
    %mul3A_80 = vector.broadcast %mul3A : i32 to vector<512x32xi32>
    %mul3A_81 = arith.muli %mul3A_80, %and3A_79 : vector<512x32xi32>
    %jit3A_82 = arith.constant 2 : i32
    %eq3A_83 = arith.constant 0 : i32
    %eq3A_84 = arith.cmpi eq, %jit3A_82, %eq3A_83 : i32
    %jit3A_85 = arith.constant 1 : i32
    %select_n3A_86 = arith.select %eq3A_84, %jit3A_85, %jit3A_82 : i32
    %rem3A_87 = vector.broadcast %select_n3A_86 : i32 to vector<512x32xi32>
    %rem3A_88 = arith.remsi %select_n3A, %rem3A_87 : vector<512x32xi32>
    %ne3A_89 = arith.constant 0 : i32
    %ne3A_90 = vector.broadcast %ne3A_89 : i32 to vector<512x32xi32>
    %ne3A_91 = arith.cmpi ne, %rem3A_88, %ne3A_90 : vector<512x32xi32>
    %lt3A_92 = arith.constant 0 : i32
    %lt3A_93 = vector.broadcast %lt3A_92 : i32 to vector<512x32xi32>
    %lt3A_94 = arith.cmpi slt, %rem3A_88, %lt3A_93 : vector<512x32xi32>
    %lt3A_95 = arith.constant 0 : i32
    %lt3A_96 = arith.cmpi slt, %select_n3A_86, %lt3A_95 : i32
    %ne3A_97 = vector.broadcast %lt3A_96 : i1 to vector<512x32xi1>
    %ne3A_98 = vector.broadcast %ne3A_97 : vector<512x32xi1> to vector<512x32xi1>
    %ne3A_99 = arith.xori %lt3A_94, %ne3A_98 : vector<512x32xi1>
    %and3A_100 = arith.andi %ne3A_99, %ne3A_91 : vector<512x32xi1>
    %add3A_101 = vector.broadcast %select_n3A_86 : i32 to vector<512x32xi32>
    %add3A_102 = arith.addi %rem3A_88, %add3A_101 : vector<512x32xi32>
    %select_n3A_103 = arith.select %and3A_100, %add3A_102, %rem3A_88 : vector<512x32xi1>, vector<512x32xi32>
    %add3A_104 = arith.addi %mul3A_81, %select_n3A_103 : vector<512x32xi32>
    %eq3A_105 = arith.cmpi eq, %iota3A_2, %add3A_104 : vector<512x32xi32>
    %jit3A_106 = arith.constant 1.000000e+00 : f32
    %jit3A_107 = arith.constant 0.000000e+00 : f32
    %broadcast_in_dim3A = vector.broadcast %jit3A_106 : f32 to vector<512x32xf32>
    %broadcast_in_dim3A_108 = vector.broadcast %jit3A_107 : f32 to vector<512x32xf32>
    %select_n3A_109 = arith.select %eq3A_105, %broadcast_in_dim3A, %broadcast_in_dim3A_108 : vector<512x32xi1>, vector<512x32xf32>
    %dot_general3A = arith.constant dense<0.000000e+00> : vector<1024x32xf32>
    %dot_general3A_110 = tpu.matmul %get3A_1, %select_n3A_109, %dot_general3A {dimension_numbers = #tpu.dot_dimension_numbers<[1], [0], [0], [1], [0, 0, 1, 1], [], []>, transpose_lhs_hint = false} : vector<1024x512xf32>, vector<512x32xf32>, vector<1024x32xf32> -> vector<1024x32xf32>
    %max3A = arith.constant 1.000000e+00 : f32
    %max3A_111 = vector.broadcast %max3A : f32 to vector<1024x32xf32>
    %max3A_112 = arith.maximumf %dot_general3A_110, %max3A_111 : vector<1024x32xf32>
    %get3A_113 = arith.constant 0 : index
    %get3A_114 = arith.constant 0 : index
    %get3A_115 = vector.load %arg1[%get3A_113, %get3A_114] : memref<64x32xf32, #tpu.memory_space<vmem>>, vector<64x32xf32>
    %dot_general3A_116 = arith.constant dense<0.000000e+00> : vector<1024x64xf32>
    %dot_general3A_117 = tpu.matmul %max3A_112, %get3A_115, %dot_general3A_116 {dimension_numbers = #tpu.dot_dimension_numbers<[1], [1], [0], [0], [0, 0, 1, 0], [], []>, transpose_lhs_hint = false} : vector<1024x32xf32>, vector<64x32xf32>, vector<1024x64xf32> -> vector<1024x64xf32>
    %get3A_118 = arith.constant 0 : index
    %get3A_119 = arith.constant 0 : index
    %get3A_120 = vector.load %arg2[%get3A_118, %get3A_119] : memref<1x64xf32, #tpu.memory_space<vmem>>, vector<1x64xf32>
    %add3A_121 = vector.broadcast %get3A_120 : vector<1x64xf32> to vector<1024x64xf32>
    %add3A_122 = arith.addf %dot_general3A_117, %add3A_121 : vector<1024x64xf32>
    %swap3A = arith.constant 0 : index
    %swap3A_123 = arith.constant 0 : index
    %swap3A_124 = vector.load %arg3[%swap3A, %swap3A_123] : memref<1024x64xf32, #tpu.memory_space<vmem>>, vector<1024x64xf32>
    tpu.vector_store %arg3[%swap3A, %swap3A_123], %add3A_122 {strides = array<i32>} : memref<1024x64xf32, #tpu.memory_space<vmem>>, vector<1024x64xf32>,
    return
  }
}

</mosaic_0001>

<sc_bundles>
// kernel: kernel.5.cloned.1.call-start
scs
__scs_entry_jumppad:
0x0: {  	(pc) =	sbr.rel $0x88, $3  }
0x1: {  	(tag) =	ssettag $0x0;
	lr =	simm.s32 $0x1  }
0x2: {  	[smem:$0x3F97] =	sst lr;
	_ =	strace $0xD0000000  }
0x3: {  	_ = 	snop  }
0x4: {  	_ = 	snop  }
0x5: {  	_ = 	snop  }
0x6: {  	_ = 	snop  }
0x7: {  	_ = 	snop  }
__scs_overlays_trampoline_lowered:
0x8: {  	[smem:$0x3FA6] =	sst s0  }
0x9: {  	[smem:$0x3FA7] =	sst s1  }
0xa: {  	[smem:$0x3FA8] =	sst s2  }
0xb: {  	[smem:$0x3FA9] =	sst s3  }
0xc: {  	[smem:$0x3FAA] =	sst s4  }
0xd: {  	[smem:$0x3FAB] =	sst s5  }
0xe: {  	[smem:$0x3FAC] =	sst s6  }
0xf: {  	[smem:$0x3FAD] =	sst s7  }
0x10: {  	[smem:$0x3FAE] =	sst s8  }
0x11: {  	[smem:$0x3FAF] =	sst s9;
	s0 =	simm.s32 @!p0 $0x0  }
0x12: {  	s1 =	sld [smem:$0x3F95];
	s0 =	simm.s32 @p0 $0x1  }
0x13: {  	[smem:$0x3FB0] =	sst s0;
	s0 =	simm.s32 @!p1 $0x0  }
0x14: {  	s2 =	sld [smem:$0x3F94];
	s0 =	simm.s32 @p1 $0x1  }
0x15: {  	[smem:$0x3FB1] =	sst s0;
	s0 =	simm.s32 @!p2 $0x0  }
0x16: {  	s3 =	sld [smem:$0x3FDB];
	s0 =	simm.s32 @p2 $0x1  }
0x17: {  	s4 =	simm.s32 $0x1BF5;
	[smem:$0x3FB3] =	sst s0  }
0x18: {  	s0 =	sld [smem:$0x3F96];
	_ =	swait.ge [sflag:s4], $0x0  }
0x19: {  	s7 =	sld [smem:$0x3F97]  }
0x1a: {  	s8 =	sadd.s32 $0xFFFFE003, lr  }
0x1b: {  	s9 =	sadd.s32 $0xFFFFFEF7, lr;
	s5 =	simm.s32 $0xFFFFFFFF;
	p2 =	slt.u32 s8, $0xFFFFF086  }
0x1c: {  	p1 =	slt.u32 s9, $0xF7A;
	s5 =	simm.s32 @!p2 $0x0  }
0x1d: {  	s5 =	simm.s32 @p1 $0x1;
	p0 =	seq.s32 s7, s2  }
0x1e: {  	s7 =	smul.u32 @!p0 $0xF7A, s2;
	p2 =	seq.s32 @!p0 s5, $0x0  }
0x1f: {  	s9 =	smul.u32 $0xF7A, s1;
	s8 =	simm.s32 @!p0 $0x1BF5;
	p2 =	por !p2, p0  }
0x20: {  	[sflag:s8] =	ssyncset.s32 @!p0 $0xFFFFF086;
	s6 =	sadd.s32 @!p0 s3, s7;
	s7 =	simm.s32 @!p0 $0x108  }
0x21: {  	s3 =	sadd.s32 s3, s9;
	s6 =	sadd.s32 @!p0 $0x88, s6;
	s7 =	simm.s32 @p2 $0x1082  }
0x22: {  	[simem:s7], [sflag:s8] =	dma.local @!p0 [hbm:s6], $0xF7A  }
0x23: {  	s9 =	sor.u32 $0xD0000000, s2;
	s6 =	simm.s32 $0x108;
	_ =	swait.ge @!p0 [sflag:s8], $0x0  }
0x24: {  	s3 =	sadd.s32 $0x88, s3;
	s6 =	simm.s32 @!p1 $0x1082;
	[sflag:s4] =	ssyncset.s32 $0xFFFFF086  }
0x25: {  	[simem:s6], [sflag:s4] =	dma.local [hbm:s3], $0xF7A  }
0x26: {  	[smem:$0x3F97] =	sst s1;
	(tag) =	ssettag s2;
	_ =	strace s9  }
0x27: {  	s1 =	sld [smem:$0x3FA7]  }
0x28: {  	s2 =	sld [smem:$0x3FA8]  }
0x29: {  	s4 =	sld [smem:$0x3FAA]  }
0x2a: {  	p0 =	seq.s32 s5, $0x0;
	s5 =	sld [smem:$0x3FAB]  }
0x2b: {  	s6 =	sld [smem:$0x3FAC]  }
0x2c: {  	s7 =	sld [smem:$0x3FAD]  }
0x2d: {  	s3 =	simm.s32 $0x108;
	s8 =	sld [smem:$0x3FAE]  }
0x2e: {  	s3 =	simm.s32 @!p0 $0x1082;
	s9 =	sld [smem:$0x3FAF]  }
0x2f: {  	lr =	sadd.s32 s0, s3;
	s0 =	sld [smem:$0x3FA6]  }
0x30: {  	s3 =	sld [smem:$0x3FA9]  }
0x31: {  	[smem:$0x3FB2] =	sst s10  }
0x32: {  	s10 =	sld [smem:$0x3FB0];
	_ =	sdelay $0x3  }
0x33: {  	p0 =	seq.s32 s10, $0x1;
	s10 =	sld [smem:$0x3FB2];
	_ =	sdelay $0x3  }
0x34: {  	[smem:$0x3FB2] =	sst s10  }
0x35: {  	s10 =	sld [smem:$0x3FB1];
	_ =	sdelay $0x3  }
0x36: {  	p1 =	seq.s32 s10, $0x1;
	s10 =	sld [smem:$0x3FB2];
	_ =	sdelay $0x3  }
0x37: {  	[smem:$0x3FB2] =	sst s10  }
0x38: {  	s10 =	sld [smem:$0x3FB3]  }
0x39: {  	_ = 	snop;
	(pc) =	sbr.ind lr, $3  }
0x3a: {  	_ = 	snop  }
0x3b: {  	_ = 	snop  }
0x3c: {  	p2 =	seq.s32 s10, $0x1;
	s10 =	sld [smem:$0x3FB2]  }
0x3d: {  	_ =	shalt  }
0x3e: {  	_ =	shalt  }
0x3f: {  	_ =	shalt  }
0x40: {  	_ =	shalt  }
0x41: {  	_ =	shalt  }
0x42: {  	_ =	shalt  }
0x43: {  	_ =	shalt  }
0x44: {  	_ =	shalt  }
0x45: {  	_ =	shalt  }
0x46: {  	_ =	shalt  }
0x47: {  	_ =	shalt  }
0x48: {  	_ =	shalt  }
0x49: {  	_ =	shalt  }
0x4a: {  	_ =	shalt  }
0x4b: {  	_ =	shalt  }
0x4c: {  	_ =	shalt  }
0x4d: {  	_ =	shalt  }
0x4e: {  	_ =	shalt  }
0x4f: {  	_ =	shalt  }
0x50: {  	_ =	shalt  }
0x51: {  	_ =	shalt  }
0x52: {  	_ =	shalt  }
0x53: {  	_ =	shalt  }
0x54: {  	_ =	shalt  }
0x55: {  	_ =	shalt  }
0x56: {  	_ =	shalt  }
0x57: {  	_ =	shalt  }
0x58: {  	_ =	shalt  }
0x59: {  	_ =	shalt  }
0x5a: {  	_ =	shalt  }
0x5b: {  	_ =	shalt  }
0x5c: {  	_ =	shalt  }
0x5d: {  	_ =	shalt  }
0x5e: {  	_ =	shalt  }
0x5f: {  	_ =	shalt  }
0x60: {  	_ =	shalt  }
0x61: {  	_ =	shalt  }
0x62: {  	_ =	shalt  }
0x63: {  	_ =	shalt  }
0x64: {  	_ =	shalt  }
0x65: {  	_ =	shalt  }
0x66: {  	_ =	shalt  }
0x67: {  	_ =	shalt  }
0x68: {  	_ =	shalt  }
0x69: {  	_ =	shalt  }
0x6a: {  	_ =	shalt  }
0x6b: {  	_ =	shalt  }
0x6c: {  	_ =	shalt  }
0x6d: {  	_ =	shalt  }
0x6e: {  	_ =	shalt  }
0x6f: {  	_ =	shalt  }
0x70: {  	_ =	shalt  }
0x71: {  	_ =	shalt  }
0x72: {  	_ =	shalt  }
0x73: {  	_ =	shalt  }
0x74: {  	_ =	shalt  }
0x75: {  	_ =	shalt  }
0x76: {  	_ =	shalt  }
0x77: {  	_ =	shalt  }
0x78: {  	_ =	shalt  }
0x79: {  	_ =	shalt  }
0x7a: {  	_ =	shalt  }
0x7b: {  	_ =	shalt  }
0x7c: {  	_ =	shalt  }
0x7d: {  	_ =	shalt  }
0x7e: {  	_ =	shalt  }
0x7f: {  	_ =	shalt  }
0x80: {  	_ =	shalt  }
0x81: {  	_ =	shalt  }
0x82: {  	_ =	shalt  }
0x83: {  	_ =	shalt  }
0x84: {  	_ =	shalt  }
0x85: {  	_ =	shalt  }
0x86: {  	_ =	shalt  }
0x87: {  	_ =	shalt  }
.Lfunc_end0:
.L_simem_size_0:
called_computation_lowered:
.L_overlay_start_0:
0x88: {  	s2 =	sld [smem:$0x3FD9]  }
0x89: {  	s3 =	sld [smem:$0x3FFE];
	_ =	sdelay $0x1  }
0x8a: {  	s1 =	srdreg.scid  }
0x8b: {  	s0 =	sand.u32 $0x1, s1  }
0x8c: {  	s17 =	sshll.u32 s0, $0xA;
	s2 =	sadd.s32 s3, s2  }
0x8d: {  	s2 =	sadd.s32 s2, s17  }
0x8e: {  	[smem:$0x3FBE] =	sst s2  }
0x8f: {  	_ = 	snop  }
0x90: {  	s2 =	sld [smem:$0x3FD0];
	(tm) =	ssettm $0x1  }
0x91: {  	s18 =	sld [smem:$0x3FFB];
	_ =	sdelay $0x3  }
0x92: {  	_ =	strace s18  }
0x93: {  	s3 =	sld [smem:$0x3FFC];
	_ =	sdelay $0x3  }
0x94: {  	_ =	strace s3  }
0x95: {  	s3 =	sld [smem:$0x3FFD];
	_ =	sdelay $0x3  }
0x96: {  	_ =	strace s3  }
0x97: {  	_ =	strace $0x8FFFFFFF  }
0x98: {  	s19 =	sld [smem:$0x3FDB];
	_ =	sdelay $0x1  }
0x99: {  	s4 =	simm.s32 $_scs_section_size  }
0x9a: {  	s5 =	simm.s32 $_size__tile_overlayer_lowered;
	s6 =	simm.s32 $_tile_overlayer_lowered  }
0x9b: {  	s22 =	simm.s32 $0x1BFF;
	s21 =	sshll.u32 s6, $0x1;
	s3 =	sadd.s32 s4, s19  }
0x9c: {  	s7 =	simm.s32 $0x0;
	s20 =	sshll.u32 s5, $0x1;
	s5 =	sadd.s32 s21, s3  }
0x9d: {  	[timem:s7], [sflag:s22] =	dma.local [hbm:s5], s20  }
0x9e: {  	_ =	swait.ge [sflag:s22], s20  }
0x9f: {  	s4 =	ssub.s32 $0x0, s20;
	[sflag:s22] =	ssyncset.done $0x0  }
0xa0: {  	[sflag:s22] =	ssyncadd.s32 s4;
	_ =	sdelay $0x1  }
0xa1: {  	s23 =	simm.s32 $0x1B8B  }
0xa2: {  	_ =	swait.ge [sflag:s23], $0x1  }
0xa3: {  	[sflag:s23] =	ssyncset.done $0x0  }
0xa4: {  	s25 =	simm.s32 $0x1B8E;
	s24 =	sld [smem:$0x3FFE];
	[sflag:s23] =	ssyncadd.s32 $0xFFFFFFFF  }
0xa5: {  	s26 =	simm.s32 $execute0_lowered;
	[smem:$0x3FD2] =	sst s25  }
0xa6: {  	s5 =	sshll.u32 s26, $0x1;
	_ =	strace $0x80000046;
	[dreg:$0x1] =	wrdreg $0xFFFFFFFF  }
0xa7: {  	s28 =	simm.s32 $_size_execute0_lowered;
	s3 =	sadd.s32 s3, s5;
	[dreg:$0x0] =	wrdreg $0x0  }
0xa8: {  	s5 =	sshll.u32 s28, $0x1;
	[dreg:$0x2] =	wrdreg s3  }
0xa9: {  	[dreg:$0x3] =	wrdreg s5  }
0xaa: {  	[dreg:$0x4] =	wrdreg $0xC0  }
0xab: {  	_ =	task [dreg:s7], $0x5FFFF  }
0xac: {  	[dreg:$0x1] =	wrdreg $0xFFFFFFFF  }
0xad: {  	[dreg:$0x0] =	wrdreg $0x60  }
0xae: {  	[dreg:$0x2] =	wrdreg s24  }
0xaf: {  	[dreg:$0x3] =	wrdreg s2  }
0xb0: {  	[dreg:$0x4] =	wrdreg $0x9  }
0xb1: {  	_ =	task.clear_ibuf [dreg:s7], $0x5FFFF;
	_ =	strace $0x90000046  }
0xb2: {  	s29 =	simm.s32 $0x9;
	_ =	strace $0x80000048  }
0xb3: {  	_ =	swait.ge [sflag:s29], $0x1  }
0xb4: {  	[sflag:s29] =	ssyncadd.s32 $0xFFFFFFFF  }
0xb5: {  	_ =	strace $0x90000048  }
0xb6: {  	_ =	sfence  }
0xb7: {  	s30 =	sld [smem:$0x0];
	_ =	sdelay $0x2  }
0xb8: {  	s31 =	sshll.u32 s1, $0xD;
	s1 =	sshrl.u32 s1, $0x2  }
0xb9: {  	s3 =	sand.u32 $0x4000, s31;
	s1 =	sadd.s32 s1, s30  }
0xba: {  	s0 =	sor.u32 s3, s0;
	s1 =	sshll.u32 s1, $0x11  }
0xbb: {  	s0 =	sor.u32 s1, s0  }
0xbc: {  	s0 =	sadd.s32 $0x8F2B, s0  }
0xbd: {  	[sflag:s0] =	ssyncadd.remote.s32 $0x1  }
0xbe: {  	_ =	sfence.sel $0xFFFF  }
0xbf: {  	[dreg:$0x0] =	wrdreg $0xFFFFFFFF;
	(pc) =	sbr.abs _section_cstart, $3  }
0xc0: {  	[dreg:$0x1] =	wrdreg $0xFFFFFFFF  }
0xc1: {  	_ =	task.clear_ibuf [dreg:s7], $0x2FFFF;
	_ =	strace $0x9FFFFFFF  }
0xc2: {  	(tm) =	ssettm $0x7FFFFFFF  }
0xc3: {  	_ =	shalt  }
tec
execute0_lowered:
.L_overlay_start_1:
0x0: {  	(tag) =	ssettag $0x1  }
0x1: {  	v0 =	vlaneseq.u32  }
0x2: {  	v12 =	vimm.s32 $0xFEDCBA9;
	v15 =	vimm.s32 $0x87654321;
	v16 =	vimm.s32 $0x98765432  }
0x3: {  	v17 =	vimm.s32 $0x210FEDCB;
	v18 =	vimm.s32 $0xA9876543;
	v28 =	vimm.s32 $0xCBA98765  }
0x4: {  	s0 =	rddreg [dreg:$0x0];
	s2 =	simm.s32 $0x0;
	v30 =	vimm.s32 $0x6543210F;
	v31 =	vimm.s32 $0xEDCBA987;
	v32 =	vimm.s32 $0xFEDCBA98  }
0x5: {  	v2 =	vimm.s32 $0x0;
	v4 =	vimm.f32 $0.0e+00;
	v33 =	vimm.s32 $0x76543210;
	[smem:$0x7FF] =	sst s2;
	s1 =	sadd.s32 $0xBEC400, s0  }
0x6: {  	v6 =	vimm.f32 $1.000000000e+00;
	v1 =	vmul.u32 $0x8, v0;
	v5 =	vor.u32 $0xFFFFFFF8, v0;
	s8 =	sadd.s32 $0xBF2800, s0;
	_ =	strace $0x80000047;
	[dreg:$0xf] =	wrdreg s1  }
0x7: {  	v14 =	vunpack.c.l.s4.s8 v12;
	s9 =	sadd.s32 $0xC24800, s0;
	v16 =	vunpack.c.l.s4.s8 v16;
	v17 =	vunpack.c.l.s4.s8 v17;
	[dreg:$0x10] =	wrdreg s8  }
0x8: {  	s10 =	srdreg.scid;
	s3 =	sadd.s32 $0xC56800, s0;
	v30 =	vunpack.c.l.s4.s8 v30;
	v31 =	vunpack.c.l.s4.s8 v31;
	v32 =	vunpack.c.l.s4.s8 v32;
	[dreg:$0x11] =	wrdreg s9  }
0x9: {  	s5 =	stileid.u32;
	s11 =	sadd.s32 $0xA00, s0;
	[dreg:$0x12] =	wrdreg s3;
	v7 =	vor.u32 $0x1, v1;
	v8 =	vor.u32 $0x2, v1;
	v9 =	vor.u32 $0x3, v1  }
0xa: {  	s15 =	simm.s32 $0x11BB0;
	s12 =	sadd.s32 $0xBEC200, s0;
	[dreg:$0x13] =	wrdreg s11;
	v10 =	vor.u32 $0x4, v1;
	v11 =	vor.u32 $0x5, v1;
	v12 =	vor.u32 $0x6, v1  }
0xb: {  	s16 =	simm.s32 $0x11BC0;
	s0 =	sadd.s32 $0xC5B800, s0;
	[dreg:$0x14] =	wrdreg s12;
	v13 =	vor.u32 $0x7, v1;
	v20 =	vunpack.c.0.s8.s32 v14;
	v14 =	vunpack.c.l.s4.s8 v15  }
0xc: {  	s17 =	simm.s32 $0x11BD0;
	s18 =	simm.s32 $0x11BE0;
	[dreg:$0x15] =	wrdreg s0;
	v15 =	vimm.s32 $0x10FEDCBA;
	v23 =	vunpack.c.0.s8.s32 v16;
	v24 =	vunpack.c.0.s8.s32 v17  }
0xd: {  	s19 =	simm.s32 $0x11BF0;
	s20 =	simm.s32 $0x11C00;
	[dreg:$0x3] =	wrdreg s15;
	v30 =	vunpack.c.0.s8.s32 v30;
	v31 =	vunpack.c.0.s8.s32 v31;
	v15 =	vunpack.c.l.s4.s8 v15  }
0xe: {  	s21 =	simm.s32 $0x11C10;
	s22 =	simm.s32 $0x11C20;
	[dreg:$0x4] =	wrdreg s16;
	v32 =	vunpack.c.0.s8.s32 v32;
	v21 =	vunpack.c.0.s8.s32 v14;
	v14 =	vunpack.c.l.s4.s8 v18  }
0xf: {  	s23 =	simm.s32 $0x11C30;
	s24 =	simm.s32 $0x11C40;
	[dreg:$0x5] =	wrdreg s17;
	v36 =	vcombine.low v31, v30;
	v22 =	vunpack.c.0.s8.s32 v15;
	v15 =	vimm.s32 $0x3210FEDC  }
0x10: {  	s25 =	simm.s32 $0x11C50;
	s26 =	simm.s32 $0x11C60;
	[dreg:$0x6] =	wrdreg s18;
	v32 =	vand.u32 $0xF, v32;
	v25 =	vunpack.c.0.s8.s32 v14;
	v14 =	vunpack.c.l.s4.s8 v15  }
0x11: {  	s28 =	simm.s32 $0x11C90;
	s29 =	simm.s32 $0x11CA0;
	[dreg:$0x7] =	wrdreg s19;
	v15 =	vimm.s32 $0xBA987654;
	v16 =	vcombine.low v21, v20;
	v63 =	vcombine.low v20, v21  }
0x12: {  	s30 =	simm.s32 $0x11CB0;
	s31 =	simm.s32 $0x11CC0;
	[dreg:$0x8] =	wrdreg s20;
	v21 =	vand.u32 $0xF, v36;
	v17 =	vcombine.low v23, v22;
	v15 =	vunpack.c.l.s4.s8 v15  }
0x13: {  	s7 =	simm.s32 $0x11D70;
	s5 =	sshll.u32 s5, $0x6;
	[dreg:$0x9] =	wrdreg s21;
	v23 =	vcombine.low v22, v23;
	v18 =	vcombine.low v25, v24;
	v26 =	vunpack.c.0.s8.s32 v14  }
0x14: {  	s1 =	sand.u32 $0x1, s10;
	s15 =	simm.s32 $0x7C90;
	[dreg:$0xa] =	wrdreg s22;
	v14 =	vimm.s32 $0x43210FED;
	v24 =	vcombine.low v24, v25;
	v27 =	vunpack.c.0.s8.s32 v15  }
0x15: {  	s16 =	simm.s32 $0x100;
	s17 =	simm.s32 $0x780;
	[dreg:$0xb] =	wrdreg s23;
	v19 =	vunpack.c.l.s4.s8 v14;
	v15 =	vand.u32 $0xF, v17;
	v17 =	vunpack.c.l.s4.s8 v28  }
0x16: {  	s20 =	simm.s32 $0xA3A0;
	s22 =	simm.s32 $0x1480;
	[dreg:$0xc] =	wrdreg s24;
	v22 =	vand.u32 $0xF, v63;
	v14 =	vand.u32 $0xF, v16;
	v23 =	vand.u32 $0xF, v23  }
0x17: {  	s23 =	simm.s32 $0x10BA0;
	s24 =	simm.s32 $0x11BA0;
	[dreg:$0xd] =	wrdreg s25;
	v16 =	vand.u32 $0xF, v18;
	v28 =	vunpack.c.0.s8.s32 v19;
	v29 =	vunpack.c.0.s8.s32 v17  }
0x18: {  	[dreg:$0xe] =	wrdreg s26;
	s25 =	simm.s32 $0x11C70;
	s26 =	simm.s32 $0x11C80;
	v17 =	vimm.s32 $0x543210FE;
	v19 =	vimm.s32 $0xDCBA9876;
	v25 =	vcombine.low v26, v27  }
0x19: {  	s8 =	simm.s32 $0x11CE0;
	s9 =	simm.s32 $0x11D10;
	s12 =	simm.s32 $0x11D20;
	v24 =	vand.u32 $0xF, v24;
	v17 =	vunpack.c.l.s4.s8 v17;
	v19 =	vunpack.c.l.s4.s8 v19  }
0x1a: {  	s21 =	simm.s32 $0x11D30;
	s3 =	simm.s32 $0x11D40;
	s10 =	simm.s32 $0x11D80;
	v18 =	vcombine.low v27, v26;
	v26 =	vcombine.low v28, v29;
	v25 =	vand.u32 $0xF, v25  }
0x1b: {  	s11 =	simm.s32 $0x11D90;
	s13 =	ssub.s32 $0x2, s1;
	s1 =	sshll.u32 s1, $0x5;
	v34 =	vunpack.c.0.s8.s32 v17;
	v35 =	vunpack.c.0.s8.s32 v19;
	v19 =	vunpack.c.l.s4.s8 v33  }
0x1c: {  	s4 =	sshrl.u32 s13, $0x1;
	s1 =	sor.u32 s1, s5;
	s5 =	simm.s32 $0x11D60;
	v17 =	vand.u32 $0xF, v18;
	v18 =	vcombine.low v29, v28;
	v28 =	vcombine.low v30, v31  }
0x1d: {  	s14 =	ssub.s32 s13, s4;
	[dreg:$0x16] =	wrdreg s1;
	s1 =	simm.s32 $0x11CF0;
	v19 =	vunpack.c.0.s8.s32 v19;
	v62 =	vcombine.low v35, v34;
	v27 =	vcombine.low v34, v35  }
0x1e: {  	s13 =	simm.s32 $0x11D00;
	s4 =	simm.s32 $0x11D50;
	s0 =	smax.u32 s14, $0x1;
	v26 =	vand.u32 $0xF, v26;
	v18 =	vand.u32 $0xF, v18;
	v28 =	vand.u32 $0xF, v28  }
0x1f: {  	s14 =	simm.s32 $0x0;
	[dreg:$0x17] =	wrdreg s0;
	s0 =	simm.s32 $0x11CD0;
	v19 =	vcombine.low v32, v19;
	v20 =	vand.u32 $0xF, v62;
	v27 =	vand.u32 $0xF, v27  }
.LBB2_1:
0x20: {  	[tilespmem:$0xC0] =	vst v2  }
0x21: {  	[tilespmem:$0xD0] =	vst v2  }
0x22: {  	[tilespmem:$0xE0] =	vst v2  }
0x23: {  	[tilespmem:$0xF0] =	vst v2  }
0x24: {  	[tilespmem:$0x740] =	vst v2  }
0x25: {  	[tilespmem:$0xDC0] =	vst v2  }
0x26: {  	[tilespmem:$0x750] =	vst v2  }
0x27: {  	[tilespmem:$0xDD0] =	vst v2  }
0x28: {  	[tilespmem:$0x760] =	vst v2  }
0x29: {  	[tilespmem:$0xDE0] =	vst v2  }
0x2a: {  	[dreg:$0x18] =	wrdreg s14;
	[tilespmem:$0x770] =	vst v2  }
0x2b: {  	[tilespmem:$0xDF0] =	vst v2;
	s6 =	rddreg [dreg:$0x14];
	s19 =	simm.s32 $0x7C80;
	s18 =	simm.s32 $0x2;
	v3 =	vimm.s32 $0xF  }
0x2c: {  	[tilespmem:s19], [sflag:$0x2] =	stream.linear.gather [hbm4b:s6+s2], $0x10, $0x38;
	[tilespmem:$0x11DA0] =	vst v63  }
0x2d: {  	_ =	swait.ge [sflag:s18], $0x10  }
0x2e: {  	[sflag:s18] =	ssyncset.done $0x0  }
0x2f: {  	[sflag:s18] =	ssyncadd.s32 $0xFFFFFFF0  }
0x30: {  	v29 =	vld.idx.msk [tilespmem:v3+s19+$0x0], $0xffff;
	s19 =	rddreg [dreg:$0x1]  }
0x31: {  	[tilespmem:s15], [sflag:$0x2] =	stream.linear.gather [hbm4b:s19+s2], $0x2710, $0x38;
	[tilespmem:$0x11DA0] =	vst v63  }
0x32: {  	_ =	swait.ge [sflag:s18], $0x2710  }
0x33: {  	[sflag:s18] =	ssyncset.done $0x0  }
0x34: {  	s14 =	simm.s32 $0x0;
	[sflag:s18] =	ssyncadd.s32 $0xFFFFD8F0  }
.LBB2_2:
0x35: {  	s6 =	rddreg [dreg:$0x16]  }
0x36: {  	[dreg:$0x19] =	wrdreg s14;
	s2 =	sadd.s32 s6, s14  }
0x37: {  	s19 =	rddreg [dreg:$0xf];
	s6 =	smul.u32 $0x19, s2  }
0x38: {  	s15 =	rddreg [dreg:$0x10]  }
0x39: {  	s14 =	sadd.s32 s19, s6;
	s6 =	simm.s32 $0x0;
	s19 =	smul.u32 $0xC8, s2  }
0x3a: {  	[tilespmem:s6], [sflag:$0x1] =	stream.linear.gather [hbm4b:s14+s6], $0xC8, $0x38;
	[tilespmem:$0x11DA0] =	vst v63  }
0x3b: {  	s18 =	rddreg [dreg:$0x11];
	s14 =	sadd.s32 s15, s19  }
0x3c: {  	[tilespmem:s16], [sflag:$0x1] =	stream.linear.gather [hbm4b:s14+s6], $0x640, $0x38;
	[tilespmem:$0x11DA0] =	vst v63  }
0x3d: {  	[dreg:$0x1a] =	wrdreg s2;
	s14 =	sadd.s32 s18, s19;
	s19 =	simm.s32 $0x1  }
0x3e: {  	[tilespmem:s17], [sflag:$0x1] =	stream.linear.gather [hbm4b:s14+s6], $0x640, $0x38;
	[tilespmem:$0x11DA0] =	vst v63  }
0x3f: {  	_ =	swait.ge [sflag:s19], $0xC8  }
0x40: {  	[sflag:s19] =	ssyncset.done $0x0  }
0x41: {  	[sflag:s19] =	ssyncadd.s32 $0xFFFFFF38  }
0x42: {  	_ =	swait.ge [sflag:s19], $0x640  }
0x43: {  	[sflag:s19] =	ssyncset.done $0x0  }
0x44: {  	[sflag:s19] =	ssyncadd.s32 $0xFFFFF9C0  }
0x45: {  	_ =	swait.ge [sflag:s19], $0x640  }
0x46: {  	[sflag:s19] =	ssyncset.done $0x0  }
0x47: {  	[sflag:s19] =	ssyncadd.s32 $0xFFFFF9C0  }
0x48: {  	v30 =	vld [tilespmem:$0x780]  }
0x49: {  	v31 =	vld [tilespmem:$0x790]  }
0x4a: {  	v32 =	vld [tilespmem:$0x7A0]  }
0x4b: {  	v33 =	vld [tilespmem:$0x7B0]  }
0x4c: {  	v34 =	vld [tilespmem:$0x7C0]  }
0x4d: {  	v35 =	vld [tilespmem:$0x7D0];
	v30 =	vshrl.u32 v30, $0x4  }
0x4e: {  	v36 =	vld [tilespmem:$0x7E0];
	v31 =	vshrl.u32 v31, $0x4;
	v30 =	vmin.u32 v30, $0x5F5B9E  }
0x4f: {  	v63 =	vld [tilespmem:$0x7F0];
	[tilespmem:$0xE00] =	vst v30;
	v30 =	vmin.u32 v31, $0x5F5B9E;
	v31 =	vshrl.u32 v32, $0x4  }
0x50: {  	v40 =	vld [tilespmem:$0x800];
	[tilespmem:$0xE10] =	vst v30;
	v30 =	vmin.u32 v31, $0x5F5B9E;
	v31 =	vshrl.u32 v33, $0x4  }
0x51: {  	v41 =	vld [tilespmem:$0x810];
	[tilespmem:$0xE20] =	vst v30;
	v30 =	vmin.u32 v31, $0x5F5B9E;
	v31 =	vshrl.u32 v34, $0x4  }
0x52: {  	v42 =	vld [tilespmem:$0x820];
	[tilespmem:$0xE30] =	vst v30;
	v30 =	vmin.u32 v31, $0x5F5B9E;
	v31 =	vshrl.u32 v35, $0x4  }
0x53: {  	v43 =	vld [tilespmem:$0x830];
	[tilespmem:$0xE40] =	vst v30;
	v30 =	vmin.u32 v31, $0x5F5B9E;
	v31 =	vshrl.u32 v36, $0x4  }
0x54: {  	v44 =	vld [tilespmem:$0x840];
	[tilespmem:$0xE50] =	vst v30;
	v30 =	vmin.u32 v31, $0x5F5B9E;
	v31 =	vshrl.u32 v63, $0x4  }
0x55: {  	v45 =	vld [tilespmem:$0x850];
	[tilespmem:$0xE60] =	vst v30;
	v30 =	vmin.u32 v31, $0x5F5B9E;
	v31 =	vshrl.u32 v40, $0x4  }
0x56: {  	v46 =	vld [tilespmem:$0x860];
	[tilespmem:$0xE70] =	vst v30;
	v30 =	vmin.u32 v31, $0x5F5B9E;
	v31 =	vshrl.u32 v41, $0x4  }
0x57: {  	v47 =	vld [tilespmem:$0x870];
	[tilespmem:$0xE80] =	vst v30;
	v30 =	vmin.u32 v31, $0x5F5B9E;
	v31 =	vshrl.u32 v42, $0x4  }
0x58: {  	v48 =	vld [tilespmem:$0x880];
	[tilespmem:$0xE90] =	vst v30;
	v30 =	vmin.u32 v31, $0x5F5B9E;
	v31 =	vshrl.u32 v43, $0x4  }
0x59: {  	v49 =	vld [tilespmem:$0x890];
	[tilespmem:$0xEA0] =	vst v30;
	v30 =	vmin.u32 v31, $0x5F5B9E;
	v31 =	vshrl.u32 v44, $0x4  }
0x5a: {  	v50 =	vld [tilespmem:$0x8A0];
	[tilespmem:$0xEB0] =	vst v30;
	v30 =	vmin.u32 v31, $0x5F5B9E;
	v31 =	vshrl.u32 v45, $0x4  }
0x5b: {  	v51 =	vld [tilespmem:$0x8B0];
	[tilespmem:$0xEC0] =	vst v30;
	v30 =	vmin.u32 v31, $0x5F5B9E;
	v31 =	vshrl.u32 v46, $0x4  }
0x5c: {  	v52 =	vld [tilespmem:$0x8C0];
	[tilespmem:$0xED0] =	vst v30;
	v30 =	vmin.u32 v31, $0x5F5B9E;
	v31 =	vshrl.u32 v47, $0x4  }
0x5d: {  	v53 =	vld [tilespmem:$0x8D0];
	[tilespmem:$0xEE0] =	vst v30;
	v30 =	vmin.u32 v31, $0x5F5B9E;
	v31 =	vshrl.u32 v48, $0x4  }
0x5e: {  	v54 =	vld [tilespmem:$0x8E0];
	[tilespmem:$0xEF0] =	vst v30;
	v30 =	vmin.u32 v31, $0x5F5B9E;
	v31 =	vshrl.u32 v49, $0x4  }
0x5f: {  	v55 =	vld [tilespmem:$0x8F0];
	[tilespmem:$0xF00] =	vst v30;
	v30 =	vmin.u32 v31, $0x5F5B9E;
	v31 =	vshrl.u32 v50, $0x4  }
0x60: {  	v56 =	vld [tilespmem:$0x900];
	[tilespmem:$0xF10] =	vst v30;
	v30 =	vmin.u32 v31, $0x5F5B9E;
	v31 =	vshrl.u32 v51, $0x4  }
0x61: {  	v57 =	vld [tilespmem:$0x910];
	[tilespmem:$0xF20] =	vst v30;
	v30 =	vmin.u32 v31, $0x5F5B9E;
	v31 =	vshrl.u32 v52, $0x4  }
0x62: {  	v58 =	vld [tilespmem:$0x920];
	[tilespmem:$0xF30] =	vst v30;
	v30 =	vmin.u32 v31, $0x5F5B9E;
	v31 =	vshrl.u32 v53, $0x4  }
0x63: {  	v59 =	vld [tilespmem:$0x930];
	[tilespmem:$0xF40] =	vst v30;
	v30 =	vmin.u32 v31, $0x5F5B9E;
	v31 =	vshrl.u32 v54, $0x4  }
0x64: {  	v60 =	vld [tilespmem:$0x940];
	[tilespmem:$0xF50] =	vst v30;
	v30 =	vmin.u32 v31, $0x5F5B9E;
	v31 =	vshrl.u32 v55, $0x4  }
0x65: {  	v61 =	vld [tilespmem:$0x950];
	[tilespmem:$0xF60] =	vst v30;
	v30 =	vmin.u32 v31, $0x5F5B9E;
	v31 =	vshrl.u32 v56, $0x4  }
0x66: {  	v62 =	vld [tilespmem:$0x960];
	[tilespmem:$0xF70] =	vst v30;
	v30 =	vmin.u32 v31, $0x5F5B9E;
	v31 =	vshrl.u32 v57, $0x4  }
0x67: {  	v63 =	vld [tilespmem:$0x970];
	[tilespmem:$0xF80] =	vst v30;
	v30 =	vmin.u32 v31, $0x5F5B9E;
	v31 =	vshrl.u32 v58, $0x4  }
0x68: {  	v40 =	vld [tilespmem:$0x980];
	[tilespmem:$0xF90] =	vst v30;
	v30 =	vmin.u32 v31, $0x5F5B9E;
	v31 =	vshrl.u32 v59, $0x4  }
0x69: {  	v41 =	vld [tilespmem:$0x990];
	[tilespmem:$0xFA0] =	vst v30;
	v30 =	vmin.u32 v31, $0x5F5B9E;
	v31 =	vshrl.u32 v60, $0x4  }
0x6a: {  	v42 =	vld [tilespmem:$0x9A0];
	[tilespmem:$0xFB0] =	vst v30;
	v30 =	vmin.u32 v31, $0x5F5B9E;
	v31 =	vshrl.u32 v61, $0x4  }
0x6b: {  	v43 =	vld [tilespmem:$0x9B0];
	[tilespmem:$0xFC0] =	vst v30;
	v30 =	vmin.u32 v31, $0x5F5B9E;
	v31 =	vshrl.u32 v62, $0x4  }
0x6c: {  	v44 =	vld [tilespmem:$0x9C0];
	[tilespmem:$0xFD0] =	vst v30;
	v30 =	vmin.u32 v31, $0x5F5B9E;
	v31 =	vshrl.u32 v63, $0x4  }
0x6d: {  	v45 =	vld [tilespmem:$0x9D0];
	[tilespmem:$0xFE0] =	vst v30;
	v30 =	vmin.u32 v31, $0x5F5B9E;
	v31 =	vshrl.u32 v40, $0x4  }
0x6e: {  	v46 =	vld [tilespmem:$0x9E0];
	[tilespmem:$0xFF0] =	vst v30;
	v30 =	vmin.u32 v31, $0x5F5B9E;
	v31 =	vshrl.u32 v41, $0x4  }
0x6f: {  	v47 =	vld [tilespmem:$0x9F0];
	[tilespmem:$0x1000] =	vst v30;
	v30 =	vmin.u32 v31, $0x5F5B9E;
	v31 =	vshrl.u32 v42, $0x4  }
0x70: {  	v48 =	vld [tilespmem:$0xA00];
	[tilespmem:$0x1010] =	vst v30;
	v30 =	vmin.u32 v31, $0x5F5B9E;
	v31 =	vshrl.u32 v43, $0x4  }
0x71: {  	v49 =	vld [tilespmem:$0xA10];
	[tilespmem:$0x1020] =	vst v30;
	v30 =	vmin.u32 v31, $0x5F5B9E;
	v31 =	vshrl.u32 v44, $0x4  }
0x72: {  	v50 =	vld [tilespmem:$0xA20];
	[tilespmem:$0x1030] =	vst v30;
	v30 =	vmin.u32 v31, $0x5F5B9E;
	v31 =	vshrl.u32 v45, $0x4  }
0x73: {  	v51 =	vld [tilespmem:$0xA30];
	[tilespmem:$0x1040] =	vst v30;
	v30 =	vmin.u32 v31, $0x5F5B9E;
	v31 =	vshrl.u32 v46, $0x4  }
0x74: {  	v52 =	vld [tilespmem:$0xA40];
	[tilespmem:$0x1050] =	vst v30;
	v30 =	vmin.u32 v31, $0x5F5B9E;
	v31 =	vshrl.u32 v47, $0x4  }
0x75: {  	v53 =	vld [tilespmem:$0xA50];
	[tilespmem:$0x1060] =	vst v30;
	v30 =	vmin.u32 v31, $0x5F5B9E;
	v31 =	vshrl.u32 v48, $0x4  }
0x76: {  	v54 =	vld [tilespmem:$0xA60];
	[tilespmem:$0x1070] =	vst v30;
	v30 =	vmin.u32 v31, $0x5F5B9E;
	v31 =	vshrl.u32 v49, $0x4  }
0x77: {  	v55 =	vld [tilespmem:$0xA70];
	[tilespmem:$0x1080] =	vst v30;
	v30 =	vmin.u32 v31, $0x5F5B9E;
	v31 =	vshrl.u32 v50, $0x4  }
0x78: {  	v56 =	vld [tilespmem:$0xA80];
	[tilespmem:$0x1090] =	vst v30;
	v30 =	vmin.u32 v31, $0x5F5B9E;
	v31 =	vshrl.u32 v51, $0x4  }
0x79: {  	v57 =	vld [tilespmem:$0xA90];
	[tilespmem:$0x10A0] =	vst v30;
	v30 =	vmin.u32 v31, $0x5F5B9E;
	v31 =	vshrl.u32 v52, $0x4  }
0x7a: {  	v58 =	vld [tilespmem:$0xAA0];
	[tilespmem:$0x10B0] =	vst v30;
	v30 =	vmin.u32 v31, $0x5F5B9E;
	v31 =	vshrl.u32 v53, $0x4  }
0x7b: {  	v59 =	vld [tilespmem:$0xAB0];
	[tilespmem:$0x10C0] =	vst v30;
	v30 =	vmin.u32 v31, $0x5F5B9E;
	v31 =	vshrl.u32 v54, $0x4  }
0x7c: {  	v60 =	vld [tilespmem:$0xAC0];
	[tilespmem:$0x10D0] =	vst v30;
	v30 =	vmin.u32 v31, $0x5F5B9E;
	v31 =	vshrl.u32 v55, $0x4  }
0x7d: {  	v61 =	vld [tilespmem:$0xAD0];
	[tilespmem:$0x10E0] =	vst v30;
	v30 =	vmin.u32 v31, $0x5F5B9E;
	v31 =	vshrl.u32 v56, $0x4  }
0x7e: {  	v62 =	vld [tilespmem:$0xAE0];
	[tilespmem:$0x10F0] =	vst v30;
	v30 =	vmin.u32 v31, $0x5F5B9E;
	v31 =	vshrl.u32 v57, $0x4  }
0x7f: {  	v63 =	vld [tilespmem:$0xAF0];
	[tilespmem:$0x1100] =	vst v30;
	v30 =	vmin.u32 v31, $0x5F5B9E;
	v31 =	vshrl.u32 v58, $0x4  }
0x80: {  	v40 =	vld [tilespmem:$0xB00];
	[tilespmem:$0x1110] =	vst v30;
	v30 =	vmin.u32 v31, $0x5F5B9E;
	v31 =	vshrl.u32 v59, $0x4  }
0x81: {  	v41 =	vld [tilespmem:$0xB10];
	[tilespmem:$0x1120] =	vst v30;
	v30 =	vmin.u32 v31, $0x5F5B9E;
	v31 =	vshrl.u32 v60, $0x4  }
0x82: {  	v42 =	vld [tilespmem:$0xB20];
	[tilespmem:$0x1130] =	vst v30;
	v30 =	vmin.u32 v31, $0x5F5B9E;
	v31 =	vshrl.u32 v61, $0x4  }
0x83: {  	v43 =	vld [tilespmem:$0xB30];
	[tilespmem:$0x1140] =	vst v30;
	v30 =	vmin.u32 v31, $0x5F5B9E;
	v31 =	vshrl.u32 v62, $0x4  }
0x84: {  	v44 =	vld [tilespmem:$0xB40];
	[tilespmem:$0x1150] =	vst v30;
	v30 =	vmin.u32 v31, $0x5F5B9E;
	v31 =	vshrl.u32 v63, $0x4  }
0x85: {  	v45 =	vld [tilespmem:$0xB50];
	[tilespmem:$0x1160] =	vst v30;
	v30 =	vmin.u32 v31, $0x5F5B9E;
	v31 =	vshrl.u32 v40, $0x4  }
0x86: {  	v46 =	vld [tilespmem:$0xB60];
	[tilespmem:$0x1170] =	vst v30;
	v30 =	vmin.u32 v31, $0x5F5B9E;
	v31 =	vshrl.u32 v41, $0x4  }
0x87: {  	v47 =	vld [tilespmem:$0xB70];
	[tilespmem:$0x1180] =	vst v30;
	v30 =	vmin.u32 v31, $0x5F5B9E;
	v31 =	vshrl.u32 v42, $0x4  }
0x88: {  	v48 =	vld [tilespmem:$0xB80];
	[tilespmem:$0x1190] =	vst v30;
	v30 =	vmin.u32 v31, $0x5F5B9E;
	v31 =	vshrl.u32 v43, $0x4  }
0x89: {  	v49 =	vld [tilespmem:$0xB90];
	[tilespmem:$0x11A0] =	vst v30;
	v30 =	vmin.u32 v31, $0x5F5B9E;
	v31 =	vshrl.u32 v44, $0x4  }
0x8a: {  	v50 =	vld [tilespmem:$0xBA0];
	[tilespmem:$0x11B0] =	vst v30;
	v30 =	vmin.u32 v31, $0x5F5B9E;
	v31 =	vshrl.u32 v45, $0x4  }
0x8b: {  	v51 =	vld [tilespmem:$0xBB0];
	[tilespmem:$0x11C0] =	vst v30;
	v30 =	vmin.u32 v31, $0x5F5B9E;
	v31 =	vshrl.u32 v46, $0x4  }
0x8c: {  	v52 =	vld [tilespmem:$0xBC0];
	[tilespmem:$0x11D0] =	vst v30;
	v30 =	vmin.u32 v31, $0x5F5B9E;
	v31 =	vshrl.u32 v47, $0x4  }
0x8d: {  	v53 =	vld [tilespmem:$0xBD0];
	[tilespmem:$0x11E0] =	vst v30;
	v30 =	vmin.u32 v31, $0x5F5B9E;
	v31 =	vshrl.u32 v48, $0x4  }
0x8e: {  	v54 =	vld [tilespmem:$0xBE0];
	[tilespmem:$0x11F0] =	vst v30;
	v30 =	vmin.u32 v31, $0x5F5B9E;
	v31 =	vshrl.u32 v49, $0x4  }
0x8f: {  	v55 =	vld [tilespmem:$0xBF0];
	[tilespmem:$0x1200] =	vst v30;
	v30 =	vmin.u32 v31, $0x5F5B9E;
	v31 =	vshrl.u32 v50, $0x4  }
0x90: {  	v56 =	vld [tilespmem:$0xC00];
	[tilespmem:$0x1210] =	vst v30;
	v30 =	vmin.u32 v31, $0x5F5B9E;
	v31 =	vshrl.u32 v51, $0x4  }
0x91: {  	v57 =	vld [tilespmem:$0xC10];
	[tilespmem:$0x1220] =	vst v30;
	v30 =	vmin.u32 v31, $0x5F5B9E;
	v31 =	vshrl.u32 v52, $0x4  }
0x92: {  	v58 =	vld [tilespmem:$0xC20];
	[tilespmem:$0x1230] =	vst v30;
	v30 =	vmin.u32 v31, $0x5F5B9E;
	v31 =	vshrl.u32 v53, $0x4  }
0x93: {  	v59 =	vld [tilespmem:$0xC30];
	[tilespmem:$0x1240] =	vst v30;
	v30 =	vmin.u32 v31, $0x5F5B9E;
	v31 =	vshrl.u32 v54, $0x4  }
0x94: {  	v60 =	vld [tilespmem:$0xC40];
	[tilespmem:$0x1250] =	vst v30;
	v30 =	vmin.u32 v31, $0x5F5B9E;
	v31 =	vshrl.u32 v55, $0x4  }
0x95: {  	v61 =	vld [tilespmem:$0xC50];
	[tilespmem:$0x1260] =	vst v30;
	v30 =	vmin.u32 v31, $0x5F5B9E;
	v31 =	vshrl.u32 v56, $0x4  }
0x96: {  	v62 =	vld [tilespmem:$0xC60];
	[tilespmem:$0x1270] =	vst v30;
	v30 =	vmin.u32 v31, $0x5F5B9E;
	v31 =	vshrl.u32 v57, $0x4  }
0x97: {  	v63 =	vld [tilespmem:$0xC70];
	[tilespmem:$0x1280] =	vst v30;
	v30 =	vmin.u32 v31, $0x5F5B9E;
	v31 =	vshrl.u32 v58, $0x4  }
0x98: {  	v40 =	vld [tilespmem:$0xC80];
	[tilespmem:$0x1290] =	vst v30;
	v30 =	vmin.u32 v31, $0x5F5B9E;
	v31 =	vshrl.u32 v59, $0x4  }
0x99: {  	v41 =	vld [tilespmem:$0xC90];
	[tilespmem:$0x12A0] =	vst v30;
	v30 =	vmin.u32 v31, $0x5F5B9E;
	v31 =	vshrl.u32 v60, $0x4  }
0x9a: {  	v42 =	vld [tilespmem:$0xCA0];
	[tilespmem:$0x12B0] =	vst v30;
	v30 =	vmin.u32 v31, $0x5F5B9E;
	v31 =	vshrl.u32 v61, $0x4  }
0x9b: {  	v43 =	vld [tilespmem:$0xCB0];
	[tilespmem:$0x12C0] =	vst v30;
	v30 =	vmin.u32 v31, $0x5F5B9E;
	v31 =	vshrl.u32 v62, $0x4  }
0x9c: {  	v44 =	vld [tilespmem:$0xCC0];
	[tilespmem:$0x12D0] =	vst v30;
	v30 =	vmin.u32 v31, $0x5F5B9E;
	v31 =	vshrl.u32 v63, $0x4  }
0x9d: {  	v45 =	vld [tilespmem:$0xCD0];
	[tilespmem:$0x12E0] =	vst v30;
	v30 =	vmin.u32 v31, $0x5F5B9E;
	v31 =	vshrl.u32 v40, $0x4  }
0x9e: {  	v46 =	vld [tilespmem:$0xCE0];
	[tilespmem:$0x12F0] =	vst v30;
	v30 =	vmin.u32 v31, $0x5F5B9E;
	v31 =	vshrl.u32 v41, $0x4  }
0x9f: {  	v47 =	vld [tilespmem:$0xCF0];
	[tilespmem:$0x1300] =	vst v30;
	v30 =	vmin.u32 v31, $0x5F5B9E;
	v31 =	vshrl.u32 v42, $0x4  }
0xa0: {  	v48 =	vld [tilespmem:$0xD00];
	[tilespmem:$0x1310] =	vst v30;
	v30 =	vmin.u32 v31, $0x5F5B9E;
	v31 =	vshrl.u32 v43, $0x4  }
0xa1: {  	v49 =	vld [tilespmem:$0xD10];
	[tilespmem:$0x1320] =	vst v30;
	v30 =	vmin.u32 v31, $0x5F5B9E;
	v31 =	vshrl.u32 v44, $0x4  }
0xa2: {  	v50 =	vld [tilespmem:$0xD20];
	[tilespmem:$0x1330] =	vst v30;
	v30 =	vmin.u32 v31, $0x5F5B9E;
	v31 =	vshrl.u32 v45, $0x4  }
0xa3: {  	v51 =	vld [tilespmem:$0xD30];
	[tilespmem:$0x1340] =	vst v30;
	v30 =	vmin.u32 v31, $0x5F5B9E;
	v31 =	vshrl.u32 v46, $0x4  }
0xa4: {  	v52 =	vld [tilespmem:$0xD40];
	[tilespmem:$0x1350] =	vst v30;
	v30 =	vmin.u32 v31, $0x5F5B9E;
	v31 =	vshrl.u32 v47, $0x4  }
0xa5: {  	v53 =	vld [tilespmem:$0xD50];
	[tilespmem:$0x1360] =	vst v30;
	v30 =	vmin.u32 v31, $0x5F5B9E;
	v31 =	vshrl.u32 v48, $0x4  }
0xa6: {  	v54 =	vld [tilespmem:$0xD60];
	[tilespmem:$0x1370] =	vst v30;
	v30 =	vmin.u32 v31, $0x5F5B9E;
	v31 =	vshrl.u32 v49, $0x4  }
0xa7: {  	v55 =	vld [tilespmem:$0xD70];
	[tilespmem:$0x1380] =	vst v30;
	v30 =	vmin.u32 v31, $0x5F5B9E;
	v31 =	vshrl.u32 v50, $0x4  }
0xa8: {  	v56 =	vld [tilespmem:$0xD80];
	[tilespmem:$0x1390] =	vst v30;
	v30 =	vmin.u32 v31, $0x5F5B9E;
	v31 =	vshrl.u32 v51, $0x4  }
0xa9: {  	v57 =	vld [tilespmem:$0xD90];
	[tilespmem:$0x13A0] =	vst v30;
	v30 =	vmin.u32 v31, $0x5F5B9E;
	v31 =	vshrl.u32 v52, $0x4  }
0xaa: {  	v58 =	vld [tilespmem:$0xDA0];
	[tilespmem:$0x13B0] =	vst v30;
	v30 =	vmin.u32 v31, $0x5F5B9E;
	v31 =	vshrl.u32 v53, $0x4  }
0xab: {  	v59 =	vld [tilespmem:$0xDB0];
	[tilespmem:$0x13C0] =	vst v30;
	v30 =	vmin.u32 v31, $0x5F5B9E;
	v31 =	vshrl.u32 v54, $0x4  }
0xac: {  	v60 =	vld [tilespmem:$0xDC0];
	[tilespmem:$0x13D0] =	vst v30;
	v30 =	vmin.u32 v31, $0x5F5B9E;
	v31 =	vshrl.u32 v55, $0x4  }
0xad: {  	v61 =	vld [tilespmem:$0xDD0];
	[tilespmem:$0x13E0] =	vst v30;
	v30 =	vmin.u32 v31, $0x5F5B9E;
	v31 =	vshrl.u32 v56, $0x4  }
0xae: {  	v62 =	vld [tilespmem:$0xDE0];
	[tilespmem:$0x13F0] =	vst v30;
	v30 =	vmin.u32 v31, $0x5F5B9E;
	v31 =	vshrl.u32 v57, $0x4  }
0xaf: {  	v63 =	vld [tilespmem:$0xDF0];
	[tilespmem:$0x1400] =	vst v30;
	v30 =	vmin.u32 v31, $0x5F5B9E;
	v31 =	vshrl.u32 v58, $0x4  }
0xb0: {  	[tilespmem:$0x1410] =	vst v30;
	v30 =	vmin.u32 v31, $0x5F5B9E;
	v31 =	vshrl.u32 v59, $0x4  }
0xb1: {  	[tilespmem:$0x1420] =	vst v30;
	v30 =	vmin.u32 v31, $0x5F5B9E;
	v31 =	vshrl.u32 v60, $0x4  }
0xb2: {  	[tilespmem:$0x1430] =	vst v30;
	v30 =	vmin.u32 v31, $0x5F5B9E;
	v31 =	vshrl.u32 v61, $0x4  }
0xb3: {  	[tilespmem:$0x1440] =	vst v30;
	v30 =	vmin.u32 v31, $0x5F5B9E;
	v31 =	vshrl.u32 v62, $0x4  }
0xb4: {  	[tilespmem:$0x1450] =	vst v30;
	v30 =	vmin.u32 v31, $0x5F5B9E;
	v31 =	vshrl.u32 v63, $0x4  }
0xb5: {  	[tilespmem:$0x1460] =	vst v30;
	v30 =	vmin.u32 v31, $0x5F5B9E  }
0xb6: {  	s15 =	simm.s32 $0x680;
	s14 =	rddreg [dreg:$0x12];
	[tilespmem:$0x1470] =	vst v30  }
0xb7: {  	[tilespmem:s20], [sflag:$0x1] =	stream.indirect.gather [hbm4b:s14+s15], $0x10, s16, s15, $0xb8;
	[tilespmem:$0x11DA0] =	vst v63  }
0xb8: {  	s2 =	simm.s32 $0xE00;
	s18 =	rddreg [dreg:$0x13]  }
0xb9: {  	[tilespmem:s22], [sflag:$0x1] =	stream.indirect.gather [hbm4b:s18+s15], $0x10, s2, s15, $0xb8;
	[tilespmem:$0x11DA0] =	vst v63  }
0xba: {  	_ = 	snop  }
0xbb: {  	[tilespmem:s23], [sflag:$0x1] =	stream.indirect.gather [hbm4b:s14+s16], $0x10, s6, s16, $0xb8;
	[tilespmem:$0x11DA0] =	vst v63  }
0xbc: {  	_ =	swait.ge [sflag:s19], $0x6800  }
0xbd: {  	[sflag:s19] =	ssyncset.done $0x0  }
0xbe: {  	[sflag:s19] =	ssyncadd.s32 $0xFFFF9800  }
0xbf: {  	_ =	swait.ge [sflag:s19], $0x6800  }
0xc0: {  	[sflag:s19] =	ssyncset.done $0x0  }
0xc1: {  	[sflag:s19] =	ssyncadd.s32 $0xFFFF9800  }
0xc2: {  	_ =	swait.ge [sflag:s19], $0x1000  }
0xc3: {  	[sflag:s19] =	ssyncset.done $0x0  }
0xc4: {  	[sflag:s19] =	ssyncadd.s32 $0xFFFFF000  }
0xc5: {  	[tilespmem:$0x11BA0] =	vst v4  }
0xc6: {  	[tilespmem:$0x11BB0] =	vst v4  }
0xc7: {  	[tilespmem:$0x11BC0] =	vst v4  }
0xc8: {  	[tilespmem:$0x11BD0] =	vst v4  }
0xc9: {  	[tilespmem:$0x11BE0] =	vst v4  }
0xca: {  	[tilespmem:$0x11BF0] =	vst v4  }
0xcb: {  	[tilespmem:$0x11C00] =	vst v4  }
0xcc: {  	[tilespmem:$0x11C10] =	vst v4  }
0xcd: {  	[tilespmem:$0x11C20] =	vst v4  }
0xce: {  	[tilespmem:$0x11C30] =	vst v4  }
0xcf: {  	[tilespmem:$0x11C40] =	vst v4  }
0xd0: {  	[tilespmem:$0x11C50] =	vst v4  }
0xd1: {  	[tilespmem:$0x11C60] =	vst v4  }
0xd2: {  	[tilespmem:$0x11C70] =	vst v4  }
0xd3: {  	[tilespmem:$0x11C80] =	vst v4  }
0xd4: {  	[tilespmem:$0x11C90] =	vst v4  }
0xd5: {  	[tilespmem:$0x11CA0] =	vst v4  }
0xd6: {  	[tilespmem:$0x11CB0] =	vst v4  }
0xd7: {  	[tilespmem:$0x11CC0] =	vst v4  }
0xd8: {  	[tilespmem:$0x11CD0] =	vst v4  }
0xd9: {  	[tilespmem:$0x11CE0] =	vst v4  }
0xda: {  	[tilespmem:$0x11CF0] =	vst v4  }
0xdb: {  	[tilespmem:$0x11D00] =	vst v4  }
0xdc: {  	[tilespmem:$0x11D10] =	vst v4  }
0xdd: {  	[tilespmem:$0x11D20] =	vst v4  }
0xde: {  	[tilespmem:$0x11D30] =	vst v4  }
0xdf: {  	[tilespmem:$0x11D40] =	vst v4  }
0xe0: {  	[tilespmem:$0x11D50] =	vst v4  }
0xe1: {  	[tilespmem:$0x11D60] =	vst v4  }
0xe2: {  	[tilespmem:$0x11D70] =	vst v4  }
0xe3: {  	[tilespmem:$0x11D80] =	vst v4  }
0xe4: {  	s2 =	simm.s32 $0x0;
	s15 =	simm.s32 $0x7C90;
	s14 =	simm.s32 $0x0;
	[tilespmem:$0x11D90] =	vst v4  }
.LBB2_3:
0xe5: {  	v38 =	vor.u32 s14, v0  }
0xe6: {  	v30 =	vand.u32 v5, v38;
	_ =	sdelay $0x4  }
0xe7: {  	v39 =	vld.idx.msk [tilespmem:v30+s2+$0x0], $0xffff;
	_ =	sdelay $0x7  }
0xe8: {  	v30 =	vld.idx.msk [tilespmem:v39+s15+$0x0], $0xffff;
	_ =	sdelay $0x4  }
0xe9: {  	v30 =	vsub.f32 $0.0e+00, v30  }
0xea: {  	v31 =	vor.u32 s6, v7  }
0xeb: {  	v32 =	vor.u32 s6, v8;
	v30 =	vmul.f32 $1.442695020e+00, v30  }
0xec: {  	v34 =	vor.u32 s6, v9  }
0xed: {  	(erf) = vpow2.f32 v30  }
0xee: {  	v30 =	vor.u32 s6, v1  }
0xef: {  	v36 =	vor.u32 s6, v10;
	v35 =	vld.idx.msk [tilespmem:v31+s16+$0x0], $0xffff  }
0xf0: {  	v37 =	vld.idx.msk [tilespmem:v32+s16+$0x0], $0xffff  }
0xf1: {  	v42 =	vor.u32 s6, v11;
	v43 =	vld.idx.msk [tilespmem:v34+s16+$0x0], $0xffff  }
0xf2: {  	v44 =	vld.idx.msk [tilespmem:v31+s17+$0x0], $0xffff  }
0xf3: {  	v33 =	vld.idx.msk [tilespmem:v30+s16+$0x0], $0xffff  }
0xf4: {  	v45 =	vor.u32 s6, v12;
	v58 =	vld.idx.msk [tilespmem:v36+s16+$0x0], $0xffff  }
0xf5: {  	v48 =	vor.u32 s6, v13;
	v47 =	vld.idx.msk [tilespmem:v32+s17+$0x0], $0xffff  }
0xf6: {  	v50 =	vld.idx.msk [tilespmem:v42+s16+$0x0], $0xffff;
	v40 =	vpop (erf)  }
0xf7: {  	v51 =	vld.idx.msk [tilespmem:v34+s17+$0x0], $0xffff;
	v31 =	vshll.u32 v31, $0x4;
	v32 =	vshll.u32 v32, $0x4;
	v40 =	vadd.f32 $1.000000000e+00, v40  }
0xf8: {  	vm1 =	veq.s32 v35, $0x0;
	vm13 =	veq.s32 v37, $0x0;
	v41 =	vld.idx.msk [tilespmem:v30+s17+$0x0], $0xffff;
	vm0 =	veq.s32 v33, $0x0  }
0xf9: {  	v53 =	vld.idx.msk [tilespmem:v45+s16+$0x0], $0xffff;
	v46 =	vsel vm1, $0x0, v6;
	(erf) = vrcp.f32 v40;
	v40 =	vsel vm0, $0x0, v6  }
0xfa: {  	v56 =	vld.idx.msk [tilespmem:v48+s16+$0x0], $0xffff;
	vm14 =	veq.s32 v43, $0x0;
	v62 =	vand.u32 $0xF, v47;
	v59 =	vadd.f32 v46, v40  }
0xfb: {  	v61 =	vand.u32 $0xF, v44;
	v49 =	vsel vm13, $0x0, v6;
	v57 =	vor.u32 v32, v62  }
0xfc: {  	vm15 =	veq.s32 v58, $0x0;
	vm4 =	veq.s32 v50, $0x0;
	v35 =	vadd.f32 v49, v59  }
0xfd: {  	v58 =	vld.idx.msk [tilespmem:v42+s17+$0x0], $0xffff;
	v52 =	vsel vm14, $0x0, v6;
	v30 =	vshll.u32 v30, $0x4;
	v60 =	vand.u32 $0xF, v41  }
0xfe: {  	v63 =	vand.u32 $0xF, v51;
	v37 =	vor.u32 v30, v60;
	v35 =	vadd.f32 v52, v35  }
0xff: {  	v54 =	vld.idx.msk [tilespmem:v36+s17+$0x0], $0xffff;
	vm5 =	veq.s32 v53, $0x0;
	vm6 =	veq.s32 v56, $0x0;
	v55 =	vsel vm15, $0x0, v6  }
0x100: {  	vm9 =	veq.s32 v47, $0x5F5B9F0;
	v43 =	vor.u32 v31, v61;
	v57 =	vld.idx.msk [tilespmem:v57+s22+$0x0], $0xffff;
	v35 =	vadd.f32 v55, v35  }
0x101: {  	v50 =	vsel vm4, $0x0, v6;
	v53 =	vsel vm5, $0x0, v6;
	v56 =	vsel vm6, $0x0, v6;
	v59 =	vld.idx.msk [tilespmem:v45+s17+$0x0], $0xffff  }
0x102: {  	vm13 =	veq.s32 v58, $0x5F5B9F0;
	v33 =	vshll.u32 v34, $0x4;
	v60 =	vadd.f32 v50, v35  }
0x103: {  	v34 =	vor.u32 v33, v63;
	v62 =	vld.idx.msk [tilespmem:v37+s22+$0x0], $0xffff;
	v37 =	vshll.u32 v42, $0x4;
	v42 =	vand.u32 $0xF, v58  }
0x104: {  	v61 =	vld.idx.msk [tilespmem:v48+s17+$0x0], $0xffff;
	v35 =	vshll.u32 v36, $0x4;
	v36 =	vand.u32 $0xF, v54;
	v60 =	vadd.f32 v53, v60  }
0x105: {  	v47 =	vsel vm9, v29, v57;
	v42 =	vor.u32 v37, v42;
	v63 =	vor.u32 v35, v36  }
0x106: {  	v36 =	vshll.u32 v45, $0x4;
	v45 =	vand.u32 $0xF, v59;
	v60 =	vadd.f32 v56, v60  }
0x107: {  	v43 =	vld.idx.msk [tilespmem:v43+s22+$0x0], $0xffff;
	v49 =	vmul.f32 v47, v49;
	v47 =	vshll.u32 v38, $0x4;
	v45 =	vor.u32 v36, v45  }
0x108: {  	v3 =	vld.idx.msk [tilespmem:v34+s22+$0x0], $0xffff;
	v34 =	vshll.u32 v48, $0x4;
	v58 =	vor.u32 v0, v30;
	v60 =	vmax.f32 v60, $1.000000000e+00  }
0x109: {  	v48 =	vand.u32 $0xF, v61;
	v57 =	vor.u32 v0, v47;
	(erf) = vrcp.f32 v60  }
0x10a: {  	vm7 =	veq.s32 v41, $0x5F5B9F0;
	v41 =	vor.u32 v34, v48;
	v42 =	vld.idx.msk [tilespmem:v42+s22+$0x0], $0xffff  }
0x10b: {  	v60 =	vsel vm7, v29, v62;
	v62 =	vld.idx.msk [tilespmem:v63+s22+$0x0], $0xffff  }
0x10c: {  	vm8 =	veq.s32 v44, $0x5F5B9F0;
	vm11 =	veq.s32 v51, $0x5F5B9F0;
	vm12 =	veq.s32 v54, $0x5F5B9F0;
	v63 =	vld.idx.msk [tilespmem:v45+s22+$0x0], $0xffff  }
0x10d: {  	vm10 =	veq.s32 v39, $0x0;
	vm15 =	veq.s32 v61, $0x5F5B9F0;
	v43 =	vsel vm8, v29, v43;
	v51 =	vld.idx.msk [tilespmem:v58+s20+$0x0], $0xffff  }
0x10e: {  	v43 =	vmul.f32 v43, v46;
	vm14 =	veq.s32 v59, $0x5F5B9F0;
	v3 =	vsel vm11, v29, v3;
	v48 =	vld.idx.msk [tilespmem:v57+s23+$0x0], $0xffff;
	v45 =	vpop (erf)  }
0x10f: {  	v57 =	vor.u32 v0, v34;
	v3 =	vmul.f32 v3, v52;
	v41 =	vld.idx.msk [tilespmem:v41+s22+$0x0], $0xffff;
	v54 =	vsub.f32 $1.000000000e+00, v45  }
0x110: {  	v42 =	vsel vm13, v29, v42;
	v39 =	vmul.f32 v60, v40;
	v40 =	vsel vm10, $0x0, v6  }
0x111: {  	v46 =	vmul.f32 v54, v40;
	v60 =	vsel vm14, v29, v63;
	v63 =	vor.u32 v0, v31  }
0x112: {  	v59 =	vshll.u32 v51, $0x10;
	v50 =	vmul.f32 v42, v50;
	v45 =	vmul.f32 v45, v40;
	v61 =	vpop (erf)  }
0x113: {  	v52 =	vsel vm12, v29, v62;
	v62 =	vmul.f32 v61, v46;
	v61 =	vor.u32 v0, v32  }
0x114: {  	v41 =	vsel vm15, v29, v41;
	v38 =	vmul.f32 v52, v55;
	v53 =	vmul.f32 v60, v53  }
0x115: {  	v60 =	vmul.f32 v41, v56;
	v42 =	vmul.f32 v62, v3;
	v3 =	vor.u32 v0, v33  }
0x116: {  	v51 =	vand.u32 $0xFFFF0000, v51;
	v44 =	vmul.f32 v62, v43;
	v43 =	vmul.f32 v62, v49;
	v49 =	vld.idx.msk [tilespmem:v63+s20+$0x0], $0xffff  }
0x117: {  	v55 =	vor.u32 v0, v37;
	v46 =	vmul.f32 v62, v39;
	v63 =	vor.u32 v0, v35  }
0x118: {  	v56 =	vor.u32 v0, v36;
	v41 =	vmul.f32 v62, v38;
	v38 =	vmul.f32 v62, v60;
	v60 =	vld.idx.msk [tilespmem:v61+s20+$0x0], $0xffff  }
0x119: {  	v40 =	vmul.f32 v62, v50;
	v39 =	vmul.f32 v62, v53;
	v62 =	vshll.u32 v48, $0x10  }
0x11a: {  	v48 =	vand.u32 $0xFFFF0000, v48;
	v50 =	vmul.f32 v62, v45;
	v53 =	vmul.f32 v59, v46;
	v3 =	vld.idx.msk [tilespmem:v3+s20+$0x0], $0xffff  }
0x11b: {  	v48 =	vmul.f32 v48, v45;
	v51 =	vmul.f32 v51, v46;
	v61 =	vshll.u32 v49, $0x10  }
0x11c: {  	v50 =	vadd.f32 v53, v50;
	v49 =	vand.u32 $0xFFFF0000, v49;
	v52 =	vld.idx.msk [tilespmem:v63+s20+$0x0], $0xffff;
	v62 =	vmul.f32 v61, v44  }
0x11d: {  	v48 =	vadd.f32 v51, v48;
	v49 =	vmul.f32 v49, v44;
	v63 =	vshll.u32 v60, $0x10  }
0x11e: {  	v54 =	vld.idx.msk [tilespmem:v55+s20+$0x0], $0xffff;
	v50 =	vadd.f32 v50, v62;
	v60 =	vand.u32 $0xFFFF0000, v60;
	v59 =	vmul.f32 v63, v43  }
0x11f: {  	v48 =	vadd.f32 v48, v49;
	v61 =	vmul.f32 v60, v43;
	v62 =	vshll.u32 v3, $0x10  }
0x120: {  	v58 =	vld.idx.msk [tilespmem:v56+s20+$0x0], $0xffff;
	v3 =	vand.u32 $0xFFFF0000, v3;
	v50 =	vadd.f32 v50, v59;
	v63 =	vmul.f32 v62, v42  }
0x121: {  	v48 =	vadd.f32 v48, v61;
	v3 =	vmul.f32 v3, v42;
	v59 =	vshll.u32 v52, $0x10  }
0x122: {  	v60 =	vand.u32 $0xFFFF0000, v52;
	v52 =	vld.idx.msk [tilespmem:v57+s20+$0x0], $0xffff;
	v49 =	vmul.f32 v59, v41;
	v50 =	vadd.f32 v50, v63  }
0x123: {  	v61 =	vmul.f32 v60, v41;
	v62 =	vshll.u32 v54, $0x10;
	v3 =	vadd.f32 v48, v3  }
0x124: {  	v54 =	vand.u32 $0xFFFF0000, v54;
	v63 =	vmul.f32 v62, v40;
	v49 =	vadd.f32 v50, v49  }
0x125: {  	v56 =	vshll.u32 v58, $0x10;
	v55 =	vmul.f32 v54, v40;
	v3 =	vadd.f32 v3, v61  }
0x126: {  	v58 =	vand.u32 $0xFFFF0000, v58;
	v57 =	vmul.f32 v56, v39;
	v49 =	vadd.f32 v49, v63  }
0x127: {  	v59 =	vmul.f32 v58, v39;
	v60 =	vshll.u32 v52, $0x10;
	v3 =	vadd.f32 v3, v55  }
0x128: {  	v62 =	vand.u32 $0xFFFF0000, v52;
	v61 =	vmul.f32 v60, v38;
	v49 =	vadd.f32 v49, v57  }
0x129: {  	v63 =	vmul.f32 v62, v38;
	v3 =	vadd.f32 v3, v59  }
0x12a: {  	v54 =	vor.u32 v14, v47;
	v49 =	vadd.f32 v49, v61  }
0x12b: {  	v55 =	vor.u32 v14, v30;
	v3 =	vadd.f32 v3, v63  }
0x12c: {  	s19 =	rddreg [dreg:$0x3];
	v57 =	vor.u32 v14, v32;
	[tilespmem:s24+$0x0] =	vst.add.f32.msk $0xffff, v49  }
0x12d: {  	[tilespmem:s19+$0x0] =	vst.add.f32.msk $0xffff, v3;
	v3 =	vor.u32 v14, v31;
	_ =	sdelay $0x1  }
0x12e: {  	v56 =	vld.idx.msk [tilespmem:v54+s23+$0x0], $0xffff  }
0x12f: {  	v58 =	vor.u32 v14, v33;
	v49 =	vld.idx.msk [tilespmem:v55+s20+$0x0], $0xffff  }
0x130: {  	v60 =	vor.u32 v14, v35;
	v50 =	vld.idx.msk [tilespmem:v57+s20+$0x0], $0xffff  }
0x131: {  	v3 =	vld.idx.msk [tilespmem:v3+s20+$0x0], $0xffff;
	_ =	sdelay $0x1  }
0x132: {  	v55 =	vor.u32 v14, v37;
	v59 =	vshll.u32 v56, $0x10;
	v48 =	vand.u32 $0xFFFF0000, v56  }
0x133: {  	v51 =	vld.idx.msk [tilespmem:v58+s20+$0x0], $0xffff;
	v61 =	vshll.u32 v49, $0x10;
	v49 =	vand.u32 $0xFFFF0000, v49;
	v56 =	vor.u32 v14, v36  }
0x134: {  	v53 =	vld.idx.msk [tilespmem:v60+s20+$0x0], $0xffff;
	v60 =	vshll.u32 v50, $0x10;
	v52 =	vmul.f32 v59, v45;
	v54 =	vmul.f32 v61, v46  }
0x135: {  	v48 =	vmul.f32 v48, v45;
	v49 =	vmul.f32 v49, v46;
	v62 =	vshll.u32 v3, $0x10  }
0x136: {  	v52 =	vadd.f32 v54, v52;
	v3 =	vand.u32 $0xFFFF0000, v3;
	v63 =	vmul.f32 v62, v44  }
0x137: {  	v61 =	vor.u32 v14, v34;
	v48 =	vadd.f32 v49, v48;
	v3 =	vmul.f32 v3, v44  }
0x138: {  	v50 =	vand.u32 $0xFFFF0000, v50;
	v54 =	vld.idx.msk [tilespmem:v55+s20+$0x0], $0xffff;
	v62 =	vmul.f32 v60, v43;
	v49 =	vadd.f32 v63, v52  }
0x139: {  	v55 =	vshll.u32 v51, $0x10;
	v3 =	vadd.f32 v3, v48;
	v63 =	vmul.f32 v50, v43  }
0x13a: {  	v51 =	vand.u32 $0xFFFF0000, v51;
	v50 =	vmul.f32 v55, v42;
	v52 =	vld.idx.msk [tilespmem:v56+s20+$0x0], $0xffff;
	v49 =	vadd.f32 v62, v49  }
0x13b: {  	v58 =	vshll.u32 v53, $0x10;
	v56 =	vmul.f32 v51, v42;
	v3 =	vadd.f32 v63, v3  }
0x13c: {  	v59 =	vmul.f32 v58, v41;
	v60 =	vand.u32 $0xFFFF0000, v53;
	v53 =	vld.idx.msk [tilespmem:v61+s20+$0x0], $0xffff;
	v49 =	vadd.f32 v50, v49  }
0x13d: {  	v61 =	vmul.f32 v60, v41;
	v62 =	vshll.u32 v54, $0x10;
	v3 =	vadd.f32 v56, v3  }
0x13e: {  	v54 =	vand.u32 $0xFFFF0000, v54;
	v63 =	vmul.f32 v62, v40;
	v49 =	vadd.f32 v59, v49  }
0x13f: {  	v55 =	vmul.f32 v54, v40;
	v56 =	vshll.u32 v52, $0x10;
	v3 =	vadd.f32 v61, v3  }
0x140: {  	v58 =	vand.u32 $0xFFFF0000, v52;
	v57 =	vmul.f32 v56, v39;
	v49 =	vadd.f32 v63, v49  }
0x141: {  	v60 =	vshll.u32 v53, $0x10;
	v59 =	vmul.f32 v58, v39;
	v3 =	vadd.f32 v55, v3  }
0x142: {  	v62 =	vand.u32 $0xFFFF0000, v53;
	v61 =	vmul.f32 v60, v38;
	v49 =	vadd.f32 v57, v49  }
0x143: {  	v63 =	vmul.f32 v62, v38;
	v3 =	vadd.f32 v59, v3  }
0x144: {  	v54 =	vor.u32 v15, v47;
	v49 =	vadd.f32 v61, v49  }
0x145: {  	s19 =	rddreg [dreg:$0x4];
	v55 =	vor.u32 v15, v30;
	v3 =	vadd.f32 v63, v3  }
0x146: {  	s18 =	rddreg [dreg:$0x5];
	v57 =	vor.u32 v15, v32;
	[tilespmem:s19+$0x0] =	vst.add.f32.msk $0xffff, v49  }
0x147: {  	[tilespmem:s18+$0x0] =	vst.add.f32.msk $0xffff, v3;
	v3 =	vor.u32 v15, v31;
	_ =	sdelay $0x1  }
0x148: {  	v56 =	vld.idx.msk [tilespmem:v54+s23+$0x0], $0xffff  }
0x149: {  	v58 =	vor.u32 v15, v33;
	v49 =	vld.idx.msk [tilespmem:v55+s20+$0x0], $0xffff  }
0x14a: {  	v60 =	vor.u32 v15, v35;
	v50 =	vld.idx.msk [tilespmem:v57+s20+$0x0], $0xffff  }
0x14b: {  	v3 =	vld.idx.msk [tilespmem:v3+s20+$0x0], $0xffff;
	_ =	sdelay $0x1  }
0x14c: {  	v55 =	vor.u32 v15, v37;
	v59 =	vshll.u32 v56, $0x10;
	v48 =	vand.u32 $0xFFFF0000, v56  }
0x14d: {  	v51 =	vld.idx.msk [tilespmem:v58+s20+$0x0], $0xffff;
	v61 =	vshll.u32 v49, $0x10;
	v49 =	vand.u32 $0xFFFF0000, v49;
	v56 =	vor.u32 v15, v36  }
0x14e: {  	v53 =	vld.idx.msk [tilespmem:v60+s20+$0x0], $0xffff;
	v60 =	vshll.u32 v50, $0x10;
	v52 =	vmul.f32 v59, v45;
	v54 =	vmul.f32 v61, v46  }
0x14f: {  	v48 =	vmul.f32 v48, v45;
	v49 =	vmul.f32 v49, v46;
	v62 =	vshll.u32 v3, $0x10  }
0x150: {  	v52 =	vadd.f32 v54, v52;
	v3 =	vand.u32 $0xFFFF0000, v3;
	v63 =	vmul.f32 v62, v44  }
0x151: {  	v61 =	vor.u32 v15, v34;
	v48 =	vadd.f32 v49, v48;
	v3 =	vmul.f32 v3, v44  }
0x152: {  	v50 =	vand.u32 $0xFFFF0000, v50;
	v54 =	vld.idx.msk [tilespmem:v55+s20+$0x0], $0xffff;
	v62 =	vmul.f32 v60, v43;
	v49 =	vadd.f32 v63, v52  }
0x153: {  	v55 =	vshll.u32 v51, $0x10;
	v3 =	vadd.f32 v3, v48;
	v63 =	vmul.f32 v50, v43  }
0x154: {  	v51 =	vand.u32 $0xFFFF0000, v51;
	v50 =	vmul.f32 v55, v42;
	v52 =	vld.idx.msk [tilespmem:v56+s20+$0x0], $0xffff;
	v49 =	vadd.f32 v62, v49  }
0x155: {  	v58 =	vshll.u32 v53, $0x10;
	v56 =	vmul.f32 v51, v42;
	v3 =	vadd.f32 v63, v3  }
0x156: {  	v59 =	vmul.f32 v58, v41;
	v60 =	vand.u32 $0xFFFF0000, v53;
	v53 =	vld.idx.msk [tilespmem:v61+s20+$0x0], $0xffff;
	v49 =	vadd.f32 v50, v49  }
0x157: {  	v61 =	vmul.f32 v60, v41;
	v62 =	vshll.u32 v54, $0x10;
	v3 =	vadd.f32 v56, v3  }
0x158: {  	v54 =	vand.u32 $0xFFFF0000, v54;
	v63 =	vmul.f32 v62, v40;
	v49 =	vadd.f32 v59, v49  }
0x159: {  	v55 =	vmul.f32 v54, v40;
	v56 =	vshll.u32 v52, $0x10;
	v3 =	vadd.f32 v61, v3  }
0x15a: {  	v58 =	vand.u32 $0xFFFF0000, v52;
	v57 =	vmul.f32 v56, v39;
	v49 =	vadd.f32 v63, v49  }
0x15b: {  	v60 =	vshll.u32 v53, $0x10;
	v59 =	vmul.f32 v58, v39;
	v3 =	vadd.f32 v55, v3  }
0x15c: {  	v62 =	vand.u32 $0xFFFF0000, v53;
	v61 =	vmul.f32 v60, v38;
	v49 =	vadd.f32 v57, v49  }
0x15d: {  	v63 =	vmul.f32 v62, v38;
	v3 =	vadd.f32 v59, v3  }
0x15e: {  	v54 =	vor.u32 v16, v47;
	v49 =	vadd.f32 v61, v49  }
0x15f: {  	s18 =	rddreg [dreg:$0x6];
	v55 =	vor.u32 v16, v30;
	v3 =	vadd.f32 v63, v3  }
0x160: {  	s19 =	rddreg [dreg:$0x7];
	v57 =	vor.u32 v16, v32;
	[tilespmem:s18+$0x0] =	vst.add.f32.msk $0xffff, v49  }
0x161: {  	[tilespmem:s19+$0x0] =	vst.add.f32.msk $0xffff, v3;
	v3 =	vor.u32 v16, v31;
	_ =	sdelay $0x1  }
0x162: {  	v56 =	vld.idx.msk [tilespmem:v54+s23+$0x0], $0xffff  }
0x163: {  	v58 =	vor.u32 v16, v33;
	v49 =	vld.idx.msk [tilespmem:v55+s20+$0x0], $0xffff  }
0x164: {  	v60 =	vor.u32 v16, v35;
	v50 =	vld.idx.msk [tilespmem:v57+s20+$0x0], $0xffff  }
0x165: {  	v3 =	vld.idx.msk [tilespmem:v3+s20+$0x0], $0xffff;
	_ =	sdelay $0x1  }
0x166: {  	v55 =	vor.u32 v16, v37;
	v59 =	vshll.u32 v56, $0x10;
	v48 =	vand.u32 $0xFFFF0000, v56  }
0x167: {  	v51 =	vld.idx.msk [tilespmem:v58+s20+$0x0], $0xffff;
	v61 =	vshll.u32 v49, $0x10;
	v49 =	vand.u32 $0xFFFF0000, v49;
	v56 =	vor.u32 v16, v36  }
0x168: {  	v53 =	vld.idx.msk [tilespmem:v60+s20+$0x0], $0xffff;
	v60 =	vshll.u32 v50, $0x10;
	v52 =	vmul.f32 v59, v45;
	v54 =	vmul.f32 v61, v46  }
0x169: {  	v48 =	vmul.f32 v48, v45;
	v49 =	vmul.f32 v49, v46;
	v62 =	vshll.u32 v3, $0x10  }
0x16a: {  	v52 =	vadd.f32 v54, v52;
	v3 =	vand.u32 $0xFFFF0000, v3;
	v63 =	vmul.f32 v62, v44  }
0x16b: {  	v61 =	vor.u32 v16, v34;
	v48 =	vadd.f32 v49, v48;
	v3 =	vmul.f32 v3, v44  }
0x16c: {  	v50 =	vand.u32 $0xFFFF0000, v50;
	v54 =	vld.idx.msk [tilespmem:v55+s20+$0x0], $0xffff;
	v62 =	vmul.f32 v60, v43;
	v49 =	vadd.f32 v63, v52  }
0x16d: {  	v55 =	vshll.u32 v51, $0x10;
	v3 =	vadd.f32 v3, v48;
	v63 =	vmul.f32 v50, v43  }
0x16e: {  	v51 =	vand.u32 $0xFFFF0000, v51;
	v50 =	vmul.f32 v55, v42;
	v52 =	vld.idx.msk [tilespmem:v56+s20+$0x0], $0xffff;
	v49 =	vadd.f32 v62, v49  }
0x16f: {  	v58 =	vshll.u32 v53, $0x10;
	v56 =	vmul.f32 v51, v42;
	v3 =	vadd.f32 v63, v3  }
0x170: {  	v59 =	vmul.f32 v58, v41;
	v60 =	vand.u32 $0xFFFF0000, v53;
	v53 =	vld.idx.msk [tilespmem:v61+s20+$0x0], $0xffff;
	v49 =	vadd.f32 v50, v49  }
0x171: {  	v61 =	vmul.f32 v60, v41;
	v62 =	vshll.u32 v54, $0x10;
	v3 =	vadd.f32 v56, v3  }
0x172: {  	v54 =	vand.u32 $0xFFFF0000, v54;
	v63 =	vmul.f32 v62, v40;
	v49 =	vadd.f32 v59, v49  }
0x173: {  	v55 =	vmul.f32 v54, v40;
	v56 =	vshll.u32 v52, $0x10;
	v3 =	vadd.f32 v61, v3  }
0x174: {  	v58 =	vand.u32 $0xFFFF0000, v52;
	v57 =	vmul.f32 v56, v39;
	v49 =	vadd.f32 v63, v49  }
0x175: {  	v60 =	vshll.u32 v53, $0x10;
	v59 =	vmul.f32 v58, v39;
	v3 =	vadd.f32 v55, v3  }
0x176: {  	v62 =	vand.u32 $0xFFFF0000, v53;
	v61 =	vmul.f32 v60, v38;
	v49 =	vadd.f32 v57, v49  }
0x177: {  	v63 =	vmul.f32 v62, v38;
	v3 =	vadd.f32 v59, v3  }
0x178: {  	v54 =	vor.u32 v17, v47;
	v49 =	vadd.f32 v61, v49  }
0x179: {  	s18 =	rddreg [dreg:$0x8];
	v55 =	vor.u32 v17, v30;
	v3 =	vadd.f32 v63, v3  }
0x17a: {  	s19 =	rddreg [dreg:$0x9];
	v57 =	vor.u32 v17, v32;
	[tilespmem:s18+$0x0] =	vst.add.f32.msk $0xffff, v49  }
0x17b: {  	[tilespmem:s19+$0x0] =	vst.add.f32.msk $0xffff, v3;
	v3 =	vor.u32 v17, v31;
	_ =	sdelay $0x1  }
0x17c: {  	v56 =	vld.idx.msk [tilespmem:v54+s23+$0x0], $0xffff  }
0x17d: {  	v58 =	vor.u32 v17, v33;
	v49 =	vld.idx.msk [tilespmem:v55+s20+$0x0], $0xffff  }
0x17e: {  	v60 =	vor.u32 v17, v35;
	v50 =	vld.idx.msk [tilespmem:v57+s20+$0x0], $0xffff  }
0x17f: {  	v3 =	vld.idx.msk [tilespmem:v3+s20+$0x0], $0xffff;
	_ =	sdelay $0x1  }
0x180: {  	v55 =	vor.u32 v17, v37;
	v59 =	vshll.u32 v56, $0x10;
	v48 =	vand.u32 $0xFFFF0000, v56  }
0x181: {  	v51 =	vld.idx.msk [tilespmem:v58+s20+$0x0], $0xffff;
	v61 =	vshll.u32 v49, $0x10;
	v49 =	vand.u32 $0xFFFF0000, v49;
	v56 =	vor.u32 v17, v36  }
0x182: {  	v53 =	vld.idx.msk [tilespmem:v60+s20+$0x0], $0xffff;
	v60 =	vshll.u32 v50, $0x10;
	v52 =	vmul.f32 v59, v45;
	v54 =	vmul.f32 v61, v46  }
0x183: {  	v48 =	vmul.f32 v48, v45;
	v49 =	vmul.f32 v49, v46;
	v62 =	vshll.u32 v3, $0x10  }
0x184: {  	v52 =	vadd.f32 v54, v52;
	v3 =	vand.u32 $0xFFFF0000, v3;
	v63 =	vmul.f32 v62, v44  }
0x185: {  	v61 =	vor.u32 v17, v34;
	v48 =	vadd.f32 v49, v48;
	v3 =	vmul.f32 v3, v44  }
0x186: {  	v50 =	vand.u32 $0xFFFF0000, v50;
	v54 =	vld.idx.msk [tilespmem:v55+s20+$0x0], $0xffff;
	v62 =	vmul.f32 v60, v43;
	v49 =	vadd.f32 v63, v52  }
0x187: {  	v55 =	vshll.u32 v51, $0x10;
	v3 =	vadd.f32 v3, v48;
	v63 =	vmul.f32 v50, v43  }
0x188: {  	v51 =	vand.u32 $0xFFFF0000, v51;
	v50 =	vmul.f32 v55, v42;
	v52 =	vld.idx.msk [tilespmem:v56+s20+$0x0], $0xffff;
	v49 =	vadd.f32 v62, v49  }
0x189: {  	v58 =	vshll.u32 v53, $0x10;
	v56 =	vmul.f32 v51, v42;
	v3 =	vadd.f32 v63, v3  }
0x18a: {  	v59 =	vmul.f32 v58, v41;
	v60 =	vand.u32 $0xFFFF0000, v53;
	v53 =	vld.idx.msk [tilespmem:v61+s20+$0x0], $0xffff;
	v49 =	vadd.f32 v50, v49  }
0x18b: {  	v61 =	vmul.f32 v60, v41;
	v62 =	vshll.u32 v54, $0x10;
	v3 =	vadd.f32 v56, v3  }
0x18c: {  	v54 =	vand.u32 $0xFFFF0000, v54;
	v63 =	vmul.f32 v62, v40;
	v49 =	vadd.f32 v59, v49  }
0x18d: {  	v55 =	vmul.f32 v54, v40;
	v56 =	vshll.u32 v52, $0x10;
	v3 =	vadd.f32 v61, v3  }
0x18e: {  	v58 =	vand.u32 $0xFFFF0000, v52;
	v57 =	vmul.f32 v56, v39;
	v49 =	vadd.f32 v63, v49  }
0x18f: {  	v60 =	vshll.u32 v53, $0x10;
	v59 =	vmul.f32 v58, v39;
	v3 =	vadd.f32 v55, v3  }
0x190: {  	v62 =	vand.u32 $0xFFFF0000, v53;
	v61 =	vmul.f32 v60, v38;
	v49 =	vadd.f32 v57, v49  }
0x191: {  	v63 =	vmul.f32 v62, v38;
	v3 =	vadd.f32 v59, v3  }
0x192: {  	v54 =	vor.u32 v18, v47;
	v49 =	vadd.f32 v61, v49  }
0x193: {  	s18 =	rddreg [dreg:$0xa];
	v55 =	vor.u32 v18, v30;
	v3 =	vadd.f32 v63, v3  }
0x194: {  	s19 =	rddreg [dreg:$0xb];
	v57 =	vor.u32 v18, v32;
	[tilespmem:s18+$0x0] =	vst.add.f32.msk $0xffff, v49  }
0x195: {  	[tilespmem:s19+$0x0] =	vst.add.f32.msk $0xffff, v3;
	v3 =	vor.u32 v18, v31;
	_ =	sdelay $0x1  }
0x196: {  	v56 =	vld.idx.msk [tilespmem:v54+s23+$0x0], $0xffff  }
0x197: {  	v58 =	vor.u32 v18, v33;
	v49 =	vld.idx.msk [tilespmem:v55+s20+$0x0], $0xffff  }
0x198: {  	v60 =	vor.u32 v18, v35;
	v50 =	vld.idx.msk [tilespmem:v57+s20+$0x0], $0xffff  }
0x199: {  	v3 =	vld.idx.msk [tilespmem:v3+s20+$0x0], $0xffff;
	_ =	sdelay $0x1  }
0x19a: {  	v55 =	vor.u32 v18, v37;
	v59 =	vshll.u32 v56, $0x10;
	v48 =	vand.u32 $0xFFFF0000, v56  }
0x19b: {  	v51 =	vld.idx.msk [tilespmem:v58+s20+$0x0], $0xffff;
	v61 =	vshll.u32 v49, $0x10;
	v49 =	vand.u32 $0xFFFF0000, v49;
	v56 =	vor.u32 v18, v36  }
0x19c: {  	v53 =	vld.idx.msk [tilespmem:v60+s20+$0x0], $0xffff;
	v60 =	vshll.u32 v50, $0x10;
	v52 =	vmul.f32 v59, v45;
	v54 =	vmul.f32 v61, v46  }
0x19d: {  	v48 =	vmul.f32 v48, v45;
	v49 =	vmul.f32 v49, v46;
	v62 =	vshll.u32 v3, $0x10  }
0x19e: {  	v52 =	vadd.f32 v54, v52;
	v3 =	vand.u32 $0xFFFF0000, v3;
	v63 =	vmul.f32 v62, v44  }
0x19f: {  	v61 =	vor.u32 v18, v34;
	v48 =	vadd.f32 v49, v48;
	v3 =	vmul.f32 v3, v44  }
0x1a0: {  	v50 =	vand.u32 $0xFFFF0000, v50;
	v54 =	vld.idx.msk [tilespmem:v55+s20+$0x0], $0xffff;
	v62 =	vmul.f32 v60, v43;
	v49 =	vadd.f32 v63, v52  }
0x1a1: {  	v55 =	vshll.u32 v51, $0x10;
	v3 =	vadd.f32 v3, v48;
	v63 =	vmul.f32 v50, v43  }
0x1a2: {  	v51 =	vand.u32 $0xFFFF0000, v51;
	v50 =	vmul.f32 v55, v42;
	v52 =	vld.idx.msk [tilespmem:v56+s20+$0x0], $0xffff;
	v49 =	vadd.f32 v62, v49  }
0x1a3: {  	v58 =	vshll.u32 v53, $0x10;
	v56 =	vmul.f32 v51, v42;
	v3 =	vadd.f32 v63, v3  }
0x1a4: {  	v59 =	vmul.f32 v58, v41;
	v60 =	vand.u32 $0xFFFF0000, v53;
	v53 =	vld.idx.msk [tilespmem:v61+s20+$0x0], $0xffff;
	v49 =	vadd.f32 v50, v49  }
0x1a5: {  	v61 =	vmul.f32 v60, v41;
	v62 =	vshll.u32 v54, $0x10;
	v3 =	vadd.f32 v56, v3  }
0x1a6: {  	v54 =	vand.u32 $0xFFFF0000, v54;
	v63 =	vmul.f32 v62, v40;
	v49 =	vadd.f32 v59, v49  }
0x1a7: {  	v55 =	vmul.f32 v54, v40;
	v56 =	vshll.u32 v52, $0x10;
	v3 =	vadd.f32 v61, v3  }
0x1a8: {  	v58 =	vand.u32 $0xFFFF0000, v52;
	v57 =	vmul.f32 v56, v39;
	v49 =	vadd.f32 v63, v49  }
0x1a9: {  	v60 =	vshll.u32 v53, $0x10;
	v59 =	vmul.f32 v58, v39;
	v3 =	vadd.f32 v55, v3  }
0x1aa: {  	v62 =	vand.u32 $0xFFFF0000, v53;
	v61 =	vmul.f32 v60, v38;
	v49 =	vadd.f32 v57, v49  }
0x1ab: {  	v63 =	vmul.f32 v62, v38;
	v3 =	vadd.f32 v59, v3  }
0x1ac: {  	v54 =	vor.u32 v20, v47;
	v49 =	vadd.f32 v61, v49  }
0x1ad: {  	s18 =	rddreg [dreg:$0xc];
	v55 =	vor.u32 v20, v30;
	v3 =	vadd.f32 v63, v3  }
0x1ae: {  	s19 =	rddreg [dreg:$0xd];
	v57 =	vor.u32 v20, v32;
	[tilespmem:s18+$0x0] =	vst.add.f32.msk $0xffff, v49  }
0x1af: {  	[tilespmem:s19+$0x0] =	vst.add.f32.msk $0xffff, v3;
	v3 =	vor.u32 v20, v31;
	_ =	sdelay $0x1  }
0x1b0: {  	v56 =	vld.idx.msk [tilespmem:v54+s23+$0x0], $0xffff  }
0x1b1: {  	v58 =	vor.u32 v20, v33;
	v49 =	vld.idx.msk [tilespmem:v55+s20+$0x0], $0xffff  }
0x1b2: {  	v60 =	vor.u32 v20, v35;
	v50 =	vld.idx.msk [tilespmem:v57+s20+$0x0], $0xffff  }
0x1b3: {  	v3 =	vld.idx.msk [tilespmem:v3+s20+$0x0], $0xffff;
	_ =	sdelay $0x1  }
0x1b4: {  	v55 =	vor.u32 v20, v37;
	v59 =	vshll.u32 v56, $0x10;
	v48 =	vand.u32 $0xFFFF0000, v56  }
0x1b5: {  	v51 =	vld.idx.msk [tilespmem:v58+s20+$0x0], $0xffff;
	v61 =	vshll.u32 v49, $0x10;
	v49 =	vand.u32 $0xFFFF0000, v49;
	v56 =	vor.u32 v20, v36  }
0x1b6: {  	v53 =	vld.idx.msk [tilespmem:v60+s20+$0x0], $0xffff;
	v60 =	vshll.u32 v50, $0x10;
	v52 =	vmul.f32 v59, v45;
	v54 =	vmul.f32 v61, v46  }
0x1b7: {  	v48 =	vmul.f32 v48, v45;
	v49 =	vmul.f32 v49, v46;
	v62 =	vshll.u32 v3, $0x10  }
0x1b8: {  	v52 =	vadd.f32 v54, v52;
	v3 =	vand.u32 $0xFFFF0000, v3;
	v63 =	vmul.f32 v62, v44  }
0x1b9: {  	v61 =	vor.u32 v20, v34;
	v48 =	vadd.f32 v49, v48;
	v3 =	vmul.f32 v3, v44  }
0x1ba: {  	v50 =	vand.u32 $0xFFFF0000, v50;
	v54 =	vld.idx.msk [tilespmem:v55+s20+$0x0], $0xffff;
	v62 =	vmul.f32 v60, v43;
	v49 =	vadd.f32 v63, v52  }
0x1bb: {  	v55 =	vshll.u32 v51, $0x10;
	v3 =	vadd.f32 v3, v48;
	v63 =	vmul.f32 v50, v43  }
0x1bc: {  	v51 =	vand.u32 $0xFFFF0000, v51;
	v50 =	vmul.f32 v55, v42;
	v52 =	vld.idx.msk [tilespmem:v56+s20+$0x0], $0xffff;
	v49 =	vadd.f32 v62, v49  }
0x1bd: {  	v58 =	vshll.u32 v53, $0x10;
	v56 =	vmul.f32 v51, v42;
	v3 =	vadd.f32 v63, v3  }
0x1be: {  	v59 =	vmul.f32 v58, v41;
	v60 =	vand.u32 $0xFFFF0000, v53;
	v53 =	vld.idx.msk [tilespmem:v61+s20+$0x0], $0xffff;
	v49 =	vadd.f32 v50, v49  }
0x1bf: {  	v61 =	vmul.f32 v60, v41;
	v62 =	vshll.u32 v54, $0x10;
	v3 =	vadd.f32 v56, v3  }
0x1c0: {  	v54 =	vand.u32 $0xFFFF0000, v54;
	v63 =	vmul.f32 v62, v40;
	v49 =	vadd.f32 v59, v49  }
0x1c1: {  	v55 =	vmul.f32 v54, v40;
	v56 =	vshll.u32 v52, $0x10;
	v3 =	vadd.f32 v61, v3  }
0x1c2: {  	v58 =	vand.u32 $0xFFFF0000, v52;
	v57 =	vmul.f32 v56, v39;
	v49 =	vadd.f32 v63, v49  }
0x1c3: {  	v60 =	vshll.u32 v53, $0x10;
	v59 =	vmul.f32 v58, v39;
	v3 =	vadd.f32 v55, v3  }
0x1c4: {  	v62 =	vand.u32 $0xFFFF0000, v53;
	v61 =	vmul.f32 v60, v38;
	v49 =	vadd.f32 v57, v49  }
0x1c5: {  	v63 =	vmul.f32 v62, v38;
	v3 =	vadd.f32 v59, v3  }
0x1c6: {  	v54 =	vor.u32 v21, v47;
	v49 =	vadd.f32 v61, v49  }
0x1c7: {  	s19 =	rddreg [dreg:$0xe];
	v55 =	vor.u32 v21, v30;
	v3 =	vadd.f32 v63, v3  }
0x1c8: {  	v57 =	vor.u32 v21, v32;
	[tilespmem:s19+$0x0] =	vst.add.f32.msk $0xffff, v49  }
0x1c9: {  	[tilespmem:s25+$0x0] =	vst.add.f32.msk $0xffff, v3;
	v3 =	vor.u32 v21, v31;
	_ =	sdelay $0x1  }
0x1ca: {  	v56 =	vld.idx.msk [tilespmem:v54+s23+$0x0], $0xffff  }
0x1cb: {  	v58 =	vor.u32 v21, v33;
	v49 =	vld.idx.msk [tilespmem:v55+s20+$0x0], $0xffff  }
0x1cc: {  	v60 =	vor.u32 v21, v35;
	v50 =	vld.idx.msk [tilespmem:v57+s20+$0x0], $0xffff  }
0x1cd: {  	v3 =	vld.idx.msk [tilespmem:v3+s20+$0x0], $0xffff;
	_ =	sdelay $0x1  }
0x1ce: {  	v55 =	vor.u32 v21, v37;
	v59 =	vshll.u32 v56, $0x10;
	v48 =	vand.u32 $0xFFFF0000, v56  }
0x1cf: {  	v51 =	vld.idx.msk [tilespmem:v58+s20+$0x0], $0xffff;
	v61 =	vshll.u32 v49, $0x10;
	v49 =	vand.u32 $0xFFFF0000, v49;
	v56 =	vor.u32 v21, v36  }
0x1d0: {  	v53 =	vld.idx.msk [tilespmem:v60+s20+$0x0], $0xffff;
	v60 =	vshll.u32 v50, $0x10;
	v52 =	vmul.f32 v59, v45;
	v54 =	vmul.f32 v61, v46  }
0x1d1: {  	v48 =	vmul.f32 v48, v45;
	v49 =	vmul.f32 v49, v46;
	v62 =	vshll.u32 v3, $0x10  }
0x1d2: {  	v52 =	vadd.f32 v54, v52;
	v3 =	vand.u32 $0xFFFF0000, v3;
	v63 =	vmul.f32 v62, v44  }
0x1d3: {  	v61 =	vor.u32 v21, v34;
	v48 =	vadd.f32 v49, v48;
	v3 =	vmul.f32 v3, v44  }
0x1d4: {  	v50 =	vand.u32 $0xFFFF0000, v50;
	v54 =	vld.idx.msk [tilespmem:v55+s20+$0x0], $0xffff;
	v62 =	vmul.f32 v60, v43;
	v49 =	vadd.f32 v63, v52  }
0x1d5: {  	v55 =	vshll.u32 v51, $0x10;
	v3 =	vadd.f32 v3, v48;
	v63 =	vmul.f32 v50, v43  }
0x1d6: {  	v51 =	vand.u32 $0xFFFF0000, v51;
	v50 =	vmul.f32 v55, v42;
	v52 =	vld.idx.msk [tilespmem:v56+s20+$0x0], $0xffff;
	v49 =	vadd.f32 v62, v49  }
0x1d7: {  	v58 =	vshll.u32 v53, $0x10;
	v56 =	vmul.f32 v51, v42;
	v3 =	vadd.f32 v63, v3  }
0x1d8: {  	v59 =	vmul.f32 v58, v41;
	v60 =	vand.u32 $0xFFFF0000, v53;
	v53 =	vld.idx.msk [tilespmem:v61+s20+$0x0], $0xffff;
	v49 =	vadd.f32 v50, v49  }
0x1d9: {  	v61 =	vmul.f32 v60, v41;
	v62 =	vshll.u32 v54, $0x10;
	v3 =	vadd.f32 v56, v3  }
0x1da: {  	v54 =	vand.u32 $0xFFFF0000, v54;
	v63 =	vmul.f32 v62, v40;
	v49 =	vadd.f32 v59, v49  }
0x1db: {  	v55 =	vmul.f32 v54, v40;
	v56 =	vshll.u32 v52, $0x10;
	v3 =	vadd.f32 v61, v3  }
0x1dc: {  	v58 =	vand.u32 $0xFFFF0000, v52;
	v57 =	vmul.f32 v56, v39;
	v49 =	vadd.f32 v63, v49  }
0x1dd: {  	v60 =	vshll.u32 v53, $0x10;
	v59 =	vmul.f32 v58, v39;
	v3 =	vadd.f32 v55, v3  }
0x1de: {  	v62 =	vand.u32 $0xFFFF0000, v53;
	v61 =	vmul.f32 v60, v38;
	v49 =	vadd.f32 v57, v49  }
0x1df: {  	v63 =	vmul.f32 v62, v38;
	v3 =	vadd.f32 v59, v3  }
0x1e0: {  	v54 =	vor.u32 v19, v47;
	v49 =	vadd.f32 v61, v49  }
0x1e1: {  	v55 =	vor.u32 v19, v30;
	v3 =	vadd.f32 v63, v3  }
0x1e2: {  	v57 =	vor.u32 v19, v32;
	[tilespmem:s26+$0x0] =	vst.add.f32.msk $0xffff, v49  }
0x1e3: {  	[tilespmem:s28+$0x0] =	vst.add.f32.msk $0xffff, v3;
	v3 =	vor.u32 v19, v31;
	_ =	sdelay $0x1  }
0x1e4: {  	v56 =	vld.idx.msk [tilespmem:v54+s23+$0x0], $0xffff  }
0x1e5: {  	v58 =	vor.u32 v19, v33;
	v49 =	vld.idx.msk [tilespmem:v55+s20+$0x0], $0xffff  }
0x1e6: {  	v60 =	vor.u32 v19, v35;
	v50 =	vld.idx.msk [tilespmem:v57+s20+$0x0], $0xffff  }
0x1e7: {  	v3 =	vld.idx.msk [tilespmem:v3+s20+$0x0], $0xffff;
	_ =	sdelay $0x1  }
0x1e8: {  	v55 =	vor.u32 v19, v37;
	v59 =	vshll.u32 v56, $0x10;
	v48 =	vand.u32 $0xFFFF0000, v56  }
0x1e9: {  	v51 =	vld.idx.msk [tilespmem:v58+s20+$0x0], $0xffff;
	v61 =	vshll.u32 v49, $0x10;
	v49 =	vand.u32 $0xFFFF0000, v49;
	v56 =	vor.u32 v19, v36  }
0x1ea: {  	v53 =	vld.idx.msk [tilespmem:v60+s20+$0x0], $0xffff;
	v60 =	vshll.u32 v50, $0x10;
	v52 =	vmul.f32 v59, v45;
	v54 =	vmul.f32 v61, v46  }
0x1eb: {  	v48 =	vmul.f32 v48, v45;
	v49 =	vmul.f32 v49, v46;
	v62 =	vshll.u32 v3, $0x10  }
0x1ec: {  	v52 =	vadd.f32 v54, v52;
	v3 =	vand.u32 $0xFFFF0000, v3;
	v63 =	vmul.f32 v62, v44  }
0x1ed: {  	v61 =	vor.u32 v19, v34;
	v48 =	vadd.f32 v49, v48;
	v3 =	vmul.f32 v3, v44  }
0x1ee: {  	v50 =	vand.u32 $0xFFFF0000, v50;
	v54 =	vld.idx.msk [tilespmem:v55+s20+$0x0], $0xffff;
	v62 =	vmul.f32 v60, v43;
	v49 =	vadd.f32 v63, v52  }
0x1ef: {  	v55 =	vshll.u32 v51, $0x10;
	v3 =	vadd.f32 v3, v48;
	v63 =	vmul.f32 v50, v43  }
0x1f0: {  	v51 =	vand.u32 $0xFFFF0000, v51;
	v50 =	vmul.f32 v55, v42;
	v52 =	vld.idx.msk [tilespmem:v56+s20+$0x0], $0xffff;
	v49 =	vadd.f32 v62, v49  }
0x1f1: {  	v58 =	vshll.u32 v53, $0x10;
	v56 =	vmul.f32 v51, v42;
	v3 =	vadd.f32 v63, v3  }
0x1f2: {  	v59 =	vmul.f32 v58, v41;
	v60 =	vand.u32 $0xFFFF0000, v53;
	v53 =	vld.idx.msk [tilespmem:v61+s20+$0x0], $0xffff;
	v49 =	vadd.f32 v50, v49  }
0x1f3: {  	v61 =	vmul.f32 v60, v41;
	v62 =	vshll.u32 v54, $0x10;
	v3 =	vadd.f32 v56, v3  }
0x1f4: {  	v54 =	vand.u32 $0xFFFF0000, v54;
	v63 =	vmul.f32 v62, v40;
	v49 =	vadd.f32 v59, v49  }
0x1f5: {  	v55 =	vmul.f32 v54, v40;
	v56 =	vshll.u32 v52, $0x10;
	v3 =	vadd.f32 v61, v3  }
0x1f6: {  	v58 =	vand.u32 $0xFFFF0000, v52;
	v57 =	vmul.f32 v56, v39;
	v49 =	vadd.f32 v63, v49  }
0x1f7: {  	v60 =	vshll.u32 v53, $0x10;
	v59 =	vmul.f32 v58, v39;
	v3 =	vadd.f32 v55, v3  }
0x1f8: {  	v62 =	vand.u32 $0xFFFF0000, v53;
	v61 =	vmul.f32 v60, v38;
	v49 =	vadd.f32 v57, v49  }
0x1f9: {  	v63 =	vmul.f32 v62, v38;
	v3 =	vadd.f32 v59, v3  }
0x1fa: {  	v54 =	vor.u32 v22, v47;
	v49 =	vadd.f32 v61, v49  }
0x1fb: {  	v55 =	vor.u32 v22, v30;
	v3 =	vadd.f32 v63, v3  }
0x1fc: {  	v57 =	vor.u32 v22, v32;
	[tilespmem:s29+$0x0] =	vst.add.f32.msk $0xffff, v49  }
0x1fd: {  	[tilespmem:s30+$0x0] =	vst.add.f32.msk $0xffff, v3;
	v3 =	vor.u32 v22, v31;
	_ =	sdelay $0x1  }
0x1fe: {  	v56 =	vld.idx.msk [tilespmem:v54+s23+$0x0], $0xffff  }
0x1ff: {  	v58 =	vor.u32 v22, v33;
	v49 =	vld.idx.msk [tilespmem:v55+s20+$0x0], $0xffff  }
0x200: {  	v60 =	vor.u32 v22, v35;
	v50 =	vld.idx.msk [tilespmem:v57+s20+$0x0], $0xffff  }
0x201: {  	v3 =	vld.idx.msk [tilespmem:v3+s20+$0x0], $0xffff;
	_ =	sdelay $0x1  }
0x202: {  	v55 =	vor.u32 v22, v37;
	v59 =	vshll.u32 v56, $0x10;
	v48 =	vand.u32 $0xFFFF0000, v56  }
0x203: {  	v51 =	vld.idx.msk [tilespmem:v58+s20+$0x0], $0xffff;
	v61 =	vshll.u32 v49, $0x10;
	v49 =	vand.u32 $0xFFFF0000, v49;
	v56 =	vor.u32 v22, v36  }
0x204: {  	v53 =	vld.idx.msk [tilespmem:v60+s20+$0x0], $0xffff;
	v60 =	vshll.u32 v50, $0x10;
	v52 =	vmul.f32 v59, v45;
	v54 =	vmul.f32 v61, v46  }
0x205: {  	v48 =	vmul.f32 v48, v45;
	v49 =	vmul.f32 v49, v46;
	v62 =	vshll.u32 v3, $0x10  }
0x206: {  	v52 =	vadd.f32 v54, v52;
	v3 =	vand.u32 $0xFFFF0000, v3;
	v63 =	vmul.f32 v62, v44  }
0x207: {  	v61 =	vor.u32 v22, v34;
	v48 =	vadd.f32 v49, v48;
	v3 =	vmul.f32 v3, v44  }
0x208: {  	v50 =	vand.u32 $0xFFFF0000, v50;
	v54 =	vld.idx.msk [tilespmem:v55+s20+$0x0], $0xffff;
	v62 =	vmul.f32 v60, v43;
	v49 =	vadd.f32 v63, v52  }
0x209: {  	v55 =	vshll.u32 v51, $0x10;
	v3 =	vadd.f32 v3, v48;
	v63 =	vmul.f32 v50, v43  }
0x20a: {  	v51 =	vand.u32 $0xFFFF0000, v51;
	v50 =	vmul.f32 v55, v42;
	v52 =	vld.idx.msk [tilespmem:v56+s20+$0x0], $0xffff;
	v49 =	vadd.f32 v62, v49  }
0x20b: {  	v58 =	vshll.u32 v53, $0x10;
	v56 =	vmul.f32 v51, v42;
	v3 =	vadd.f32 v63, v3  }
0x20c: {  	v59 =	vmul.f32 v58, v41;
	v60 =	vand.u32 $0xFFFF0000, v53;
	v53 =	vld.idx.msk [tilespmem:v61+s20+$0x0], $0xffff;
	v49 =	vadd.f32 v50, v49  }
0x20d: {  	v61 =	vmul.f32 v60, v41;
	v62 =	vshll.u32 v54, $0x10;
	v3 =	vadd.f32 v56, v3  }
0x20e: {  	v54 =	vand.u32 $0xFFFF0000, v54;
	v63 =	vmul.f32 v62, v40;
	v49 =	vadd.f32 v59, v49  }
0x20f: {  	v55 =	vmul.f32 v54, v40;
	v56 =	vshll.u32 v52, $0x10;
	v3 =	vadd.f32 v61, v3  }
0x210: {  	v58 =	vand.u32 $0xFFFF0000, v52;
	v57 =	vmul.f32 v56, v39;
	v49 =	vadd.f32 v63, v49  }
0x211: {  	v60 =	vshll.u32 v53, $0x10;
	v59 =	vmul.f32 v58, v39;
	v3 =	vadd.f32 v55, v3  }
0x212: {  	v62 =	vand.u32 $0xFFFF0000, v53;
	v61 =	vmul.f32 v60, v38;
	v49 =	vadd.f32 v57, v49  }
0x213: {  	v63 =	vmul.f32 v62, v38;
	v3 =	vadd.f32 v59, v3  }
0x214: {  	v54 =	vor.u32 v23, v47;
	v49 =	vadd.f32 v61, v49  }
0x215: {  	v55 =	vor.u32 v23, v30;
	v3 =	vadd.f32 v63, v3  }
0x216: {  	v57 =	vor.u32 v23, v32;
	[tilespmem:s31+$0x0] =	vst.add.f32.msk $0xffff, v49  }
0x217: {  	[tilespmem:s0+$0x0] =	vst.add.f32.msk $0xffff, v3;
	v3 =	vor.u32 v23, v31;
	_ =	sdelay $0x1  }
0x218: {  	v56 =	vld.idx.msk [tilespmem:v54+s23+$0x0], $0xffff  }
0x219: {  	v58 =	vor.u32 v23, v33;
	v49 =	vld.idx.msk [tilespmem:v55+s20+$0x0], $0xffff  }
0x21a: {  	v60 =	vor.u32 v23, v35;
	v50 =	vld.idx.msk [tilespmem:v57+s20+$0x0], $0xffff  }
0x21b: {  	v3 =	vld.idx.msk [tilespmem:v3+s20+$0x0], $0xffff;
	_ =	sdelay $0x1  }
0x21c: {  	v55 =	vor.u32 v23, v37;
	v59 =	vshll.u32 v56, $0x10;
	v48 =	vand.u32 $0xFFFF0000, v56  }
0x21d: {  	v51 =	vld.idx.msk [tilespmem:v58+s20+$0x0], $0xffff;
	v61 =	vshll.u32 v49, $0x10;
	v49 =	vand.u32 $0xFFFF0000, v49;
	v56 =	vor.u32 v23, v36  }
0x21e: {  	v53 =	vld.idx.msk [tilespmem:v60+s20+$0x0], $0xffff;
	v60 =	vshll.u32 v50, $0x10;
	v52 =	vmul.f32 v59, v45;
	v54 =	vmul.f32 v61, v46  }
0x21f: {  	v48 =	vmul.f32 v48, v45;
	v49 =	vmul.f32 v49, v46;
	v62 =	vshll.u32 v3, $0x10  }
0x220: {  	v52 =	vadd.f32 v54, v52;
	v3 =	vand.u32 $0xFFFF0000, v3;
	v63 =	vmul.f32 v62, v44  }
0x221: {  	v61 =	vor.u32 v23, v34;
	v48 =	vadd.f32 v49, v48;
	v3 =	vmul.f32 v3, v44  }
0x222: {  	v50 =	vand.u32 $0xFFFF0000, v50;
	v54 =	vld.idx.msk [tilespmem:v55+s20+$0x0], $0xffff;
	v62 =	vmul.f32 v60, v43;
	v49 =	vadd.f32 v63, v52  }
0x223: {  	v55 =	vshll.u32 v51, $0x10;
	v3 =	vadd.f32 v3, v48;
	v63 =	vmul.f32 v50, v43  }
0x224: {  	v51 =	vand.u32 $0xFFFF0000, v51;
	v50 =	vmul.f32 v55, v42;
	v52 =	vld.idx.msk [tilespmem:v56+s20+$0x0], $0xffff;
	v49 =	vadd.f32 v62, v49  }
0x225: {  	v58 =	vshll.u32 v53, $0x10;
	v56 =	vmul.f32 v51, v42;
	v3 =	vadd.f32 v63, v3  }
0x226: {  	v59 =	vmul.f32 v58, v41;
	v60 =	vand.u32 $0xFFFF0000, v53;
	v53 =	vld.idx.msk [tilespmem:v61+s20+$0x0], $0xffff;
	v49 =	vadd.f32 v50, v49  }
0x227: {  	v61 =	vmul.f32 v60, v41;
	v62 =	vshll.u32 v54, $0x10;
	v3 =	vadd.f32 v56, v3  }
0x228: {  	v54 =	vand.u32 $0xFFFF0000, v54;
	v63 =	vmul.f32 v62, v40;
	v49 =	vadd.f32 v59, v49  }
0x229: {  	v55 =	vmul.f32 v54, v40;
	v56 =	vshll.u32 v52, $0x10;
	v3 =	vadd.f32 v61, v3  }
0x22a: {  	v58 =	vand.u32 $0xFFFF0000, v52;
	v57 =	vmul.f32 v56, v39;
	v49 =	vadd.f32 v63, v49  }
0x22b: {  	v60 =	vshll.u32 v53, $0x10;
	v59 =	vmul.f32 v58, v39;
	v3 =	vadd.f32 v55, v3  }
0x22c: {  	v62 =	vand.u32 $0xFFFF0000, v53;
	v61 =	vmul.f32 v60, v38;
	v49 =	vadd.f32 v57, v49  }
0x22d: {  	v63 =	vmul.f32 v62, v38;
	v3 =	vadd.f32 v59, v3  }
0x22e: {  	v54 =	vor.u32 v24, v47;
	v49 =	vadd.f32 v61, v49  }
0x22f: {  	v55 =	vor.u32 v24, v30;
	v3 =	vadd.f32 v63, v3  }
0x230: {  	v57 =	vor.u32 v24, v32;
	[tilespmem:s8+$0x0] =	vst.add.f32.msk $0xffff, v49  }
0x231: {  	[tilespmem:s1+$0x0] =	vst.add.f32.msk $0xffff, v3;
	v3 =	vor.u32 v24, v31;
	_ =	sdelay $0x1  }
0x232: {  	v56 =	vld.idx.msk [tilespmem:v54+s23+$0x0], $0xffff  }
0x233: {  	v58 =	vor.u32 v24, v33;
	v49 =	vld.idx.msk [tilespmem:v55+s20+$0x0], $0xffff  }
0x234: {  	v60 =	vor.u32 v24, v35;
	v50 =	vld.idx.msk [tilespmem:v57+s20+$0x0], $0xffff  }
0x235: {  	v3 =	vld.idx.msk [tilespmem:v3+s20+$0x0], $0xffff;
	_ =	sdelay $0x1  }
0x236: {  	v55 =	vor.u32 v24, v37;
	v59 =	vshll.u32 v56, $0x10;
	v48 =	vand.u32 $0xFFFF0000, v56  }
0x237: {  	v51 =	vld.idx.msk [tilespmem:v58+s20+$0x0], $0xffff;
	v61 =	vshll.u32 v49, $0x10;
	v49 =	vand.u32 $0xFFFF0000, v49;
	v56 =	vor.u32 v24, v36  }
0x238: {  	v53 =	vld.idx.msk [tilespmem:v60+s20+$0x0], $0xffff;
	v60 =	vshll.u32 v50, $0x10;
	v52 =	vmul.f32 v59, v45;
	v54 =	vmul.f32 v61, v46  }
0x239: {  	v48 =	vmul.f32 v48, v45;
	v49 =	vmul.f32 v49, v46;
	v62 =	vshll.u32 v3, $0x10  }
0x23a: {  	v52 =	vadd.f32 v54, v52;
	v3 =	vand.u32 $0xFFFF0000, v3;
	v63 =	vmul.f32 v62, v44  }
0x23b: {  	v61 =	vor.u32 v24, v34;
	v48 =	vadd.f32 v49, v48;
	v3 =	vmul.f32 v3, v44  }
0x23c: {  	v50 =	vand.u32 $0xFFFF0000, v50;
	v54 =	vld.idx.msk [tilespmem:v55+s20+$0x0], $0xffff;
	v62 =	vmul.f32 v60, v43;
	v49 =	vadd.f32 v63, v52  }
0x23d: {  	v55 =	vshll.u32 v51, $0x10;
	v3 =	vadd.f32 v3, v48;
	v63 =	vmul.f32 v50, v43  }
0x23e: {  	v51 =	vand.u32 $0xFFFF0000, v51;
	v50 =	vmul.f32 v55, v42;
	v52 =	vld.idx.msk [tilespmem:v56+s20+$0x0], $0xffff;
	v49 =	vadd.f32 v62, v49  }
0x23f: {  	v58 =	vshll.u32 v53, $0x10;
	v56 =	vmul.f32 v51, v42;
	v3 =	vadd.f32 v63, v3  }
0x240: {  	v59 =	vmul.f32 v58, v41;
	v60 =	vand.u32 $0xFFFF0000, v53;
	v53 =	vld.idx.msk [tilespmem:v61+s20+$0x0], $0xffff;
	v49 =	vadd.f32 v50, v49  }
0x241: {  	v61 =	vmul.f32 v60, v41;
	v62 =	vshll.u32 v54, $0x10;
	v3 =	vadd.f32 v56, v3  }
0x242: {  	v54 =	vand.u32 $0xFFFF0000, v54;
	v63 =	vmul.f32 v62, v40;
	v49 =	vadd.f32 v59, v49  }
0x243: {  	v55 =	vmul.f32 v54, v40;
	v56 =	vshll.u32 v52, $0x10;
	v3 =	vadd.f32 v61, v3  }
0x244: {  	v58 =	vand.u32 $0xFFFF0000, v52;
	v57 =	vmul.f32 v56, v39;
	v49 =	vadd.f32 v63, v49  }
0x245: {  	v60 =	vshll.u32 v53, $0x10;
	v59 =	vmul.f32 v58, v39;
	v3 =	vadd.f32 v55, v3  }
0x246: {  	v62 =	vand.u32 $0xFFFF0000, v53;
	v61 =	vmul.f32 v60, v38;
	v49 =	vadd.f32 v57, v49  }
0x247: {  	v63 =	vmul.f32 v62, v38;
	v3 =	vadd.f32 v59, v3  }
0x248: {  	v54 =	vor.u32 v25, v47;
	v49 =	vadd.f32 v61, v49  }
0x249: {  	v55 =	vor.u32 v25, v30;
	v3 =	vadd.f32 v63, v3  }
0x24a: {  	v57 =	vor.u32 v25, v32;
	[tilespmem:s13+$0x0] =	vst.add.f32.msk $0xffff, v49  }
0x24b: {  	[tilespmem:s9+$0x0] =	vst.add.f32.msk $0xffff, v3;
	v3 =	vor.u32 v25, v31;
	_ =	sdelay $0x1  }
0x24c: {  	v56 =	vld.idx.msk [tilespmem:v54+s23+$0x0], $0xffff  }
0x24d: {  	v58 =	vor.u32 v25, v33;
	v49 =	vld.idx.msk [tilespmem:v55+s20+$0x0], $0xffff  }
0x24e: {  	v60 =	vor.u32 v25, v35;
	v50 =	vld.idx.msk [tilespmem:v57+s20+$0x0], $0xffff  }
0x24f: {  	v3 =	vld.idx.msk [tilespmem:v3+s20+$0x0], $0xffff;
	_ =	sdelay $0x1  }
0x250: {  	v55 =	vor.u32 v25, v37;
	v59 =	vshll.u32 v56, $0x10;
	v48 =	vand.u32 $0xFFFF0000, v56  }
0x251: {  	v51 =	vld.idx.msk [tilespmem:v58+s20+$0x0], $0xffff;
	v61 =	vshll.u32 v49, $0x10;
	v49 =	vand.u32 $0xFFFF0000, v49;
	v56 =	vor.u32 v25, v36  }
0x252: {  	v53 =	vld.idx.msk [tilespmem:v60+s20+$0x0], $0xffff;
	v60 =	vshll.u32 v50, $0x10;
	v52 =	vmul.f32 v59, v45;
	v54 =	vmul.f32 v61, v46  }
0x253: {  	v48 =	vmul.f32 v48, v45;
	v49 =	vmul.f32 v49, v46;
	v62 =	vshll.u32 v3, $0x10  }
0x254: {  	v52 =	vadd.f32 v54, v52;
	v3 =	vand.u32 $0xFFFF0000, v3;
	v63 =	vmul.f32 v62, v44  }
0x255: {  	v61 =	vor.u32 v25, v34;
	v48 =	vadd.f32 v49, v48;
	v3 =	vmul.f32 v3, v44  }
0x256: {  	v50 =	vand.u32 $0xFFFF0000, v50;
	v54 =	vld.idx.msk [tilespmem:v55+s20+$0x0], $0xffff;
	v62 =	vmul.f32 v60, v43;
	v49 =	vadd.f32 v63, v52  }
0x257: {  	v55 =	vshll.u32 v51, $0x10;
	v3 =	vadd.f32 v3, v48;
	v63 =	vmul.f32 v50, v43  }
0x258: {  	v51 =	vand.u32 $0xFFFF0000, v51;
	v50 =	vmul.f32 v55, v42;
	v52 =	vld.idx.msk [tilespmem:v56+s20+$0x0], $0xffff;
	v49 =	vadd.f32 v62, v49  }
0x259: {  	v58 =	vshll.u32 v53, $0x10;
	v56 =	vmul.f32 v51, v42;
	v3 =	vadd.f32 v63, v3  }
0x25a: {  	v59 =	vmul.f32 v58, v41;
	v60 =	vand.u32 $0xFFFF0000, v53;
	v53 =	vld.idx.msk [tilespmem:v61+s20+$0x0], $0xffff;
	v49 =	vadd.f32 v50, v49  }
0x25b: {  	v61 =	vmul.f32 v60, v41;
	v62 =	vshll.u32 v54, $0x10;
	v3 =	vadd.f32 v56, v3  }
0x25c: {  	v55 =	vand.u32 $0xFFFF0000, v54;
	v63 =	vmul.f32 v62, v40;
	v49 =	vadd.f32 v59, v49  }
0x25d: {  	v56 =	vmul.f32 v55, v40;
	v57 =	vshll.u32 v52, $0x10;
	v3 =	vadd.f32 v61, v3  }
0x25e: {  	v58 =	vmul.f32 v57, v39;
	v59 =	vand.u32 $0xFFFF0000, v52;
	v49 =	vadd.f32 v63, v49  }
0x25f: {  	v61 =	vshll.u32 v53, $0x10;
	v60 =	vmul.f32 v59, v39;
	v3 =	vadd.f32 v56, v3  }
0x260: {  	v62 =	vmul.f32 v61, v38;
	v63 =	vand.u32 $0xFFFF0000, v53;
	v49 =	vadd.f32 v58, v49  }
0x261: {  	v54 =	vmul.f32 v63, v38;
	v3 =	vadd.f32 v60, v3  }
0x262: {  	v55 =	vor.u32 v26, v47;
	v49 =	vadd.f32 v62, v49  }
0x263: {  	v56 =	vor.u32 v26, v30;
	v3 =	vadd.f32 v54, v3  }
0x264: {  	v58 =	vor.u32 v26, v32;
	[tilespmem:s12+$0x0] =	vst.add.f32.msk $0xffff, v49  }
0x265: {  	[tilespmem:s21+$0x0] =	vst.add.f32.msk $0xffff, v3;
	v3 =	vor.u32 v26, v31;
	_ =	sdelay $0x1  }
0x266: {  	v57 =	vld.idx.msk [tilespmem:v55+s23+$0x0], $0xffff  }
0x267: {  	v59 =	vor.u32 v26, v33;
	v49 =	vld.idx.msk [tilespmem:v56+s20+$0x0], $0xffff  }
0x268: {  	v61 =	vor.u32 v26, v35;
	v50 =	vld.idx.msk [tilespmem:v58+s20+$0x0], $0xffff  }
0x269: {  	v3 =	vld.idx.msk [tilespmem:v3+s20+$0x0], $0xffff;
	_ =	sdelay $0x1  }
0x26a: {  	v55 =	vor.u32 v26, v37;
	v56 =	vor.u32 v26, v36;
	v60 =	vshll.u32 v57, $0x10  }
0x26b: {  	v51 =	vld.idx.msk [tilespmem:v59+s20+$0x0], $0xffff;
	v48 =	vand.u32 $0xFFFF0000, v57;
	v62 =	vshll.u32 v49, $0x10;
	v49 =	vand.u32 $0xFFFF0000, v49  }
0x26c: {  	v53 =	vld.idx.msk [tilespmem:v61+s20+$0x0], $0xffff;
	v61 =	vshll.u32 v50, $0x10;
	v52 =	vmul.f32 v60, v45;
	v54 =	vmul.f32 v62, v46  }
0x26d: {  	v48 =	vmul.f32 v48, v45;
	v49 =	vmul.f32 v49, v46;
	v63 =	vshll.u32 v3, $0x10  }
0x26e: {  	v52 =	vadd.f32 v54, v52;
	v3 =	vand.u32 $0xFFFF0000, v3;
	v60 =	vmul.f32 v63, v44  }
0x26f: {  	v57 =	vor.u32 v26, v34;
	v48 =	vadd.f32 v49, v48;
	v3 =	vmul.f32 v3, v44  }
0x270: {  	v50 =	vand.u32 $0xFFFF0000, v50;
	v62 =	vmul.f32 v61, v43;
	v54 =	vld.idx.msk [tilespmem:v55+s20+$0x0], $0xffff;
	v49 =	vadd.f32 v60, v52  }
0x271: {  	v55 =	vshll.u32 v51, $0x10;
	v63 =	vmul.f32 v50, v43;
	v3 =	vadd.f32 v3, v48  }
0x272: {  	v51 =	vand.u32 $0xFFFF0000, v51;
	v50 =	vmul.f32 v55, v42;
	v52 =	vld.idx.msk [tilespmem:v56+s20+$0x0], $0xffff;
	v49 =	vadd.f32 v62, v49  }
0x273: {  	v59 =	vshll.u32 v53, $0x10;
	v58 =	vmul.f32 v51, v42;
	v3 =	vadd.f32 v63, v3  }
0x274: {  	v61 =	vand.u32 $0xFFFF0000, v53;
	v53 =	vld.idx.msk [tilespmem:v57+s20+$0x0], $0xffff;
	v60 =	vmul.f32 v59, v41;
	v49 =	vadd.f32 v50, v49  }
0x275: {  	v62 =	vmul.f32 v61, v41;
	v63 =	vshll.u32 v54, $0x10;
	v3 =	vadd.f32 v58, v3  }
0x276: {  	v56 =	vand.u32 $0xFFFF0000, v54;
	v55 =	vmul.f32 v63, v40;
	v49 =	vadd.f32 v60, v49  }
0x277: {  	v57 =	vmul.f32 v56, v40;
	v58 =	vshll.u32 v52, $0x10;
	v3 =	vadd.f32 v62, v3  }
0x278: {  	v59 =	vmul.f32 v58, v39;
	v60 =	vand.u32 $0xFFFF0000, v52;
	v49 =	vadd.f32 v55, v49  }
0x279: {  	v62 =	vshll.u32 v53, $0x10;
	v61 =	vmul.f32 v60, v39;
	v3 =	vadd.f32 v57, v3  }
0x27a: {  	v54 =	vand.u32 $0xFFFF0000, v53;
	v63 =	vmul.f32 v62, v38;
	v49 =	vadd.f32 v59, v49  }
0x27b: {  	v55 =	vmul.f32 v54, v38;
	v3 =	vadd.f32 v61, v3  }
0x27c: {  	v56 =	vor.u32 v27, v47;
	v49 =	vadd.f32 v63, v49  }
0x27d: {  	v57 =	vor.u32 v27, v30;
	v3 =	vadd.f32 v55, v3  }
0x27e: {  	[tilespmem:s3+$0x0] =	vst.add.f32.msk $0xffff, v49  }
0x27f: {  	[tilespmem:s4+$0x0] =	vst.add.f32.msk $0xffff, v3;
	v3 =	vor.u32 v27, v31;
	_ =	sdelay $0x1  }
0x280: {  	v59 =	vor.u32 v27, v32;
	v58 =	vld.idx.msk [tilespmem:v56+s23+$0x0], $0xffff  }
0x281: {  	v49 =	vld.idx.msk [tilespmem:v57+s20+$0x0], $0xffff  }
0x282: {  	v61 =	vor.u32 v27, v33  }
0x283: {  	v3 =	vld.idx.msk [tilespmem:v3+s20+$0x0], $0xffff  }
0x284: {  	v63 =	vor.u32 v27, v35  }
0x285: {  	v55 =	vor.u32 v27, v37;
	v50 =	vld.idx.msk [tilespmem:v59+s20+$0x0], $0xffff;
	v56 =	vor.u32 v27, v36;
	v57 =	vor.u32 v27, v34  }
0x286: {  	v62 =	vshll.u32 v58, $0x10;
	v48 =	vand.u32 $0xFFFF0000, v58;
	v60 =	vshll.u32 v49, $0x10  }
0x287: {  	v51 =	vld.idx.msk [tilespmem:v61+s20+$0x0], $0xffff;
	v49 =	vand.u32 $0xFFFF0000, v49;
	v52 =	vmul.f32 v62, v45;
	v54 =	vmul.f32 v60, v46  }
0x288: {  	v48 =	vmul.f32 v48, v45;
	v49 =	vmul.f32 v49, v46;
	v61 =	vshll.u32 v3, $0x10  }
0x289: {  	v53 =	vld.idx.msk [tilespmem:v63+s20+$0x0], $0xffff;
	v52 =	vadd.f32 v54, v52;
	v3 =	vand.u32 $0xFFFF0000, v3;
	v62 =	vmul.f32 v61, v44  }
0x28a: {  	v63 =	vshll.u32 v50, $0x10;
	v48 =	vadd.f32 v49, v48;
	v3 =	vmul.f32 v3, v44  }
0x28b: {  	v50 =	vand.u32 $0xFFFF0000, v50;
	v60 =	vmul.f32 v63, v43;
	v54 =	vld.idx.msk [tilespmem:v55+s20+$0x0], $0xffff;
	v49 =	vadd.f32 v62, v52  }
0x28c: {  	v61 =	vmul.f32 v50, v43;
	v3 =	vadd.f32 v3, v48;
	v62 =	vshll.u32 v51, $0x10  }
0x28d: {  	v51 =	vand.u32 $0xFFFF0000, v51;
	v52 =	vld.idx.msk [tilespmem:v56+s20+$0x0], $0xffff;
	v50 =	vmul.f32 v62, v42;
	v49 =	vadd.f32 v60, v49  }
0x28e: {  	v56 =	vshll.u32 v53, $0x10;
	v63 =	vmul.f32 v51, v42;
	v3 =	vadd.f32 v61, v3  }
0x28f: {  	v59 =	vand.u32 $0xFFFF0000, v53;
	v53 =	vld.idx.msk [tilespmem:v57+s20+$0x0], $0xffff;
	v58 =	vmul.f32 v56, v41;
	v49 =	vadd.f32 v50, v49  }
0x290: {  	v60 =	vmul.f32 v59, v41;
	v61 =	vshll.u32 v54, $0x10;
	v3 =	vadd.f32 v63, v3  }
0x291: {  	v62 =	vmul.f32 v61, v40;
	v63 =	vand.u32 $0xFFFF0000, v54;
	v49 =	vadd.f32 v58, v49  }
0x292: {  	v54 =	vmul.f32 v63, v40;
	v55 =	vshll.u32 v52, $0x10;
	v3 =	vadd.f32 v60, v3  }
0x293: {  	v57 =	vand.u32 $0xFFFF0000, v52;
	v56 =	vmul.f32 v55, v39;
	v49 =	vadd.f32 v62, v49  }
0x294: {  	v59 =	vshll.u32 v53, $0x10;
	v58 =	vmul.f32 v57, v39;
	v3 =	vadd.f32 v54, v3  }
0x295: {  	v61 =	vand.u32 $0xFFFF0000, v53;
	v60 =	vmul.f32 v59, v38;
	v49 =	vadd.f32 v56, v49  }
0x296: {  	v47 =	vor.u32 v28, v47;
	v62 =	vmul.f32 v61, v38;
	v3 =	vadd.f32 v58, v3  }
0x297: {  	v30 =	vor.u32 v28, v30;
	v49 =	vadd.f32 v60, v49  }
0x298: {  	v3 =	vadd.f32 v62, v3  }
0x299: {  	[tilespmem:s5+$0x0] =	vst.add.f32.msk $0xffff, v49  }
0x29a: {  	[tilespmem:s7+$0x0] =	vst.add.f32.msk $0xffff, v3;
	v3 =	vor.u32 v28, v31  }
0x29b: {  	v31 =	vld.idx.msk [tilespmem:v47+s23+$0x0], $0xffff  }
0x29c: {  	v32 =	vor.u32 v28, v32;
	v30 =	vld.idx.msk [tilespmem:v30+s20+$0x0], $0xffff;
	_ =	sdelay $0x1  }
0x29d: {  	v33 =	vor.u32 v28, v33  }
0x29e: {  	v3 =	vld.idx.msk [tilespmem:v3+s20+$0x0], $0xffff  }
0x29f: {  	v35 =	vor.u32 v28, v35;
	v37 =	vor.u32 v28, v37  }
0x2a0: {  	v32 =	vld.idx.msk [tilespmem:v32+s20+$0x0], $0xffff;
	v47 =	vshll.u32 v31, $0x10;
	v31 =	vand.u32 $0xFFFF0000, v31;
	v63 =	vshll.u32 v30, $0x10  }
0x2a1: {  	v30 =	vand.u32 $0xFFFF0000, v30;
	v47 =	vmul.f32 v47, v45;
	v48 =	vmul.f32 v63, v46  }
0x2a2: {  	v33 =	vld.idx.msk [tilespmem:v33+s20+$0x0], $0xffff;
	v31 =	vmul.f32 v31, v45;
	v30 =	vmul.f32 v30, v46  }
0x2a3: {  	v36 =	vor.u32 v28, v36;
	v48 =	vadd.f32 v48, v47;
	v49 =	vshll.u32 v3, $0x10  }
0x2a4: {  	v35 =	vld.idx.msk [tilespmem:v35+s20+$0x0], $0xffff;
	v30 =	vadd.f32 v30, v31;
	v3 =	vand.u32 $0xFFFF0000, v3;
	v31 =	vmul.f32 v49, v44  }
0x2a5: {  	v34 =	vor.u32 v28, v34;
	v50 =	vshll.u32 v32, $0x10;
	v3 =	vmul.f32 v3, v44  }
0x2a6: {  	v37 =	vld.idx.msk [tilespmem:v37+s20+$0x0], $0xffff;
	v32 =	vand.u32 $0xFFFF0000, v32;
	v44 =	vmul.f32 v50, v43;
	v31 =	vadd.f32 v31, v48  }
0x2a7: {  	v51 =	vshll.u32 v33, $0x10;
	v3 =	vadd.f32 v3, v30;
	v30 =	vmul.f32 v32, v43  }
0x2a8: {  	v36 =	vld.idx.msk [tilespmem:v36+s20+$0x0], $0xffff;
	v33 =	vand.u32 $0xFFFF0000, v33;
	v32 =	vmul.f32 v51, v42;
	v31 =	vadd.f32 v44, v31  }
0x2a9: {  	v52 =	vshll.u32 v35, $0x10;
	v3 =	vadd.f32 v30, v3;
	v30 =	vmul.f32 v33, v42  }
0x2aa: {  	v34 =	vld.idx.msk [tilespmem:v34+s20+$0x0], $0xffff;
	v54 =	vand.u32 $0xFFFF0000, v35;
	v53 =	vmul.f32 v52, v41;
	v31 =	vadd.f32 v32, v31  }
0x2ab: {  	v55 =	vshll.u32 v37, $0x10;
	v3 =	vadd.f32 v30, v3;
	v30 =	vmul.f32 v54, v41  }
0x2ac: {  	v57 =	vand.u32 $0xFFFF0000, v37;
	v56 =	vmul.f32 v55, v40;
	v31 =	vadd.f32 v53, v31  }
0x2ad: {  	v58 =	vshll.u32 v36, $0x10;
	v3 =	vadd.f32 v30, v3;
	v30 =	vmul.f32 v57, v40  }
0x2ae: {  	v60 =	vand.u32 $0xFFFF0000, v36;
	v59 =	vmul.f32 v58, v39;
	v31 =	vadd.f32 v56, v31  }
0x2af: {  	v61 =	vshll.u32 v34, $0x10;
	v3 =	vadd.f32 v30, v3;
	v30 =	vmul.f32 v60, v39  }
0x2b0: {  	p0 =	sne.s32 s14, $0xC0;
	v62 =	vmul.f32 v61, v38;
	v63 =	vand.u32 $0xFFFF0000, v34;
	v31 =	vadd.f32 v59, v31  }
.Ltmp0:
0x2b1: {  	v3 =	vadd.f32 v30, v3;
	v30 =	vmul.f32 v63, v38;
	(pc) =	sbr.rel @p0 .LBB2_3-.Ltmp0, $4  }
0x2b2: {  	v31 =	vadd.f32 v62, v31  }
0x2b3: {  	v3 =	vadd.f32 v30, v3  }
0x2b4: {  	[tilespmem:s10+$0x0] =	vst.add.f32.msk $0xffff, v31  }
0x2b5: {  	s14 =	sadd.s32 $0x10, s14;
	s6 =	sadd.s32 $0x80, s6;
	[tilespmem:s11+$0x0] =	vst.add.f32.msk $0xffff, v3  }
0x2b6: {  	s6 =	rddreg [dreg:$0x1a]  }
0x2b7: {  	s14 =	rddreg [dreg:$0x15];
	s6 =	sshll.u32 s6, $0x6  }
0x2b8: {  	s18 =	simm.s32 $0x2;
	s6 =	sadd.s32 s14, s6  }
0x2b9: {  	[hbm4b:s6+s2] =	stream.linear.scatter [tilespmem:s24], [sflag:$0x2], $0x200, $0x38;
	[tilespmem:$0x11DA0] =	vst v63  }
0x2ba: {  	_ =	swait.ge [sflag:s18], $0x200  }
0x2bb: {  	s19 =	rddreg [dreg:$0x19]  }
0x2bc: {  	s14 =	sadd.s32 $0x1, s19  }
0x2bd: {  	p0 =	sne.s32 s14, $0x20  }
.Ltmp1:
0x2be: {  	_ = 	snop;
	(pc) =	sbr.rel @p0 .LBB2_2-.Ltmp1, $3  }
0x2bf: {  	_ =	sdelay $0x1  }
0x2c0: {  	[sflag:s18] =	ssyncset.done $0x0  }
0x2c1: {  	[sflag:s18] =	ssyncadd.s32 $0xFFFFFE00  }
0x2c2: {  	s14 =	rddreg [dreg:$0x18]  }
0x2c3: {  	s6 =	rddreg [dreg:$0x17];
	s14 =	sadd.s32 $0x1, s14  }
0x2c4: {  	p0 =	sne.s32 s14, s6  }
.Ltmp2:
0x2c5: {  	_ = 	snop;
	(pc) =	sbr.rel @p0 .LBB2_1-.Ltmp2, $1  }
0x2c6: {  	_ =	sdelay $0x3  }
0x2c7: {  	_ =	sfence.sel $0x180000  }
0x2c8: {  	[bflag:$0x0] =	sbarrier.arrive $0xFFFF  }
0x2c9: {  	_ =	strace $0x90000047  }
0x2ca: {  	s0 =	stileid.u32;
	[bflag:$0x2] =	sbarrier.arrive $0xFFFF  }
0x2cb: {  	p0 =	sne.s32 s0, $0x0;
	s0 =	rddreg [dreg:$0x2]  }
0x2cc: {  	s0 =	sadd.s32 @!p0 $0x100000, s0  }
0x2cd: {  	[sflag:s0] =	ssyncadd.tile.s32 @!p0 $0x1;
	_ =	shalt  }
.Lfunc_end2:
_tile_overlayer_lowered:
.L_overlay_start_2:
0x2ce: {  	(tag) =	ssettag $0x2  }
0x2cf: {  	s0 =	rddreg [dreg:$0x0];
	s2 =	stileid.u32  }
0x2d0: {  	s1 =	rddreg [dreg:$0x1];
	p0 =	sne.s32 s2, $0x0  }
0x2d1: {  	s3 =	rddreg [dreg:$0x2];
	[bflag:$0x3] =	sbarrier.arrive $0xFFFF;
	s2 =	simm.s32 @!p0 $0x1C02  }
0x2d2: {  	[timem:s3], [sflag:s2] =	dma.local @!p0 [hbm:s0], s1  }
0x2d3: {  	s0 =	simm.s32 @!p0 $0x2  }
0x2d4: {  	_ =	swait.ge @!p0 [sflag:s0], s1  }
0x2d5: {  	s1 =	ssub.s32 @!p0 $0x0, s1;
	[sflag:s0] =	ssyncset.done @!p0 $0x0  }
0x2d6: {  	[sflag:s0] =	ssyncadd.s32 @!p0 s1  }
0x2d7: {  	[bflag:$0x3] =	sbarrier.arrive $0xFFFF  }
0x2d8: {  	_ =	shalt  }

</sc_bundles>
